<compile_context>
chip_gen: v7x
topology: tpu7x:2x2x1
jax: 0.10.2.dev20260603
libtpu: 0.0.44.dev20260713+nightly
codegen_flags: <defaults>
</compile_context>

<pallas_src>
import jax
import jax.numpy as jnp
import numpy as np
from jax import lax
from jax.experimental import pallas as pl
from jax.experimental.pallas import tpu as pltpu
from jax.experimental.pallas import tpu_sc as plsc

BATCH = 16384
HIST = 200
EMB = 128
B = BATCH * HIST
VOCAB = 100000

_NC = 2
_NS = 16
_NW = _NC * _NS
B_PER_W = B // _NW

VT = 11392
NP = 9
C_IDX = 1024
N_IC = B_PER_W // C_IDX
FLUSH = 128
MCAP = 2048
C_RECIP = float(np.float32(1.0) / np.float32(VT))


def _emb_body(table_hbm, idx_hbm, out_hbm, tile_spm, idxbuf, match_l,
              match_p, fl_l, fl_p, stage, isem, gsem, ssem):
    cid = lax.axis_index("c")
    sid = lax.axis_index("s")
    wid = sid * _NC + cid
    base = wid * B_PER_W
    iota16 = lax.iota(jnp.int32, 16)

    def start_idx(chunk, b):
        pltpu.async_copy(
            idx_hbm.at[pl.ds(base + chunk * C_IDX, C_IDX)], idxbuf[b], isem[b]
        )

    def wait_idx(b):
        pltpu.make_async_copy(
            idx_hbm.at[pl.ds(0, C_IDX)], idxbuf[b], isem[b]
        ).wait()

    def issue_gather(s):
        pltpu.async_copy(tile_spm.at[fl_l[s]], stage[s], gsem[s])

    def wait_gather(s):
        pltpu.make_async_copy(tile_spm.at[fl_l[s]], stage[s], gsem[s]).wait()

    def issue_scatter(s):
        pltpu.async_copy(stage[s], out_hbm.at[fl_p[s]], ssem[s])

    def wait_scatter(s):
        pltpu.make_async_copy(stage[s], out_hbm.at[fl_p[s]], ssem[s]).wait()

    def flush_once(st):
        cnt, flushed, fk = st
        head = flushed & (MCAP - 1)

        def impl(s):
            o = 1 - s

            @pl.when(fk >= 1)
            def _():
                wait_gather(o)
                issue_scatter(o)

            @pl.when(fk >= 2)
            def _():
                wait_scatter(s)

            def cp(k, car):
                fl_l[s][pl.ds(k * 16, 16)] = match_l[pl.ds(head + k * 16, 16)]
                fl_p[s][pl.ds(k * 16, 16)] = match_p[pl.ds(head + k * 16, 16)]
                return car

            lax.fori_loop(0, FLUSH // 16, cp, 0)
            issue_gather(s)

        @pl.when((fk & 1) == 0)
        def _():
            impl(0)

        @pl.when((fk & 1) == 1)
        def _():
            impl(1)

        return (cnt, flushed + FLUSH, fk + 1)

    def pass_body(p, carry):
        lo = p * VT
        plsc.subcore_barrier()

        pltpu.sync_copy(
            table_hbm.at[pl.ds(lo + sid * 712, 712)],
            tile_spm.at[pl.ds(sid * 712, 712)],
        )

        plsc.subcore_barrier()

        def scan_chunk(b, chunk, st):
            cnt0, flushed, fk = st
            buf = idxbuf[b]

            def vbody(j, bvec):
                vs, ms, mis, pcs, pops = [], [], [], [], []
                for u in range(8):
                    off_u = pl.multiple_of(j * 128 + u * 16, 16)
                    v = buf[pl.ds(off_u, 16)]
                    t = (v.astype(jnp.float32) * C_RECIP).astype(jnp.int32)
                    m = t == p
                    mi = jnp.where(m, jnp.int32(1), jnp.int32(0))
                    vs.append(v)
                    ms.append(m)
                    mis.append(mi)
                    pcs.append(plsc.cumsum(mi))
                    pops.append(plsc.all_reduce_population_count(m))
                b = bvec
                for u in range(8):
                    offs = (b + (pcs[u] - mis[u])) & (MCAP - 1)
                    plsc.store_scatter(match_l, [offs], vs[u] - lo, mask=ms[u])
                    posv = base + chunk * C_IDX + j * 128 + u * 16 + iota16
                    plsc.store_scatter(match_p, [offs], posv, mask=ms[u])
                    b = b + pops[u]
                return b

            bvec1 = lax.fori_loop(
                0, C_IDX // 128, vbody, jnp.full((16,), cnt0, jnp.int32)
            )
            cnt1 = jnp.max(bvec1)
            return lax.while_loop(
                lambda s: s[0] - s[1] >= FLUSH, flush_once,
                (cnt1, flushed, fk),
            )

        start_idx(0, 0)
        st = (jnp.int32(0), jnp.int32(0), jnp.int32(0))

        def group(g, st):
            wait_idx(0)
            start_idx(2 * g + 1, 1)
            st = scan_chunk(0, 2 * g, st)
            wait_idx(1)
            start_idx(2 * g + 2, 0)
            st = scan_chunk(1, 2 * g + 1, st)
            return st

        st = lax.fori_loop(0, N_IC // 2 - 1, group, st)
        wait_idx(0)
        start_idx(N_IC - 1, 1)
        st = scan_chunk(0, N_IC - 2, st)
        wait_idx(1)
        st = scan_chunk(1, N_IC - 1, st)

        def tail(st):
            cnt, flushed, fk = st
            avail = cnt - flushed
            head = flushed & (MCAP - 1)
            hl = match_l[pl.ds(head, 16)]
            hp = match_p[pl.ds(head, 16)]
            big = jnp.int32(2147483647)
            lval = jnp.min(jnp.where(iota16 == 0, hl, big))
            pval = jnp.min(jnp.where(iota16 == 0, hp, big))
            pad = FLUSH - avail

            def fill(k, car):
                offs = (cnt + k * 16 + iota16) & (MCAP - 1)
                fm = (k * 16 + iota16) < pad
                plsc.store_scatter(
                    match_l, [offs], jnp.broadcast_to(lval, (16,)), mask=fm)
                plsc.store_scatter(
                    match_p, [offs], jnp.broadcast_to(pval, (16,)), mask=fm)
                return car

            lax.fori_loop(0, FLUSH // 16, fill, 0)
            return flush_once((cnt + pad, flushed, fk))

        st = lax.cond(st[0] - st[1] > 0, tail, lambda s: s, st)

        cnt, flushed, fk = st

        @pl.when(fk >= 1)
        def _():
            @pl.when(((fk - 1) & 1) == 0)
            def _():
                wait_gather(0)
                issue_scatter(0)

            @pl.when(((fk - 1) & 1) == 1)
            def _():
                wait_gather(1)
                issue_scatter(1)

        @pl.when(fk >= 2)
        def _():
            @pl.when((fk & 1) == 0)
            def _():
                wait_scatter(0)

            @pl.when((fk & 1) == 1)
            def _():
                wait_scatter(1)

        @pl.when(fk >= 1)
        def _():
            @pl.when(((fk - 1) & 1) == 0)
            def _():
                wait_scatter(0)

            @pl.when(((fk - 1) & 1) == 1)
            def _():
                wait_scatter(1)

        return carry

    lax.fori_loop(0, NP, pass_body, 0)


@jax.jit
def _embed(idx_flat, table):
    mesh = plsc.VectorSubcoreMesh(core_axis_name="c", subcore_axis_name="s")
    f = pl.kernel(
        _emb_body,
        out_type=jax.ShapeDtypeStruct((B, EMB), jnp.float32),
        mesh=mesh,
        compiler_params=pltpu.CompilerParams(needs_layout_passes=False, use_tc_tiling_on_sc=False),
        scratch_types=[
            pltpu.VMEM_SHARED((VT, EMB), jnp.float32),
            [pltpu.VMEM((C_IDX,), jnp.int32) for _ in range(2)],
            pltpu.VMEM((MCAP,), jnp.int32),
            pltpu.VMEM((MCAP,), jnp.int32),
            [pltpu.VMEM((FLUSH,), jnp.int32) for _ in range(2)],
            [pltpu.VMEM((FLUSH,), jnp.int32) for _ in range(2)],
            [pltpu.VMEM((FLUSH, EMB), jnp.float32) for _ in range(2)],
            [pltpu.SemaphoreType.DMA for _ in range(2)],
            [pltpu.SemaphoreType.DMA for _ in range(2)],
            [pltpu.SemaphoreType.DMA for _ in range(2)],
        ],
    )
    return f(table, idx_flat)


def kernel(idx, table):
    idx_flat = idx.astype(jnp.int32).reshape(B)
    table_pad = jnp.pad(table, ((0, NP * VT - VOCAB), (0, 0)))
    out = _embed(idx_flat, table_pad)
    return out.reshape(BATCH, HIST, EMB)

# --- scband reference (transcript-rebuilt; emitter-appended) ---
"""Pipeline reference for scband-embedder-58978490909006 (READ-ONLY COPY).

The authoritative reference and input builder live on the scoring server;
editing this copy changes nothing except your own understanding.
"""

import jax, jax.numpy as jnp
import numpy as np

NUM_INSTANCES = 100000
EMB_DIM = 128
BATCH = 16384
HIST = 200

def setup_inputs(seed: int = 0) -> dict:
    key = jax.random.key(seed)
    k_idx, k_tab = jax.random.split(key)
    idx = jax.random.randint(k_idx, (BATCH, HIST), 0, NUM_INSTANCES, dtype=jnp.int64 if jax.config.jax_enable_x64 else jnp.int32)
    # nn.Embedding default init: N(0, 1)
    table = jax.random.normal(k_tab, (NUM_INSTANCES, EMB_DIM), dtype=jnp.float32)
    return {"idx": idx, "table": table}

def reference(idx, table):
    # idx = idx.long(); ndim==2 with last dim 200 != 1, so no squeeze
    idx = idx.astype(jnp.int32)
    return jnp.take(table, idx, axis=0)

if __name__ == "__main__":
    import jax
    _d = setup_inputs()
    print(jax.jit(kernel)(*tuple(_d.values())))

</pallas_src>

<mosaic_0001>
#map = affine_map<(d0, d1) -> (0, 0)>
#map1 = affine_map<(d0, d1) -> (0)>
module attributes {stable_mosaic.version = 14 : i64} {
  func.func @_emb_body(%arg0: i32, %arg1: i32, %arg2: memref<102528x128xf32, #tpu.memory_space<hbm>>, %arg3: memref<3276800xi32, #tpu.memory_space<hbm>>, %arg4: memref<3276800x128xf32, #tpu.memory_space<hbm>>, %arg5: memref<11392x128xf32, #tpu.memory_space<vmem_shared>>, %arg6: memref<1024xi32, #tpu.memory_space<vmem>>, %arg7: memref<1024xi32, #tpu.memory_space<vmem>>, %arg8: memref<2048xi32, #tpu.memory_space<vmem>>, %arg9: memref<2048xi32, #tpu.memory_space<vmem>>, %arg10: memref<128xi32, #tpu.memory_space<vmem>>, %arg11: memref<128xi32, #tpu.memory_space<vmem>>, %arg12: memref<128xi32, #tpu.memory_space<vmem>>, %arg13: memref<128xi32, #tpu.memory_space<vmem>>, %arg14: memref<128x128xf32, #tpu.memory_space<vmem>>, %arg15: memref<128x128xf32, #tpu.memory_space<vmem>>, %arg16: memref<!tpu.dma_semaphore, #tpu.memory_space<semaphore_mem>>, %arg17: memref<!tpu.dma_semaphore, #tpu.memory_space<semaphore_mem>>, %arg18: memref<!tpu.dma_semaphore, #tpu.memory_space<semaphore_mem>>, %arg19: memref<!tpu.dma_semaphore, #tpu.memory_space<semaphore_mem>>, %arg20: memref<!tpu.dma_semaphore, #tpu.memory_space<semaphore_mem>>, %arg21: memref<!tpu.dma_semaphore, #tpu.memory_space<semaphore_mem>>) attributes {dimension_semantics = [#tpu.dimension_semantics<core_parallel>, #tpu.dimension_semantics<subcore_parallel>], iteration_bounds = array<i64: 2, 16>, scalar_prefetch = 0 : i64, scratch_operands = 17 : i64, tpu.core_type = #tpu.core_type<sc_vector_subcore>, window_params = [{transform_indices = #map}, {transform_indices = #map1}, {transform_indices = #map}]} {
    %mul3A = arith.constant 2 : i32
    %mul3A_0 = arith.muli %arg1, %mul3A : i32
    %add3A = arith.addi %mul3A_0, %arg0 : i32
    %mul3A_1 = arith.constant 102400 : i32
    %mul3A_2 = arith.muli %add3A, %mul3A_1 : i32
    %iota3A = tpu.iota {dimensions = array<i32: 0>} : vector<16xi32>
    %scan3A = arith.constant 0 : i32
    %scan3A_3 = arith.constant 0 : i32
    %scan3A_4 = arith.constant 9 : i32
    %scan3A_5 = arith.addi %scan3A_3, %scan3A_4 : i32
    %scan3A_6 = arith.constant 1 : i32
    scf.for %scan3A_8 = %scan3A_3 to %scan3A_5 step %scan3A_6  : i32 {
      %mul3A_9 = arith.constant 11392 : i32
      %mul3A_10 = arith.muli %scan3A_8, %mul3A_9 : i32
      %barrier3A = arith.constant 0 : index
      tpu.barrier barrier_id(%barrier3A)
      %mul3A_11 = arith.constant 712 : i32
      %mul3A_12 = arith.muli %arg1, %mul3A_11 : i32
      %add3A_13 = arith.addi %mul3A_10, %mul3A_12 : i32
      %mul3A_14 = arith.constant 712 : i32
      %mul3A_15 = arith.muli %arg1, %mul3A_14 : i32
      "tpu.region"() ({
        %run_scoped3A = tpu.sem_alloc : memref<!tpu.dma_semaphore, #tpu.memory_space<semaphore_mem>>
        %dma_start3A_86 = arith.constant 0 : i32
        %dma_start3A_87 = tpu.memref_slice %arg5[%mul3A_15, %dma_start3A_86] : memref<11392x128xf32, #tpu.memory_space<vmem_shared>> -> memref<712x128xf32, #tpu.memory_space<vmem_shared>>
        %dma_start3A_88 = arith.constant 0 : i32
        %dma_start3A_89 = tpu.memref_slice %arg2[%add3A_13, %dma_start3A_88] : memref<102528x128xf32, #tpu.memory_space<hbm>> -> memref<712x128xf32, #tpu.memory_space<hbm>>
        tpu.enqueue_dma source(%dma_start3A_89 : memref<712x128xf32, #tpu.memory_space<hbm>>) target(%dma_start3A_87 : memref<712x128xf32, #tpu.memory_space<vmem_shared>>) target_semaphore(%run_scoped3A : memref<!tpu.dma_semaphore, #tpu.memory_space<semaphore_mem>>)
        %dma_wait3A_90 = arith.constant 0 : i32
        %dma_wait3A_91 = tpu.memref_slice %arg5[%mul3A_15, %dma_wait3A_90] : memref<11392x128xf32, #tpu.memory_space<vmem_shared>> -> memref<712x128xf32, #tpu.memory_space<vmem_shared>>
        %dma_wait3A_92 = arith.constant 0 : i32
        %dma_wait3A_93 = tpu.memref_slice %arg2[%add3A_13, %dma_wait3A_92] : memref<102528x128xf32, #tpu.memory_space<hbm>> -> memref<712x128xf32, #tpu.memory_space<hbm>>
        tpu.wait_dma2 semaphore(%run_scoped3A : memref<!tpu.dma_semaphore, #tpu.memory_space<semaphore_mem>>) src(%dma_wait3A_93 : memref<712x128xf32, #tpu.memory_space<hbm>>) dst(%dma_wait3A_91 : memref<712x128xf32, #tpu.memory_space<vmem_shared>>)
        tpu.yield
      }) : () -> ()
      %barrier3A_16 = arith.constant 0 : index
      tpu.barrier barrier_id(%barrier3A_16)
      %add3A_17 = arith.constant 0 : i32
      %add3A_18 = arith.addi %mul3A_2, %add3A_17 : i32
      %dma_start3A = tpu.memref_slice %arg3[%add3A_18] : memref<3276800xi32, #tpu.memory_space<hbm>> -> memref<1024xi32, #tpu.memory_space<hbm>>
      %dma_start3A_19 = tpu.memref_slice %arg3[%add3A_18] : memref<3276800xi32, #tpu.memory_space<hbm>> -> memref<1024xi32, #tpu.memory_space<hbm>>
      tpu.enqueue_dma source(%dma_start3A_19 : memref<1024xi32, #tpu.memory_space<hbm>>) target(%arg6 : memref<1024xi32, #tpu.memory_space<vmem>>) target_semaphore(%arg16 : memref<!tpu.dma_semaphore, #tpu.memory_space<semaphore_mem>>)
      %scan3A_20 = arith.constant 0 : i32
      %scan3A_21 = arith.constant 0 : i32
      %scan3A_22 = arith.constant 0 : i32
      %scan3A_23 = arith.constant 0 : i32
      %scan3A_24 = arith.constant 49 : i32
      %scan3A_25 = arith.addi %scan3A_23, %scan3A_24 : i32
      %scan3A_26 = arith.constant 1 : i32
      %scan3A_27:3 = scf.for %scan3A_86 = %scan3A_23 to %scan3A_25 step %scan3A_26 iter_args(%scan3A_87 = %scan3A_20, %scan3A_88 = %scan3A_21, %scan3A_89 = %scan3A_22) -> (i32, i32, i32)  : i32 {
        %dma_wait3A_90 = arith.constant 0 : i32
        %dma_wait3A_91 = tpu.memref_slice %arg3[%dma_wait3A_90] : memref<3276800xi32, #tpu.memory_space<hbm>> -> memref<1024xi32, #tpu.memory_space<hbm>>
        %dma_wait3A_92 = arith.constant 0 : i32
        %dma_wait3A_93 = tpu.memref_slice %arg3[%dma_wait3A_92] : memref<3276800xi32, #tpu.memory_space<hbm>> -> memref<1024xi32, #tpu.memory_space<hbm>>
        tpu.wait_dma2 semaphore(%arg16 : memref<!tpu.dma_semaphore, #tpu.memory_space<semaphore_mem>>) src(%dma_wait3A_93 : memref<1024xi32, #tpu.memory_space<hbm>>) dst(%arg6 : memref<1024xi32, #tpu.memory_space<vmem>>)
        %mul3A_94 = arith.constant 2 : i32
        %mul3A_95 = arith.muli %mul3A_94, %scan3A_86 : i32
        %add3A_96 = arith.constant 1 : i32
        %add3A_97 = arith.addi %mul3A_95, %add3A_96 : i32
        %mul3A_98 = arith.constant 1024 : i32
        %mul3A_99 = arith.muli %add3A_97, %mul3A_98 : i32
        %add3A_100 = arith.addi %mul3A_2, %mul3A_99 : i32
        %dma_start3A_101 = tpu.memref_slice %arg3[%add3A_100] : memref<3276800xi32, #tpu.memory_space<hbm>> -> memref<1024xi32, #tpu.memory_space<hbm>>
        %dma_start3A_102 = tpu.memref_slice %arg3[%add3A_100] : memref<3276800xi32, #tpu.memory_space<hbm>> -> memref<1024xi32, #tpu.memory_space<hbm>>
        tpu.enqueue_dma source(%dma_start3A_102 : memref<1024xi32, #tpu.memory_space<hbm>>) target(%arg7 : memref<1024xi32, #tpu.memory_space<vmem>>) target_semaphore(%arg17 : memref<!tpu.dma_semaphore, #tpu.memory_space<semaphore_mem>>)
        %mul3A_103 = arith.constant 2 : i32
        %mul3A_104 = arith.muli %mul3A_103, %scan3A_86 : i32
        %broadcast_in_dim3A_105 = vector.broadcast %scan3A_87 : i32 to vector<16xi32>
        %scan3A_106 = arith.constant 0 : i32
        %scan3A_107 = arith.constant 8 : i32
        %scan3A_108 = arith.addi %scan3A_106, %scan3A_107 : i32
        %scan3A_109 = arith.constant 1 : i32
        %scan3A_110 = scf.for %scan3A_154 = %scan3A_106 to %scan3A_108 step %scan3A_109 iter_args(%scan3A_155 = %broadcast_in_dim3A_105) -> (vector<16xi32>)  : i32 {
          %mul3A_156 = arith.constant 128 : i32
          %mul3A_157 = arith.muli %scan3A_154, %mul3A_156 : i32
          %add3A_158 = arith.constant 0 : i32
          %add3A_159 = arith.addi %mul3A_157, %add3A_158 : i32
          %multiple_of3A = tpu.assume_multiple %add3A_159, 16 : i32
          %get3A = arith.index_cast %multiple_of3A : i32 to index
          %get3A_160 = tpu.vector_load %arg6[%get3A] {strides = array<i32>} : memref<1024xi32, #tpu.memory_space<vmem>>, vector<16xi32>,
          %convert_element_type3A_161 = arith.sitofp %get3A_160 : vector<16xi32> to vector<16xf32>
          %mul3A_162 = arith.constant 8.77808997E-5 : f32
          %mul3A_163 = vector.broadcast %mul3A_162 : f32 to vector<16xf32>
          %mul3A_164 = arith.mulf %convert_element_type3A_161, %mul3A_163 : vector<16xf32>
          %convert_element_type3A_165 = arith.fptosi %mul3A_164 : vector<16xf32> to vector<16xi32>
          %eq3A = vector.broadcast %scan3A_8 : i32 to vector<16xi32>
          %eq3A_166 = arith.cmpi eq, %convert_element_type3A_165, %eq3A : vector<16xi32>
          %jit3A = arith.constant 1 : i32
          %jit3A_167 = arith.constant 0 : i32
          %broadcast_in_dim3A_168 = vector.broadcast %jit3A : i32 to vector<16xi32>
          %broadcast_in_dim3A_169 = vector.broadcast %jit3A_167 : i32 to vector<16xi32>
          %select_n3A = arith.select %eq3A_166, %broadcast_in_dim3A_168, %broadcast_in_dim3A_169 : vector<16xi1>, vector<16xi32>
          %broadcast_in_dim3A_170 = arith.constant true
          %broadcast_in_dim3A_171 = vector.broadcast %broadcast_in_dim3A_170 : i1 to vector<16xi1>
          %masked_cumsum3A = tpu.scan <sum>, %select_n3A masked %broadcast_in_dim3A_171 : vector<16xi32>, vector<16xi1> -> vector<16xi32>
          %all_reduce_population_count3A = tpu.all_reduce %eq3A_166 {dim = 0 : i64, kind = #tpu.reduction_kind<sum>} : vector<16xi1> -> vector<16xi32>
          %mul3A_172 = arith.constant 128 : i32
          %mul3A_173 = arith.muli %scan3A_154, %mul3A_172 : i32
          %add3A_174 = arith.constant 16 : i32
          %add3A_175 = arith.addi %mul3A_173, %add3A_174 : i32
          %multiple_of3A_176 = tpu.assume_multiple %add3A_175, 16 : i32
          %get3A_177 = arith.index_cast %multiple_of3A_176 : i32 to index
          %get3A_178 = tpu.vector_load %arg6[%get3A_177] {strides = array<i32>} : memref<1024xi32, #tpu.memory_space<vmem>>, vector<16xi32>,
          %convert_element_type3A_179 = arith.sitofp %get3A_178 : vector<16xi32> to vector<16xf32>
          %mul3A_180 = arith.constant 8.77808997E-5 : f32
          %mul3A_181 = vector.broadcast %mul3A_180 : f32 to vector<16xf32>
          %mul3A_182 = arith.mulf %convert_element_type3A_179, %mul3A_181 : vector<16xf32>
          %convert_element_type3A_183 = arith.fptosi %mul3A_182 : vector<16xf32> to vector<16xi32>
          %eq3A_184 = vector.broadcast %scan3A_8 : i32 to vector<16xi32>
          %eq3A_185 = arith.cmpi eq, %convert_element_type3A_183, %eq3A_184 : vector<16xi32>
          %jit3A_186 = arith.constant 1 : i32
          %jit3A_187 = arith.constant 0 : i32
          %broadcast_in_dim3A_188 = vector.broadcast %jit3A_186 : i32 to vector<16xi32>
          %broadcast_in_dim3A_189 = vector.broadcast %jit3A_187 : i32 to vector<16xi32>
          %select_n3A_190 = arith.select %eq3A_185, %broadcast_in_dim3A_188, %broadcast_in_dim3A_189 : vector<16xi1>, vector<16xi32>
          %broadcast_in_dim3A_191 = arith.constant true
          %broadcast_in_dim3A_192 = vector.broadcast %broadcast_in_dim3A_191 : i1 to vector<16xi1>
          %masked_cumsum3A_193 = tpu.scan <sum>, %select_n3A_190 masked %broadcast_in_dim3A_192 : vector<16xi32>, vector<16xi1> -> vector<16xi32>
          %all_reduce_population_count3A_194 = tpu.all_reduce %eq3A_185 {dim = 0 : i64, kind = #tpu.reduction_kind<sum>} : vector<16xi1> -> vector<16xi32>
          %mul3A_195 = arith.constant 128 : i32
          %mul3A_196 = arith.muli %scan3A_154, %mul3A_195 : i32
          %add3A_197 = arith.constant 32 : i32
          %add3A_198 = arith.addi %mul3A_196, %add3A_197 : i32
          %multiple_of3A_199 = tpu.assume_multiple %add3A_198, 16 : i32
          %get3A_200 = arith.index_cast %multiple_of3A_199 : i32 to index
          %get3A_201 = tpu.vector_load %arg6[%get3A_200] {strides = array<i32>} : memref<1024xi32, #tpu.memory_space<vmem>>, vector<16xi32>,
          %convert_element_type3A_202 = arith.sitofp %get3A_201 : vector<16xi32> to vector<16xf32>
          %mul3A_203 = arith.constant 8.77808997E-5 : f32
          %mul3A_204 = vector.broadcast %mul3A_203 : f32 to vector<16xf32>
          %mul3A_205 = arith.mulf %convert_element_type3A_202, %mul3A_204 : vector<16xf32>
          %convert_element_type3A_206 = arith.fptosi %mul3A_205 : vector<16xf32> to vector<16xi32>
          %eq3A_207 = vector.broadcast %scan3A_8 : i32 to vector<16xi32>
          %eq3A_208 = arith.cmpi eq, %convert_element_type3A_206, %eq3A_207 : vector<16xi32>
          %jit3A_209 = arith.constant 1 : i32
          %jit3A_210 = arith.constant 0 : i32
          %broadcast_in_dim3A_211 = vector.broadcast %jit3A_209 : i32 to vector<16xi32>
          %broadcast_in_dim3A_212 = vector.broadcast %jit3A_210 : i32 to vector<16xi32>
          %select_n3A_213 = arith.select %eq3A_208, %broadcast_in_dim3A_211, %broadcast_in_dim3A_212 : vector<16xi1>, vector<16xi32>
          %broadcast_in_dim3A_214 = arith.constant true
          %broadcast_in_dim3A_215 = vector.broadcast %broadcast_in_dim3A_214 : i1 to vector<16xi1>
          %masked_cumsum3A_216 = tpu.scan <sum>, %select_n3A_213 masked %broadcast_in_dim3A_215 : vector<16xi32>, vector<16xi1> -> vector<16xi32>
          %all_reduce_population_count3A_217 = tpu.all_reduce %eq3A_208 {dim = 0 : i64, kind = #tpu.reduction_kind<sum>} : vector<16xi1> -> vector<16xi32>
          %mul3A_218 = arith.constant 128 : i32
          %mul3A_219 = arith.muli %scan3A_154, %mul3A_218 : i32
          %add3A_220 = arith.constant 48 : i32
          %add3A_221 = arith.addi %mul3A_219, %add3A_220 : i32
          %multiple_of3A_222 = tpu.assume_multiple %add3A_221, 16 : i32
          %get3A_223 = arith.index_cast %multiple_of3A_222 : i32 to index
          %get3A_224 = tpu.vector_load %arg6[%get3A_223] {strides = array<i32>} : memref<1024xi32, #tpu.memory_space<vmem>>, vector<16xi32>,
          %convert_element_type3A_225 = arith.sitofp %get3A_224 : vector<16xi32> to vector<16xf32>
          %mul3A_226 = arith.constant 8.77808997E-5 : f32
          %mul3A_227 = vector.broadcast %mul3A_226 : f32 to vector<16xf32>
          %mul3A_228 = arith.mulf %convert_element_type3A_225, %mul3A_227 : vector<16xf32>
          %convert_element_type3A_229 = arith.fptosi %mul3A_228 : vector<16xf32> to vector<16xi32>
          %eq3A_230 = vector.broadcast %scan3A_8 : i32 to vector<16xi32>
          %eq3A_231 = arith.cmpi eq, %convert_element_type3A_229, %eq3A_230 : vector<16xi32>
          %jit3A_232 = arith.constant 1 : i32
          %jit3A_233 = arith.constant 0 : i32
          %broadcast_in_dim3A_234 = vector.broadcast %jit3A_232 : i32 to vector<16xi32>
          %broadcast_in_dim3A_235 = vector.broadcast %jit3A_233 : i32 to vector<16xi32>
          %select_n3A_236 = arith.select %eq3A_231, %broadcast_in_dim3A_234, %broadcast_in_dim3A_235 : vector<16xi1>, vector<16xi32>
          %broadcast_in_dim3A_237 = arith.constant true
          %broadcast_in_dim3A_238 = vector.broadcast %broadcast_in_dim3A_237 : i1 to vector<16xi1>
          %masked_cumsum3A_239 = tpu.scan <sum>, %select_n3A_236 masked %broadcast_in_dim3A_238 : vector<16xi32>, vector<16xi1> -> vector<16xi32>
          %all_reduce_population_count3A_240 = tpu.all_reduce %eq3A_231 {dim = 0 : i64, kind = #tpu.reduction_kind<sum>} : vector<16xi1> -> vector<16xi32>
          %mul3A_241 = arith.constant 128 : i32
          %mul3A_242 = arith.muli %scan3A_154, %mul3A_241 : i32
          %add3A_243 = arith.constant 64 : i32
          %add3A_244 = arith.addi %mul3A_242, %add3A_243 : i32
          %multiple_of3A_245 = tpu.assume_multiple %add3A_244, 16 : i32
          %get3A_246 = arith.index_cast %multiple_of3A_245 : i32 to index
          %get3A_247 = tpu.vector_load %arg6[%get3A_246] {strides = array<i32>} : memref<1024xi32, #tpu.memory_space<vmem>>, vector<16xi32>,
          %convert_element_type3A_248 = arith.sitofp %get3A_247 : vector<16xi32> to vector<16xf32>
          %mul3A_249 = arith.constant 8.77808997E-5 : f32
          %mul3A_250 = vector.broadcast %mul3A_249 : f32 to vector<16xf32>
          %mul3A_251 = arith.mulf %convert_element_type3A_248, %mul3A_250 : vector<16xf32>
          %convert_element_type3A_252 = arith.fptosi %mul3A_251 : vector<16xf32> to vector<16xi32>
          %eq3A_253 = vector.broadcast %scan3A_8 : i32 to vector<16xi32>
          %eq3A_254 = arith.cmpi eq, %convert_element_type3A_252, %eq3A_253 : vector<16xi32>
          %jit3A_255 = arith.constant 1 : i32
          %jit3A_256 = arith.constant 0 : i32
          %broadcast_in_dim3A_257 = vector.broadcast %jit3A_255 : i32 to vector<16xi32>
          %broadcast_in_dim3A_258 = vector.broadcast %jit3A_256 : i32 to vector<16xi32>
          %select_n3A_259 = arith.select %eq3A_254, %broadcast_in_dim3A_257, %broadcast_in_dim3A_258 : vector<16xi1>, vector<16xi32>
          %broadcast_in_dim3A_260 = arith.constant true
          %broadcast_in_dim3A_261 = vector.broadcast %broadcast_in_dim3A_260 : i1 to vector<16xi1>
          %masked_cumsum3A_262 = tpu.scan <sum>, %select_n3A_259 masked %broadcast_in_dim3A_261 : vector<16xi32>, vector<16xi1> -> vector<16xi32>
          %all_reduce_population_count3A_263 = tpu.all_reduce %eq3A_254 {dim = 0 : i64, kind = #tpu.reduction_kind<sum>} : vector<16xi1> -> vector<16xi32>
          %mul3A_264 = arith.constant 128 : i32
          %mul3A_265 = arith.muli %scan3A_154, %mul3A_264 : i32
          %add3A_266 = arith.constant 80 : i32
          %add3A_267 = arith.addi %mul3A_265, %add3A_266 : i32
          %multiple_of3A_268 = tpu.assume_multiple %add3A_267, 16 : i32
          %get3A_269 = arith.index_cast %multiple_of3A_268 : i32 to index
          %get3A_270 = tpu.vector_load %arg6[%get3A_269] {strides = array<i32>} : memref<1024xi32, #tpu.memory_space<vmem>>, vector<16xi32>,
          %convert_element_type3A_271 = arith.sitofp %get3A_270 : vector<16xi32> to vector<16xf32>
          %mul3A_272 = arith.constant 8.77808997E-5 : f32
          %mul3A_273 = vector.broadcast %mul3A_272 : f32 to vector<16xf32>
          %mul3A_274 = arith.mulf %convert_element_type3A_271, %mul3A_273 : vector<16xf32>
          %convert_element_type3A_275 = arith.fptosi %mul3A_274 : vector<16xf32> to vector<16xi32>
          %eq3A_276 = vector.broadcast %scan3A_8 : i32 to vector<16xi32>
          %eq3A_277 = arith.cmpi eq, %convert_element_type3A_275, %eq3A_276 : vector<16xi32>
          %jit3A_278 = arith.constant 1 : i32
          %jit3A_279 = arith.constant 0 : i32
          %broadcast_in_dim3A_280 = vector.broadcast %jit3A_278 : i32 to vector<16xi32>
          %broadcast_in_dim3A_281 = vector.broadcast %jit3A_279 : i32 to vector<16xi32>
          %select_n3A_282 = arith.select %eq3A_277, %broadcast_in_dim3A_280, %broadcast_in_dim3A_281 : vector<16xi1>, vector<16xi32>
          %broadcast_in_dim3A_283 = arith.constant true
          %broadcast_in_dim3A_284 = vector.broadcast %broadcast_in_dim3A_283 : i1 to vector<16xi1>
          %masked_cumsum3A_285 = tpu.scan <sum>, %select_n3A_282 masked %broadcast_in_dim3A_284 : vector<16xi32>, vector<16xi1> -> vector<16xi32>
          %all_reduce_population_count3A_286 = tpu.all_reduce %eq3A_277 {dim = 0 : i64, kind = #tpu.reduction_kind<sum>} : vector<16xi1> -> vector<16xi32>
          %mul3A_287 = arith.constant 128 : i32
          %mul3A_288 = arith.muli %scan3A_154, %mul3A_287 : i32
          %add3A_289 = arith.constant 96 : i32
          %add3A_290 = arith.addi %mul3A_288, %add3A_289 : i32
          %multiple_of3A_291 = tpu.assume_multiple %add3A_290, 16 : i32
          %get3A_292 = arith.index_cast %multiple_of3A_291 : i32 to index
          %get3A_293 = tpu.vector_load %arg6[%get3A_292] {strides = array<i32>} : memref<1024xi32, #tpu.memory_space<vmem>>, vector<16xi32>,
          %convert_element_type3A_294 = arith.sitofp %get3A_293 : vector<16xi32> to vector<16xf32>
          %mul3A_295 = arith.constant 8.77808997E-5 : f32
          %mul3A_296 = vector.broadcast %mul3A_295 : f32 to vector<16xf32>
          %mul3A_297 = arith.mulf %convert_element_type3A_294, %mul3A_296 : vector<16xf32>
          %convert_element_type3A_298 = arith.fptosi %mul3A_297 : vector<16xf32> to vector<16xi32>
          %eq3A_299 = vector.broadcast %scan3A_8 : i32 to vector<16xi32>
          %eq3A_300 = arith.cmpi eq, %convert_element_type3A_298, %eq3A_299 : vector<16xi32>
          %jit3A_301 = arith.constant 1 : i32
          %jit3A_302 = arith.constant 0 : i32
          %broadcast_in_dim3A_303 = vector.broadcast %jit3A_301 : i32 to vector<16xi32>
          %broadcast_in_dim3A_304 = vector.broadcast %jit3A_302 : i32 to vector<16xi32>
          %select_n3A_305 = arith.select %eq3A_300, %broadcast_in_dim3A_303, %broadcast_in_dim3A_304 : vector<16xi1>, vector<16xi32>
          %broadcast_in_dim3A_306 = arith.constant true
          %broadcast_in_dim3A_307 = vector.broadcast %broadcast_in_dim3A_306 : i1 to vector<16xi1>
          %masked_cumsum3A_308 = tpu.scan <sum>, %select_n3A_305 masked %broadcast_in_dim3A_307 : vector<16xi32>, vector<16xi1> -> vector<16xi32>
          %all_reduce_population_count3A_309 = tpu.all_reduce %eq3A_300 {dim = 0 : i64, kind = #tpu.reduction_kind<sum>} : vector<16xi1> -> vector<16xi32>
          %mul3A_310 = arith.constant 128 : i32
          %mul3A_311 = arith.muli %scan3A_154, %mul3A_310 : i32
          %add3A_312 = arith.constant 112 : i32
          %add3A_313 = arith.addi %mul3A_311, %add3A_312 : i32
          %multiple_of3A_314 = tpu.assume_multiple %add3A_313, 16 : i32
          %get3A_315 = arith.index_cast %multiple_of3A_314 : i32 to index
          %get3A_316 = tpu.vector_load %arg6[%get3A_315] {strides = array<i32>} : memref<1024xi32, #tpu.memory_space<vmem>>, vector<16xi32>,
          %convert_element_type3A_317 = arith.sitofp %get3A_316 : vector<16xi32> to vector<16xf32>
          %mul3A_318 = arith.constant 8.77808997E-5 : f32
          %mul3A_319 = vector.broadcast %mul3A_318 : f32 to vector<16xf32>
          %mul3A_320 = arith.mulf %convert_element_type3A_317, %mul3A_319 : vector<16xf32>
          %convert_element_type3A_321 = arith.fptosi %mul3A_320 : vector<16xf32> to vector<16xi32>
          %eq3A_322 = vector.broadcast %scan3A_8 : i32 to vector<16xi32>
          %eq3A_323 = arith.cmpi eq, %convert_element_type3A_321, %eq3A_322 : vector<16xi32>
          %jit3A_324 = arith.constant 1 : i32
          %jit3A_325 = arith.constant 0 : i32
          %broadcast_in_dim3A_326 = vector.broadcast %jit3A_324 : i32 to vector<16xi32>
          %broadcast_in_dim3A_327 = vector.broadcast %jit3A_325 : i32 to vector<16xi32>
          %select_n3A_328 = arith.select %eq3A_323, %broadcast_in_dim3A_326, %broadcast_in_dim3A_327 : vector<16xi1>, vector<16xi32>
          %broadcast_in_dim3A_329 = arith.constant true
          %broadcast_in_dim3A_330 = vector.broadcast %broadcast_in_dim3A_329 : i1 to vector<16xi1>
          %masked_cumsum3A_331 = tpu.scan <sum>, %select_n3A_328 masked %broadcast_in_dim3A_330 : vector<16xi32>, vector<16xi1> -> vector<16xi32>
          %all_reduce_population_count3A_332 = tpu.all_reduce %eq3A_323 {dim = 0 : i64, kind = #tpu.reduction_kind<sum>} : vector<16xi1> -> vector<16xi32>
          %sub3A_333 = arith.subi %masked_cumsum3A, %select_n3A : vector<16xi32>
          %add3A_334 = arith.addi %scan3A_155, %sub3A_333 : vector<16xi32>
          %and3A = arith.constant 2047 : i32
          %and3A_335 = vector.broadcast %and3A : i32 to vector<16xi32>
          %and3A_336 = arith.andi %add3A_334, %and3A_335 : vector<16xi32>
          %sub3A_337 = vector.broadcast %mul3A_10 : i32 to vector<16xi32>
          %sub3A_338 = arith.subi %get3A_160, %sub3A_337 : vector<16xi32>
          tpu.vector_store_idx %arg8[%and3A_336], %sub3A_338 masked %eq3A_166 : memref<2048xi32, #tpu.memory_space<vmem>>[vector<16xi32>], vector<16xi32>, vector<16xi1>
          %mul3A_339 = arith.constant 1024 : i32
          %mul3A_340 = arith.muli %mul3A_104, %mul3A_339 : i32
          %add3A_341 = arith.addi %mul3A_2, %mul3A_340 : i32
          %mul3A_342 = arith.constant 128 : i32
          %mul3A_343 = arith.muli %scan3A_154, %mul3A_342 : i32
          %add3A_344 = arith.addi %add3A_341, %mul3A_343 : i32
          %add3A_345 = arith.constant 0 : i32
          %add3A_346 = arith.addi %add3A_344, %add3A_345 : i32
          %add3A_347 = vector.broadcast %add3A_346 : i32 to vector<16xi32>
          %add3A_348 = arith.addi %add3A_347, %iota3A : vector<16xi32>
          tpu.vector_store_idx %arg9[%and3A_336], %add3A_348 masked %eq3A_166 : memref<2048xi32, #tpu.memory_space<vmem>>[vector<16xi32>], vector<16xi32>, vector<16xi1>
          %add3A_349 = arith.addi %scan3A_155, %all_reduce_population_count3A : vector<16xi32>
          %sub3A_350 = arith.subi %masked_cumsum3A_193, %select_n3A_190 : vector<16xi32>
          %add3A_351 = arith.addi %add3A_349, %sub3A_350 : vector<16xi32>
          %and3A_352 = arith.constant 2047 : i32
          %and3A_353 = vector.broadcast %and3A_352 : i32 to vector<16xi32>
          %and3A_354 = arith.andi %add3A_351, %and3A_353 : vector<16xi32>
          %sub3A_355 = vector.broadcast %mul3A_10 : i32 to vector<16xi32>
          %sub3A_356 = arith.subi %get3A_178, %sub3A_355 : vector<16xi32>
          tpu.vector_store_idx %arg8[%and3A_354], %sub3A_356 masked %eq3A_185 : memref<2048xi32, #tpu.memory_space<vmem>>[vector<16xi32>], vector<16xi32>, vector<16xi1>
          %mul3A_357 = arith.constant 1024 : i32
          %mul3A_358 = arith.muli %mul3A_104, %mul3A_357 : i32
          %add3A_359 = arith.addi %mul3A_2, %mul3A_358 : i32
          %mul3A_360 = arith.constant 128 : i32
          %mul3A_361 = arith.muli %scan3A_154, %mul3A_360 : i32
          %add3A_362 = arith.addi %add3A_359, %mul3A_361 : i32
          %add3A_363 = arith.constant 16 : i32
          %add3A_364 = arith.addi %add3A_362, %add3A_363 : i32
          %add3A_365 = vector.broadcast %add3A_364 : i32 to vector<16xi32>
          %add3A_366 = arith.addi %add3A_365, %iota3A : vector<16xi32>
          tpu.vector_store_idx %arg9[%and3A_354], %add3A_366 masked %eq3A_185 : memref<2048xi32, #tpu.memory_space<vmem>>[vector<16xi32>], vector<16xi32>, vector<16xi1>
          %add3A_367 = arith.addi %add3A_349, %all_reduce_population_count3A_194 : vector<16xi32>
          %sub3A_368 = arith.subi %masked_cumsum3A_216, %select_n3A_213 : vector<16xi32>
          %add3A_369 = arith.addi %add3A_367, %sub3A_368 : vector<16xi32>
          %and3A_370 = arith.constant 2047 : i32
          %and3A_371 = vector.broadcast %and3A_370 : i32 to vector<16xi32>
          %and3A_372 = arith.andi %add3A_369, %and3A_371 : vector<16xi32>
          %sub3A_373 = vector.broadcast %mul3A_10 : i32 to vector<16xi32>
          %sub3A_374 = arith.subi %get3A_201, %sub3A_373 : vector<16xi32>
          tpu.vector_store_idx %arg8[%and3A_372], %sub3A_374 masked %eq3A_208 : memref<2048xi32, #tpu.memory_space<vmem>>[vector<16xi32>], vector<16xi32>, vector<16xi1>
          %mul3A_375 = arith.constant 1024 : i32
          %mul3A_376 = arith.muli %mul3A_104, %mul3A_375 : i32
          %add3A_377 = arith.addi %mul3A_2, %mul3A_376 : i32
          %mul3A_378 = arith.constant 128 : i32
          %mul3A_379 = arith.muli %scan3A_154, %mul3A_378 : i32
          %add3A_380 = arith.addi %add3A_377, %mul3A_379 : i32
          %add3A_381 = arith.constant 32 : i32
          %add3A_382 = arith.addi %add3A_380, %add3A_381 : i32
          %add3A_383 = vector.broadcast %add3A_382 : i32 to vector<16xi32>
          %add3A_384 = arith.addi %add3A_383, %iota3A : vector<16xi32>
          tpu.vector_store_idx %arg9[%and3A_372], %add3A_384 masked %eq3A_208 : memref<2048xi32, #tpu.memory_space<vmem>>[vector<16xi32>], vector<16xi32>, vector<16xi1>
          %add3A_385 = arith.addi %add3A_367, %all_reduce_population_count3A_217 : vector<16xi32>
          %sub3A_386 = arith.subi %masked_cumsum3A_239, %select_n3A_236 : vector<16xi32>
          %add3A_387 = arith.addi %add3A_385, %sub3A_386 : vector<16xi32>
          %and3A_388 = arith.constant 2047 : i32
          %and3A_389 = vector.broadcast %and3A_388 : i32 to vector<16xi32>
          %and3A_390 = arith.andi %add3A_387, %and3A_389 : vector<16xi32>
          %sub3A_391 = vector.broadcast %mul3A_10 : i32 to vector<16xi32>
          %sub3A_392 = arith.subi %get3A_224, %sub3A_391 : vector<16xi32>
          tpu.vector_store_idx %arg8[%and3A_390], %sub3A_392 masked %eq3A_231 : memref<2048xi32, #tpu.memory_space<vmem>>[vector<16xi32>], vector<16xi32>, vector<16xi1>
          %mul3A_393 = arith.constant 1024 : i32
          %mul3A_394 = arith.muli %mul3A_104, %mul3A_393 : i32
          %add3A_395 = arith.addi %mul3A_2, %mul3A_394 : i32
          %mul3A_396 = arith.constant 128 : i32
          %mul3A_397 = arith.muli %scan3A_154, %mul3A_396 : i32
          %add3A_398 = arith.addi %add3A_395, %mul3A_397 : i32
          %add3A_399 = arith.constant 48 : i32
          %add3A_400 = arith.addi %add3A_398, %add3A_399 : i32
          %add3A_401 = vector.broadcast %add3A_400 : i32 to vector<16xi32>
          %add3A_402 = arith.addi %add3A_401, %iota3A : vector<16xi32>
          tpu.vector_store_idx %arg9[%and3A_390], %add3A_402 masked %eq3A_231 : memref<2048xi32, #tpu.memory_space<vmem>>[vector<16xi32>], vector<16xi32>, vector<16xi1>
          %add3A_403 = arith.addi %add3A_385, %all_reduce_population_count3A_240 : vector<16xi32>
          %sub3A_404 = arith.subi %masked_cumsum3A_262, %select_n3A_259 : vector<16xi32>
          %add3A_405 = arith.addi %add3A_403, %sub3A_404 : vector<16xi32>
          %and3A_406 = arith.constant 2047 : i32
          %and3A_407 = vector.broadcast %and3A_406 : i32 to vector<16xi32>
          %and3A_408 = arith.andi %add3A_405, %and3A_407 : vector<16xi32>
          %sub3A_409 = vector.broadcast %mul3A_10 : i32 to vector<16xi32>
          %sub3A_410 = arith.subi %get3A_247, %sub3A_409 : vector<16xi32>
          tpu.vector_store_idx %arg8[%and3A_408], %sub3A_410 masked %eq3A_254 : memref<2048xi32, #tpu.memory_space<vmem>>[vector<16xi32>], vector<16xi32>, vector<16xi1>
          %mul3A_411 = arith.constant 1024 : i32
          %mul3A_412 = arith.muli %mul3A_104, %mul3A_411 : i32
          %add3A_413 = arith.addi %mul3A_2, %mul3A_412 : i32
          %mul3A_414 = arith.constant 128 : i32
          %mul3A_415 = arith.muli %scan3A_154, %mul3A_414 : i32
          %add3A_416 = arith.addi %add3A_413, %mul3A_415 : i32
          %add3A_417 = arith.constant 64 : i32
          %add3A_418 = arith.addi %add3A_416, %add3A_417 : i32
          %add3A_419 = vector.broadcast %add3A_418 : i32 to vector<16xi32>
          %add3A_420 = arith.addi %add3A_419, %iota3A : vector<16xi32>
          tpu.vector_store_idx %arg9[%and3A_408], %add3A_420 masked %eq3A_254 : memref<2048xi32, #tpu.memory_space<vmem>>[vector<16xi32>], vector<16xi32>, vector<16xi1>
          %add3A_421 = arith.addi %add3A_403, %all_reduce_population_count3A_263 : vector<16xi32>
          %sub3A_422 = arith.subi %masked_cumsum3A_285, %select_n3A_282 : vector<16xi32>
          %add3A_423 = arith.addi %add3A_421, %sub3A_422 : vector<16xi32>
          %and3A_424 = arith.constant 2047 : i32
          %and3A_425 = vector.broadcast %and3A_424 : i32 to vector<16xi32>
          %and3A_426 = arith.andi %add3A_423, %and3A_425 : vector<16xi32>
          %sub3A_427 = vector.broadcast %mul3A_10 : i32 to vector<16xi32>
          %sub3A_428 = arith.subi %get3A_270, %sub3A_427 : vector<16xi32>
          tpu.vector_store_idx %arg8[%and3A_426], %sub3A_428 masked %eq3A_277 : memref<2048xi32, #tpu.memory_space<vmem>>[vector<16xi32>], vector<16xi32>, vector<16xi1>
          %mul3A_429 = arith.constant 1024 : i32
          %mul3A_430 = arith.muli %mul3A_104, %mul3A_429 : i32
          %add3A_431 = arith.addi %mul3A_2, %mul3A_430 : i32
          %mul3A_432 = arith.constant 128 : i32
          %mul3A_433 = arith.muli %scan3A_154, %mul3A_432 : i32
          %add3A_434 = arith.addi %add3A_431, %mul3A_433 : i32
          %add3A_435 = arith.constant 80 : i32
          %add3A_436 = arith.addi %add3A_434, %add3A_435 : i32
          %add3A_437 = vector.broadcast %add3A_436 : i32 to vector<16xi32>
          %add3A_438 = arith.addi %add3A_437, %iota3A : vector<16xi32>
          tpu.vector_store_idx %arg9[%and3A_426], %add3A_438 masked %eq3A_277 : memref<2048xi32, #tpu.memory_space<vmem>>[vector<16xi32>], vector<16xi32>, vector<16xi1>
          %add3A_439 = arith.addi %add3A_421, %all_reduce_population_count3A_286 : vector<16xi32>
          %sub3A_440 = arith.subi %masked_cumsum3A_308, %select_n3A_305 : vector<16xi32>
          %add3A_441 = arith.addi %add3A_439, %sub3A_440 : vector<16xi32>
          %and3A_442 = arith.constant 2047 : i32
          %and3A_443 = vector.broadcast %and3A_442 : i32 to vector<16xi32>
          %and3A_444 = arith.andi %add3A_441, %and3A_443 : vector<16xi32>
          %sub3A_445 = vector.broadcast %mul3A_10 : i32 to vector<16xi32>
          %sub3A_446 = arith.subi %get3A_293, %sub3A_445 : vector<16xi32>
          tpu.vector_store_idx %arg8[%and3A_444], %sub3A_446 masked %eq3A_300 : memref<2048xi32, #tpu.memory_space<vmem>>[vector<16xi32>], vector<16xi32>, vector<16xi1>
          %mul3A_447 = arith.constant 1024 : i32
          %mul3A_448 = arith.muli %mul3A_104, %mul3A_447 : i32
          %add3A_449 = arith.addi %mul3A_2, %mul3A_448 : i32
          %mul3A_450 = arith.constant 128 : i32
          %mul3A_451 = arith.muli %scan3A_154, %mul3A_450 : i32
          %add3A_452 = arith.addi %add3A_449, %mul3A_451 : i32
          %add3A_453 = arith.constant 96 : i32
          %add3A_454 = arith.addi %add3A_452, %add3A_453 : i32
          %add3A_455 = vector.broadcast %add3A_454 : i32 to vector<16xi32>
          %add3A_456 = arith.addi %add3A_455, %iota3A : vector<16xi32>
          tpu.vector_store_idx %arg9[%and3A_444], %add3A_456 masked %eq3A_300 : memref<2048xi32, #tpu.memory_space<vmem>>[vector<16xi32>], vector<16xi32>, vector<16xi1>
          %add3A_457 = arith.addi %add3A_439, %all_reduce_population_count3A_309 : vector<16xi32>
          %sub3A_458 = arith.subi %masked_cumsum3A_331, %select_n3A_328 : vector<16xi32>
          %add3A_459 = arith.addi %add3A_457, %sub3A_458 : vector<16xi32>
          %and3A_460 = arith.constant 2047 : i32
          %and3A_461 = vector.broadcast %and3A_460 : i32 to vector<16xi32>
          %and3A_462 = arith.andi %add3A_459, %and3A_461 : vector<16xi32>
          %sub3A_463 = vector.broadcast %mul3A_10 : i32 to vector<16xi32>
          %sub3A_464 = arith.subi %get3A_316, %sub3A_463 : vector<16xi32>
          tpu.vector_store_idx %arg8[%and3A_462], %sub3A_464 masked %eq3A_323 : memref<2048xi32, #tpu.memory_space<vmem>>[vector<16xi32>], vector<16xi32>, vector<16xi1>
          %mul3A_465 = arith.constant 1024 : i32
          %mul3A_466 = arith.muli %mul3A_104, %mul3A_465 : i32
          %add3A_467 = arith.addi %mul3A_2, %mul3A_466 : i32
          %mul3A_468 = arith.constant 128 : i32
          %mul3A_469 = arith.muli %scan3A_154, %mul3A_468 : i32
          %add3A_470 = arith.addi %add3A_467, %mul3A_469 : i32
          %add3A_471 = arith.constant 112 : i32
          %add3A_472 = arith.addi %add3A_470, %add3A_471 : i32
          %add3A_473 = vector.broadcast %add3A_472 : i32 to vector<16xi32>
          %add3A_474 = arith.addi %add3A_473, %iota3A : vector<16xi32>
          tpu.vector_store_idx %arg9[%and3A_462], %add3A_474 masked %eq3A_323 : memref<2048xi32, #tpu.memory_space<vmem>>[vector<16xi32>], vector<16xi32>, vector<16xi1>
          %add3A_475 = arith.addi %add3A_457, %all_reduce_population_count3A_332 : vector<16xi32>
          scf.yield %add3A_475 : vector<16xi32>
        }
        %scan3A_111 = arith.constant 8 : i32
        %reduce_max3A_112 = arith.constant true
        %reduce_max3A_113 = vector.broadcast %reduce_max3A_112 : i1 to vector<16xi1>
        %reduce_max3A_114 = arith.constant -2147483648 : i32
        %reduce_max3A_115 = vector.broadcast %reduce_max3A_114 : i32 to vector<16xi32>
        %reduce_max3A_116 = arith.xori %scan3A_110, %reduce_max3A_115 : vector<16xi32>
        %reduce_max3A_117 = tpu.scan <max>, %reduce_max3A_116 masked %reduce_max3A_113 : vector<16xi32>, vector<16xi1> -> vector<16xi32>
        %reduce_max3A_118 = arith.xori %reduce_max3A_117, %reduce_max3A_115 : vector<16xi32>
        %reduce_max3A_119 = vector.extract %reduce_max3A_118[15] : i32 from vector<16xi32>
        %while3A_120:3 = scf.while (%while3A_154 = %reduce_max3A_119, %while3A_155 = %scan3A_88, %while3A_156 = %scan3A_89) : (i32, i32, i32) -> (i32, i32, i32) {
          %sub3A_157 = arith.subi %while3A_154, %while3A_155 : i32
          %ge3A_158 = arith.constant 128 : i32
          %ge3A_159 = arith.cmpi sge, %sub3A_157, %ge3A_158 : i32
          scf.condition(%ge3A_159) %while3A_154, %while3A_155, %while3A_156 : i32, i32, i32
        } do {
        ^bb0(%while3A_154: i32, %while3A_155: i32, %while3A_156: i32):
          %and3A = arith.constant 2047 : i32
          %and3A_157 = arith.andi %while3A_155, %and3A : i32
          %and3A_158 = arith.constant 1 : i32
          %and3A_159 = arith.andi %while3A_156, %and3A_158 : i32
          %eq3A = arith.constant 0 : i32
          %eq3A_160 = arith.cmpi eq, %and3A_159, %eq3A : i32
          %convert_element_type3A_161 = arith.extui %eq3A_160 : i1 to i32
          %cond3A_162 = arith.constant 0 : i32
          %cond3A_163 = arith.cmpi ne, %convert_element_type3A_161, %cond3A_162 : i32
          scf.if %cond3A_163 {
            %ge3A_175 = arith.constant 1 : i32
            %ge3A_176 = arith.cmpi sge, %while3A_156, %ge3A_175 : i32
            %convert_element_type3A_177 = arith.extui %ge3A_176 : i1 to i32
            %cond3A_178 = arith.constant 0 : i32
            %cond3A_179 = arith.cmpi ne, %convert_element_type3A_177, %cond3A_178 : i32
            scf.if %cond3A_179 {
              %dma_wait3A_194 = arith.constant 0 : i32
              %dma_wait3A_195 = arith.constant 0 : i32
              %dma_wait3A_196 = tpu.memref_slice %arg5[%dma_wait3A_194, %dma_wait3A_195] : memref<11392x128xf32, #tpu.memory_space<vmem_shared>> -> memref<11392x128xf32, #tpu.memory_space<vmem_shared>>
              tpu.wait_indirect_dma semaphore(%arg19 : memref<!tpu.dma_semaphore, #tpu.memory_space<semaphore_mem>>) src(%dma_wait3A_196 : memref<11392x128xf32, #tpu.memory_space<vmem_shared>>) dst(%arg15 : memref<128x128xf32, #tpu.memory_space<vmem>>)
              %dma_start3A_197 = arith.constant 0 : i32
              %dma_start3A_198 = arith.constant 0 : i32
              %dma_start3A_199 = tpu.memref_slice %arg4[%dma_start3A_197, %dma_start3A_198] : memref<3276800x128xf32, #tpu.memory_space<hbm>> -> memref<3276800x128xf32, #tpu.memory_space<hbm>>
              tpu.enqueue_indirect_dma source(%arg15 : memref<128x128xf32, #tpu.memory_space<vmem>>) target(%dma_start3A_199 : memref<3276800x128xf32, #tpu.memory_space<hbm>>) offsets(%arg13 : memref<128xi32, #tpu.memory_space<vmem>>) semaphore(%arg21 : memref<!tpu.dma_semaphore, #tpu.memory_space<semaphore_mem>>)
            } else {
            }
            %ge3A_180 = arith.constant 2 : i32
            %ge3A_181 = arith.cmpi sge, %while3A_156, %ge3A_180 : i32
            %convert_element_type3A_182 = arith.extui %ge3A_181 : i1 to i32
            %cond3A_183 = arith.constant 0 : i32
            %cond3A_184 = arith.cmpi ne, %convert_element_type3A_182, %cond3A_183 : i32
            scf.if %cond3A_184 {
              %dma_wait3A_194 = arith.constant 0 : i32
              %dma_wait3A_195 = arith.constant 0 : i32
              %dma_wait3A_196 = tpu.memref_slice %arg4[%dma_wait3A_194, %dma_wait3A_195] : memref<3276800x128xf32, #tpu.memory_space<hbm>> -> memref<3276800x128xf32, #tpu.memory_space<hbm>>
              tpu.wait_indirect_dma semaphore(%arg20 : memref<!tpu.dma_semaphore, #tpu.memory_space<semaphore_mem>>) src(%arg14 : memref<128x128xf32, #tpu.memory_space<vmem>>) dst(%dma_wait3A_196 : memref<3276800x128xf32, #tpu.memory_space<hbm>>)
            } else {
            }
            %scan3A_185 = arith.constant 0 : i32
            %scan3A_186 = arith.constant 0 : i32
            %scan3A_187 = arith.constant 8 : i32
            %scan3A_188 = arith.addi %scan3A_186, %scan3A_187 : i32
            %scan3A_189 = arith.constant 1 : i32
            scf.for %scan3A_194 = %scan3A_186 to %scan3A_188 step %scan3A_189  : i32 {
              %mul3A_195 = arith.constant 16 : i32
              %mul3A_196 = arith.muli %scan3A_194, %mul3A_195 : i32
              %add3A_197 = arith.addi %and3A_157, %mul3A_196 : i32
              %get3A = arith.index_cast %add3A_197 : i32 to index
              %get3A_198 = tpu.vector_load %arg8[%get3A] {strides = array<i32>} : memref<2048xi32, #tpu.memory_space<vmem>>, vector<16xi32>,
              %mul3A_199 = arith.constant 16 : i32
              %mul3A_200 = arith.muli %scan3A_194, %mul3A_199 : i32
              %swap3A = arith.index_cast %mul3A_200 : i32 to index
              %swap3A_201 = tpu.vector_load %arg10[%swap3A] {strides = array<i32>} : memref<128xi32, #tpu.memory_space<vmem>>, vector<16xi32>,
              tpu.vector_store %arg10[%swap3A], %get3A_198 {strides = array<i32>} : memref<128xi32, #tpu.memory_space<vmem>>, vector<16xi32>,
              %mul3A_202 = arith.constant 16 : i32
              %mul3A_203 = arith.muli %scan3A_194, %mul3A_202 : i32
              %add3A_204 = arith.addi %and3A_157, %mul3A_203 : i32
              %get3A_205 = arith.index_cast %add3A_204 : i32 to index
              %get3A_206 = tpu.vector_load %arg9[%get3A_205] {strides = array<i32>} : memref<2048xi32, #tpu.memory_space<vmem>>, vector<16xi32>,
              %mul3A_207 = arith.constant 16 : i32
              %mul3A_208 = arith.muli %scan3A_194, %mul3A_207 : i32
              %swap3A_209 = arith.index_cast %mul3A_208 : i32 to index
              %swap3A_210 = tpu.vector_load %arg12[%swap3A_209] {strides = array<i32>} : memref<128xi32, #tpu.memory_space<vmem>>, vector<16xi32>,
              tpu.vector_store %arg12[%swap3A_209], %get3A_206 {strides = array<i32>} : memref<128xi32, #tpu.memory_space<vmem>>, vector<16xi32>,
            }
            %scan3A_190 = arith.constant 8 : i32
            %dma_start3A_191 = arith.constant 0 : i32
            %dma_start3A_192 = arith.constant 0 : i32
            %dma_start3A_193 = tpu.memref_slice %arg5[%dma_start3A_191, %dma_start3A_192] : memref<11392x128xf32, #tpu.memory_space<vmem_shared>> -> memref<11392x128xf32, #tpu.memory_space<vmem_shared>>
            tpu.enqueue_indirect_dma source(%dma_start3A_193 : memref<11392x128xf32, #tpu.memory_space<vmem_shared>>) target(%arg14 : memref<128x128xf32, #tpu.memory_space<vmem>>) offsets(%arg10 : memref<128xi32, #tpu.memory_space<vmem>>) semaphore(%arg18 : memref<!tpu.dma_semaphore, #tpu.memory_space<semaphore_mem>>)
          } else {
          }
          %and3A_164 = arith.constant 1 : i32
          %and3A_165 = arith.andi %while3A_156, %and3A_164 : i32
          %eq3A_166 = arith.constant 1 : i32
          %eq3A_167 = arith.cmpi eq, %and3A_165, %eq3A_166 : i32
          %convert_element_type3A_168 = arith.extui %eq3A_167 : i1 to i32
          %cond3A_169 = arith.constant 0 : i32
          %cond3A_170 = arith.cmpi ne, %convert_element_type3A_168, %cond3A_169 : i32
          scf.if %cond3A_170 {
            %ge3A_175 = arith.constant 1 : i32
            %ge3A_176 = arith.cmpi sge, %while3A_156, %ge3A_175 : i32
            %convert_element_type3A_177 = arith.extui %ge3A_176 : i1 to i32
            %cond3A_178 = arith.constant 0 : i32
            %cond3A_179 = arith.cmpi ne, %convert_element_type3A_177, %cond3A_178 : i32
            scf.if %cond3A_179 {
              %dma_wait3A_194 = arith.constant 0 : i32
              %dma_wait3A_195 = arith.constant 0 : i32
              %dma_wait3A_196 = tpu.memref_slice %arg5[%dma_wait3A_194, %dma_wait3A_195] : memref<11392x128xf32, #tpu.memory_space<vmem_shared>> -> memref<11392x128xf32, #tpu.memory_space<vmem_shared>>
              tpu.wait_indirect_dma semaphore(%arg18 : memref<!tpu.dma_semaphore, #tpu.memory_space<semaphore_mem>>) src(%dma_wait3A_196 : memref<11392x128xf32, #tpu.memory_space<vmem_shared>>) dst(%arg14 : memref<128x128xf32, #tpu.memory_space<vmem>>)
              %dma_start3A_197 = arith.constant 0 : i32
              %dma_start3A_198 = arith.constant 0 : i32
              %dma_start3A_199 = tpu.memref_slice %arg4[%dma_start3A_197, %dma_start3A_198] : memref<3276800x128xf32, #tpu.memory_space<hbm>> -> memref<3276800x128xf32, #tpu.memory_space<hbm>>
              tpu.enqueue_indirect_dma source(%arg14 : memref<128x128xf32, #tpu.memory_space<vmem>>) target(%dma_start3A_199 : memref<3276800x128xf32, #tpu.memory_space<hbm>>) offsets(%arg12 : memref<128xi32, #tpu.memory_space<vmem>>) semaphore(%arg20 : memref<!tpu.dma_semaphore, #tpu.memory_space<semaphore_mem>>)
            } else {
            }
            %ge3A_180 = arith.constant 2 : i32
            %ge3A_181 = arith.cmpi sge, %while3A_156, %ge3A_180 : i32
            %convert_element_type3A_182 = arith.extui %ge3A_181 : i1 to i32
            %cond3A_183 = arith.constant 0 : i32
            %cond3A_184 = arith.cmpi ne, %convert_element_type3A_182, %cond3A_183 : i32
            scf.if %cond3A_184 {
              %dma_wait3A_194 = arith.constant 0 : i32
              %dma_wait3A_195 = arith.constant 0 : i32
              %dma_wait3A_196 = tpu.memref_slice %arg4[%dma_wait3A_194, %dma_wait3A_195] : memref<3276800x128xf32, #tpu.memory_space<hbm>> -> memref<3276800x128xf32, #tpu.memory_space<hbm>>
              tpu.wait_indirect_dma semaphore(%arg21 : memref<!tpu.dma_semaphore, #tpu.memory_space<semaphore_mem>>) src(%arg15 : memref<128x128xf32, #tpu.memory_space<vmem>>) dst(%dma_wait3A_196 : memref<3276800x128xf32, #tpu.memory_space<hbm>>)
            } else {
            }
            %scan3A_185 = arith.constant 0 : i32
            %scan3A_186 = arith.constant 0 : i32
            %scan3A_187 = arith.constant 8 : i32
            %scan3A_188 = arith.addi %scan3A_186, %scan3A_187 : i32
            %scan3A_189 = arith.constant 1 : i32
            scf.for %scan3A_194 = %scan3A_186 to %scan3A_188 step %scan3A_189  : i32 {
              %mul3A_195 = arith.constant 16 : i32
              %mul3A_196 = arith.muli %scan3A_194, %mul3A_195 : i32
              %add3A_197 = arith.addi %and3A_157, %mul3A_196 : i32
              %get3A = arith.index_cast %add3A_197 : i32 to index
              %get3A_198 = tpu.vector_load %arg8[%get3A] {strides = array<i32>} : memref<2048xi32, #tpu.memory_space<vmem>>, vector<16xi32>,
              %mul3A_199 = arith.constant 16 : i32
              %mul3A_200 = arith.muli %scan3A_194, %mul3A_199 : i32
              %swap3A = arith.index_cast %mul3A_200 : i32 to index
              %swap3A_201 = tpu.vector_load %arg11[%swap3A] {strides = array<i32>} : memref<128xi32, #tpu.memory_space<vmem>>, vector<16xi32>,
              tpu.vector_store %arg11[%swap3A], %get3A_198 {strides = array<i32>} : memref<128xi32, #tpu.memory_space<vmem>>, vector<16xi32>,
              %mul3A_202 = arith.constant 16 : i32
              %mul3A_203 = arith.muli %scan3A_194, %mul3A_202 : i32
              %add3A_204 = arith.addi %and3A_157, %mul3A_203 : i32
              %get3A_205 = arith.index_cast %add3A_204 : i32 to index
              %get3A_206 = tpu.vector_load %arg9[%get3A_205] {strides = array<i32>} : memref<2048xi32, #tpu.memory_space<vmem>>, vector<16xi32>,
              %mul3A_207 = arith.constant 16 : i32
              %mul3A_208 = arith.muli %scan3A_194, %mul3A_207 : i32
              %swap3A_209 = arith.index_cast %mul3A_208 : i32 to index
              %swap3A_210 = tpu.vector_load %arg13[%swap3A_209] {strides = array<i32>} : memref<128xi32, #tpu.memory_space<vmem>>, vector<16xi32>,
              tpu.vector_store %arg13[%swap3A_209], %get3A_206 {strides = array<i32>} : memref<128xi32, #tpu.memory_space<vmem>>, vector<16xi32>,
            }
            %scan3A_190 = arith.constant 8 : i32
            %dma_start3A_191 = arith.constant 0 : i32
            %dma_start3A_192 = arith.constant 0 : i32
            %dma_start3A_193 = tpu.memref_slice %arg5[%dma_start3A_191, %dma_start3A_192] : memref<11392x128xf32, #tpu.memory_space<vmem_shared>> -> memref<11392x128xf32, #tpu.memory_space<vmem_shared>>
            tpu.enqueue_indirect_dma source(%dma_start3A_193 : memref<11392x128xf32, #tpu.memory_space<vmem_shared>>) target(%arg15 : memref<128x128xf32, #tpu.memory_space<vmem>>) offsets(%arg11 : memref<128xi32, #tpu.memory_space<vmem>>) semaphore(%arg19 : memref<!tpu.dma_semaphore, #tpu.memory_space<semaphore_mem>>)
          } else {
          }
          %add3A_171 = arith.constant 128 : i32
          %add3A_172 = arith.addi %while3A_155, %add3A_171 : i32
          %add3A_173 = arith.constant 1 : i32
          %add3A_174 = arith.addi %while3A_156, %add3A_173 : i32
          scf.yield %while3A_154, %add3A_172, %add3A_174 : i32, i32, i32
        }
        %dma_wait3A_121 = arith.constant 0 : i32
        %dma_wait3A_122 = tpu.memref_slice %arg3[%dma_wait3A_121] : memref<3276800xi32, #tpu.memory_space<hbm>> -> memref<1024xi32, #tpu.memory_space<hbm>>
        %dma_wait3A_123 = arith.constant 0 : i32
        %dma_wait3A_124 = tpu.memref_slice %arg3[%dma_wait3A_123] : memref<3276800xi32, #tpu.memory_space<hbm>> -> memref<1024xi32, #tpu.memory_space<hbm>>
        tpu.wait_dma2 semaphore(%arg17 : memref<!tpu.dma_semaphore, #tpu.memory_space<semaphore_mem>>) src(%dma_wait3A_124 : memref<1024xi32, #tpu.memory_space<hbm>>) dst(%arg7 : memref<1024xi32, #tpu.memory_space<vmem>>)
        %mul3A_125 = arith.constant 2 : i32
        %mul3A_126 = arith.muli %mul3A_125, %scan3A_86 : i32
        %add3A_127 = arith.constant 2 : i32
        %add3A_128 = arith.addi %mul3A_126, %add3A_127 : i32
        %mul3A_129 = arith.constant 1024 : i32
        %mul3A_130 = arith.muli %add3A_128, %mul3A_129 : i32
        %add3A_131 = arith.addi %mul3A_2, %mul3A_130 : i32
        %dma_start3A_132 = tpu.memref_slice %arg3[%add3A_131] : memref<3276800xi32, #tpu.memory_space<hbm>> -> memref<1024xi32, #tpu.memory_space<hbm>>
        %dma_start3A_133 = tpu.memref_slice %arg3[%add3A_131] : memref<3276800xi32, #tpu.memory_space<hbm>> -> memref<1024xi32, #tpu.memory_space<hbm>>
        tpu.enqueue_dma source(%dma_start3A_133 : memref<1024xi32, #tpu.memory_space<hbm>>) target(%arg6 : memref<1024xi32, #tpu.memory_space<vmem>>) target_semaphore(%arg16 : memref<!tpu.dma_semaphore, #tpu.memory_space<semaphore_mem>>)
        %mul3A_134 = arith.constant 2 : i32
        %mul3A_135 = arith.muli %mul3A_134, %scan3A_86 : i32
        %add3A_136 = arith.constant 1 : i32
        %add3A_137 = arith.addi %mul3A_135, %add3A_136 : i32
        %broadcast_in_dim3A_138 = vector.broadcast %while3A_120#0 : i32 to vector<16xi32>
        %scan3A_139 = arith.constant 0 : i32
        %scan3A_140 = arith.constant 8 : i32
        %scan3A_141 = arith.addi %scan3A_139, %scan3A_140 : i32
        %scan3A_142 = arith.constant 1 : i32
        %scan3A_143 = scf.for %scan3A_154 = %scan3A_139 to %scan3A_141 step %scan3A_142 iter_args(%scan3A_155 = %broadcast_in_dim3A_138) -> (vector<16xi32>)  : i32 {
          %mul3A_156 = arith.constant 128 : i32
          %mul3A_157 = arith.muli %scan3A_154, %mul3A_156 : i32
          %add3A_158 = arith.constant 0 : i32
          %add3A_159 = arith.addi %mul3A_157, %add3A_158 : i32
          %multiple_of3A = tpu.assume_multiple %add3A_159, 16 : i32
          %get3A = arith.index_cast %multiple_of3A : i32 to index
          %get3A_160 = tpu.vector_load %arg7[%get3A] {strides = array<i32>} : memref<1024xi32, #tpu.memory_space<vmem>>, vector<16xi32>,
          %convert_element_type3A_161 = arith.sitofp %get3A_160 : vector<16xi32> to vector<16xf32>
          %mul3A_162 = arith.constant 8.77808997E-5 : f32
          %mul3A_163 = vector.broadcast %mul3A_162 : f32 to vector<16xf32>
          %mul3A_164 = arith.mulf %convert_element_type3A_161, %mul3A_163 : vector<16xf32>
          %convert_element_type3A_165 = arith.fptosi %mul3A_164 : vector<16xf32> to vector<16xi32>
          %eq3A = vector.broadcast %scan3A_8 : i32 to vector<16xi32>
          %eq3A_166 = arith.cmpi eq, %convert_element_type3A_165, %eq3A : vector<16xi32>
          %jit3A = arith.constant 1 : i32
          %jit3A_167 = arith.constant 0 : i32
          %broadcast_in_dim3A_168 = vector.broadcast %jit3A : i32 to vector<16xi32>
          %broadcast_in_dim3A_169 = vector.broadcast %jit3A_167 : i32 to vector<16xi32>
          %select_n3A = arith.select %eq3A_166, %broadcast_in_dim3A_168, %broadcast_in_dim3A_169 : vector<16xi1>, vector<16xi32>
          %broadcast_in_dim3A_170 = arith.constant true
          %broadcast_in_dim3A_171 = vector.broadcast %broadcast_in_dim3A_170 : i1 to vector<16xi1>
          %masked_cumsum3A = tpu.scan <sum>, %select_n3A masked %broadcast_in_dim3A_171 : vector<16xi32>, vector<16xi1> -> vector<16xi32>
          %all_reduce_population_count3A = tpu.all_reduce %eq3A_166 {dim = 0 : i64, kind = #tpu.reduction_kind<sum>} : vector<16xi1> -> vector<16xi32>
          %mul3A_172 = arith.constant 128 : i32
          %mul3A_173 = arith.muli %scan3A_154, %mul3A_172 : i32
          %add3A_174 = arith.constant 16 : i32
          %add3A_175 = arith.addi %mul3A_173, %add3A_174 : i32
          %multiple_of3A_176 = tpu.assume_multiple %add3A_175, 16 : i32
          %get3A_177 = arith.index_cast %multiple_of3A_176 : i32 to index
          %get3A_178 = tpu.vector_load %arg7[%get3A_177] {strides = array<i32>} : memref<1024xi32, #tpu.memory_space<vmem>>, vector<16xi32>,
          %convert_element_type3A_179 = arith.sitofp %get3A_178 : vector<16xi32> to vector<16xf32>
          %mul3A_180 = arith.constant 8.77808997E-5 : f32
          %mul3A_181 = vector.broadcast %mul3A_180 : f32 to vector<16xf32>
          %mul3A_182 = arith.mulf %convert_element_type3A_179, %mul3A_181 : vector<16xf32>
          %convert_element_type3A_183 = arith.fptosi %mul3A_182 : vector<16xf32> to vector<16xi32>
          %eq3A_184 = vector.broadcast %scan3A_8 : i32 to vector<16xi32>
          %eq3A_185 = arith.cmpi eq, %convert_element_type3A_183, %eq3A_184 : vector<16xi32>
          %jit3A_186 = arith.constant 1 : i32
          %jit3A_187 = arith.constant 0 : i32
          %broadcast_in_dim3A_188 = vector.broadcast %jit3A_186 : i32 to vector<16xi32>
          %broadcast_in_dim3A_189 = vector.broadcast %jit3A_187 : i32 to vector<16xi32>
          %select_n3A_190 = arith.select %eq3A_185, %broadcast_in_dim3A_188, %broadcast_in_dim3A_189 : vector<16xi1>, vector<16xi32>
          %broadcast_in_dim3A_191 = arith.constant true
          %broadcast_in_dim3A_192 = vector.broadcast %broadcast_in_dim3A_191 : i1 to vector<16xi1>
          %masked_cumsum3A_193 = tpu.scan <sum>, %select_n3A_190 masked %broadcast_in_dim3A_192 : vector<16xi32>, vector<16xi1> -> vector<16xi32>
          %all_reduce_population_count3A_194 = tpu.all_reduce %eq3A_185 {dim = 0 : i64, kind = #tpu.reduction_kind<sum>} : vector<16xi1> -> vector<16xi32>
          %mul3A_195 = arith.constant 128 : i32
          %mul3A_196 = arith.muli %scan3A_154, %mul3A_195 : i32
          %add3A_197 = arith.constant 32 : i32
          %add3A_198 = arith.addi %mul3A_196, %add3A_197 : i32
          %multiple_of3A_199 = tpu.assume_multiple %add3A_198, 16 : i32
          %get3A_200 = arith.index_cast %multiple_of3A_199 : i32 to index
          %get3A_201 = tpu.vector_load %arg7[%get3A_200] {strides = array<i32>} : memref<1024xi32, #tpu.memory_space<vmem>>, vector<16xi32>,
          %convert_element_type3A_202 = arith.sitofp %get3A_201 : vector<16xi32> to vector<16xf32>
          %mul3A_203 = arith.constant 8.77808997E-5 : f32
          %mul3A_204 = vector.broadcast %mul3A_203 : f32 to vector<16xf32>
          %mul3A_205 = arith.mulf %convert_element_type3A_202, %mul3A_204 : vector<16xf32>
          %convert_element_type3A_206 = arith.fptosi %mul3A_205 : vector<16xf32> to vector<16xi32>
          %eq3A_207 = vector.broadcast %scan3A_8 : i32 to vector<16xi32>
          %eq3A_208 = arith.cmpi eq, %convert_element_type3A_206, %eq3A_207 : vector<16xi32>
          %jit3A_209 = arith.constant 1 : i32
          %jit3A_210 = arith.constant 0 : i32
          %broadcast_in_dim3A_211 = vector.broadcast %jit3A_209 : i32 to vector<16xi32>
          %broadcast_in_dim3A_212 = vector.broadcast %jit3A_210 : i32 to vector<16xi32>
          %select_n3A_213 = arith.select %eq3A_208, %broadcast_in_dim3A_211, %broadcast_in_dim3A_212 : vector<16xi1>, vector<16xi32>
          %broadcast_in_dim3A_214 = arith.constant true
          %broadcast_in_dim3A_215 = vector.broadcast %broadcast_in_dim3A_214 : i1 to vector<16xi1>
          %masked_cumsum3A_216 = tpu.scan <sum>, %select_n3A_213 masked %broadcast_in_dim3A_215 : vector<16xi32>, vector<16xi1> -> vector<16xi32>
          %all_reduce_population_count3A_217 = tpu.all_reduce %eq3A_208 {dim = 0 : i64, kind = #tpu.reduction_kind<sum>} : vector<16xi1> -> vector<16xi32>
          %mul3A_218 = arith.constant 128 : i32
          %mul3A_219 = arith.muli %scan3A_154, %mul3A_218 : i32
          %add3A_220 = arith.constant 48 : i32
          %add3A_221 = arith.addi %mul3A_219, %add3A_220 : i32
          %multiple_of3A_222 = tpu.assume_multiple %add3A_221, 16 : i32
          %get3A_223 = arith.index_cast %multiple_of3A_222 : i32 to index
          %get3A_224 = tpu.vector_load %arg7[%get3A_223] {strides = array<i32>} : memref<1024xi32, #tpu.memory_space<vmem>>, vector<16xi32>,
          %convert_element_type3A_225 = arith.sitofp %get3A_224 : vector<16xi32> to vector<16xf32>
          %mul3A_226 = arith.constant 8.77808997E-5 : f32
          %mul3A_227 = vector.broadcast %mul3A_226 : f32 to vector<16xf32>
          %mul3A_228 = arith.mulf %convert_element_type3A_225, %mul3A_227 : vector<16xf32>
          %convert_element_type3A_229 = arith.fptosi %mul3A_228 : vector<16xf32> to vector<16xi32>
          %eq3A_230 = vector.broadcast %scan3A_8 : i32 to vector<16xi32>
          %eq3A_231 = arith.cmpi eq, %convert_element_type3A_229, %eq3A_230 : vector<16xi32>
          %jit3A_232 = arith.constant 1 : i32
          %jit3A_233 = arith.constant 0 : i32
          %broadcast_in_dim3A_234 = vector.broadcast %jit3A_232 : i32 to vector<16xi32>
          %broadcast_in_dim3A_235 = vector.broadcast %jit3A_233 : i32 to vector<16xi32>
          %select_n3A_236 = arith.select %eq3A_231, %broadcast_in_dim3A_234, %broadcast_in_dim3A_235 : vector<16xi1>, vector<16xi32>
          %broadcast_in_dim3A_237 = arith.constant true
          %broadcast_in_dim3A_238 = vector.broadcast %broadcast_in_dim3A_237 : i1 to vector<16xi1>
          %masked_cumsum3A_239 = tpu.scan <sum>, %select_n3A_236 masked %broadcast_in_dim3A_238 : vector<16xi32>, vector<16xi1> -> vector<16xi32>
          %all_reduce_population_count3A_240 = tpu.all_reduce %eq3A_231 {dim = 0 : i64, kind = #tpu.reduction_kind<sum>} : vector<16xi1> -> vector<16xi32>
          %mul3A_241 = arith.constant 128 : i32
          %mul3A_242 = arith.muli %scan3A_154, %mul3A_241 : i32
          %add3A_243 = arith.constant 64 : i32
          %add3A_244 = arith.addi %mul3A_242, %add3A_243 : i32
          %multiple_of3A_245 = tpu.assume_multiple %add3A_244, 16 : i32
          %get3A_246 = arith.index_cast %multiple_of3A_245 : i32 to index
          %get3A_247 = tpu.vector_load %arg7[%get3A_246] {strides = array<i32>} : memref<1024xi32, #tpu.memory_space<vmem>>, vector<16xi32>,
          %convert_element_type3A_248 = arith.sitofp %get3A_247 : vector<16xi32> to vector<16xf32>
          %mul3A_249 = arith.constant 8.77808997E-5 : f32
          %mul3A_250 = vector.broadcast %mul3A_249 : f32 to vector<16xf32>
          %mul3A_251 = arith.mulf %convert_element_type3A_248, %mul3A_250 : vector<16xf32>
          %convert_element_type3A_252 = arith.fptosi %mul3A_251 : vector<16xf32> to vector<16xi32>
          %eq3A_253 = vector.broadcast %scan3A_8 : i32 to vector<16xi32>
          %eq3A_254 = arith.cmpi eq, %convert_element_type3A_252, %eq3A_253 : vector<16xi32>
          %jit3A_255 = arith.constant 1 : i32
          %jit3A_256 = arith.constant 0 : i32
          %broadcast_in_dim3A_257 = vector.broadcast %jit3A_255 : i32 to vector<16xi32>
          %broadcast_in_dim3A_258 = vector.broadcast %jit3A_256 : i32 to vector<16xi32>
          %select_n3A_259 = arith.select %eq3A_254, %broadcast_in_dim3A_257, %broadcast_in_dim3A_258 : vector<16xi1>, vector<16xi32>
          %broadcast_in_dim3A_260 = arith.constant true
          %broadcast_in_dim3A_261 = vector.broadcast %broadcast_in_dim3A_260 : i1 to vector<16xi1>
          %masked_cumsum3A_262 = tpu.scan <sum>, %select_n3A_259 masked %broadcast_in_dim3A_261 : vector<16xi32>, vector<16xi1> -> vector<16xi32>
          %all_reduce_population_count3A_263 = tpu.all_reduce %eq3A_254 {dim = 0 : i64, kind = #tpu.reduction_kind<sum>} : vector<16xi1> -> vector<16xi32>
          %mul3A_264 = arith.constant 128 : i32
          %mul3A_265 = arith.muli %scan3A_154, %mul3A_264 : i32
          %add3A_266 = arith.constant 80 : i32
          %add3A_267 = arith.addi %mul3A_265, %add3A_266 : i32
          %multiple_of3A_268 = tpu.assume_multiple %add3A_267, 16 : i32
          %get3A_269 = arith.index_cast %multiple_of3A_268 : i32 to index
          %get3A_270 = tpu.vector_load %arg7[%get3A_269] {strides = array<i32>} : memref<1024xi32, #tpu.memory_space<vmem>>, vector<16xi32>,
          %convert_element_type3A_271 = arith.sitofp %get3A_270 : vector<16xi32> to vector<16xf32>
          %mul3A_272 = arith.constant 8.77808997E-5 : f32
          %mul3A_273 = vector.broadcast %mul3A_272 : f32 to vector<16xf32>
          %mul3A_274 = arith.mulf %convert_element_type3A_271, %mul3A_273 : vector<16xf32>
          %convert_element_type3A_275 = arith.fptosi %mul3A_274 : vector<16xf32> to vector<16xi32>
          %eq3A_276 = vector.broadcast %scan3A_8 : i32 to vector<16xi32>
          %eq3A_277 = arith.cmpi eq, %convert_element_type3A_275, %eq3A_276 : vector<16xi32>
          %jit3A_278 = arith.constant 1 : i32
          %jit3A_279 = arith.constant 0 : i32
          %broadcast_in_dim3A_280 = vector.broadcast %jit3A_278 : i32 to vector<16xi32>
          %broadcast_in_dim3A_281 = vector.broadcast %jit3A_279 : i32 to vector<16xi32>
          %select_n3A_282 = arith.select %eq3A_277, %broadcast_in_dim3A_280, %broadcast_in_dim3A_281 : vector<16xi1>, vector<16xi32>
          %broadcast_in_dim3A_283 = arith.constant true
          %broadcast_in_dim3A_284 = vector.broadcast %broadcast_in_dim3A_283 : i1 to vector<16xi1>
          %masked_cumsum3A_285 = tpu.scan <sum>, %select_n3A_282 masked %broadcast_in_dim3A_284 : vector<16xi32>, vector<16xi1> -> vector<16xi32>
          %all_reduce_population_count3A_286 = tpu.all_reduce %eq3A_277 {dim = 0 : i64, kind = #tpu.reduction_kind<sum>} : vector<16xi1> -> vector<16xi32>
          %mul3A_287 = arith.constant 128 : i32
          %mul3A_288 = arith.muli %scan3A_154, %mul3A_287 : i32
          %add3A_289 = arith.constant 96 : i32
          %add3A_290 = arith.addi %mul3A_288, %add3A_289 : i32
          %multiple_of3A_291 = tpu.assume_multiple %add3A_290, 16 : i32
          %get3A_292 = arith.index_cast %multiple_of3A_291 : i32 to index
          %get3A_293 = tpu.vector_load %arg7[%get3A_292] {strides = array<i32>} : memref<1024xi32, #tpu.memory_space<vmem>>, vector<16xi32>,
          %convert_element_type3A_294 = arith.sitofp %get3A_293 : vector<16xi32> to vector<16xf32>
          %mul3A_295 = arith.constant 8.77808997E-5 : f32
          %mul3A_296 = vector.broadcast %mul3A_295 : f32 to vector<16xf32>
          %mul3A_297 = arith.mulf %convert_element_type3A_294, %mul3A_296 : vector<16xf32>
          %convert_element_type3A_298 = arith.fptosi %mul3A_297 : vector<16xf32> to vector<16xi32>
          %eq3A_299 = vector.broadcast %scan3A_8 : i32 to vector<16xi32>
          %eq3A_300 = arith.cmpi eq, %convert_element_type3A_298, %eq3A_299 : vector<16xi32>
          %jit3A_301 = arith.constant 1 : i32
          %jit3A_302 = arith.constant 0 : i32
          %broadcast_in_dim3A_303 = vector.broadcast %jit3A_301 : i32 to vector<16xi32>
          %broadcast_in_dim3A_304 = vector.broadcast %jit3A_302 : i32 to vector<16xi32>
          %select_n3A_305 = arith.select %eq3A_300, %broadcast_in_dim3A_303, %broadcast_in_dim3A_304 : vector<16xi1>, vector<16xi32>
          %broadcast_in_dim3A_306 = arith.constant true
          %broadcast_in_dim3A_307 = vector.broadcast %broadcast_in_dim3A_306 : i1 to vector<16xi1>
          %masked_cumsum3A_308 = tpu.scan <sum>, %select_n3A_305 masked %broadcast_in_dim3A_307 : vector<16xi32>, vector<16xi1> -> vector<16xi32>
          %all_reduce_population_count3A_309 = tpu.all_reduce %eq3A_300 {dim = 0 : i64, kind = #tpu.reduction_kind<sum>} : vector<16xi1> -> vector<16xi32>
          %mul3A_310 = arith.constant 128 : i32
          %mul3A_311 = arith.muli %scan3A_154, %mul3A_310 : i32
          %add3A_312 = arith.constant 112 : i32
          %add3A_313 = arith.addi %mul3A_311, %add3A_312 : i32
          %multiple_of3A_314 = tpu.assume_multiple %add3A_313, 16 : i32
          %get3A_315 = arith.index_cast %multiple_of3A_314 : i32 to index
          %get3A_316 = tpu.vector_load %arg7[%get3A_315] {strides = array<i32>} : memref<1024xi32, #tpu.memory_space<vmem>>, vector<16xi32>,
          %convert_element_type3A_317 = arith.sitofp %get3A_316 : vector<16xi32> to vector<16xf32>
          %mul3A_318 = arith.constant 8.77808997E-5 : f32
          %mul3A_319 = vector.broadcast %mul3A_318 : f32 to vector<16xf32>
          %mul3A_320 = arith.mulf %convert_element_type3A_317, %mul3A_319 : vector<16xf32>
          %convert_element_type3A_321 = arith.fptosi %mul3A_320 : vector<16xf32> to vector<16xi32>
          %eq3A_322 = vector.broadcast %scan3A_8 : i32 to vector<16xi32>
          %eq3A_323 = arith.cmpi eq, %convert_element_type3A_321, %eq3A_322 : vector<16xi32>
          %jit3A_324 = arith.constant 1 : i32
          %jit3A_325 = arith.constant 0 : i32
          %broadcast_in_dim3A_326 = vector.broadcast %jit3A_324 : i32 to vector<16xi32>
          %broadcast_in_dim3A_327 = vector.broadcast %jit3A_325 : i32 to vector<16xi32>
          %select_n3A_328 = arith.select %eq3A_323, %broadcast_in_dim3A_326, %broadcast_in_dim3A_327 : vector<16xi1>, vector<16xi32>
          %broadcast_in_dim3A_329 = arith.constant true
          %broadcast_in_dim3A_330 = vector.broadcast %broadcast_in_dim3A_329 : i1 to vector<16xi1>
          %masked_cumsum3A_331 = tpu.scan <sum>, %select_n3A_328 masked %broadcast_in_dim3A_330 : vector<16xi32>, vector<16xi1> -> vector<16xi32>
          %all_reduce_population_count3A_332 = tpu.all_reduce %eq3A_323 {dim = 0 : i64, kind = #tpu.reduction_kind<sum>} : vector<16xi1> -> vector<16xi32>
          %sub3A_333 = arith.subi %masked_cumsum3A, %select_n3A : vector<16xi32>
          %add3A_334 = arith.addi %scan3A_155, %sub3A_333 : vector<16xi32>
          %and3A = arith.constant 2047 : i32
          %and3A_335 = vector.broadcast %and3A : i32 to vector<16xi32>
          %and3A_336 = arith.andi %add3A_334, %and3A_335 : vector<16xi32>
          %sub3A_337 = vector.broadcast %mul3A_10 : i32 to vector<16xi32>
          %sub3A_338 = arith.subi %get3A_160, %sub3A_337 : vector<16xi32>
          tpu.vector_store_idx %arg8[%and3A_336], %sub3A_338 masked %eq3A_166 : memref<2048xi32, #tpu.memory_space<vmem>>[vector<16xi32>], vector<16xi32>, vector<16xi1>
          %mul3A_339 = arith.constant 1024 : i32
          %mul3A_340 = arith.muli %add3A_137, %mul3A_339 : i32
          %add3A_341 = arith.addi %mul3A_2, %mul3A_340 : i32
          %mul3A_342 = arith.constant 128 : i32
          %mul3A_343 = arith.muli %scan3A_154, %mul3A_342 : i32
          %add3A_344 = arith.addi %add3A_341, %mul3A_343 : i32
          %add3A_345 = arith.constant 0 : i32
          %add3A_346 = arith.addi %add3A_344, %add3A_345 : i32
          %add3A_347 = vector.broadcast %add3A_346 : i32 to vector<16xi32>
          %add3A_348 = arith.addi %add3A_347, %iota3A : vector<16xi32>
          tpu.vector_store_idx %arg9[%and3A_336], %add3A_348 masked %eq3A_166 : memref<2048xi32, #tpu.memory_space<vmem>>[vector<16xi32>], vector<16xi32>, vector<16xi1>
          %add3A_349 = arith.addi %scan3A_155, %all_reduce_population_count3A : vector<16xi32>
          %sub3A_350 = arith.subi %masked_cumsum3A_193, %select_n3A_190 : vector<16xi32>
          %add3A_351 = arith.addi %add3A_349, %sub3A_350 : vector<16xi32>
          %and3A_352 = arith.constant 2047 : i32
          %and3A_353 = vector.broadcast %and3A_352 : i32 to vector<16xi32>
          %and3A_354 = arith.andi %add3A_351, %and3A_353 : vector<16xi32>
          %sub3A_355 = vector.broadcast %mul3A_10 : i32 to vector<16xi32>
          %sub3A_356 = arith.subi %get3A_178, %sub3A_355 : vector<16xi32>
          tpu.vector_store_idx %arg8[%and3A_354], %sub3A_356 masked %eq3A_185 : memref<2048xi32, #tpu.memory_space<vmem>>[vector<16xi32>], vector<16xi32>, vector<16xi1>
          %mul3A_357 = arith.constant 1024 : i32
          %mul3A_358 = arith.muli %add3A_137, %mul3A_357 : i32
          %add3A_359 = arith.addi %mul3A_2, %mul3A_358 : i32
          %mul3A_360 = arith.constant 128 : i32
          %mul3A_361 = arith.muli %scan3A_154, %mul3A_360 : i32
          %add3A_362 = arith.addi %add3A_359, %mul3A_361 : i32
          %add3A_363 = arith.constant 16 : i32
          %add3A_364 = arith.addi %add3A_362, %add3A_363 : i32
          %add3A_365 = vector.broadcast %add3A_364 : i32 to vector<16xi32>
          %add3A_366 = arith.addi %add3A_365, %iota3A : vector<16xi32>
          tpu.vector_store_idx %arg9[%and3A_354], %add3A_366 masked %eq3A_185 : memref<2048xi32, #tpu.memory_space<vmem>>[vector<16xi32>], vector<16xi32>, vector<16xi1>
          %add3A_367 = arith.addi %add3A_349, %all_reduce_population_count3A_194 : vector<16xi32>
          %sub3A_368 = arith.subi %masked_cumsum3A_216, %select_n3A_213 : vector<16xi32>
          %add3A_369 = arith.addi %add3A_367, %sub3A_368 : vector<16xi32>
          %and3A_370 = arith.constant 2047 : i32
          %and3A_371 = vector.broadcast %and3A_370 : i32 to vector<16xi32>
          %and3A_372 = arith.andi %add3A_369, %and3A_371 : vector<16xi32>
          %sub3A_373 = vector.broadcast %mul3A_10 : i32 to vector<16xi32>
          %sub3A_374 = arith.subi %get3A_201, %sub3A_373 : vector<16xi32>
          tpu.vector_store_idx %arg8[%and3A_372], %sub3A_374 masked %eq3A_208 : memref<2048xi32, #tpu.memory_space<vmem>>[vector<16xi32>], vector<16xi32>, vector<16xi1>
          %mul3A_375 = arith.constant 1024 : i32
          %mul3A_376 = arith.muli %add3A_137, %mul3A_375 : i32
          %add3A_377 = arith.addi %mul3A_2, %mul3A_376 : i32
          %mul3A_378 = arith.constant 128 : i32
          %mul3A_379 = arith.muli %scan3A_154, %mul3A_378 : i32
          %add3A_380 = arith.addi %add3A_377, %mul3A_379 : i32
          %add3A_381 = arith.constant 32 : i32
          %add3A_382 = arith.addi %add3A_380, %add3A_381 : i32
          %add3A_383 = vector.broadcast %add3A_382 : i32 to vector<16xi32>
          %add3A_384 = arith.addi %add3A_383, %iota3A : vector<16xi32>
          tpu.vector_store_idx %arg9[%and3A_372], %add3A_384 masked %eq3A_208 : memref<2048xi32, #tpu.memory_space<vmem>>[vector<16xi32>], vector<16xi32>, vector<16xi1>
          %add3A_385 = arith.addi %add3A_367, %all_reduce_population_count3A_217 : vector<16xi32>
          %sub3A_386 = arith.subi %masked_cumsum3A_239, %select_n3A_236 : vector<16xi32>
          %add3A_387 = arith.addi %add3A_385, %sub3A_386 : vector<16xi32>
          %and3A_388 = arith.constant 2047 : i32
          %and3A_389 = vector.broadcast %and3A_388 : i32 to vector<16xi32>
          %and3A_390 = arith.andi %add3A_387, %and3A_389 : vector<16xi32>
          %sub3A_391 = vector.broadcast %mul3A_10 : i32 to vector<16xi32>
          %sub3A_392 = arith.subi %get3A_224, %sub3A_391 : vector<16xi32>
          tpu.vector_store_idx %arg8[%and3A_390], %sub3A_392 masked %eq3A_231 : memref<2048xi32, #tpu.memory_space<vmem>>[vector<16xi32>], vector<16xi32>, vector<16xi1>
          %mul3A_393 = arith.constant 1024 : i32
          %mul3A_394 = arith.muli %add3A_137, %mul3A_393 : i32
          %add3A_395 = arith.addi %mul3A_2, %mul3A_394 : i32
          %mul3A_396 = arith.constant 128 : i32
          %mul3A_397 = arith.muli %scan3A_154, %mul3A_396 : i32
          %add3A_398 = arith.addi %add3A_395, %mul3A_397 : i32
          %add3A_399 = arith.constant 48 : i32
          %add3A_400 = arith.addi %add3A_398, %add3A_399 : i32
          %add3A_401 = vector.broadcast %add3A_400 : i32 to vector<16xi32>
          %add3A_402 = arith.addi %add3A_401, %iota3A : vector<16xi32>
          tpu.vector_store_idx %arg9[%and3A_390], %add3A_402 masked %eq3A_231 : memref<2048xi32, #tpu.memory_space<vmem>>[vector<16xi32>], vector<16xi32>, vector<16xi1>
          %add3A_403 = arith.addi %add3A_385, %all_reduce_population_count3A_240 : vector<16xi32>
          %sub3A_404 = arith.subi %masked_cumsum3A_262, %select_n3A_259 : vector<16xi32>
          %add3A_405 = arith.addi %add3A_403, %sub3A_404 : vector<16xi32>
          %and3A_406 = arith.constant 2047 : i32
          %and3A_407 = vector.broadcast %and3A_406 : i32 to vector<16xi32>
          %and3A_408 = arith.andi %add3A_405, %and3A_407 : vector<16xi32>
          %sub3A_409 = vector.broadcast %mul3A_10 : i32 to vector<16xi32>
          %sub3A_410 = arith.subi %get3A_247, %sub3A_409 : vector<16xi32>
          tpu.vector_store_idx %arg8[%and3A_408], %sub3A_410 masked %eq3A_254 : memref<2048xi32, #tpu.memory_space<vmem>>[vector<16xi32>], vector<16xi32>, vector<16xi1>
          %mul3A_411 = arith.constant 1024 : i32
          %mul3A_412 = arith.muli %add3A_137, %mul3A_411 : i32
          %add3A_413 = arith.addi %mul3A_2, %mul3A_412 : i32
          %mul3A_414 = arith.constant 128 : i32
          %mul3A_415 = arith.muli %scan3A_154, %mul3A_414 : i32
          %add3A_416 = arith.addi %add3A_413, %mul3A_415 : i32
          %add3A_417 = arith.constant 64 : i32
          %add3A_418 = arith.addi %add3A_416, %add3A_417 : i32
          %add3A_419 = vector.broadcast %add3A_418 : i32 to vector<16xi32>
          %add3A_420 = arith.addi %add3A_419, %iota3A : vector<16xi32>
          tpu.vector_store_idx %arg9[%and3A_408], %add3A_420 masked %eq3A_254 : memref<2048xi32, #tpu.memory_space<vmem>>[vector<16xi32>], vector<16xi32>, vector<16xi1>
          %add3A_421 = arith.addi %add3A_403, %all_reduce_population_count3A_263 : vector<16xi32>
          %sub3A_422 = arith.subi %masked_cumsum3A_285, %select_n3A_282 : vector<16xi32>
          %add3A_423 = arith.addi %add3A_421, %sub3A_422 : vector<16xi32>
          %and3A_424 = arith.constant 2047 : i32
          %and3A_425 = vector.broadcast %and3A_424 : i32 to vector<16xi32>
          %and3A_426 = arith.andi %add3A_423, %and3A_425 : vector<16xi32>
          %sub3A_427 = vector.broadcast %mul3A_10 : i32 to vector<16xi32>
          %sub3A_428 = arith.subi %get3A_270, %sub3A_427 : vector<16xi32>
          tpu.vector_store_idx %arg8[%and3A_426], %sub3A_428 masked %eq3A_277 : memref<2048xi32, #tpu.memory_space<vmem>>[vector<16xi32>], vector<16xi32>, vector<16xi1>
          %mul3A_429 = arith.constant 1024 : i32
          %mul3A_430 = arith.muli %add3A_137, %mul3A_429 : i32
          %add3A_431 = arith.addi %mul3A_2, %mul3A_430 : i32
          %mul3A_432 = arith.constant 128 : i32
          %mul3A_433 = arith.muli %scan3A_154, %mul3A_432 : i32
          %add3A_434 = arith.addi %add3A_431, %mul3A_433 : i32
          %add3A_435 = arith.constant 80 : i32
          %add3A_436 = arith.addi %add3A_434, %add3A_435 : i32
          %add3A_437 = vector.broadcast %add3A_436 : i32 to vector<16xi32>
          %add3A_438 = arith.addi %add3A_437, %iota3A : vector<16xi32>
          tpu.vector_store_idx %arg9[%and3A_426], %add3A_438 masked %eq3A_277 : memref<2048xi32, #tpu.memory_space<vmem>>[vector<16xi32>], vector<16xi32>, vector<16xi1>
          %add3A_439 = arith.addi %add3A_421, %all_reduce_population_count3A_286 : vector<16xi32>
          %sub3A_440 = arith.subi %masked_cumsum3A_308, %select_n3A_305 : vector<16xi32>
          %add3A_441 = arith.addi %add3A_439, %sub3A_440 : vector<16xi32>
          %and3A_442 = arith.constant 2047 : i32
          %and3A_443 = vector.broadcast %and3A_442 : i32 to vector<16xi32>
          %and3A_444 = arith.andi %add3A_441, %and3A_443 : vector<16xi32>
          %sub3A_445 = vector.broadcast %mul3A_10 : i32 to vector<16xi32>
          %sub3A_446 = arith.subi %get3A_293, %sub3A_445 : vector<16xi32>
          tpu.vector_store_idx %arg8[%and3A_444], %sub3A_446 masked %eq3A_300 : memref<2048xi32, #tpu.memory_space<vmem>>[vector<16xi32>], vector<16xi32>, vector<16xi1>
          %mul3A_447 = arith.constant 1024 : i32
          %mul3A_448 = arith.muli %add3A_137, %mul3A_447 : i32
          %add3A_449 = arith.addi %mul3A_2, %mul3A_448 : i32
          %mul3A_450 = arith.constant 128 : i32
          %mul3A_451 = arith.muli %scan3A_154, %mul3A_450 : i32
          %add3A_452 = arith.addi %add3A_449, %mul3A_451 : i32
          %add3A_453 = arith.constant 96 : i32
          %add3A_454 = arith.addi %add3A_452, %add3A_453 : i32
          %add3A_455 = vector.broadcast %add3A_454 : i32 to vector<16xi32>
          %add3A_456 = arith.addi %add3A_455, %iota3A : vector<16xi32>
          tpu.vector_store_idx %arg9[%and3A_444], %add3A_456 masked %eq3A_300 : memref<2048xi32, #tpu.memory_space<vmem>>[vector<16xi32>], vector<16xi32>, vector<16xi1>
          %add3A_457 = arith.addi %add3A_439, %all_reduce_population_count3A_309 : vector<16xi32>
          %sub3A_458 = arith.subi %masked_cumsum3A_331, %select_n3A_328 : vector<16xi32>
          %add3A_459 = arith.addi %add3A_457, %sub3A_458 : vector<16xi32>
          %and3A_460 = arith.constant 2047 : i32
          %and3A_461 = vector.broadcast %and3A_460 : i32 to vector<16xi32>
          %and3A_462 = arith.andi %add3A_459, %and3A_461 : vector<16xi32>
          %sub3A_463 = vector.broadcast %mul3A_10 : i32 to vector<16xi32>
          %sub3A_464 = arith.subi %get3A_316, %sub3A_463 : vector<16xi32>
          tpu.vector_store_idx %arg8[%and3A_462], %sub3A_464 masked %eq3A_323 : memref<2048xi32, #tpu.memory_space<vmem>>[vector<16xi32>], vector<16xi32>, vector<16xi1>
          %mul3A_465 = arith.constant 1024 : i32
          %mul3A_466 = arith.muli %add3A_137, %mul3A_465 : i32
          %add3A_467 = arith.addi %mul3A_2, %mul3A_466 : i32
          %mul3A_468 = arith.constant 128 : i32
          %mul3A_469 = arith.muli %scan3A_154, %mul3A_468 : i32
          %add3A_470 = arith.addi %add3A_467, %mul3A_469 : i32
          %add3A_471 = arith.constant 112 : i32
          %add3A_472 = arith.addi %add3A_470, %add3A_471 : i32
          %add3A_473 = vector.broadcast %add3A_472 : i32 to vector<16xi32>
          %add3A_474 = arith.addi %add3A_473, %iota3A : vector<16xi32>
          tpu.vector_store_idx %arg9[%and3A_462], %add3A_474 masked %eq3A_323 : memref<2048xi32, #tpu.memory_space<vmem>>[vector<16xi32>], vector<16xi32>, vector<16xi1>
          %add3A_475 = arith.addi %add3A_457, %all_reduce_population_count3A_332 : vector<16xi32>
          scf.yield %add3A_475 : vector<16xi32>
        }
        %scan3A_144 = arith.constant 8 : i32
        %reduce_max3A_145 = arith.constant true
        %reduce_max3A_146 = vector.broadcast %reduce_max3A_145 : i1 to vector<16xi1>
        %reduce_max3A_147 = arith.constant -2147483648 : i32
        %reduce_max3A_148 = vector.broadcast %reduce_max3A_147 : i32 to vector<16xi32>
        %reduce_max3A_149 = arith.xori %scan3A_143, %reduce_max3A_148 : vector<16xi32>
        %reduce_max3A_150 = tpu.scan <max>, %reduce_max3A_149 masked %reduce_max3A_146 : vector<16xi32>, vector<16xi1> -> vector<16xi32>
        %reduce_max3A_151 = arith.xori %reduce_max3A_150, %reduce_max3A_148 : vector<16xi32>
        %reduce_max3A_152 = vector.extract %reduce_max3A_151[15] : i32 from vector<16xi32>
        %while3A_153:3 = scf.while (%while3A_154 = %reduce_max3A_152, %while3A_155 = %while3A_120#1, %while3A_156 = %while3A_120#2) : (i32, i32, i32) -> (i32, i32, i32) {
          %sub3A_157 = arith.subi %while3A_154, %while3A_155 : i32
          %ge3A_158 = arith.constant 128 : i32
          %ge3A_159 = arith.cmpi sge, %sub3A_157, %ge3A_158 : i32
          scf.condition(%ge3A_159) %while3A_154, %while3A_155, %while3A_156 : i32, i32, i32
        } do {
        ^bb0(%while3A_154: i32, %while3A_155: i32, %while3A_156: i32):
          %and3A = arith.constant 2047 : i32
          %and3A_157 = arith.andi %while3A_155, %and3A : i32
          %and3A_158 = arith.constant 1 : i32
          %and3A_159 = arith.andi %while3A_156, %and3A_158 : i32
          %eq3A = arith.constant 0 : i32
          %eq3A_160 = arith.cmpi eq, %and3A_159, %eq3A : i32
          %convert_element_type3A_161 = arith.extui %eq3A_160 : i1 to i32
          %cond3A_162 = arith.constant 0 : i32
          %cond3A_163 = arith.cmpi ne, %convert_element_type3A_161, %cond3A_162 : i32
          scf.if %cond3A_163 {
            %ge3A_175 = arith.constant 1 : i32
            %ge3A_176 = arith.cmpi sge, %while3A_156, %ge3A_175 : i32
            %convert_element_type3A_177 = arith.extui %ge3A_176 : i1 to i32
            %cond3A_178 = arith.constant 0 : i32
            %cond3A_179 = arith.cmpi ne, %convert_element_type3A_177, %cond3A_178 : i32
            scf.if %cond3A_179 {
              %dma_wait3A_194 = arith.constant 0 : i32
              %dma_wait3A_195 = arith.constant 0 : i32
              %dma_wait3A_196 = tpu.memref_slice %arg5[%dma_wait3A_194, %dma_wait3A_195] : memref<11392x128xf32, #tpu.memory_space<vmem_shared>> -> memref<11392x128xf32, #tpu.memory_space<vmem_shared>>
              tpu.wait_indirect_dma semaphore(%arg19 : memref<!tpu.dma_semaphore, #tpu.memory_space<semaphore_mem>>) src(%dma_wait3A_196 : memref<11392x128xf32, #tpu.memory_space<vmem_shared>>) dst(%arg15 : memref<128x128xf32, #tpu.memory_space<vmem>>)
              %dma_start3A_197 = arith.constant 0 : i32
              %dma_start3A_198 = arith.constant 0 : i32
              %dma_start3A_199 = tpu.memref_slice %arg4[%dma_start3A_197, %dma_start3A_198] : memref<3276800x128xf32, #tpu.memory_space<hbm>> -> memref<3276800x128xf32, #tpu.memory_space<hbm>>
              tpu.enqueue_indirect_dma source(%arg15 : memref<128x128xf32, #tpu.memory_space<vmem>>) target(%dma_start3A_199 : memref<3276800x128xf32, #tpu.memory_space<hbm>>) offsets(%arg13 : memref<128xi32, #tpu.memory_space<vmem>>) semaphore(%arg21 : memref<!tpu.dma_semaphore, #tpu.memory_space<semaphore_mem>>)
            } else {
            }
            %ge3A_180 = arith.constant 2 : i32
            %ge3A_181 = arith.cmpi sge, %while3A_156, %ge3A_180 : i32
            %convert_element_type3A_182 = arith.extui %ge3A_181 : i1 to i32
            %cond3A_183 = arith.constant 0 : i32
            %cond3A_184 = arith.cmpi ne, %convert_element_type3A_182, %cond3A_183 : i32
            scf.if %cond3A_184 {
              %dma_wait3A_194 = arith.constant 0 : i32
              %dma_wait3A_195 = arith.constant 0 : i32
              %dma_wait3A_196 = tpu.memref_slice %arg4[%dma_wait3A_194, %dma_wait3A_195] : memref<3276800x128xf32, #tpu.memory_space<hbm>> -> memref<3276800x128xf32, #tpu.memory_space<hbm>>
              tpu.wait_indirect_dma semaphore(%arg20 : memref<!tpu.dma_semaphore, #tpu.memory_space<semaphore_mem>>) src(%arg14 : memref<128x128xf32, #tpu.memory_space<vmem>>) dst(%dma_wait3A_196 : memref<3276800x128xf32, #tpu.memory_space<hbm>>)
            } else {
            }
            %scan3A_185 = arith.constant 0 : i32
            %scan3A_186 = arith.constant 0 : i32
            %scan3A_187 = arith.constant 8 : i32
            %scan3A_188 = arith.addi %scan3A_186, %scan3A_187 : i32
            %scan3A_189 = arith.constant 1 : i32
            scf.for %scan3A_194 = %scan3A_186 to %scan3A_188 step %scan3A_189  : i32 {
              %mul3A_195 = arith.constant 16 : i32
              %mul3A_196 = arith.muli %scan3A_194, %mul3A_195 : i32
              %add3A_197 = arith.addi %and3A_157, %mul3A_196 : i32
              %get3A = arith.index_cast %add3A_197 : i32 to index
              %get3A_198 = tpu.vector_load %arg8[%get3A] {strides = array<i32>} : memref<2048xi32, #tpu.memory_space<vmem>>, vector<16xi32>,
              %mul3A_199 = arith.constant 16 : i32
              %mul3A_200 = arith.muli %scan3A_194, %mul3A_199 : i32
              %swap3A = arith.index_cast %mul3A_200 : i32 to index
              %swap3A_201 = tpu.vector_load %arg10[%swap3A] {strides = array<i32>} : memref<128xi32, #tpu.memory_space<vmem>>, vector<16xi32>,
              tpu.vector_store %arg10[%swap3A], %get3A_198 {strides = array<i32>} : memref<128xi32, #tpu.memory_space<vmem>>, vector<16xi32>,
              %mul3A_202 = arith.constant 16 : i32
              %mul3A_203 = arith.muli %scan3A_194, %mul3A_202 : i32
              %add3A_204 = arith.addi %and3A_157, %mul3A_203 : i32
              %get3A_205 = arith.index_cast %add3A_204 : i32 to index
              %get3A_206 = tpu.vector_load %arg9[%get3A_205] {strides = array<i32>} : memref<2048xi32, #tpu.memory_space<vmem>>, vector<16xi32>,
              %mul3A_207 = arith.constant 16 : i32
              %mul3A_208 = arith.muli %scan3A_194, %mul3A_207 : i32
              %swap3A_209 = arith.index_cast %mul3A_208 : i32 to index
              %swap3A_210 = tpu.vector_load %arg12[%swap3A_209] {strides = array<i32>} : memref<128xi32, #tpu.memory_space<vmem>>, vector<16xi32>,
              tpu.vector_store %arg12[%swap3A_209], %get3A_206 {strides = array<i32>} : memref<128xi32, #tpu.memory_space<vmem>>, vector<16xi32>,
            }
            %scan3A_190 = arith.constant 8 : i32
            %dma_start3A_191 = arith.constant 0 : i32
            %dma_start3A_192 = arith.constant 0 : i32
            %dma_start3A_193 = tpu.memref_slice %arg5[%dma_start3A_191, %dma_start3A_192] : memref<11392x128xf32, #tpu.memory_space<vmem_shared>> -> memref<11392x128xf32, #tpu.memory_space<vmem_shared>>
            tpu.enqueue_indirect_dma source(%dma_start3A_193 : memref<11392x128xf32, #tpu.memory_space<vmem_shared>>) target(%arg14 : memref<128x128xf32, #tpu.memory_space<vmem>>) offsets(%arg10 : memref<128xi32, #tpu.memory_space<vmem>>) semaphore(%arg18 : memref<!tpu.dma_semaphore, #tpu.memory_space<semaphore_mem>>)
          } else {
          }
          %and3A_164 = arith.constant 1 : i32
          %and3A_165 = arith.andi %while3A_156, %and3A_164 : i32
          %eq3A_166 = arith.constant 1 : i32
          %eq3A_167 = arith.cmpi eq, %and3A_165, %eq3A_166 : i32
          %convert_element_type3A_168 = arith.extui %eq3A_167 : i1 to i32
          %cond3A_169 = arith.constant 0 : i32
          %cond3A_170 = arith.cmpi ne, %convert_element_type3A_168, %cond3A_169 : i32
          scf.if %cond3A_170 {
            %ge3A_175 = arith.constant 1 : i32
            %ge3A_176 = arith.cmpi sge, %while3A_156, %ge3A_175 : i32
            %convert_element_type3A_177 = arith.extui %ge3A_176 : i1 to i32
            %cond3A_178 = arith.constant 0 : i32
            %cond3A_179 = arith.cmpi ne, %convert_element_type3A_177, %cond3A_178 : i32
            scf.if %cond3A_179 {
              %dma_wait3A_194 = arith.constant 0 : i32
              %dma_wait3A_195 = arith.constant 0 : i32
              %dma_wait3A_196 = tpu.memref_slice %arg5[%dma_wait3A_194, %dma_wait3A_195] : memref<11392x128xf32, #tpu.memory_space<vmem_shared>> -> memref<11392x128xf32, #tpu.memory_space<vmem_shared>>
              tpu.wait_indirect_dma semaphore(%arg18 : memref<!tpu.dma_semaphore, #tpu.memory_space<semaphore_mem>>) src(%dma_wait3A_196 : memref<11392x128xf32, #tpu.memory_space<vmem_shared>>) dst(%arg14 : memref<128x128xf32, #tpu.memory_space<vmem>>)
              %dma_start3A_197 = arith.constant 0 : i32
              %dma_start3A_198 = arith.constant 0 : i32
              %dma_start3A_199 = tpu.memref_slice %arg4[%dma_start3A_197, %dma_start3A_198] : memref<3276800x128xf32, #tpu.memory_space<hbm>> -> memref<3276800x128xf32, #tpu.memory_space<hbm>>
              tpu.enqueue_indirect_dma source(%arg14 : memref<128x128xf32, #tpu.memory_space<vmem>>) target(%dma_start3A_199 : memref<3276800x128xf32, #tpu.memory_space<hbm>>) offsets(%arg12 : memref<128xi32, #tpu.memory_space<vmem>>) semaphore(%arg20 : memref<!tpu.dma_semaphore, #tpu.memory_space<semaphore_mem>>)
            } else {
            }
            %ge3A_180 = arith.constant 2 : i32
            %ge3A_181 = arith.cmpi sge, %while3A_156, %ge3A_180 : i32
            %convert_element_type3A_182 = arith.extui %ge3A_181 : i1 to i32
            %cond3A_183 = arith.constant 0 : i32
            %cond3A_184 = arith.cmpi ne, %convert_element_type3A_182, %cond3A_183 : i32
            scf.if %cond3A_184 {
              %dma_wait3A_194 = arith.constant 0 : i32
              %dma_wait3A_195 = arith.constant 0 : i32
              %dma_wait3A_196 = tpu.memref_slice %arg4[%dma_wait3A_194, %dma_wait3A_195] : memref<3276800x128xf32, #tpu.memory_space<hbm>> -> memref<3276800x128xf32, #tpu.memory_space<hbm>>
              tpu.wait_indirect_dma semaphore(%arg21 : memref<!tpu.dma_semaphore, #tpu.memory_space<semaphore_mem>>) src(%arg15 : memref<128x128xf32, #tpu.memory_space<vmem>>) dst(%dma_wait3A_196 : memref<3276800x128xf32, #tpu.memory_space<hbm>>)
            } else {
            }
            %scan3A_185 = arith.constant 0 : i32
            %scan3A_186 = arith.constant 0 : i32
            %scan3A_187 = arith.constant 8 : i32
            %scan3A_188 = arith.addi %scan3A_186, %scan3A_187 : i32
            %scan3A_189 = arith.constant 1 : i32
            scf.for %scan3A_194 = %scan3A_186 to %scan3A_188 step %scan3A_189  : i32 {
              %mul3A_195 = arith.constant 16 : i32
              %mul3A_196 = arith.muli %scan3A_194, %mul3A_195 : i32
              %add3A_197 = arith.addi %and3A_157, %mul3A_196 : i32
              %get3A = arith.index_cast %add3A_197 : i32 to index
              %get3A_198 = tpu.vector_load %arg8[%get3A] {strides = array<i32>} : memref<2048xi32, #tpu.memory_space<vmem>>, vector<16xi32>,
              %mul3A_199 = arith.constant 16 : i32
              %mul3A_200 = arith.muli %scan3A_194, %mul3A_199 : i32
              %swap3A = arith.index_cast %mul3A_200 : i32 to index
              %swap3A_201 = tpu.vector_load %arg11[%swap3A] {strides = array<i32>} : memref<128xi32, #tpu.memory_space<vmem>>, vector<16xi32>,
              tpu.vector_store %arg11[%swap3A], %get3A_198 {strides = array<i32>} : memref<128xi32, #tpu.memory_space<vmem>>, vector<16xi32>,
              %mul3A_202 = arith.constant 16 : i32
              %mul3A_203 = arith.muli %scan3A_194, %mul3A_202 : i32
              %add3A_204 = arith.addi %and3A_157, %mul3A_203 : i32
              %get3A_205 = arith.index_cast %add3A_204 : i32 to index
              %get3A_206 = tpu.vector_load %arg9[%get3A_205] {strides = array<i32>} : memref<2048xi32, #tpu.memory_space<vmem>>, vector<16xi32>,
              %mul3A_207 = arith.constant 16 : i32
              %mul3A_208 = arith.muli %scan3A_194, %mul3A_207 : i32
              %swap3A_209 = arith.index_cast %mul3A_208 : i32 to index
              %swap3A_210 = tpu.vector_load %arg13[%swap3A_209] {strides = array<i32>} : memref<128xi32, #tpu.memory_space<vmem>>, vector<16xi32>,
              tpu.vector_store %arg13[%swap3A_209], %get3A_206 {strides = array<i32>} : memref<128xi32, #tpu.memory_space<vmem>>, vector<16xi32>,
            }
            %scan3A_190 = arith.constant 8 : i32
            %dma_start3A_191 = arith.constant 0 : i32
            %dma_start3A_192 = arith.constant 0 : i32
            %dma_start3A_193 = tpu.memref_slice %arg5[%dma_start3A_191, %dma_start3A_192] : memref<11392x128xf32, #tpu.memory_space<vmem_shared>> -> memref<11392x128xf32, #tpu.memory_space<vmem_shared>>
            tpu.enqueue_indirect_dma source(%dma_start3A_193 : memref<11392x128xf32, #tpu.memory_space<vmem_shared>>) target(%arg15 : memref<128x128xf32, #tpu.memory_space<vmem>>) offsets(%arg11 : memref<128xi32, #tpu.memory_space<vmem>>) semaphore(%arg19 : memref<!tpu.dma_semaphore, #tpu.memory_space<semaphore_mem>>)
          } else {
          }
          %add3A_171 = arith.constant 128 : i32
          %add3A_172 = arith.addi %while3A_155, %add3A_171 : i32
          %add3A_173 = arith.constant 1 : i32
          %add3A_174 = arith.addi %while3A_156, %add3A_173 : i32
          scf.yield %while3A_154, %add3A_172, %add3A_174 : i32, i32, i32
        }
        scf.yield %while3A_153#0, %while3A_153#1, %while3A_153#2 : i32, i32, i32
      }
      %scan3A_28 = arith.constant 49 : i32
      %dma_wait3A = arith.constant 0 : i32
      %dma_wait3A_29 = tpu.memref_slice %arg3[%dma_wait3A] : memref<3276800xi32, #tpu.memory_space<hbm>> -> memref<1024xi32, #tpu.memory_space<hbm>>
      %dma_wait3A_30 = arith.constant 0 : i32
      %dma_wait3A_31 = tpu.memref_slice %arg3[%dma_wait3A_30] : memref<3276800xi32, #tpu.memory_space<hbm>> -> memref<1024xi32, #tpu.memory_space<hbm>>
      tpu.wait_dma2 semaphore(%arg16 : memref<!tpu.dma_semaphore, #tpu.memory_space<semaphore_mem>>) src(%dma_wait3A_31 : memref<1024xi32, #tpu.memory_space<hbm>>) dst(%arg6 : memref<1024xi32, #tpu.memory_space<vmem>>)
      %add3A_32 = arith.constant 101376 : i32
      %add3A_33 = arith.addi %mul3A_2, %add3A_32 : i32
      %dma_start3A_34 = tpu.memref_slice %arg3[%add3A_33] : memref<3276800xi32, #tpu.memory_space<hbm>> -> memref<1024xi32, #tpu.memory_space<hbm>>
      %dma_start3A_35 = tpu.memref_slice %arg3[%add3A_33] : memref<3276800xi32, #tpu.memory_space<hbm>> -> memref<1024xi32, #tpu.memory_space<hbm>>
      tpu.enqueue_dma source(%dma_start3A_35 : memref<1024xi32, #tpu.memory_space<hbm>>) target(%arg7 : memref<1024xi32, #tpu.memory_space<vmem>>) target_semaphore(%arg17 : memref<!tpu.dma_semaphore, #tpu.memory_space<semaphore_mem>>)
      %broadcast_in_dim3A = vector.broadcast %scan3A_27#0 : i32 to vector<16xi32>
      %scan3A_36 = arith.constant 0 : i32
      %scan3A_37 = arith.constant 8 : i32
      %scan3A_38 = arith.addi %scan3A_36, %scan3A_37 : i32
      %scan3A_39 = arith.constant 1 : i32
      %scan3A_40 = scf.for %scan3A_86 = %scan3A_36 to %scan3A_38 step %scan3A_39 iter_args(%scan3A_87 = %broadcast_in_dim3A) -> (vector<16xi32>)  : i32 {
        %mul3A_88 = arith.constant 128 : i32
        %mul3A_89 = arith.muli %scan3A_86, %mul3A_88 : i32
        %add3A_90 = arith.constant 0 : i32
        %add3A_91 = arith.addi %mul3A_89, %add3A_90 : i32
        %multiple_of3A = tpu.assume_multiple %add3A_91, 16 : i32
        %get3A = arith.index_cast %multiple_of3A : i32 to index
        %get3A_92 = tpu.vector_load %arg6[%get3A] {strides = array<i32>} : memref<1024xi32, #tpu.memory_space<vmem>>, vector<16xi32>,
        %convert_element_type3A_93 = arith.sitofp %get3A_92 : vector<16xi32> to vector<16xf32>
        %mul3A_94 = arith.constant 8.77808997E-5 : f32
        %mul3A_95 = vector.broadcast %mul3A_94 : f32 to vector<16xf32>
        %mul3A_96 = arith.mulf %convert_element_type3A_93, %mul3A_95 : vector<16xf32>
        %convert_element_type3A_97 = arith.fptosi %mul3A_96 : vector<16xf32> to vector<16xi32>
        %eq3A = vector.broadcast %scan3A_8 : i32 to vector<16xi32>
        %eq3A_98 = arith.cmpi eq, %convert_element_type3A_97, %eq3A : vector<16xi32>
        %jit3A = arith.constant 1 : i32
        %jit3A_99 = arith.constant 0 : i32
        %broadcast_in_dim3A_100 = vector.broadcast %jit3A : i32 to vector<16xi32>
        %broadcast_in_dim3A_101 = vector.broadcast %jit3A_99 : i32 to vector<16xi32>
        %select_n3A = arith.select %eq3A_98, %broadcast_in_dim3A_100, %broadcast_in_dim3A_101 : vector<16xi1>, vector<16xi32>
        %broadcast_in_dim3A_102 = arith.constant true
        %broadcast_in_dim3A_103 = vector.broadcast %broadcast_in_dim3A_102 : i1 to vector<16xi1>
        %masked_cumsum3A = tpu.scan <sum>, %select_n3A masked %broadcast_in_dim3A_103 : vector<16xi32>, vector<16xi1> -> vector<16xi32>
        %all_reduce_population_count3A = tpu.all_reduce %eq3A_98 {dim = 0 : i64, kind = #tpu.reduction_kind<sum>} : vector<16xi1> -> vector<16xi32>
        %mul3A_104 = arith.constant 128 : i32
        %mul3A_105 = arith.muli %scan3A_86, %mul3A_104 : i32
        %add3A_106 = arith.constant 16 : i32
        %add3A_107 = arith.addi %mul3A_105, %add3A_106 : i32
        %multiple_of3A_108 = tpu.assume_multiple %add3A_107, 16 : i32
        %get3A_109 = arith.index_cast %multiple_of3A_108 : i32 to index
        %get3A_110 = tpu.vector_load %arg6[%get3A_109] {strides = array<i32>} : memref<1024xi32, #tpu.memory_space<vmem>>, vector<16xi32>,
        %convert_element_type3A_111 = arith.sitofp %get3A_110 : vector<16xi32> to vector<16xf32>
        %mul3A_112 = arith.constant 8.77808997E-5 : f32
        %mul3A_113 = vector.broadcast %mul3A_112 : f32 to vector<16xf32>
        %mul3A_114 = arith.mulf %convert_element_type3A_111, %mul3A_113 : vector<16xf32>
        %convert_element_type3A_115 = arith.fptosi %mul3A_114 : vector<16xf32> to vector<16xi32>
        %eq3A_116 = vector.broadcast %scan3A_8 : i32 to vector<16xi32>
        %eq3A_117 = arith.cmpi eq, %convert_element_type3A_115, %eq3A_116 : vector<16xi32>
        %jit3A_118 = arith.constant 1 : i32
        %jit3A_119 = arith.constant 0 : i32
        %broadcast_in_dim3A_120 = vector.broadcast %jit3A_118 : i32 to vector<16xi32>
        %broadcast_in_dim3A_121 = vector.broadcast %jit3A_119 : i32 to vector<16xi32>
        %select_n3A_122 = arith.select %eq3A_117, %broadcast_in_dim3A_120, %broadcast_in_dim3A_121 : vector<16xi1>, vector<16xi32>
        %broadcast_in_dim3A_123 = arith.constant true
        %broadcast_in_dim3A_124 = vector.broadcast %broadcast_in_dim3A_123 : i1 to vector<16xi1>
        %masked_cumsum3A_125 = tpu.scan <sum>, %select_n3A_122 masked %broadcast_in_dim3A_124 : vector<16xi32>, vector<16xi1> -> vector<16xi32>
        %all_reduce_population_count3A_126 = tpu.all_reduce %eq3A_117 {dim = 0 : i64, kind = #tpu.reduction_kind<sum>} : vector<16xi1> -> vector<16xi32>
        %mul3A_127 = arith.constant 128 : i32
        %mul3A_128 = arith.muli %scan3A_86, %mul3A_127 : i32
        %add3A_129 = arith.constant 32 : i32
        %add3A_130 = arith.addi %mul3A_128, %add3A_129 : i32
        %multiple_of3A_131 = tpu.assume_multiple %add3A_130, 16 : i32
        %get3A_132 = arith.index_cast %multiple_of3A_131 : i32 to index
        %get3A_133 = tpu.vector_load %arg6[%get3A_132] {strides = array<i32>} : memref<1024xi32, #tpu.memory_space<vmem>>, vector<16xi32>,
        %convert_element_type3A_134 = arith.sitofp %get3A_133 : vector<16xi32> to vector<16xf32>
        %mul3A_135 = arith.constant 8.77808997E-5 : f32
        %mul3A_136 = vector.broadcast %mul3A_135 : f32 to vector<16xf32>
        %mul3A_137 = arith.mulf %convert_element_type3A_134, %mul3A_136 : vector<16xf32>
        %convert_element_type3A_138 = arith.fptosi %mul3A_137 : vector<16xf32> to vector<16xi32>
        %eq3A_139 = vector.broadcast %scan3A_8 : i32 to vector<16xi32>
        %eq3A_140 = arith.cmpi eq, %convert_element_type3A_138, %eq3A_139 : vector<16xi32>
        %jit3A_141 = arith.constant 1 : i32
        %jit3A_142 = arith.constant 0 : i32
        %broadcast_in_dim3A_143 = vector.broadcast %jit3A_141 : i32 to vector<16xi32>
        %broadcast_in_dim3A_144 = vector.broadcast %jit3A_142 : i32 to vector<16xi32>
        %select_n3A_145 = arith.select %eq3A_140, %broadcast_in_dim3A_143, %broadcast_in_dim3A_144 : vector<16xi1>, vector<16xi32>
        %broadcast_in_dim3A_146 = arith.constant true
        %broadcast_in_dim3A_147 = vector.broadcast %broadcast_in_dim3A_146 : i1 to vector<16xi1>
        %masked_cumsum3A_148 = tpu.scan <sum>, %select_n3A_145 masked %broadcast_in_dim3A_147 : vector<16xi32>, vector<16xi1> -> vector<16xi32>
        %all_reduce_population_count3A_149 = tpu.all_reduce %eq3A_140 {dim = 0 : i64, kind = #tpu.reduction_kind<sum>} : vector<16xi1> -> vector<16xi32>
        %mul3A_150 = arith.constant 128 : i32
        %mul3A_151 = arith.muli %scan3A_86, %mul3A_150 : i32
        %add3A_152 = arith.constant 48 : i32
        %add3A_153 = arith.addi %mul3A_151, %add3A_152 : i32
        %multiple_of3A_154 = tpu.assume_multiple %add3A_153, 16 : i32
        %get3A_155 = arith.index_cast %multiple_of3A_154 : i32 to index
        %get3A_156 = tpu.vector_load %arg6[%get3A_155] {strides = array<i32>} : memref<1024xi32, #tpu.memory_space<vmem>>, vector<16xi32>,
        %convert_element_type3A_157 = arith.sitofp %get3A_156 : vector<16xi32> to vector<16xf32>
        %mul3A_158 = arith.constant 8.77808997E-5 : f32
        %mul3A_159 = vector.broadcast %mul3A_158 : f32 to vector<16xf32>
        %mul3A_160 = arith.mulf %convert_element_type3A_157, %mul3A_159 : vector<16xf32>
        %convert_element_type3A_161 = arith.fptosi %mul3A_160 : vector<16xf32> to vector<16xi32>
        %eq3A_162 = vector.broadcast %scan3A_8 : i32 to vector<16xi32>
        %eq3A_163 = arith.cmpi eq, %convert_element_type3A_161, %eq3A_162 : vector<16xi32>
        %jit3A_164 = arith.constant 1 : i32
        %jit3A_165 = arith.constant 0 : i32
        %broadcast_in_dim3A_166 = vector.broadcast %jit3A_164 : i32 to vector<16xi32>
        %broadcast_in_dim3A_167 = vector.broadcast %jit3A_165 : i32 to vector<16xi32>
        %select_n3A_168 = arith.select %eq3A_163, %broadcast_in_dim3A_166, %broadcast_in_dim3A_167 : vector<16xi1>, vector<16xi32>
        %broadcast_in_dim3A_169 = arith.constant true
        %broadcast_in_dim3A_170 = vector.broadcast %broadcast_in_dim3A_169 : i1 to vector<16xi1>
        %masked_cumsum3A_171 = tpu.scan <sum>, %select_n3A_168 masked %broadcast_in_dim3A_170 : vector<16xi32>, vector<16xi1> -> vector<16xi32>
        %all_reduce_population_count3A_172 = tpu.all_reduce %eq3A_163 {dim = 0 : i64, kind = #tpu.reduction_kind<sum>} : vector<16xi1> -> vector<16xi32>
        %mul3A_173 = arith.constant 128 : i32
        %mul3A_174 = arith.muli %scan3A_86, %mul3A_173 : i32
        %add3A_175 = arith.constant 64 : i32
        %add3A_176 = arith.addi %mul3A_174, %add3A_175 : i32
        %multiple_of3A_177 = tpu.assume_multiple %add3A_176, 16 : i32
        %get3A_178 = arith.index_cast %multiple_of3A_177 : i32 to index
        %get3A_179 = tpu.vector_load %arg6[%get3A_178] {strides = array<i32>} : memref<1024xi32, #tpu.memory_space<vmem>>, vector<16xi32>,
        %convert_element_type3A_180 = arith.sitofp %get3A_179 : vector<16xi32> to vector<16xf32>
        %mul3A_181 = arith.constant 8.77808997E-5 : f32
        %mul3A_182 = vector.broadcast %mul3A_181 : f32 to vector<16xf32>
        %mul3A_183 = arith.mulf %convert_element_type3A_180, %mul3A_182 : vector<16xf32>
        %convert_element_type3A_184 = arith.fptosi %mul3A_183 : vector<16xf32> to vector<16xi32>
        %eq3A_185 = vector.broadcast %scan3A_8 : i32 to vector<16xi32>
        %eq3A_186 = arith.cmpi eq, %convert_element_type3A_184, %eq3A_185 : vector<16xi32>
        %jit3A_187 = arith.constant 1 : i32
        %jit3A_188 = arith.constant 0 : i32
        %broadcast_in_dim3A_189 = vector.broadcast %jit3A_187 : i32 to vector<16xi32>
        %broadcast_in_dim3A_190 = vector.broadcast %jit3A_188 : i32 to vector<16xi32>
        %select_n3A_191 = arith.select %eq3A_186, %broadcast_in_dim3A_189, %broadcast_in_dim3A_190 : vector<16xi1>, vector<16xi32>
        %broadcast_in_dim3A_192 = arith.constant true
        %broadcast_in_dim3A_193 = vector.broadcast %broadcast_in_dim3A_192 : i1 to vector<16xi1>
        %masked_cumsum3A_194 = tpu.scan <sum>, %select_n3A_191 masked %broadcast_in_dim3A_193 : vector<16xi32>, vector<16xi1> -> vector<16xi32>
        %all_reduce_population_count3A_195 = tpu.all_reduce %eq3A_186 {dim = 0 : i64, kind = #tpu.reduction_kind<sum>} : vector<16xi1> -> vector<16xi32>
        %mul3A_196 = arith.constant 128 : i32
        %mul3A_197 = arith.muli %scan3A_86, %mul3A_196 : i32
        %add3A_198 = arith.constant 80 : i32
        %add3A_199 = arith.addi %mul3A_197, %add3A_198 : i32
        %multiple_of3A_200 = tpu.assume_multiple %add3A_199, 16 : i32
        %get3A_201 = arith.index_cast %multiple_of3A_200 : i32 to index
        %get3A_202 = tpu.vector_load %arg6[%get3A_201] {strides = array<i32>} : memref<1024xi32, #tpu.memory_space<vmem>>, vector<16xi32>,
        %convert_element_type3A_203 = arith.sitofp %get3A_202 : vector<16xi32> to vector<16xf32>
        %mul3A_204 = arith.constant 8.77808997E-5 : f32
        %mul3A_205 = vector.broadcast %mul3A_204 : f32 to vector<16xf32>
        %mul3A_206 = arith.mulf %convert_element_type3A_203, %mul3A_205 : vector<16xf32>
        %convert_element_type3A_207 = arith.fptosi %mul3A_206 : vector<16xf32> to vector<16xi32>
        %eq3A_208 = vector.broadcast %scan3A_8 : i32 to vector<16xi32>
        %eq3A_209 = arith.cmpi eq, %convert_element_type3A_207, %eq3A_208 : vector<16xi32>
        %jit3A_210 = arith.constant 1 : i32
        %jit3A_211 = arith.constant 0 : i32
        %broadcast_in_dim3A_212 = vector.broadcast %jit3A_210 : i32 to vector<16xi32>
        %broadcast_in_dim3A_213 = vector.broadcast %jit3A_211 : i32 to vector<16xi32>
        %select_n3A_214 = arith.select %eq3A_209, %broadcast_in_dim3A_212, %broadcast_in_dim3A_213 : vector<16xi1>, vector<16xi32>
        %broadcast_in_dim3A_215 = arith.constant true
        %broadcast_in_dim3A_216 = vector.broadcast %broadcast_in_dim3A_215 : i1 to vector<16xi1>
        %masked_cumsum3A_217 = tpu.scan <sum>, %select_n3A_214 masked %broadcast_in_dim3A_216 : vector<16xi32>, vector<16xi1> -> vector<16xi32>
        %all_reduce_population_count3A_218 = tpu.all_reduce %eq3A_209 {dim = 0 : i64, kind = #tpu.reduction_kind<sum>} : vector<16xi1> -> vector<16xi32>
        %mul3A_219 = arith.constant 128 : i32
        %mul3A_220 = arith.muli %scan3A_86, %mul3A_219 : i32
        %add3A_221 = arith.constant 96 : i32
        %add3A_222 = arith.addi %mul3A_220, %add3A_221 : i32
        %multiple_of3A_223 = tpu.assume_multiple %add3A_222, 16 : i32
        %get3A_224 = arith.index_cast %multiple_of3A_223 : i32 to index
        %get3A_225 = tpu.vector_load %arg6[%get3A_224] {strides = array<i32>} : memref<1024xi32, #tpu.memory_space<vmem>>, vector<16xi32>,
        %convert_element_type3A_226 = arith.sitofp %get3A_225 : vector<16xi32> to vector<16xf32>
        %mul3A_227 = arith.constant 8.77808997E-5 : f32
        %mul3A_228 = vector.broadcast %mul3A_227 : f32 to vector<16xf32>
        %mul3A_229 = arith.mulf %convert_element_type3A_226, %mul3A_228 : vector<16xf32>
        %convert_element_type3A_230 = arith.fptosi %mul3A_229 : vector<16xf32> to vector<16xi32>
        %eq3A_231 = vector.broadcast %scan3A_8 : i32 to vector<16xi32>
        %eq3A_232 = arith.cmpi eq, %convert_element_type3A_230, %eq3A_231 : vector<16xi32>
        %jit3A_233 = arith.constant 1 : i32
        %jit3A_234 = arith.constant 0 : i32
        %broadcast_in_dim3A_235 = vector.broadcast %jit3A_233 : i32 to vector<16xi32>
        %broadcast_in_dim3A_236 = vector.broadcast %jit3A_234 : i32 to vector<16xi32>
        %select_n3A_237 = arith.select %eq3A_232, %broadcast_in_dim3A_235, %broadcast_in_dim3A_236 : vector<16xi1>, vector<16xi32>
        %broadcast_in_dim3A_238 = arith.constant true
        %broadcast_in_dim3A_239 = vector.broadcast %broadcast_in_dim3A_238 : i1 to vector<16xi1>
        %masked_cumsum3A_240 = tpu.scan <sum>, %select_n3A_237 masked %broadcast_in_dim3A_239 : vector<16xi32>, vector<16xi1> -> vector<16xi32>
        %all_reduce_population_count3A_241 = tpu.all_reduce %eq3A_232 {dim = 0 : i64, kind = #tpu.reduction_kind<sum>} : vector<16xi1> -> vector<16xi32>
        %mul3A_242 = arith.constant 128 : i32
        %mul3A_243 = arith.muli %scan3A_86, %mul3A_242 : i32
        %add3A_244 = arith.constant 112 : i32
        %add3A_245 = arith.addi %mul3A_243, %add3A_244 : i32
        %multiple_of3A_246 = tpu.assume_multiple %add3A_245, 16 : i32
        %get3A_247 = arith.index_cast %multiple_of3A_246 : i32 to index
        %get3A_248 = tpu.vector_load %arg6[%get3A_247] {strides = array<i32>} : memref<1024xi32, #tpu.memory_space<vmem>>, vector<16xi32>,
        %convert_element_type3A_249 = arith.sitofp %get3A_248 : vector<16xi32> to vector<16xf32>
        %mul3A_250 = arith.constant 8.77808997E-5 : f32
        %mul3A_251 = vector.broadcast %mul3A_250 : f32 to vector<16xf32>
        %mul3A_252 = arith.mulf %convert_element_type3A_249, %mul3A_251 : vector<16xf32>
        %convert_element_type3A_253 = arith.fptosi %mul3A_252 : vector<16xf32> to vector<16xi32>
        %eq3A_254 = vector.broadcast %scan3A_8 : i32 to vector<16xi32>
        %eq3A_255 = arith.cmpi eq, %convert_element_type3A_253, %eq3A_254 : vector<16xi32>
        %jit3A_256 = arith.constant 1 : i32
        %jit3A_257 = arith.constant 0 : i32
        %broadcast_in_dim3A_258 = vector.broadcast %jit3A_256 : i32 to vector<16xi32>
        %broadcast_in_dim3A_259 = vector.broadcast %jit3A_257 : i32 to vector<16xi32>
        %select_n3A_260 = arith.select %eq3A_255, %broadcast_in_dim3A_258, %broadcast_in_dim3A_259 : vector<16xi1>, vector<16xi32>
        %broadcast_in_dim3A_261 = arith.constant true
        %broadcast_in_dim3A_262 = vector.broadcast %broadcast_in_dim3A_261 : i1 to vector<16xi1>
        %masked_cumsum3A_263 = tpu.scan <sum>, %select_n3A_260 masked %broadcast_in_dim3A_262 : vector<16xi32>, vector<16xi1> -> vector<16xi32>
        %all_reduce_population_count3A_264 = tpu.all_reduce %eq3A_255 {dim = 0 : i64, kind = #tpu.reduction_kind<sum>} : vector<16xi1> -> vector<16xi32>
        %sub3A_265 = arith.subi %masked_cumsum3A, %select_n3A : vector<16xi32>
        %add3A_266 = arith.addi %scan3A_87, %sub3A_265 : vector<16xi32>
        %and3A = arith.constant 2047 : i32
        %and3A_267 = vector.broadcast %and3A : i32 to vector<16xi32>
        %and3A_268 = arith.andi %add3A_266, %and3A_267 : vector<16xi32>
        %sub3A_269 = vector.broadcast %mul3A_10 : i32 to vector<16xi32>
        %sub3A_270 = arith.subi %get3A_92, %sub3A_269 : vector<16xi32>
        tpu.vector_store_idx %arg8[%and3A_268], %sub3A_270 masked %eq3A_98 : memref<2048xi32, #tpu.memory_space<vmem>>[vector<16xi32>], vector<16xi32>, vector<16xi1>
        %add3A_271 = arith.constant 100352 : i32
        %add3A_272 = arith.addi %mul3A_2, %add3A_271 : i32
        %mul3A_273 = arith.constant 128 : i32
        %mul3A_274 = arith.muli %scan3A_86, %mul3A_273 : i32
        %add3A_275 = arith.addi %add3A_272, %mul3A_274 : i32
        %add3A_276 = arith.constant 0 : i32
        %add3A_277 = arith.addi %add3A_275, %add3A_276 : i32
        %add3A_278 = vector.broadcast %add3A_277 : i32 to vector<16xi32>
        %add3A_279 = arith.addi %add3A_278, %iota3A : vector<16xi32>
        tpu.vector_store_idx %arg9[%and3A_268], %add3A_279 masked %eq3A_98 : memref<2048xi32, #tpu.memory_space<vmem>>[vector<16xi32>], vector<16xi32>, vector<16xi1>
        %add3A_280 = arith.addi %scan3A_87, %all_reduce_population_count3A : vector<16xi32>
        %sub3A_281 = arith.subi %masked_cumsum3A_125, %select_n3A_122 : vector<16xi32>
        %add3A_282 = arith.addi %add3A_280, %sub3A_281 : vector<16xi32>
        %and3A_283 = arith.constant 2047 : i32
        %and3A_284 = vector.broadcast %and3A_283 : i32 to vector<16xi32>
        %and3A_285 = arith.andi %add3A_282, %and3A_284 : vector<16xi32>
        %sub3A_286 = vector.broadcast %mul3A_10 : i32 to vector<16xi32>
        %sub3A_287 = arith.subi %get3A_110, %sub3A_286 : vector<16xi32>
        tpu.vector_store_idx %arg8[%and3A_285], %sub3A_287 masked %eq3A_117 : memref<2048xi32, #tpu.memory_space<vmem>>[vector<16xi32>], vector<16xi32>, vector<16xi1>
        %add3A_288 = arith.constant 100352 : i32
        %add3A_289 = arith.addi %mul3A_2, %add3A_288 : i32
        %mul3A_290 = arith.constant 128 : i32
        %mul3A_291 = arith.muli %scan3A_86, %mul3A_290 : i32
        %add3A_292 = arith.addi %add3A_289, %mul3A_291 : i32
        %add3A_293 = arith.constant 16 : i32
        %add3A_294 = arith.addi %add3A_292, %add3A_293 : i32
        %add3A_295 = vector.broadcast %add3A_294 : i32 to vector<16xi32>
        %add3A_296 = arith.addi %add3A_295, %iota3A : vector<16xi32>
        tpu.vector_store_idx %arg9[%and3A_285], %add3A_296 masked %eq3A_117 : memref<2048xi32, #tpu.memory_space<vmem>>[vector<16xi32>], vector<16xi32>, vector<16xi1>
        %add3A_297 = arith.addi %add3A_280, %all_reduce_population_count3A_126 : vector<16xi32>
        %sub3A_298 = arith.subi %masked_cumsum3A_148, %select_n3A_145 : vector<16xi32>
        %add3A_299 = arith.addi %add3A_297, %sub3A_298 : vector<16xi32>
        %and3A_300 = arith.constant 2047 : i32
        %and3A_301 = vector.broadcast %and3A_300 : i32 to vector<16xi32>
        %and3A_302 = arith.andi %add3A_299, %and3A_301 : vector<16xi32>
        %sub3A_303 = vector.broadcast %mul3A_10 : i32 to vector<16xi32>
        %sub3A_304 = arith.subi %get3A_133, %sub3A_303 : vector<16xi32>
        tpu.vector_store_idx %arg8[%and3A_302], %sub3A_304 masked %eq3A_140 : memref<2048xi32, #tpu.memory_space<vmem>>[vector<16xi32>], vector<16xi32>, vector<16xi1>
        %add3A_305 = arith.constant 100352 : i32
        %add3A_306 = arith.addi %mul3A_2, %add3A_305 : i32
        %mul3A_307 = arith.constant 128 : i32
        %mul3A_308 = arith.muli %scan3A_86, %mul3A_307 : i32
        %add3A_309 = arith.addi %add3A_306, %mul3A_308 : i32
        %add3A_310 = arith.constant 32 : i32
        %add3A_311 = arith.addi %add3A_309, %add3A_310 : i32
        %add3A_312 = vector.broadcast %add3A_311 : i32 to vector<16xi32>
        %add3A_313 = arith.addi %add3A_312, %iota3A : vector<16xi32>
        tpu.vector_store_idx %arg9[%and3A_302], %add3A_313 masked %eq3A_140 : memref<2048xi32, #tpu.memory_space<vmem>>[vector<16xi32>], vector<16xi32>, vector<16xi1>
        %add3A_314 = arith.addi %add3A_297, %all_reduce_population_count3A_149 : vector<16xi32>
        %sub3A_315 = arith.subi %masked_cumsum3A_171, %select_n3A_168 : vector<16xi32>
        %add3A_316 = arith.addi %add3A_314, %sub3A_315 : vector<16xi32>
        %and3A_317 = arith.constant 2047 : i32
        %and3A_318 = vector.broadcast %and3A_317 : i32 to vector<16xi32>
        %and3A_319 = arith.andi %add3A_316, %and3A_318 : vector<16xi32>
        %sub3A_320 = vector.broadcast %mul3A_10 : i32 to vector<16xi32>
        %sub3A_321 = arith.subi %get3A_156, %sub3A_320 : vector<16xi32>
        tpu.vector_store_idx %arg8[%and3A_319], %sub3A_321 masked %eq3A_163 : memref<2048xi32, #tpu.memory_space<vmem>>[vector<16xi32>], vector<16xi32>, vector<16xi1>
        %add3A_322 = arith.constant 100352 : i32
        %add3A_323 = arith.addi %mul3A_2, %add3A_322 : i32
        %mul3A_324 = arith.constant 128 : i32
        %mul3A_325 = arith.muli %scan3A_86, %mul3A_324 : i32
        %add3A_326 = arith.addi %add3A_323, %mul3A_325 : i32
        %add3A_327 = arith.constant 48 : i32
        %add3A_328 = arith.addi %add3A_326, %add3A_327 : i32
        %add3A_329 = vector.broadcast %add3A_328 : i32 to vector<16xi32>
        %add3A_330 = arith.addi %add3A_329, %iota3A : vector<16xi32>
        tpu.vector_store_idx %arg9[%and3A_319], %add3A_330 masked %eq3A_163 : memref<2048xi32, #tpu.memory_space<vmem>>[vector<16xi32>], vector<16xi32>, vector<16xi1>
        %add3A_331 = arith.addi %add3A_314, %all_reduce_population_count3A_172 : vector<16xi32>
        %sub3A_332 = arith.subi %masked_cumsum3A_194, %select_n3A_191 : vector<16xi32>
        %add3A_333 = arith.addi %add3A_331, %sub3A_332 : vector<16xi32>
        %and3A_334 = arith.constant 2047 : i32
        %and3A_335 = vector.broadcast %and3A_334 : i32 to vector<16xi32>
        %and3A_336 = arith.andi %add3A_333, %and3A_335 : vector<16xi32>
        %sub3A_337 = vector.broadcast %mul3A_10 : i32 to vector<16xi32>
        %sub3A_338 = arith.subi %get3A_179, %sub3A_337 : vector<16xi32>
        tpu.vector_store_idx %arg8[%and3A_336], %sub3A_338 masked %eq3A_186 : memref<2048xi32, #tpu.memory_space<vmem>>[vector<16xi32>], vector<16xi32>, vector<16xi1>
        %add3A_339 = arith.constant 100352 : i32
        %add3A_340 = arith.addi %mul3A_2, %add3A_339 : i32
        %mul3A_341 = arith.constant 128 : i32
        %mul3A_342 = arith.muli %scan3A_86, %mul3A_341 : i32
        %add3A_343 = arith.addi %add3A_340, %mul3A_342 : i32
        %add3A_344 = arith.constant 64 : i32
        %add3A_345 = arith.addi %add3A_343, %add3A_344 : i32
        %add3A_346 = vector.broadcast %add3A_345 : i32 to vector<16xi32>
        %add3A_347 = arith.addi %add3A_346, %iota3A : vector<16xi32>
        tpu.vector_store_idx %arg9[%and3A_336], %add3A_347 masked %eq3A_186 : memref<2048xi32, #tpu.memory_space<vmem>>[vector<16xi32>], vector<16xi32>, vector<16xi1>
        %add3A_348 = arith.addi %add3A_331, %all_reduce_population_count3A_195 : vector<16xi32>
        %sub3A_349 = arith.subi %masked_cumsum3A_217, %select_n3A_214 : vector<16xi32>
        %add3A_350 = arith.addi %add3A_348, %sub3A_349 : vector<16xi32>
        %and3A_351 = arith.constant 2047 : i32
        %and3A_352 = vector.broadcast %and3A_351 : i32 to vector<16xi32>
        %and3A_353 = arith.andi %add3A_350, %and3A_352 : vector<16xi32>
        %sub3A_354 = vector.broadcast %mul3A_10 : i32 to vector<16xi32>
        %sub3A_355 = arith.subi %get3A_202, %sub3A_354 : vector<16xi32>
        tpu.vector_store_idx %arg8[%and3A_353], %sub3A_355 masked %eq3A_209 : memref<2048xi32, #tpu.memory_space<vmem>>[vector<16xi32>], vector<16xi32>, vector<16xi1>
        %add3A_356 = arith.constant 100352 : i32
        %add3A_357 = arith.addi %mul3A_2, %add3A_356 : i32
        %mul3A_358 = arith.constant 128 : i32
        %mul3A_359 = arith.muli %scan3A_86, %mul3A_358 : i32
        %add3A_360 = arith.addi %add3A_357, %mul3A_359 : i32
        %add3A_361 = arith.constant 80 : i32
        %add3A_362 = arith.addi %add3A_360, %add3A_361 : i32
        %add3A_363 = vector.broadcast %add3A_362 : i32 to vector<16xi32>
        %add3A_364 = arith.addi %add3A_363, %iota3A : vector<16xi32>
        tpu.vector_store_idx %arg9[%and3A_353], %add3A_364 masked %eq3A_209 : memref<2048xi32, #tpu.memory_space<vmem>>[vector<16xi32>], vector<16xi32>, vector<16xi1>
        %add3A_365 = arith.addi %add3A_348, %all_reduce_population_count3A_218 : vector<16xi32>
        %sub3A_366 = arith.subi %masked_cumsum3A_240, %select_n3A_237 : vector<16xi32>
        %add3A_367 = arith.addi %add3A_365, %sub3A_366 : vector<16xi32>
        %and3A_368 = arith.constant 2047 : i32
        %and3A_369 = vector.broadcast %and3A_368 : i32 to vector<16xi32>
        %and3A_370 = arith.andi %add3A_367, %and3A_369 : vector<16xi32>
        %sub3A_371 = vector.broadcast %mul3A_10 : i32 to vector<16xi32>
        %sub3A_372 = arith.subi %get3A_225, %sub3A_371 : vector<16xi32>
        tpu.vector_store_idx %arg8[%and3A_370], %sub3A_372 masked %eq3A_232 : memref<2048xi32, #tpu.memory_space<vmem>>[vector<16xi32>], vector<16xi32>, vector<16xi1>
        %add3A_373 = arith.constant 100352 : i32
        %add3A_374 = arith.addi %mul3A_2, %add3A_373 : i32
        %mul3A_375 = arith.constant 128 : i32
        %mul3A_376 = arith.muli %scan3A_86, %mul3A_375 : i32
        %add3A_377 = arith.addi %add3A_374, %mul3A_376 : i32
        %add3A_378 = arith.constant 96 : i32
        %add3A_379 = arith.addi %add3A_377, %add3A_378 : i32
        %add3A_380 = vector.broadcast %add3A_379 : i32 to vector<16xi32>
        %add3A_381 = arith.addi %add3A_380, %iota3A : vector<16xi32>
        tpu.vector_store_idx %arg9[%and3A_370], %add3A_381 masked %eq3A_232 : memref<2048xi32, #tpu.memory_space<vmem>>[vector<16xi32>], vector<16xi32>, vector<16xi1>
        %add3A_382 = arith.addi %add3A_365, %all_reduce_population_count3A_241 : vector<16xi32>
        %sub3A_383 = arith.subi %masked_cumsum3A_263, %select_n3A_260 : vector<16xi32>
        %add3A_384 = arith.addi %add3A_382, %sub3A_383 : vector<16xi32>
        %and3A_385 = arith.constant 2047 : i32
        %and3A_386 = vector.broadcast %and3A_385 : i32 to vector<16xi32>
        %and3A_387 = arith.andi %add3A_384, %and3A_386 : vector<16xi32>
        %sub3A_388 = vector.broadcast %mul3A_10 : i32 to vector<16xi32>
        %sub3A_389 = arith.subi %get3A_248, %sub3A_388 : vector<16xi32>
        tpu.vector_store_idx %arg8[%and3A_387], %sub3A_389 masked %eq3A_255 : memref<2048xi32, #tpu.memory_space<vmem>>[vector<16xi32>], vector<16xi32>, vector<16xi1>
        %add3A_390 = arith.constant 100352 : i32
        %add3A_391 = arith.addi %mul3A_2, %add3A_390 : i32
        %mul3A_392 = arith.constant 128 : i32
        %mul3A_393 = arith.muli %scan3A_86, %mul3A_392 : i32
        %add3A_394 = arith.addi %add3A_391, %mul3A_393 : i32
        %add3A_395 = arith.constant 112 : i32
        %add3A_396 = arith.addi %add3A_394, %add3A_395 : i32
        %add3A_397 = vector.broadcast %add3A_396 : i32 to vector<16xi32>
        %add3A_398 = arith.addi %add3A_397, %iota3A : vector<16xi32>
        tpu.vector_store_idx %arg9[%and3A_387], %add3A_398 masked %eq3A_255 : memref<2048xi32, #tpu.memory_space<vmem>>[vector<16xi32>], vector<16xi32>, vector<16xi1>
        %add3A_399 = arith.addi %add3A_382, %all_reduce_population_count3A_264 : vector<16xi32>
        scf.yield %add3A_399 : vector<16xi32>
      }
      %scan3A_41 = arith.constant 8 : i32
      %reduce_max3A = arith.constant true
      %reduce_max3A_42 = vector.broadcast %reduce_max3A : i1 to vector<16xi1>
      %reduce_max3A_43 = arith.constant -2147483648 : i32
      %reduce_max3A_44 = vector.broadcast %reduce_max3A_43 : i32 to vector<16xi32>
      %reduce_max3A_45 = arith.xori %scan3A_40, %reduce_max3A_44 : vector<16xi32>
      %reduce_max3A_46 = tpu.scan <max>, %reduce_max3A_45 masked %reduce_max3A_42 : vector<16xi32>, vector<16xi1> -> vector<16xi32>
      %reduce_max3A_47 = arith.xori %reduce_max3A_46, %reduce_max3A_44 : vector<16xi32>
      %reduce_max3A_48 = vector.extract %reduce_max3A_47[15] : i32 from vector<16xi32>
      %while3A:3 = scf.while (%while3A_86 = %reduce_max3A_48, %while3A_87 = %scan3A_27#1, %while3A_88 = %scan3A_27#2) : (i32, i32, i32) -> (i32, i32, i32) {
        %sub3A_89 = arith.subi %while3A_86, %while3A_87 : i32
        %ge3A_90 = arith.constant 128 : i32
        %ge3A_91 = arith.cmpi sge, %sub3A_89, %ge3A_90 : i32
        scf.condition(%ge3A_91) %while3A_86, %while3A_87, %while3A_88 : i32, i32, i32
      } do {
      ^bb0(%while3A_86: i32, %while3A_87: i32, %while3A_88: i32):
        %and3A = arith.constant 2047 : i32
        %and3A_89 = arith.andi %while3A_87, %and3A : i32
        %and3A_90 = arith.constant 1 : i32
        %and3A_91 = arith.andi %while3A_88, %and3A_90 : i32
        %eq3A = arith.constant 0 : i32
        %eq3A_92 = arith.cmpi eq, %and3A_91, %eq3A : i32
        %convert_element_type3A_93 = arith.extui %eq3A_92 : i1 to i32
        %cond3A_94 = arith.constant 0 : i32
        %cond3A_95 = arith.cmpi ne, %convert_element_type3A_93, %cond3A_94 : i32
        scf.if %cond3A_95 {
          %ge3A_107 = arith.constant 1 : i32
          %ge3A_108 = arith.cmpi sge, %while3A_88, %ge3A_107 : i32
          %convert_element_type3A_109 = arith.extui %ge3A_108 : i1 to i32
          %cond3A_110 = arith.constant 0 : i32
          %cond3A_111 = arith.cmpi ne, %convert_element_type3A_109, %cond3A_110 : i32
          scf.if %cond3A_111 {
            %dma_wait3A_126 = arith.constant 0 : i32
            %dma_wait3A_127 = arith.constant 0 : i32
            %dma_wait3A_128 = tpu.memref_slice %arg5[%dma_wait3A_126, %dma_wait3A_127] : memref<11392x128xf32, #tpu.memory_space<vmem_shared>> -> memref<11392x128xf32, #tpu.memory_space<vmem_shared>>
            tpu.wait_indirect_dma semaphore(%arg19 : memref<!tpu.dma_semaphore, #tpu.memory_space<semaphore_mem>>) src(%dma_wait3A_128 : memref<11392x128xf32, #tpu.memory_space<vmem_shared>>) dst(%arg15 : memref<128x128xf32, #tpu.memory_space<vmem>>)
            %dma_start3A_129 = arith.constant 0 : i32
            %dma_start3A_130 = arith.constant 0 : i32
            %dma_start3A_131 = tpu.memref_slice %arg4[%dma_start3A_129, %dma_start3A_130] : memref<3276800x128xf32, #tpu.memory_space<hbm>> -> memref<3276800x128xf32, #tpu.memory_space<hbm>>
            tpu.enqueue_indirect_dma source(%arg15 : memref<128x128xf32, #tpu.memory_space<vmem>>) target(%dma_start3A_131 : memref<3276800x128xf32, #tpu.memory_space<hbm>>) offsets(%arg13 : memref<128xi32, #tpu.memory_space<vmem>>) semaphore(%arg21 : memref<!tpu.dma_semaphore, #tpu.memory_space<semaphore_mem>>)
          } else {
          }
          %ge3A_112 = arith.constant 2 : i32
          %ge3A_113 = arith.cmpi sge, %while3A_88, %ge3A_112 : i32
          %convert_element_type3A_114 = arith.extui %ge3A_113 : i1 to i32
          %cond3A_115 = arith.constant 0 : i32
          %cond3A_116 = arith.cmpi ne, %convert_element_type3A_114, %cond3A_115 : i32
          scf.if %cond3A_116 {
            %dma_wait3A_126 = arith.constant 0 : i32
            %dma_wait3A_127 = arith.constant 0 : i32
            %dma_wait3A_128 = tpu.memref_slice %arg4[%dma_wait3A_126, %dma_wait3A_127] : memref<3276800x128xf32, #tpu.memory_space<hbm>> -> memref<3276800x128xf32, #tpu.memory_space<hbm>>
            tpu.wait_indirect_dma semaphore(%arg20 : memref<!tpu.dma_semaphore, #tpu.memory_space<semaphore_mem>>) src(%arg14 : memref<128x128xf32, #tpu.memory_space<vmem>>) dst(%dma_wait3A_128 : memref<3276800x128xf32, #tpu.memory_space<hbm>>)
          } else {
          }
          %scan3A_117 = arith.constant 0 : i32
          %scan3A_118 = arith.constant 0 : i32
          %scan3A_119 = arith.constant 8 : i32
          %scan3A_120 = arith.addi %scan3A_118, %scan3A_119 : i32
          %scan3A_121 = arith.constant 1 : i32
          scf.for %scan3A_126 = %scan3A_118 to %scan3A_120 step %scan3A_121  : i32 {
            %mul3A_127 = arith.constant 16 : i32
            %mul3A_128 = arith.muli %scan3A_126, %mul3A_127 : i32
            %add3A_129 = arith.addi %and3A_89, %mul3A_128 : i32
            %get3A = arith.index_cast %add3A_129 : i32 to index
            %get3A_130 = tpu.vector_load %arg8[%get3A] {strides = array<i32>} : memref<2048xi32, #tpu.memory_space<vmem>>, vector<16xi32>,
            %mul3A_131 = arith.constant 16 : i32
            %mul3A_132 = arith.muli %scan3A_126, %mul3A_131 : i32
            %swap3A = arith.index_cast %mul3A_132 : i32 to index
            %swap3A_133 = tpu.vector_load %arg10[%swap3A] {strides = array<i32>} : memref<128xi32, #tpu.memory_space<vmem>>, vector<16xi32>,
            tpu.vector_store %arg10[%swap3A], %get3A_130 {strides = array<i32>} : memref<128xi32, #tpu.memory_space<vmem>>, vector<16xi32>,
            %mul3A_134 = arith.constant 16 : i32
            %mul3A_135 = arith.muli %scan3A_126, %mul3A_134 : i32
            %add3A_136 = arith.addi %and3A_89, %mul3A_135 : i32
            %get3A_137 = arith.index_cast %add3A_136 : i32 to index
            %get3A_138 = tpu.vector_load %arg9[%get3A_137] {strides = array<i32>} : memref<2048xi32, #tpu.memory_space<vmem>>, vector<16xi32>,
            %mul3A_139 = arith.constant 16 : i32
            %mul3A_140 = arith.muli %scan3A_126, %mul3A_139 : i32
            %swap3A_141 = arith.index_cast %mul3A_140 : i32 to index
            %swap3A_142 = tpu.vector_load %arg12[%swap3A_141] {strides = array<i32>} : memref<128xi32, #tpu.memory_space<vmem>>, vector<16xi32>,
            tpu.vector_store %arg12[%swap3A_141], %get3A_138 {strides = array<i32>} : memref<128xi32, #tpu.memory_space<vmem>>, vector<16xi32>,
          }
          %scan3A_122 = arith.constant 8 : i32
          %dma_start3A_123 = arith.constant 0 : i32
          %dma_start3A_124 = arith.constant 0 : i32
          %dma_start3A_125 = tpu.memref_slice %arg5[%dma_start3A_123, %dma_start3A_124] : memref<11392x128xf32, #tpu.memory_space<vmem_shared>> -> memref<11392x128xf32, #tpu.memory_space<vmem_shared>>
          tpu.enqueue_indirect_dma source(%dma_start3A_125 : memref<11392x128xf32, #tpu.memory_space<vmem_shared>>) target(%arg14 : memref<128x128xf32, #tpu.memory_space<vmem>>) offsets(%arg10 : memref<128xi32, #tpu.memory_space<vmem>>) semaphore(%arg18 : memref<!tpu.dma_semaphore, #tpu.memory_space<semaphore_mem>>)
        } else {
        }
        %and3A_96 = arith.constant 1 : i32
        %and3A_97 = arith.andi %while3A_88, %and3A_96 : i32
        %eq3A_98 = arith.constant 1 : i32
        %eq3A_99 = arith.cmpi eq, %and3A_97, %eq3A_98 : i32
        %convert_element_type3A_100 = arith.extui %eq3A_99 : i1 to i32
        %cond3A_101 = arith.constant 0 : i32
        %cond3A_102 = arith.cmpi ne, %convert_element_type3A_100, %cond3A_101 : i32
        scf.if %cond3A_102 {
          %ge3A_107 = arith.constant 1 : i32
          %ge3A_108 = arith.cmpi sge, %while3A_88, %ge3A_107 : i32
          %convert_element_type3A_109 = arith.extui %ge3A_108 : i1 to i32
          %cond3A_110 = arith.constant 0 : i32
          %cond3A_111 = arith.cmpi ne, %convert_element_type3A_109, %cond3A_110 : i32
          scf.if %cond3A_111 {
            %dma_wait3A_126 = arith.constant 0 : i32
            %dma_wait3A_127 = arith.constant 0 : i32
            %dma_wait3A_128 = tpu.memref_slice %arg5[%dma_wait3A_126, %dma_wait3A_127] : memref<11392x128xf32, #tpu.memory_space<vmem_shared>> -> memref<11392x128xf32, #tpu.memory_space<vmem_shared>>
            tpu.wait_indirect_dma semaphore(%arg18 : memref<!tpu.dma_semaphore, #tpu.memory_space<semaphore_mem>>) src(%dma_wait3A_128 : memref<11392x128xf32, #tpu.memory_space<vmem_shared>>) dst(%arg14 : memref<128x128xf32, #tpu.memory_space<vmem>>)
            %dma_start3A_129 = arith.constant 0 : i32
            %dma_start3A_130 = arith.constant 0 : i32
            %dma_start3A_131 = tpu.memref_slice %arg4[%dma_start3A_129, %dma_start3A_130] : memref<3276800x128xf32, #tpu.memory_space<hbm>> -> memref<3276800x128xf32, #tpu.memory_space<hbm>>
            tpu.enqueue_indirect_dma source(%arg14 : memref<128x128xf32, #tpu.memory_space<vmem>>) target(%dma_start3A_131 : memref<3276800x128xf32, #tpu.memory_space<hbm>>) offsets(%arg12 : memref<128xi32, #tpu.memory_space<vmem>>) semaphore(%arg20 : memref<!tpu.dma_semaphore, #tpu.memory_space<semaphore_mem>>)
          } else {
          }
          %ge3A_112 = arith.constant 2 : i32
          %ge3A_113 = arith.cmpi sge, %while3A_88, %ge3A_112 : i32
          %convert_element_type3A_114 = arith.extui %ge3A_113 : i1 to i32
          %cond3A_115 = arith.constant 0 : i32
          %cond3A_116 = arith.cmpi ne, %convert_element_type3A_114, %cond3A_115 : i32
          scf.if %cond3A_116 {
            %dma_wait3A_126 = arith.constant 0 : i32
            %dma_wait3A_127 = arith.constant 0 : i32
            %dma_wait3A_128 = tpu.memref_slice %arg4[%dma_wait3A_126, %dma_wait3A_127] : memref<3276800x128xf32, #tpu.memory_space<hbm>> -> memref<3276800x128xf32, #tpu.memory_space<hbm>>
            tpu.wait_indirect_dma semaphore(%arg21 : memref<!tpu.dma_semaphore, #tpu.memory_space<semaphore_mem>>) src(%arg15 : memref<128x128xf32, #tpu.memory_space<vmem>>) dst(%dma_wait3A_128 : memref<3276800x128xf32, #tpu.memory_space<hbm>>)
          } else {
          }
          %scan3A_117 = arith.constant 0 : i32
          %scan3A_118 = arith.constant 0 : i32
          %scan3A_119 = arith.constant 8 : i32
          %scan3A_120 = arith.addi %scan3A_118, %scan3A_119 : i32
          %scan3A_121 = arith.constant 1 : i32
          scf.for %scan3A_126 = %scan3A_118 to %scan3A_120 step %scan3A_121  : i32 {
            %mul3A_127 = arith.constant 16 : i32
            %mul3A_128 = arith.muli %scan3A_126, %mul3A_127 : i32
            %add3A_129 = arith.addi %and3A_89, %mul3A_128 : i32
            %get3A = arith.index_cast %add3A_129 : i32 to index
            %get3A_130 = tpu.vector_load %arg8[%get3A] {strides = array<i32>} : memref<2048xi32, #tpu.memory_space<vmem>>, vector<16xi32>,
            %mul3A_131 = arith.constant 16 : i32
            %mul3A_132 = arith.muli %scan3A_126, %mul3A_131 : i32
            %swap3A = arith.index_cast %mul3A_132 : i32 to index
            %swap3A_133 = tpu.vector_load %arg11[%swap3A] {strides = array<i32>} : memref<128xi32, #tpu.memory_space<vmem>>, vector<16xi32>,
            tpu.vector_store %arg11[%swap3A], %get3A_130 {strides = array<i32>} : memref<128xi32, #tpu.memory_space<vmem>>, vector<16xi32>,
            %mul3A_134 = arith.constant 16 : i32
            %mul3A_135 = arith.muli %scan3A_126, %mul3A_134 : i32
            %add3A_136 = arith.addi %and3A_89, %mul3A_135 : i32
            %get3A_137 = arith.index_cast %add3A_136 : i32 to index
            %get3A_138 = tpu.vector_load %arg9[%get3A_137] {strides = array<i32>} : memref<2048xi32, #tpu.memory_space<vmem>>, vector<16xi32>,
            %mul3A_139 = arith.constant 16 : i32
            %mul3A_140 = arith.muli %scan3A_126, %mul3A_139 : i32
            %swap3A_141 = arith.index_cast %mul3A_140 : i32 to index
            %swap3A_142 = tpu.vector_load %arg13[%swap3A_141] {strides = array<i32>} : memref<128xi32, #tpu.memory_space<vmem>>, vector<16xi32>,
            tpu.vector_store %arg13[%swap3A_141], %get3A_138 {strides = array<i32>} : memref<128xi32, #tpu.memory_space<vmem>>, vector<16xi32>,
          }
          %scan3A_122 = arith.constant 8 : i32
          %dma_start3A_123 = arith.constant 0 : i32
          %dma_start3A_124 = arith.constant 0 : i32
          %dma_start3A_125 = tpu.memref_slice %arg5[%dma_start3A_123, %dma_start3A_124] : memref<11392x128xf32, #tpu.memory_space<vmem_shared>> -> memref<11392x128xf32, #tpu.memory_space<vmem_shared>>
          tpu.enqueue_indirect_dma source(%dma_start3A_125 : memref<11392x128xf32, #tpu.memory_space<vmem_shared>>) target(%arg15 : memref<128x128xf32, #tpu.memory_space<vmem>>) offsets(%arg11 : memref<128xi32, #tpu.memory_space<vmem>>) semaphore(%arg19 : memref<!tpu.dma_semaphore, #tpu.memory_space<semaphore_mem>>)
        } else {
        }
        %add3A_103 = arith.constant 128 : i32
        %add3A_104 = arith.addi %while3A_87, %add3A_103 : i32
        %add3A_105 = arith.constant 1 : i32
        %add3A_106 = arith.addi %while3A_88, %add3A_105 : i32
        scf.yield %while3A_86, %add3A_104, %add3A_106 : i32, i32, i32
      }
      %dma_wait3A_49 = arith.constant 0 : i32
      %dma_wait3A_50 = tpu.memref_slice %arg3[%dma_wait3A_49] : memref<3276800xi32, #tpu.memory_space<hbm>> -> memref<1024xi32, #tpu.memory_space<hbm>>
      %dma_wait3A_51 = arith.constant 0 : i32
      %dma_wait3A_52 = tpu.memref_slice %arg3[%dma_wait3A_51] : memref<3276800xi32, #tpu.memory_space<hbm>> -> memref<1024xi32, #tpu.memory_space<hbm>>
      tpu.wait_dma2 semaphore(%arg17 : memref<!tpu.dma_semaphore, #tpu.memory_space<semaphore_mem>>) src(%dma_wait3A_52 : memref<1024xi32, #tpu.memory_space<hbm>>) dst(%arg7 : memref<1024xi32, #tpu.memory_space<vmem>>)
      %broadcast_in_dim3A_53 = vector.broadcast %while3A#0 : i32 to vector<16xi32>
      %scan3A_54 = arith.constant 0 : i32
      %scan3A_55 = arith.constant 8 : i32
      %scan3A_56 = arith.addi %scan3A_54, %scan3A_55 : i32
      %scan3A_57 = arith.constant 1 : i32
      %scan3A_58 = scf.for %scan3A_86 = %scan3A_54 to %scan3A_56 step %scan3A_57 iter_args(%scan3A_87 = %broadcast_in_dim3A_53) -> (vector<16xi32>)  : i32 {
        %mul3A_88 = arith.constant 128 : i32
        %mul3A_89 = arith.muli %scan3A_86, %mul3A_88 : i32
        %add3A_90 = arith.constant 0 : i32
        %add3A_91 = arith.addi %mul3A_89, %add3A_90 : i32
        %multiple_of3A = tpu.assume_multiple %add3A_91, 16 : i32
        %get3A = arith.index_cast %multiple_of3A : i32 to index
        %get3A_92 = tpu.vector_load %arg7[%get3A] {strides = array<i32>} : memref<1024xi32, #tpu.memory_space<vmem>>, vector<16xi32>,
        %convert_element_type3A_93 = arith.sitofp %get3A_92 : vector<16xi32> to vector<16xf32>
        %mul3A_94 = arith.constant 8.77808997E-5 : f32
        %mul3A_95 = vector.broadcast %mul3A_94 : f32 to vector<16xf32>
        %mul3A_96 = arith.mulf %convert_element_type3A_93, %mul3A_95 : vector<16xf32>
        %convert_element_type3A_97 = arith.fptosi %mul3A_96 : vector<16xf32> to vector<16xi32>
        %eq3A = vector.broadcast %scan3A_8 : i32 to vector<16xi32>
        %eq3A_98 = arith.cmpi eq, %convert_element_type3A_97, %eq3A : vector<16xi32>
        %jit3A = arith.constant 1 : i32
        %jit3A_99 = arith.constant 0 : i32
        %broadcast_in_dim3A_100 = vector.broadcast %jit3A : i32 to vector<16xi32>
        %broadcast_in_dim3A_101 = vector.broadcast %jit3A_99 : i32 to vector<16xi32>
        %select_n3A = arith.select %eq3A_98, %broadcast_in_dim3A_100, %broadcast_in_dim3A_101 : vector<16xi1>, vector<16xi32>
        %broadcast_in_dim3A_102 = arith.constant true
        %broadcast_in_dim3A_103 = vector.broadcast %broadcast_in_dim3A_102 : i1 to vector<16xi1>
        %masked_cumsum3A = tpu.scan <sum>, %select_n3A masked %broadcast_in_dim3A_103 : vector<16xi32>, vector<16xi1> -> vector<16xi32>
        %all_reduce_population_count3A = tpu.all_reduce %eq3A_98 {dim = 0 : i64, kind = #tpu.reduction_kind<sum>} : vector<16xi1> -> vector<16xi32>
        %mul3A_104 = arith.constant 128 : i32
        %mul3A_105 = arith.muli %scan3A_86, %mul3A_104 : i32
        %add3A_106 = arith.constant 16 : i32
        %add3A_107 = arith.addi %mul3A_105, %add3A_106 : i32
        %multiple_of3A_108 = tpu.assume_multiple %add3A_107, 16 : i32
        %get3A_109 = arith.index_cast %multiple_of3A_108 : i32 to index
        %get3A_110 = tpu.vector_load %arg7[%get3A_109] {strides = array<i32>} : memref<1024xi32, #tpu.memory_space<vmem>>, vector<16xi32>,
        %convert_element_type3A_111 = arith.sitofp %get3A_110 : vector<16xi32> to vector<16xf32>
        %mul3A_112 = arith.constant 8.77808997E-5 : f32
        %mul3A_113 = vector.broadcast %mul3A_112 : f32 to vector<16xf32>
        %mul3A_114 = arith.mulf %convert_element_type3A_111, %mul3A_113 : vector<16xf32>
        %convert_element_type3A_115 = arith.fptosi %mul3A_114 : vector<16xf32> to vector<16xi32>
        %eq3A_116 = vector.broadcast %scan3A_8 : i32 to vector<16xi32>
        %eq3A_117 = arith.cmpi eq, %convert_element_type3A_115, %eq3A_116 : vector<16xi32>
        %jit3A_118 = arith.constant 1 : i32
        %jit3A_119 = arith.constant 0 : i32
        %broadcast_in_dim3A_120 = vector.broadcast %jit3A_118 : i32 to vector<16xi32>
        %broadcast_in_dim3A_121 = vector.broadcast %jit3A_119 : i32 to vector<16xi32>
        %select_n3A_122 = arith.select %eq3A_117, %broadcast_in_dim3A_120, %broadcast_in_dim3A_121 : vector<16xi1>, vector<16xi32>
        %broadcast_in_dim3A_123 = arith.constant true
        %broadcast_in_dim3A_124 = vector.broadcast %broadcast_in_dim3A_123 : i1 to vector<16xi1>
        %masked_cumsum3A_125 = tpu.scan <sum>, %select_n3A_122 masked %broadcast_in_dim3A_124 : vector<16xi32>, vector<16xi1> -> vector<16xi32>
        %all_reduce_population_count3A_126 = tpu.all_reduce %eq3A_117 {dim = 0 : i64, kind = #tpu.reduction_kind<sum>} : vector<16xi1> -> vector<16xi32>
        %mul3A_127 = arith.constant 128 : i32
        %mul3A_128 = arith.muli %scan3A_86, %mul3A_127 : i32
        %add3A_129 = arith.constant 32 : i32
        %add3A_130 = arith.addi %mul3A_128, %add3A_129 : i32
        %multiple_of3A_131 = tpu.assume_multiple %add3A_130, 16 : i32
        %get3A_132 = arith.index_cast %multiple_of3A_131 : i32 to index
        %get3A_133 = tpu.vector_load %arg7[%get3A_132] {strides = array<i32>} : memref<1024xi32, #tpu.memory_space<vmem>>, vector<16xi32>,
        %convert_element_type3A_134 = arith.sitofp %get3A_133 : vector<16xi32> to vector<16xf32>
        %mul3A_135 = arith.constant 8.77808997E-5 : f32
        %mul3A_136 = vector.broadcast %mul3A_135 : f32 to vector<16xf32>
        %mul3A_137 = arith.mulf %convert_element_type3A_134, %mul3A_136 : vector<16xf32>
        %convert_element_type3A_138 = arith.fptosi %mul3A_137 : vector<16xf32> to vector<16xi32>
        %eq3A_139 = vector.broadcast %scan3A_8 : i32 to vector<16xi32>
        %eq3A_140 = arith.cmpi eq, %convert_element_type3A_138, %eq3A_139 : vector<16xi32>
        %jit3A_141 = arith.constant 1 : i32
        %jit3A_142 = arith.constant 0 : i32
        %broadcast_in_dim3A_143 = vector.broadcast %jit3A_141 : i32 to vector<16xi32>
        %broadcast_in_dim3A_144 = vector.broadcast %jit3A_142 : i32 to vector<16xi32>
        %select_n3A_145 = arith.select %eq3A_140, %broadcast_in_dim3A_143, %broadcast_in_dim3A_144 : vector<16xi1>, vector<16xi32>
        %broadcast_in_dim3A_146 = arith.constant true
        %broadcast_in_dim3A_147 = vector.broadcast %broadcast_in_dim3A_146 : i1 to vector<16xi1>
        %masked_cumsum3A_148 = tpu.scan <sum>, %select_n3A_145 masked %broadcast_in_dim3A_147 : vector<16xi32>, vector<16xi1> -> vector<16xi32>
        %all_reduce_population_count3A_149 = tpu.all_reduce %eq3A_140 {dim = 0 : i64, kind = #tpu.reduction_kind<sum>} : vector<16xi1> -> vector<16xi32>
        %mul3A_150 = arith.constant 128 : i32
        %mul3A_151 = arith.muli %scan3A_86, %mul3A_150 : i32
        %add3A_152 = arith.constant 48 : i32
        %add3A_153 = arith.addi %mul3A_151, %add3A_152 : i32
        %multiple_of3A_154 = tpu.assume_multiple %add3A_153, 16 : i32
        %get3A_155 = arith.index_cast %multiple_of3A_154 : i32 to index
        %get3A_156 = tpu.vector_load %arg7[%get3A_155] {strides = array<i32>} : memref<1024xi32, #tpu.memory_space<vmem>>, vector<16xi32>,
        %convert_element_type3A_157 = arith.sitofp %get3A_156 : vector<16xi32> to vector<16xf32>
        %mul3A_158 = arith.constant 8.77808997E-5 : f32
        %mul3A_159 = vector.broadcast %mul3A_158 : f32 to vector<16xf32>
        %mul3A_160 = arith.mulf %convert_element_type3A_157, %mul3A_159 : vector<16xf32>
        %convert_element_type3A_161 = arith.fptosi %mul3A_160 : vector<16xf32> to vector<16xi32>
        %eq3A_162 = vector.broadcast %scan3A_8 : i32 to vector<16xi32>
        %eq3A_163 = arith.cmpi eq, %convert_element_type3A_161, %eq3A_162 : vector<16xi32>
        %jit3A_164 = arith.constant 1 : i32
        %jit3A_165 = arith.constant 0 : i32
        %broadcast_in_dim3A_166 = vector.broadcast %jit3A_164 : i32 to vector<16xi32>
        %broadcast_in_dim3A_167 = vector.broadcast %jit3A_165 : i32 to vector<16xi32>
        %select_n3A_168 = arith.select %eq3A_163, %broadcast_in_dim3A_166, %broadcast_in_dim3A_167 : vector<16xi1>, vector<16xi32>
        %broadcast_in_dim3A_169 = arith.constant true
        %broadcast_in_dim3A_170 = vector.broadcast %broadcast_in_dim3A_169 : i1 to vector<16xi1>
        %masked_cumsum3A_171 = tpu.scan <sum>, %select_n3A_168 masked %broadcast_in_dim3A_170 : vector<16xi32>, vector<16xi1> -> vector<16xi32>
        %all_reduce_population_count3A_172 = tpu.all_reduce %eq3A_163 {dim = 0 : i64, kind = #tpu.reduction_kind<sum>} : vector<16xi1> -> vector<16xi32>
        %mul3A_173 = arith.constant 128 : i32
        %mul3A_174 = arith.muli %scan3A_86, %mul3A_173 : i32
        %add3A_175 = arith.constant 64 : i32
        %add3A_176 = arith.addi %mul3A_174, %add3A_175 : i32
        %multiple_of3A_177 = tpu.assume_multiple %add3A_176, 16 : i32
        %get3A_178 = arith.index_cast %multiple_of3A_177 : i32 to index
        %get3A_179 = tpu.vector_load %arg7[%get3A_178] {strides = array<i32>} : memref<1024xi32, #tpu.memory_space<vmem>>, vector<16xi32>,
        %convert_element_type3A_180 = arith.sitofp %get3A_179 : vector<16xi32> to vector<16xf32>
        %mul3A_181 = arith.constant 8.77808997E-5 : f32
        %mul3A_182 = vector.broadcast %mul3A_181 : f32 to vector<16xf32>
        %mul3A_183 = arith.mulf %convert_element_type3A_180, %mul3A_182 : vector<16xf32>
        %convert_element_type3A_184 = arith.fptosi %mul3A_183 : vector<16xf32> to vector<16xi32>
        %eq3A_185 = vector.broadcast %scan3A_8 : i32 to vector<16xi32>
        %eq3A_186 = arith.cmpi eq, %convert_element_type3A_184, %eq3A_185 : vector<16xi32>
        %jit3A_187 = arith.constant 1 : i32
        %jit3A_188 = arith.constant 0 : i32
        %broadcast_in_dim3A_189 = vector.broadcast %jit3A_187 : i32 to vector<16xi32>
        %broadcast_in_dim3A_190 = vector.broadcast %jit3A_188 : i32 to vector<16xi32>
        %select_n3A_191 = arith.select %eq3A_186, %broadcast_in_dim3A_189, %broadcast_in_dim3A_190 : vector<16xi1>, vector<16xi32>
        %broadcast_in_dim3A_192 = arith.constant true
        %broadcast_in_dim3A_193 = vector.broadcast %broadcast_in_dim3A_192 : i1 to vector<16xi1>
        %masked_cumsum3A_194 = tpu.scan <sum>, %select_n3A_191 masked %broadcast_in_dim3A_193 : vector<16xi32>, vector<16xi1> -> vector<16xi32>
        %all_reduce_population_count3A_195 = tpu.all_reduce %eq3A_186 {dim = 0 : i64, kind = #tpu.reduction_kind<sum>} : vector<16xi1> -> vector<16xi32>
        %mul3A_196 = arith.constant 128 : i32
        %mul3A_197 = arith.muli %scan3A_86, %mul3A_196 : i32
        %add3A_198 = arith.constant 80 : i32
        %add3A_199 = arith.addi %mul3A_197, %add3A_198 : i32
        %multiple_of3A_200 = tpu.assume_multiple %add3A_199, 16 : i32
        %get3A_201 = arith.index_cast %multiple_of3A_200 : i32 to index
        %get3A_202 = tpu.vector_load %arg7[%get3A_201] {strides = array<i32>} : memref<1024xi32, #tpu.memory_space<vmem>>, vector<16xi32>,
        %convert_element_type3A_203 = arith.sitofp %get3A_202 : vector<16xi32> to vector<16xf32>
        %mul3A_204 = arith.constant 8.77808997E-5 : f32
        %mul3A_205 = vector.broadcast %mul3A_204 : f32 to vector<16xf32>
        %mul3A_206 = arith.mulf %convert_element_type3A_203, %mul3A_205 : vector<16xf32>
        %convert_element_type3A_207 = arith.fptosi %mul3A_206 : vector<16xf32> to vector<16xi32>
        %eq3A_208 = vector.broadcast %scan3A_8 : i32 to vector<16xi32>
        %eq3A_209 = arith.cmpi eq, %convert_element_type3A_207, %eq3A_208 : vector<16xi32>
        %jit3A_210 = arith.constant 1 : i32
        %jit3A_211 = arith.constant 0 : i32
        %broadcast_in_dim3A_212 = vector.broadcast %jit3A_210 : i32 to vector<16xi32>
        %broadcast_in_dim3A_213 = vector.broadcast %jit3A_211 : i32 to vector<16xi32>
        %select_n3A_214 = arith.select %eq3A_209, %broadcast_in_dim3A_212, %broadcast_in_dim3A_213 : vector<16xi1>, vector<16xi32>
        %broadcast_in_dim3A_215 = arith.constant true
        %broadcast_in_dim3A_216 = vector.broadcast %broadcast_in_dim3A_215 : i1 to vector<16xi1>
        %masked_cumsum3A_217 = tpu.scan <sum>, %select_n3A_214 masked %broadcast_in_dim3A_216 : vector<16xi32>, vector<16xi1> -> vector<16xi32>
        %all_reduce_population_count3A_218 = tpu.all_reduce %eq3A_209 {dim = 0 : i64, kind = #tpu.reduction_kind<sum>} : vector<16xi1> -> vector<16xi32>
        %mul3A_219 = arith.constant 128 : i32
        %mul3A_220 = arith.muli %scan3A_86, %mul3A_219 : i32
        %add3A_221 = arith.constant 96 : i32
        %add3A_222 = arith.addi %mul3A_220, %add3A_221 : i32
        %multiple_of3A_223 = tpu.assume_multiple %add3A_222, 16 : i32
        %get3A_224 = arith.index_cast %multiple_of3A_223 : i32 to index
        %get3A_225 = tpu.vector_load %arg7[%get3A_224] {strides = array<i32>} : memref<1024xi32, #tpu.memory_space<vmem>>, vector<16xi32>,
        %convert_element_type3A_226 = arith.sitofp %get3A_225 : vector<16xi32> to vector<16xf32>
        %mul3A_227 = arith.constant 8.77808997E-5 : f32
        %mul3A_228 = vector.broadcast %mul3A_227 : f32 to vector<16xf32>
        %mul3A_229 = arith.mulf %convert_element_type3A_226, %mul3A_228 : vector<16xf32>
        %convert_element_type3A_230 = arith.fptosi %mul3A_229 : vector<16xf32> to vector<16xi32>
        %eq3A_231 = vector.broadcast %scan3A_8 : i32 to vector<16xi32>
        %eq3A_232 = arith.cmpi eq, %convert_element_type3A_230, %eq3A_231 : vector<16xi32>
        %jit3A_233 = arith.constant 1 : i32
        %jit3A_234 = arith.constant 0 : i32
        %broadcast_in_dim3A_235 = vector.broadcast %jit3A_233 : i32 to vector<16xi32>
        %broadcast_in_dim3A_236 = vector.broadcast %jit3A_234 : i32 to vector<16xi32>
        %select_n3A_237 = arith.select %eq3A_232, %broadcast_in_dim3A_235, %broadcast_in_dim3A_236 : vector<16xi1>, vector<16xi32>
        %broadcast_in_dim3A_238 = arith.constant true
        %broadcast_in_dim3A_239 = vector.broadcast %broadcast_in_dim3A_238 : i1 to vector<16xi1>
        %masked_cumsum3A_240 = tpu.scan <sum>, %select_n3A_237 masked %broadcast_in_dim3A_239 : vector<16xi32>, vector<16xi1> -> vector<16xi32>
        %all_reduce_population_count3A_241 = tpu.all_reduce %eq3A_232 {dim = 0 : i64, kind = #tpu.reduction_kind<sum>} : vector<16xi1> -> vector<16xi32>
        %mul3A_242 = arith.constant 128 : i32
        %mul3A_243 = arith.muli %scan3A_86, %mul3A_242 : i32
        %add3A_244 = arith.constant 112 : i32
        %add3A_245 = arith.addi %mul3A_243, %add3A_244 : i32
        %multiple_of3A_246 = tpu.assume_multiple %add3A_245, 16 : i32
        %get3A_247 = arith.index_cast %multiple_of3A_246 : i32 to index
        %get3A_248 = tpu.vector_load %arg7[%get3A_247] {strides = array<i32>} : memref<1024xi32, #tpu.memory_space<vmem>>, vector<16xi32>,
        %convert_element_type3A_249 = arith.sitofp %get3A_248 : vector<16xi32> to vector<16xf32>
        %mul3A_250 = arith.constant 8.77808997E-5 : f32
        %mul3A_251 = vector.broadcast %mul3A_250 : f32 to vector<16xf32>
        %mul3A_252 = arith.mulf %convert_element_type3A_249, %mul3A_251 : vector<16xf32>
        %convert_element_type3A_253 = arith.fptosi %mul3A_252 : vector<16xf32> to vector<16xi32>
        %eq3A_254 = vector.broadcast %scan3A_8 : i32 to vector<16xi32>
        %eq3A_255 = arith.cmpi eq, %convert_element_type3A_253, %eq3A_254 : vector<16xi32>
        %jit3A_256 = arith.constant 1 : i32
        %jit3A_257 = arith.constant 0 : i32
        %broadcast_in_dim3A_258 = vector.broadcast %jit3A_256 : i32 to vector<16xi32>
        %broadcast_in_dim3A_259 = vector.broadcast %jit3A_257 : i32 to vector<16xi32>
        %select_n3A_260 = arith.select %eq3A_255, %broadcast_in_dim3A_258, %broadcast_in_dim3A_259 : vector<16xi1>, vector<16xi32>
        %broadcast_in_dim3A_261 = arith.constant true
        %broadcast_in_dim3A_262 = vector.broadcast %broadcast_in_dim3A_261 : i1 to vector<16xi1>
        %masked_cumsum3A_263 = tpu.scan <sum>, %select_n3A_260 masked %broadcast_in_dim3A_262 : vector<16xi32>, vector<16xi1> -> vector<16xi32>
        %all_reduce_population_count3A_264 = tpu.all_reduce %eq3A_255 {dim = 0 : i64, kind = #tpu.reduction_kind<sum>} : vector<16xi1> -> vector<16xi32>
        %sub3A_265 = arith.subi %masked_cumsum3A, %select_n3A : vector<16xi32>
        %add3A_266 = arith.addi %scan3A_87, %sub3A_265 : vector<16xi32>
        %and3A = arith.constant 2047 : i32
        %and3A_267 = vector.broadcast %and3A : i32 to vector<16xi32>
        %and3A_268 = arith.andi %add3A_266, %and3A_267 : vector<16xi32>
        %sub3A_269 = vector.broadcast %mul3A_10 : i32 to vector<16xi32>
        %sub3A_270 = arith.subi %get3A_92, %sub3A_269 : vector<16xi32>
        tpu.vector_store_idx %arg8[%and3A_268], %sub3A_270 masked %eq3A_98 : memref<2048xi32, #tpu.memory_space<vmem>>[vector<16xi32>], vector<16xi32>, vector<16xi1>
        %add3A_271 = arith.constant 101376 : i32
        %add3A_272 = arith.addi %mul3A_2, %add3A_271 : i32
        %mul3A_273 = arith.constant 128 : i32
        %mul3A_274 = arith.muli %scan3A_86, %mul3A_273 : i32
        %add3A_275 = arith.addi %add3A_272, %mul3A_274 : i32
        %add3A_276 = arith.constant 0 : i32
        %add3A_277 = arith.addi %add3A_275, %add3A_276 : i32
        %add3A_278 = vector.broadcast %add3A_277 : i32 to vector<16xi32>
        %add3A_279 = arith.addi %add3A_278, %iota3A : vector<16xi32>
        tpu.vector_store_idx %arg9[%and3A_268], %add3A_279 masked %eq3A_98 : memref<2048xi32, #tpu.memory_space<vmem>>[vector<16xi32>], vector<16xi32>, vector<16xi1>
        %add3A_280 = arith.addi %scan3A_87, %all_reduce_population_count3A : vector<16xi32>
        %sub3A_281 = arith.subi %masked_cumsum3A_125, %select_n3A_122 : vector<16xi32>
        %add3A_282 = arith.addi %add3A_280, %sub3A_281 : vector<16xi32>
        %and3A_283 = arith.constant 2047 : i32
        %and3A_284 = vector.broadcast %and3A_283 : i32 to vector<16xi32>
        %and3A_285 = arith.andi %add3A_282, %and3A_284 : vector<16xi32>
        %sub3A_286 = vector.broadcast %mul3A_10 : i32 to vector<16xi32>
        %sub3A_287 = arith.subi %get3A_110, %sub3A_286 : vector<16xi32>
        tpu.vector_store_idx %arg8[%and3A_285], %sub3A_287 masked %eq3A_117 : memref<2048xi32, #tpu.memory_space<vmem>>[vector<16xi32>], vector<16xi32>, vector<16xi1>
        %add3A_288 = arith.constant 101376 : i32
        %add3A_289 = arith.addi %mul3A_2, %add3A_288 : i32
        %mul3A_290 = arith.constant 128 : i32
        %mul3A_291 = arith.muli %scan3A_86, %mul3A_290 : i32
        %add3A_292 = arith.addi %add3A_289, %mul3A_291 : i32
        %add3A_293 = arith.constant 16 : i32
        %add3A_294 = arith.addi %add3A_292, %add3A_293 : i32
        %add3A_295 = vector.broadcast %add3A_294 : i32 to vector<16xi32>
        %add3A_296 = arith.addi %add3A_295, %iota3A : vector<16xi32>
        tpu.vector_store_idx %arg9[%and3A_285], %add3A_296 masked %eq3A_117 : memref<2048xi32, #tpu.memory_space<vmem>>[vector<16xi32>], vector<16xi32>, vector<16xi1>
        %add3A_297 = arith.addi %add3A_280, %all_reduce_population_count3A_126 : vector<16xi32>
        %sub3A_298 = arith.subi %masked_cumsum3A_148, %select_n3A_145 : vector<16xi32>
        %add3A_299 = arith.addi %add3A_297, %sub3A_298 : vector<16xi32>
        %and3A_300 = arith.constant 2047 : i32
        %and3A_301 = vector.broadcast %and3A_300 : i32 to vector<16xi32>
        %and3A_302 = arith.andi %add3A_299, %and3A_301 : vector<16xi32>
        %sub3A_303 = vector.broadcast %mul3A_10 : i32 to vector<16xi32>
        %sub3A_304 = arith.subi %get3A_133, %sub3A_303 : vector<16xi32>
        tpu.vector_store_idx %arg8[%and3A_302], %sub3A_304 masked %eq3A_140 : memref<2048xi32, #tpu.memory_space<vmem>>[vector<16xi32>], vector<16xi32>, vector<16xi1>
        %add3A_305 = arith.constant 101376 : i32
        %add3A_306 = arith.addi %mul3A_2, %add3A_305 : i32
        %mul3A_307 = arith.constant 128 : i32
        %mul3A_308 = arith.muli %scan3A_86, %mul3A_307 : i32
        %add3A_309 = arith.addi %add3A_306, %mul3A_308 : i32
        %add3A_310 = arith.constant 32 : i32
        %add3A_311 = arith.addi %add3A_309, %add3A_310 : i32
        %add3A_312 = vector.broadcast %add3A_311 : i32 to vector<16xi32>
        %add3A_313 = arith.addi %add3A_312, %iota3A : vector<16xi32>
        tpu.vector_store_idx %arg9[%and3A_302], %add3A_313 masked %eq3A_140 : memref<2048xi32, #tpu.memory_space<vmem>>[vector<16xi32>], vector<16xi32>, vector<16xi1>
        %add3A_314 = arith.addi %add3A_297, %all_reduce_population_count3A_149 : vector<16xi32>
        %sub3A_315 = arith.subi %masked_cumsum3A_171, %select_n3A_168 : vector<16xi32>
        %add3A_316 = arith.addi %add3A_314, %sub3A_315 : vector<16xi32>
        %and3A_317 = arith.constant 2047 : i32
        %and3A_318 = vector.broadcast %and3A_317 : i32 to vector<16xi32>
        %and3A_319 = arith.andi %add3A_316, %and3A_318 : vector<16xi32>
        %sub3A_320 = vector.broadcast %mul3A_10 : i32 to vector<16xi32>
        %sub3A_321 = arith.subi %get3A_156, %sub3A_320 : vector<16xi32>
        tpu.vector_store_idx %arg8[%and3A_319], %sub3A_321 masked %eq3A_163 : memref<2048xi32, #tpu.memory_space<vmem>>[vector<16xi32>], vector<16xi32>, vector<16xi1>
        %add3A_322 = arith.constant 101376 : i32
        %add3A_323 = arith.addi %mul3A_2, %add3A_322 : i32
        %mul3A_324 = arith.constant 128 : i32
        %mul3A_325 = arith.muli %scan3A_86, %mul3A_324 : i32
        %add3A_326 = arith.addi %add3A_323, %mul3A_325 : i32
        %add3A_327 = arith.constant 48 : i32
        %add3A_328 = arith.addi %add3A_326, %add3A_327 : i32
        %add3A_329 = vector.broadcast %add3A_328 : i32 to vector<16xi32>
        %add3A_330 = arith.addi %add3A_329, %iota3A : vector<16xi32>
        tpu.vector_store_idx %arg9[%and3A_319], %add3A_330 masked %eq3A_163 : memref<2048xi32, #tpu.memory_space<vmem>>[vector<16xi32>], vector<16xi32>, vector<16xi1>
        %add3A_331 = arith.addi %add3A_314, %all_reduce_population_count3A_172 : vector<16xi32>
        %sub3A_332 = arith.subi %masked_cumsum3A_194, %select_n3A_191 : vector<16xi32>
        %add3A_333 = arith.addi %add3A_331, %sub3A_332 : vector<16xi32>
        %and3A_334 = arith.constant 2047 : i32
        %and3A_335 = vector.broadcast %and3A_334 : i32 to vector<16xi32>
        %and3A_336 = arith.andi %add3A_333, %and3A_335 : vector<16xi32>
        %sub3A_337 = vector.broadcast %mul3A_10 : i32 to vector<16xi32>
        %sub3A_338 = arith.subi %get3A_179, %sub3A_337 : vector<16xi32>
        tpu.vector_store_idx %arg8[%and3A_336], %sub3A_338 masked %eq3A_186 : memref<2048xi32, #tpu.memory_space<vmem>>[vector<16xi32>], vector<16xi32>, vector<16xi1>
        %add3A_339 = arith.constant 101376 : i32
        %add3A_340 = arith.addi %mul3A_2, %add3A_339 : i32
        %mul3A_341 = arith.constant 128 : i32
        %mul3A_342 = arith.muli %scan3A_86, %mul3A_341 : i32
        %add3A_343 = arith.addi %add3A_340, %mul3A_342 : i32
        %add3A_344 = arith.constant 64 : i32
        %add3A_345 = arith.addi %add3A_343, %add3A_344 : i32
        %add3A_346 = vector.broadcast %add3A_345 : i32 to vector<16xi32>
        %add3A_347 = arith.addi %add3A_346, %iota3A : vector<16xi32>
        tpu.vector_store_idx %arg9[%and3A_336], %add3A_347 masked %eq3A_186 : memref<2048xi32, #tpu.memory_space<vmem>>[vector<16xi32>], vector<16xi32>, vector<16xi1>
        %add3A_348 = arith.addi %add3A_331, %all_reduce_population_count3A_195 : vector<16xi32>
        %sub3A_349 = arith.subi %masked_cumsum3A_217, %select_n3A_214 : vector<16xi32>
        %add3A_350 = arith.addi %add3A_348, %sub3A_349 : vector<16xi32>
        %and3A_351 = arith.constant 2047 : i32
        %and3A_352 = vector.broadcast %and3A_351 : i32 to vector<16xi32>
        %and3A_353 = arith.andi %add3A_350, %and3A_352 : vector<16xi32>
        %sub3A_354 = vector.broadcast %mul3A_10 : i32 to vector<16xi32>
        %sub3A_355 = arith.subi %get3A_202, %sub3A_354 : vector<16xi32>
        tpu.vector_store_idx %arg8[%and3A_353], %sub3A_355 masked %eq3A_209 : memref<2048xi32, #tpu.memory_space<vmem>>[vector<16xi32>], vector<16xi32>, vector<16xi1>
        %add3A_356 = arith.constant 101376 : i32
        %add3A_357 = arith.addi %mul3A_2, %add3A_356 : i32
        %mul3A_358 = arith.constant 128 : i32
        %mul3A_359 = arith.muli %scan3A_86, %mul3A_358 : i32
        %add3A_360 = arith.addi %add3A_357, %mul3A_359 : i32
        %add3A_361 = arith.constant 80 : i32
        %add3A_362 = arith.addi %add3A_360, %add3A_361 : i32
        %add3A_363 = vector.broadcast %add3A_362 : i32 to vector<16xi32>
        %add3A_364 = arith.addi %add3A_363, %iota3A : vector<16xi32>
        tpu.vector_store_idx %arg9[%and3A_353], %add3A_364 masked %eq3A_209 : memref<2048xi32, #tpu.memory_space<vmem>>[vector<16xi32>], vector<16xi32>, vector<16xi1>
        %add3A_365 = arith.addi %add3A_348, %all_reduce_population_count3A_218 : vector<16xi32>
        %sub3A_366 = arith.subi %masked_cumsum3A_240, %select_n3A_237 : vector<16xi32>
        %add3A_367 = arith.addi %add3A_365, %sub3A_366 : vector<16xi32>
        %and3A_368 = arith.constant 2047 : i32
        %and3A_369 = vector.broadcast %and3A_368 : i32 to vector<16xi32>
        %and3A_370 = arith.andi %add3A_367, %and3A_369 : vector<16xi32>
        %sub3A_371 = vector.broadcast %mul3A_10 : i32 to vector<16xi32>
        %sub3A_372 = arith.subi %get3A_225, %sub3A_371 : vector<16xi32>
        tpu.vector_store_idx %arg8[%and3A_370], %sub3A_372 masked %eq3A_232 : memref<2048xi32, #tpu.memory_space<vmem>>[vector<16xi32>], vector<16xi32>, vector<16xi1>
        %add3A_373 = arith.constant 101376 : i32
        %add3A_374 = arith.addi %mul3A_2, %add3A_373 : i32
        %mul3A_375 = arith.constant 128 : i32
        %mul3A_376 = arith.muli %scan3A_86, %mul3A_375 : i32
        %add3A_377 = arith.addi %add3A_374, %mul3A_376 : i32
        %add3A_378 = arith.constant 96 : i32
        %add3A_379 = arith.addi %add3A_377, %add3A_378 : i32
        %add3A_380 = vector.broadcast %add3A_379 : i32 to vector<16xi32>
        %add3A_381 = arith.addi %add3A_380, %iota3A : vector<16xi32>
        tpu.vector_store_idx %arg9[%and3A_370], %add3A_381 masked %eq3A_232 : memref<2048xi32, #tpu.memory_space<vmem>>[vector<16xi32>], vector<16xi32>, vector<16xi1>
        %add3A_382 = arith.addi %add3A_365, %all_reduce_population_count3A_241 : vector<16xi32>
        %sub3A_383 = arith.subi %masked_cumsum3A_263, %select_n3A_260 : vector<16xi32>
        %add3A_384 = arith.addi %add3A_382, %sub3A_383 : vector<16xi32>
        %and3A_385 = arith.constant 2047 : i32
        %and3A_386 = vector.broadcast %and3A_385 : i32 to vector<16xi32>
        %and3A_387 = arith.andi %add3A_384, %and3A_386 : vector<16xi32>
        %sub3A_388 = vector.broadcast %mul3A_10 : i32 to vector<16xi32>
        %sub3A_389 = arith.subi %get3A_248, %sub3A_388 : vector<16xi32>
        tpu.vector_store_idx %arg8[%and3A_387], %sub3A_389 masked %eq3A_255 : memref<2048xi32, #tpu.memory_space<vmem>>[vector<16xi32>], vector<16xi32>, vector<16xi1>
        %add3A_390 = arith.constant 101376 : i32
        %add3A_391 = arith.addi %mul3A_2, %add3A_390 : i32
        %mul3A_392 = arith.constant 128 : i32
        %mul3A_393 = arith.muli %scan3A_86, %mul3A_392 : i32
        %add3A_394 = arith.addi %add3A_391, %mul3A_393 : i32
        %add3A_395 = arith.constant 112 : i32
        %add3A_396 = arith.addi %add3A_394, %add3A_395 : i32
        %add3A_397 = vector.broadcast %add3A_396 : i32 to vector<16xi32>
        %add3A_398 = arith.addi %add3A_397, %iota3A : vector<16xi32>
        tpu.vector_store_idx %arg9[%and3A_387], %add3A_398 masked %eq3A_255 : memref<2048xi32, #tpu.memory_space<vmem>>[vector<16xi32>], vector<16xi32>, vector<16xi1>
        %add3A_399 = arith.addi %add3A_382, %all_reduce_population_count3A_264 : vector<16xi32>
        scf.yield %add3A_399 : vector<16xi32>
      }
      %scan3A_59 = arith.constant 8 : i32
      %reduce_max3A_60 = arith.constant true
      %reduce_max3A_61 = vector.broadcast %reduce_max3A_60 : i1 to vector<16xi1>
      %reduce_max3A_62 = arith.constant -2147483648 : i32
      %reduce_max3A_63 = vector.broadcast %reduce_max3A_62 : i32 to vector<16xi32>
      %reduce_max3A_64 = arith.xori %scan3A_58, %reduce_max3A_63 : vector<16xi32>
      %reduce_max3A_65 = tpu.scan <max>, %reduce_max3A_64 masked %reduce_max3A_61 : vector<16xi32>, vector<16xi1> -> vector<16xi32>
      %reduce_max3A_66 = arith.xori %reduce_max3A_65, %reduce_max3A_63 : vector<16xi32>
      %reduce_max3A_67 = vector.extract %reduce_max3A_66[15] : i32 from vector<16xi32>
      %while3A_68:3 = scf.while (%while3A_86 = %reduce_max3A_67, %while3A_87 = %while3A#1, %while3A_88 = %while3A#2) : (i32, i32, i32) -> (i32, i32, i32) {
        %sub3A_89 = arith.subi %while3A_86, %while3A_87 : i32
        %ge3A_90 = arith.constant 128 : i32
        %ge3A_91 = arith.cmpi sge, %sub3A_89, %ge3A_90 : i32
        scf.condition(%ge3A_91) %while3A_86, %while3A_87, %while3A_88 : i32, i32, i32
      } do {
      ^bb0(%while3A_86: i32, %while3A_87: i32, %while3A_88: i32):
        %and3A = arith.constant 2047 : i32
        %and3A_89 = arith.andi %while3A_87, %and3A : i32
        %and3A_90 = arith.constant 1 : i32
        %and3A_91 = arith.andi %while3A_88, %and3A_90 : i32
        %eq3A = arith.constant 0 : i32
        %eq3A_92 = arith.cmpi eq, %and3A_91, %eq3A : i32
        %convert_element_type3A_93 = arith.extui %eq3A_92 : i1 to i32
        %cond3A_94 = arith.constant 0 : i32
        %cond3A_95 = arith.cmpi ne, %convert_element_type3A_93, %cond3A_94 : i32
        scf.if %cond3A_95 {
          %ge3A_107 = arith.constant 1 : i32
          %ge3A_108 = arith.cmpi sge, %while3A_88, %ge3A_107 : i32
          %convert_element_type3A_109 = arith.extui %ge3A_108 : i1 to i32
          %cond3A_110 = arith.constant 0 : i32
          %cond3A_111 = arith.cmpi ne, %convert_element_type3A_109, %cond3A_110 : i32
          scf.if %cond3A_111 {
            %dma_wait3A_126 = arith.constant 0 : i32
            %dma_wait3A_127 = arith.constant 0 : i32
            %dma_wait3A_128 = tpu.memref_slice %arg5[%dma_wait3A_126, %dma_wait3A_127] : memref<11392x128xf32, #tpu.memory_space<vmem_shared>> -> memref<11392x128xf32, #tpu.memory_space<vmem_shared>>
            tpu.wait_indirect_dma semaphore(%arg19 : memref<!tpu.dma_semaphore, #tpu.memory_space<semaphore_mem>>) src(%dma_wait3A_128 : memref<11392x128xf32, #tpu.memory_space<vmem_shared>>) dst(%arg15 : memref<128x128xf32, #tpu.memory_space<vmem>>)
            %dma_start3A_129 = arith.constant 0 : i32
            %dma_start3A_130 = arith.constant 0 : i32
            %dma_start3A_131 = tpu.memref_slice %arg4[%dma_start3A_129, %dma_start3A_130] : memref<3276800x128xf32, #tpu.memory_space<hbm>> -> memref<3276800x128xf32, #tpu.memory_space<hbm>>
            tpu.enqueue_indirect_dma source(%arg15 : memref<128x128xf32, #tpu.memory_space<vmem>>) target(%dma_start3A_131 : memref<3276800x128xf32, #tpu.memory_space<hbm>>) offsets(%arg13 : memref<128xi32, #tpu.memory_space<vmem>>) semaphore(%arg21 : memref<!tpu.dma_semaphore, #tpu.memory_space<semaphore_mem>>)
          } else {
          }
          %ge3A_112 = arith.constant 2 : i32
          %ge3A_113 = arith.cmpi sge, %while3A_88, %ge3A_112 : i32
          %convert_element_type3A_114 = arith.extui %ge3A_113 : i1 to i32
          %cond3A_115 = arith.constant 0 : i32
          %cond3A_116 = arith.cmpi ne, %convert_element_type3A_114, %cond3A_115 : i32
          scf.if %cond3A_116 {
            %dma_wait3A_126 = arith.constant 0 : i32
            %dma_wait3A_127 = arith.constant 0 : i32
            %dma_wait3A_128 = tpu.memref_slice %arg4[%dma_wait3A_126, %dma_wait3A_127] : memref<3276800x128xf32, #tpu.memory_space<hbm>> -> memref<3276800x128xf32, #tpu.memory_space<hbm>>
            tpu.wait_indirect_dma semaphore(%arg20 : memref<!tpu.dma_semaphore, #tpu.memory_space<semaphore_mem>>) src(%arg14 : memref<128x128xf32, #tpu.memory_space<vmem>>) dst(%dma_wait3A_128 : memref<3276800x128xf32, #tpu.memory_space<hbm>>)
          } else {
          }
          %scan3A_117 = arith.constant 0 : i32
          %scan3A_118 = arith.constant 0 : i32
          %scan3A_119 = arith.constant 8 : i32
          %scan3A_120 = arith.addi %scan3A_118, %scan3A_119 : i32
          %scan3A_121 = arith.constant 1 : i32
          scf.for %scan3A_126 = %scan3A_118 to %scan3A_120 step %scan3A_121  : i32 {
            %mul3A_127 = arith.constant 16 : i32
            %mul3A_128 = arith.muli %scan3A_126, %mul3A_127 : i32
            %add3A_129 = arith.addi %and3A_89, %mul3A_128 : i32
            %get3A = arith.index_cast %add3A_129 : i32 to index
            %get3A_130 = tpu.vector_load %arg8[%get3A] {strides = array<i32>} : memref<2048xi32, #tpu.memory_space<vmem>>, vector<16xi32>,
            %mul3A_131 = arith.constant 16 : i32
            %mul3A_132 = arith.muli %scan3A_126, %mul3A_131 : i32
            %swap3A = arith.index_cast %mul3A_132 : i32 to index
            %swap3A_133 = tpu.vector_load %arg10[%swap3A] {strides = array<i32>} : memref<128xi32, #tpu.memory_space<vmem>>, vector<16xi32>,
            tpu.vector_store %arg10[%swap3A], %get3A_130 {strides = array<i32>} : memref<128xi32, #tpu.memory_space<vmem>>, vector<16xi32>,
            %mul3A_134 = arith.constant 16 : i32
            %mul3A_135 = arith.muli %scan3A_126, %mul3A_134 : i32
            %add3A_136 = arith.addi %and3A_89, %mul3A_135 : i32
            %get3A_137 = arith.index_cast %add3A_136 : i32 to index
            %get3A_138 = tpu.vector_load %arg9[%get3A_137] {strides = array<i32>} : memref<2048xi32, #tpu.memory_space<vmem>>, vector<16xi32>,
            %mul3A_139 = arith.constant 16 : i32
            %mul3A_140 = arith.muli %scan3A_126, %mul3A_139 : i32
            %swap3A_141 = arith.index_cast %mul3A_140 : i32 to index
            %swap3A_142 = tpu.vector_load %arg12[%swap3A_141] {strides = array<i32>} : memref<128xi32, #tpu.memory_space<vmem>>, vector<16xi32>,
            tpu.vector_store %arg12[%swap3A_141], %get3A_138 {strides = array<i32>} : memref<128xi32, #tpu.memory_space<vmem>>, vector<16xi32>,
          }
          %scan3A_122 = arith.constant 8 : i32
          %dma_start3A_123 = arith.constant 0 : i32
          %dma_start3A_124 = arith.constant 0 : i32
          %dma_start3A_125 = tpu.memref_slice %arg5[%dma_start3A_123, %dma_start3A_124] : memref<11392x128xf32, #tpu.memory_space<vmem_shared>> -> memref<11392x128xf32, #tpu.memory_space<vmem_shared>>
          tpu.enqueue_indirect_dma source(%dma_start3A_125 : memref<11392x128xf32, #tpu.memory_space<vmem_shared>>) target(%arg14 : memref<128x128xf32, #tpu.memory_space<vmem>>) offsets(%arg10 : memref<128xi32, #tpu.memory_space<vmem>>) semaphore(%arg18 : memref<!tpu.dma_semaphore, #tpu.memory_space<semaphore_mem>>)
        } else {
        }
        %and3A_96 = arith.constant 1 : i32
        %and3A_97 = arith.andi %while3A_88, %and3A_96 : i32
        %eq3A_98 = arith.constant 1 : i32
        %eq3A_99 = arith.cmpi eq, %and3A_97, %eq3A_98 : i32
        %convert_element_type3A_100 = arith.extui %eq3A_99 : i1 to i32
        %cond3A_101 = arith.constant 0 : i32
        %cond3A_102 = arith.cmpi ne, %convert_element_type3A_100, %cond3A_101 : i32
        scf.if %cond3A_102 {
          %ge3A_107 = arith.constant 1 : i32
          %ge3A_108 = arith.cmpi sge, %while3A_88, %ge3A_107 : i32
          %convert_element_type3A_109 = arith.extui %ge3A_108 : i1 to i32
          %cond3A_110 = arith.constant 0 : i32
          %cond3A_111 = arith.cmpi ne, %convert_element_type3A_109, %cond3A_110 : i32
          scf.if %cond3A_111 {
            %dma_wait3A_126 = arith.constant 0 : i32
            %dma_wait3A_127 = arith.constant 0 : i32
            %dma_wait3A_128 = tpu.memref_slice %arg5[%dma_wait3A_126, %dma_wait3A_127] : memref<11392x128xf32, #tpu.memory_space<vmem_shared>> -> memref<11392x128xf32, #tpu.memory_space<vmem_shared>>
            tpu.wait_indirect_dma semaphore(%arg18 : memref<!tpu.dma_semaphore, #tpu.memory_space<semaphore_mem>>) src(%dma_wait3A_128 : memref<11392x128xf32, #tpu.memory_space<vmem_shared>>) dst(%arg14 : memref<128x128xf32, #tpu.memory_space<vmem>>)
            %dma_start3A_129 = arith.constant 0 : i32
            %dma_start3A_130 = arith.constant 0 : i32
            %dma_start3A_131 = tpu.memref_slice %arg4[%dma_start3A_129, %dma_start3A_130] : memref<3276800x128xf32, #tpu.memory_space<hbm>> -> memref<3276800x128xf32, #tpu.memory_space<hbm>>
            tpu.enqueue_indirect_dma source(%arg14 : memref<128x128xf32, #tpu.memory_space<vmem>>) target(%dma_start3A_131 : memref<3276800x128xf32, #tpu.memory_space<hbm>>) offsets(%arg12 : memref<128xi32, #tpu.memory_space<vmem>>) semaphore(%arg20 : memref<!tpu.dma_semaphore, #tpu.memory_space<semaphore_mem>>)
          } else {
          }
          %ge3A_112 = arith.constant 2 : i32
          %ge3A_113 = arith.cmpi sge, %while3A_88, %ge3A_112 : i32
          %convert_element_type3A_114 = arith.extui %ge3A_113 : i1 to i32
          %cond3A_115 = arith.constant 0 : i32
          %cond3A_116 = arith.cmpi ne, %convert_element_type3A_114, %cond3A_115 : i32
          scf.if %cond3A_116 {
            %dma_wait3A_126 = arith.constant 0 : i32
            %dma_wait3A_127 = arith.constant 0 : i32
            %dma_wait3A_128 = tpu.memref_slice %arg4[%dma_wait3A_126, %dma_wait3A_127] : memref<3276800x128xf32, #tpu.memory_space<hbm>> -> memref<3276800x128xf32, #tpu.memory_space<hbm>>
            tpu.wait_indirect_dma semaphore(%arg21 : memref<!tpu.dma_semaphore, #tpu.memory_space<semaphore_mem>>) src(%arg15 : memref<128x128xf32, #tpu.memory_space<vmem>>) dst(%dma_wait3A_128 : memref<3276800x128xf32, #tpu.memory_space<hbm>>)
          } else {
          }
          %scan3A_117 = arith.constant 0 : i32
          %scan3A_118 = arith.constant 0 : i32
          %scan3A_119 = arith.constant 8 : i32
          %scan3A_120 = arith.addi %scan3A_118, %scan3A_119 : i32
          %scan3A_121 = arith.constant 1 : i32
          scf.for %scan3A_126 = %scan3A_118 to %scan3A_120 step %scan3A_121  : i32 {
            %mul3A_127 = arith.constant 16 : i32
            %mul3A_128 = arith.muli %scan3A_126, %mul3A_127 : i32
            %add3A_129 = arith.addi %and3A_89, %mul3A_128 : i32
            %get3A = arith.index_cast %add3A_129 : i32 to index
            %get3A_130 = tpu.vector_load %arg8[%get3A] {strides = array<i32>} : memref<2048xi32, #tpu.memory_space<vmem>>, vector<16xi32>,
            %mul3A_131 = arith.constant 16 : i32
            %mul3A_132 = arith.muli %scan3A_126, %mul3A_131 : i32
            %swap3A = arith.index_cast %mul3A_132 : i32 to index
            %swap3A_133 = tpu.vector_load %arg11[%swap3A] {strides = array<i32>} : memref<128xi32, #tpu.memory_space<vmem>>, vector<16xi32>,
            tpu.vector_store %arg11[%swap3A], %get3A_130 {strides = array<i32>} : memref<128xi32, #tpu.memory_space<vmem>>, vector<16xi32>,
            %mul3A_134 = arith.constant 16 : i32
            %mul3A_135 = arith.muli %scan3A_126, %mul3A_134 : i32
            %add3A_136 = arith.addi %and3A_89, %mul3A_135 : i32
            %get3A_137 = arith.index_cast %add3A_136 : i32 to index
            %get3A_138 = tpu.vector_load %arg9[%get3A_137] {strides = array<i32>} : memref<2048xi32, #tpu.memory_space<vmem>>, vector<16xi32>,
            %mul3A_139 = arith.constant 16 : i32
            %mul3A_140 = arith.muli %scan3A_126, %mul3A_139 : i32
            %swap3A_141 = arith.index_cast %mul3A_140 : i32 to index
            %swap3A_142 = tpu.vector_load %arg13[%swap3A_141] {strides = array<i32>} : memref<128xi32, #tpu.memory_space<vmem>>, vector<16xi32>,
            tpu.vector_store %arg13[%swap3A_141], %get3A_138 {strides = array<i32>} : memref<128xi32, #tpu.memory_space<vmem>>, vector<16xi32>,
          }
          %scan3A_122 = arith.constant 8 : i32
          %dma_start3A_123 = arith.constant 0 : i32
          %dma_start3A_124 = arith.constant 0 : i32
          %dma_start3A_125 = tpu.memref_slice %arg5[%dma_start3A_123, %dma_start3A_124] : memref<11392x128xf32, #tpu.memory_space<vmem_shared>> -> memref<11392x128xf32, #tpu.memory_space<vmem_shared>>
          tpu.enqueue_indirect_dma source(%dma_start3A_125 : memref<11392x128xf32, #tpu.memory_space<vmem_shared>>) target(%arg15 : memref<128x128xf32, #tpu.memory_space<vmem>>) offsets(%arg11 : memref<128xi32, #tpu.memory_space<vmem>>) semaphore(%arg19 : memref<!tpu.dma_semaphore, #tpu.memory_space<semaphore_mem>>)
        } else {
        }
        %add3A_103 = arith.constant 128 : i32
        %add3A_104 = arith.addi %while3A_87, %add3A_103 : i32
        %add3A_105 = arith.constant 1 : i32
        %add3A_106 = arith.addi %while3A_88, %add3A_105 : i32
        scf.yield %while3A_86, %add3A_104, %add3A_106 : i32, i32, i32
      }
      %sub3A = arith.subi %while3A_68#0, %while3A_68#1 : i32
      %gt3A = arith.constant 0 : i32
      %gt3A_69 = arith.cmpi sgt, %sub3A, %gt3A : i32
      %convert_element_type3A = arith.extui %gt3A_69 : i1 to i32
      %cond3A = arith.constant 0 : i32
      %cond3A_70 = arith.cmpi ne, %convert_element_type3A, %cond3A : i32
      %cond3A_71:3 = scf.if %cond3A_70 -> (i32, i32, i32) {
        %sub3A_86 = arith.subi %while3A_68#0, %while3A_68#1 : i32
        %and3A = arith.constant 2047 : i32
        %and3A_87 = arith.andi %while3A_68#1, %and3A : i32
        %get3A = arith.index_cast %and3A_87 : i32 to index
        %get3A_88 = tpu.vector_load %arg8[%get3A] {strides = array<i32>} : memref<2048xi32, #tpu.memory_space<vmem>>, vector<16xi32>,
        %get3A_89 = arith.index_cast %and3A_87 : i32 to index
        %get3A_90 = tpu.vector_load %arg9[%get3A_89] {strides = array<i32>} : memref<2048xi32, #tpu.memory_space<vmem>>, vector<16xi32>,
        %eq3A = arith.constant 0 : i32
        %eq3A_91 = vector.broadcast %eq3A : i32 to vector<16xi32>
        %eq3A_92 = arith.cmpi eq, %iota3A, %eq3A_91 : vector<16xi32>
        %jit3A = arith.constant 2147483647 : i32
        %broadcast_in_dim3A_93 = vector.broadcast %jit3A : i32 to vector<16xi32>
        %select_n3A = arith.select %eq3A_92, %get3A_88, %broadcast_in_dim3A_93 : vector<16xi1>, vector<16xi32>
        %reduce_min3A = arith.constant true
        %reduce_min3A_94 = vector.broadcast %reduce_min3A : i1 to vector<16xi1>
        %reduce_min3A_95 = arith.constant -2147483648 : i32
        %reduce_min3A_96 = vector.broadcast %reduce_min3A_95 : i32 to vector<16xi32>
        %reduce_min3A_97 = arith.xori %select_n3A, %reduce_min3A_96 : vector<16xi32>
        %reduce_min3A_98 = tpu.scan <min>, %reduce_min3A_97 masked %reduce_min3A_94 : vector<16xi32>, vector<16xi1> -> vector<16xi32>
        %reduce_min3A_99 = arith.xori %reduce_min3A_98, %reduce_min3A_96 : vector<16xi32>
        %reduce_min3A_100 = vector.extract %reduce_min3A_99[15] : i32 from vector<16xi32>
        %eq3A_101 = arith.constant 0 : i32
        %eq3A_102 = vector.broadcast %eq3A_101 : i32 to vector<16xi32>
        %eq3A_103 = arith.cmpi eq, %iota3A, %eq3A_102 : vector<16xi32>
        %jit3A_104 = arith.constant 2147483647 : i32
        %broadcast_in_dim3A_105 = vector.broadcast %jit3A_104 : i32 to vector<16xi32>
        %select_n3A_106 = arith.select %eq3A_103, %get3A_90, %broadcast_in_dim3A_105 : vector<16xi1>, vector<16xi32>
        %reduce_min3A_107 = arith.constant true
        %reduce_min3A_108 = vector.broadcast %reduce_min3A_107 : i1 to vector<16xi1>
        %reduce_min3A_109 = arith.constant -2147483648 : i32
        %reduce_min3A_110 = vector.broadcast %reduce_min3A_109 : i32 to vector<16xi32>
        %reduce_min3A_111 = arith.xori %select_n3A_106, %reduce_min3A_110 : vector<16xi32>
        %reduce_min3A_112 = tpu.scan <min>, %reduce_min3A_111 masked %reduce_min3A_108 : vector<16xi32>, vector<16xi1> -> vector<16xi32>
        %reduce_min3A_113 = arith.xori %reduce_min3A_112, %reduce_min3A_110 : vector<16xi32>
        %reduce_min3A_114 = vector.extract %reduce_min3A_113[15] : i32 from vector<16xi32>
        %sub3A_115 = arith.constant 128 : i32
        %sub3A_116 = arith.subi %sub3A_115, %sub3A_86 : i32
        %scan3A_117 = arith.constant 0 : i32
        %scan3A_118 = arith.constant 0 : i32
        %scan3A_119 = arith.constant 8 : i32
        %scan3A_120 = arith.addi %scan3A_118, %scan3A_119 : i32
        %scan3A_121 = arith.constant 1 : i32
        scf.for %scan3A_144 = %scan3A_118 to %scan3A_120 step %scan3A_121  : i32 {
          %mul3A_145 = arith.constant 16 : i32
          %mul3A_146 = arith.muli %scan3A_144, %mul3A_145 : i32
          %add3A_147 = arith.addi %while3A_68#0, %mul3A_146 : i32
          %add3A_148 = vector.broadcast %add3A_147 : i32 to vector<16xi32>
          %add3A_149 = arith.addi %add3A_148, %iota3A : vector<16xi32>
          %and3A_150 = arith.constant 2047 : i32
          %and3A_151 = vector.broadcast %and3A_150 : i32 to vector<16xi32>
          %and3A_152 = arith.andi %add3A_149, %and3A_151 : vector<16xi32>
          %mul3A_153 = arith.constant 16 : i32
          %mul3A_154 = arith.muli %scan3A_144, %mul3A_153 : i32
          %add3A_155 = vector.broadcast %mul3A_154 : i32 to vector<16xi32>
          %add3A_156 = arith.addi %add3A_155, %iota3A : vector<16xi32>
          %lt3A = vector.broadcast %sub3A_116 : i32 to vector<16xi32>
          %lt3A_157 = arith.cmpi slt, %add3A_156, %lt3A : vector<16xi32>
          %broadcast_in_dim3A_158 = vector.broadcast %reduce_min3A_100 : i32 to vector<16xi32>
          tpu.vector_store_idx %arg8[%and3A_152], %broadcast_in_dim3A_158 masked %lt3A_157 : memref<2048xi32, #tpu.memory_space<vmem>>[vector<16xi32>], vector<16xi32>, vector<16xi1>
          %broadcast_in_dim3A_159 = vector.broadcast %reduce_min3A_114 : i32 to vector<16xi32>
          tpu.vector_store_idx %arg9[%and3A_152], %broadcast_in_dim3A_159 masked %lt3A_157 : memref<2048xi32, #tpu.memory_space<vmem>>[vector<16xi32>], vector<16xi32>, vector<16xi1>
        }
        %scan3A_122 = arith.constant 8 : i32
        %add3A_123 = arith.addi %while3A_68#0, %sub3A_116 : i32
        %and3A_124 = arith.constant 2047 : i32
        %and3A_125 = arith.andi %while3A_68#1, %and3A_124 : i32
        %and3A_126 = arith.constant 1 : i32
        %and3A_127 = arith.andi %while3A_68#2, %and3A_126 : i32
        %eq3A_128 = arith.constant 0 : i32
        %eq3A_129 = arith.cmpi eq, %and3A_127, %eq3A_128 : i32
        %convert_element_type3A_130 = arith.extui %eq3A_129 : i1 to i32
        %cond3A_131 = arith.constant 0 : i32
        %cond3A_132 = arith.cmpi ne, %convert_element_type3A_130, %cond3A_131 : i32
        scf.if %cond3A_132 {
          %ge3A_144 = arith.constant 1 : i32
          %ge3A_145 = arith.cmpi sge, %while3A_68#2, %ge3A_144 : i32
          %convert_element_type3A_146 = arith.extui %ge3A_145 : i1 to i32
          %cond3A_147 = arith.constant 0 : i32
          %cond3A_148 = arith.cmpi ne, %convert_element_type3A_146, %cond3A_147 : i32
          scf.if %cond3A_148 {
            %dma_wait3A_163 = arith.constant 0 : i32
            %dma_wait3A_164 = arith.constant 0 : i32
            %dma_wait3A_165 = tpu.memref_slice %arg5[%dma_wait3A_163, %dma_wait3A_164] : memref<11392x128xf32, #tpu.memory_space<vmem_shared>> -> memref<11392x128xf32, #tpu.memory_space<vmem_shared>>
            tpu.wait_indirect_dma semaphore(%arg19 : memref<!tpu.dma_semaphore, #tpu.memory_space<semaphore_mem>>) src(%dma_wait3A_165 : memref<11392x128xf32, #tpu.memory_space<vmem_shared>>) dst(%arg15 : memref<128x128xf32, #tpu.memory_space<vmem>>)
            %dma_start3A_166 = arith.constant 0 : i32
            %dma_start3A_167 = arith.constant 0 : i32
            %dma_start3A_168 = tpu.memref_slice %arg4[%dma_start3A_166, %dma_start3A_167] : memref<3276800x128xf32, #tpu.memory_space<hbm>> -> memref<3276800x128xf32, #tpu.memory_space<hbm>>
            tpu.enqueue_indirect_dma source(%arg15 : memref<128x128xf32, #tpu.memory_space<vmem>>) target(%dma_start3A_168 : memref<3276800x128xf32, #tpu.memory_space<hbm>>) offsets(%arg13 : memref<128xi32, #tpu.memory_space<vmem>>) semaphore(%arg21 : memref<!tpu.dma_semaphore, #tpu.memory_space<semaphore_mem>>)
          } else {
          }
          %ge3A_149 = arith.constant 2 : i32
          %ge3A_150 = arith.cmpi sge, %while3A_68#2, %ge3A_149 : i32
          %convert_element_type3A_151 = arith.extui %ge3A_150 : i1 to i32
          %cond3A_152 = arith.constant 0 : i32
          %cond3A_153 = arith.cmpi ne, %convert_element_type3A_151, %cond3A_152 : i32
          scf.if %cond3A_153 {
            %dma_wait3A_163 = arith.constant 0 : i32
            %dma_wait3A_164 = arith.constant 0 : i32
            %dma_wait3A_165 = tpu.memref_slice %arg4[%dma_wait3A_163, %dma_wait3A_164] : memref<3276800x128xf32, #tpu.memory_space<hbm>> -> memref<3276800x128xf32, #tpu.memory_space<hbm>>
            tpu.wait_indirect_dma semaphore(%arg20 : memref<!tpu.dma_semaphore, #tpu.memory_space<semaphore_mem>>) src(%arg14 : memref<128x128xf32, #tpu.memory_space<vmem>>) dst(%dma_wait3A_165 : memref<3276800x128xf32, #tpu.memory_space<hbm>>)
          } else {
          }
          %scan3A_154 = arith.constant 0 : i32
          %scan3A_155 = arith.constant 0 : i32
          %scan3A_156 = arith.constant 8 : i32
          %scan3A_157 = arith.addi %scan3A_155, %scan3A_156 : i32
          %scan3A_158 = arith.constant 1 : i32
          scf.for %scan3A_163 = %scan3A_155 to %scan3A_157 step %scan3A_158  : i32 {
            %mul3A_164 = arith.constant 16 : i32
            %mul3A_165 = arith.muli %scan3A_163, %mul3A_164 : i32
            %add3A_166 = arith.addi %and3A_125, %mul3A_165 : i32
            %get3A_167 = arith.index_cast %add3A_166 : i32 to index
            %get3A_168 = tpu.vector_load %arg8[%get3A_167] {strides = array<i32>} : memref<2048xi32, #tpu.memory_space<vmem>>, vector<16xi32>,
            %mul3A_169 = arith.constant 16 : i32
            %mul3A_170 = arith.muli %scan3A_163, %mul3A_169 : i32
            %swap3A = arith.index_cast %mul3A_170 : i32 to index
            %swap3A_171 = tpu.vector_load %arg10[%swap3A] {strides = array<i32>} : memref<128xi32, #tpu.memory_space<vmem>>, vector<16xi32>,
            tpu.vector_store %arg10[%swap3A], %get3A_168 {strides = array<i32>} : memref<128xi32, #tpu.memory_space<vmem>>, vector<16xi32>,
            %mul3A_172 = arith.constant 16 : i32
            %mul3A_173 = arith.muli %scan3A_163, %mul3A_172 : i32
            %add3A_174 = arith.addi %and3A_125, %mul3A_173 : i32
            %get3A_175 = arith.index_cast %add3A_174 : i32 to index
            %get3A_176 = tpu.vector_load %arg9[%get3A_175] {strides = array<i32>} : memref<2048xi32, #tpu.memory_space<vmem>>, vector<16xi32>,
            %mul3A_177 = arith.constant 16 : i32
            %mul3A_178 = arith.muli %scan3A_163, %mul3A_177 : i32
            %swap3A_179 = arith.index_cast %mul3A_178 : i32 to index
            %swap3A_180 = tpu.vector_load %arg12[%swap3A_179] {strides = array<i32>} : memref<128xi32, #tpu.memory_space<vmem>>, vector<16xi32>,
            tpu.vector_store %arg12[%swap3A_179], %get3A_176 {strides = array<i32>} : memref<128xi32, #tpu.memory_space<vmem>>, vector<16xi32>,
          }
          %scan3A_159 = arith.constant 8 : i32
          %dma_start3A_160 = arith.constant 0 : i32
          %dma_start3A_161 = arith.constant 0 : i32
          %dma_start3A_162 = tpu.memref_slice %arg5[%dma_start3A_160, %dma_start3A_161] : memref<11392x128xf32, #tpu.memory_space<vmem_shared>> -> memref<11392x128xf32, #tpu.memory_space<vmem_shared>>
          tpu.enqueue_indirect_dma source(%dma_start3A_162 : memref<11392x128xf32, #tpu.memory_space<vmem_shared>>) target(%arg14 : memref<128x128xf32, #tpu.memory_space<vmem>>) offsets(%arg10 : memref<128xi32, #tpu.memory_space<vmem>>) semaphore(%arg18 : memref<!tpu.dma_semaphore, #tpu.memory_space<semaphore_mem>>)
        } else {
        }
        %and3A_133 = arith.constant 1 : i32
        %and3A_134 = arith.andi %while3A_68#2, %and3A_133 : i32
        %eq3A_135 = arith.constant 1 : i32
        %eq3A_136 = arith.cmpi eq, %and3A_134, %eq3A_135 : i32
        %convert_element_type3A_137 = arith.extui %eq3A_136 : i1 to i32
        %cond3A_138 = arith.constant 0 : i32
        %cond3A_139 = arith.cmpi ne, %convert_element_type3A_137, %cond3A_138 : i32
        scf.if %cond3A_139 {
          %ge3A_144 = arith.constant 1 : i32
          %ge3A_145 = arith.cmpi sge, %while3A_68#2, %ge3A_144 : i32
          %convert_element_type3A_146 = arith.extui %ge3A_145 : i1 to i32
          %cond3A_147 = arith.constant 0 : i32
          %cond3A_148 = arith.cmpi ne, %convert_element_type3A_146, %cond3A_147 : i32
          scf.if %cond3A_148 {
            %dma_wait3A_163 = arith.constant 0 : i32
            %dma_wait3A_164 = arith.constant 0 : i32
            %dma_wait3A_165 = tpu.memref_slice %arg5[%dma_wait3A_163, %dma_wait3A_164] : memref<11392x128xf32, #tpu.memory_space<vmem_shared>> -> memref<11392x128xf32, #tpu.memory_space<vmem_shared>>
            tpu.wait_indirect_dma semaphore(%arg18 : memref<!tpu.dma_semaphore, #tpu.memory_space<semaphore_mem>>) src(%dma_wait3A_165 : memref<11392x128xf32, #tpu.memory_space<vmem_shared>>) dst(%arg14 : memref<128x128xf32, #tpu.memory_space<vmem>>)
            %dma_start3A_166 = arith.constant 0 : i32
            %dma_start3A_167 = arith.constant 0 : i32
            %dma_start3A_168 = tpu.memref_slice %arg4[%dma_start3A_166, %dma_start3A_167] : memref<3276800x128xf32, #tpu.memory_space<hbm>> -> memref<3276800x128xf32, #tpu.memory_space<hbm>>
            tpu.enqueue_indirect_dma source(%arg14 : memref<128x128xf32, #tpu.memory_space<vmem>>) target(%dma_start3A_168 : memref<3276800x128xf32, #tpu.memory_space<hbm>>) offsets(%arg12 : memref<128xi32, #tpu.memory_space<vmem>>) semaphore(%arg20 : memref<!tpu.dma_semaphore, #tpu.memory_space<semaphore_mem>>)
          } else {
          }
          %ge3A_149 = arith.constant 2 : i32
          %ge3A_150 = arith.cmpi sge, %while3A_68#2, %ge3A_149 : i32
          %convert_element_type3A_151 = arith.extui %ge3A_150 : i1 to i32
          %cond3A_152 = arith.constant 0 : i32
          %cond3A_153 = arith.cmpi ne, %convert_element_type3A_151, %cond3A_152 : i32
          scf.if %cond3A_153 {
            %dma_wait3A_163 = arith.constant 0 : i32
            %dma_wait3A_164 = arith.constant 0 : i32
            %dma_wait3A_165 = tpu.memref_slice %arg4[%dma_wait3A_163, %dma_wait3A_164] : memref<3276800x128xf32, #tpu.memory_space<hbm>> -> memref<3276800x128xf32, #tpu.memory_space<hbm>>
            tpu.wait_indirect_dma semaphore(%arg21 : memref<!tpu.dma_semaphore, #tpu.memory_space<semaphore_mem>>) src(%arg15 : memref<128x128xf32, #tpu.memory_space<vmem>>) dst(%dma_wait3A_165 : memref<3276800x128xf32, #tpu.memory_space<hbm>>)
          } else {
          }
          %scan3A_154 = arith.constant 0 : i32
          %scan3A_155 = arith.constant 0 : i32
          %scan3A_156 = arith.constant 8 : i32
          %scan3A_157 = arith.addi %scan3A_155, %scan3A_156 : i32
          %scan3A_158 = arith.constant 1 : i32
          scf.for %scan3A_163 = %scan3A_155 to %scan3A_157 step %scan3A_158  : i32 {
            %mul3A_164 = arith.constant 16 : i32
            %mul3A_165 = arith.muli %scan3A_163, %mul3A_164 : i32
            %add3A_166 = arith.addi %and3A_125, %mul3A_165 : i32
            %get3A_167 = arith.index_cast %add3A_166 : i32 to index
            %get3A_168 = tpu.vector_load %arg8[%get3A_167] {strides = array<i32>} : memref<2048xi32, #tpu.memory_space<vmem>>, vector<16xi32>,
            %mul3A_169 = arith.constant 16 : i32
            %mul3A_170 = arith.muli %scan3A_163, %mul3A_169 : i32
            %swap3A = arith.index_cast %mul3A_170 : i32 to index
            %swap3A_171 = tpu.vector_load %arg11[%swap3A] {strides = array<i32>} : memref<128xi32, #tpu.memory_space<vmem>>, vector<16xi32>,
            tpu.vector_store %arg11[%swap3A], %get3A_168 {strides = array<i32>} : memref<128xi32, #tpu.memory_space<vmem>>, vector<16xi32>,
            %mul3A_172 = arith.constant 16 : i32
            %mul3A_173 = arith.muli %scan3A_163, %mul3A_172 : i32
            %add3A_174 = arith.addi %and3A_125, %mul3A_173 : i32
            %get3A_175 = arith.index_cast %add3A_174 : i32 to index
            %get3A_176 = tpu.vector_load %arg9[%get3A_175] {strides = array<i32>} : memref<2048xi32, #tpu.memory_space<vmem>>, vector<16xi32>,
            %mul3A_177 = arith.constant 16 : i32
            %mul3A_178 = arith.muli %scan3A_163, %mul3A_177 : i32
            %swap3A_179 = arith.index_cast %mul3A_178 : i32 to index
            %swap3A_180 = tpu.vector_load %arg13[%swap3A_179] {strides = array<i32>} : memref<128xi32, #tpu.memory_space<vmem>>, vector<16xi32>,
            tpu.vector_store %arg13[%swap3A_179], %get3A_176 {strides = array<i32>} : memref<128xi32, #tpu.memory_space<vmem>>, vector<16xi32>,
          }
          %scan3A_159 = arith.constant 8 : i32
          %dma_start3A_160 = arith.constant 0 : i32
          %dma_start3A_161 = arith.constant 0 : i32
          %dma_start3A_162 = tpu.memref_slice %arg5[%dma_start3A_160, %dma_start3A_161] : memref<11392x128xf32, #tpu.memory_space<vmem_shared>> -> memref<11392x128xf32, #tpu.memory_space<vmem_shared>>
          tpu.enqueue_indirect_dma source(%dma_start3A_162 : memref<11392x128xf32, #tpu.memory_space<vmem_shared>>) target(%arg15 : memref<128x128xf32, #tpu.memory_space<vmem>>) offsets(%arg11 : memref<128xi32, #tpu.memory_space<vmem>>) semaphore(%arg19 : memref<!tpu.dma_semaphore, #tpu.memory_space<semaphore_mem>>)
        } else {
        }
        %add3A_140 = arith.constant 128 : i32
        %add3A_141 = arith.addi %while3A_68#1, %add3A_140 : i32
        %add3A_142 = arith.constant 1 : i32
        %add3A_143 = arith.addi %while3A_68#2, %add3A_142 : i32
        scf.yield %add3A_123, %add3A_141, %add3A_143 : i32, i32, i32
      } else {
        scf.yield %while3A_68#0, %while3A_68#1, %while3A_68#2 : i32, i32, i32
      }
      %ge3A = arith.constant 1 : i32
      %ge3A_72 = arith.cmpi sge, %cond3A_71#2, %ge3A : i32
      %convert_element_type3A_73 = arith.extui %ge3A_72 : i1 to i32
      %cond3A_74 = arith.constant 0 : i32
      %cond3A_75 = arith.cmpi ne, %convert_element_type3A_73, %cond3A_74 : i32
      scf.if %cond3A_75 {
        %sub3A_86 = arith.constant 1 : i32
        %sub3A_87 = arith.subi %cond3A_71#2, %sub3A_86 : i32
        %and3A = arith.constant 1 : i32
        %and3A_88 = arith.andi %sub3A_87, %and3A : i32
        %eq3A = arith.constant 0 : i32
        %eq3A_89 = arith.cmpi eq, %and3A_88, %eq3A : i32
        %convert_element_type3A_90 = arith.extui %eq3A_89 : i1 to i32
        %cond3A_91 = arith.constant 0 : i32
        %cond3A_92 = arith.cmpi ne, %convert_element_type3A_90, %cond3A_91 : i32
        scf.if %cond3A_92 {
          %dma_wait3A_102 = arith.constant 0 : i32
          %dma_wait3A_103 = arith.constant 0 : i32
          %dma_wait3A_104 = tpu.memref_slice %arg5[%dma_wait3A_102, %dma_wait3A_103] : memref<11392x128xf32, #tpu.memory_space<vmem_shared>> -> memref<11392x128xf32, #tpu.memory_space<vmem_shared>>
          tpu.wait_indirect_dma semaphore(%arg18 : memref<!tpu.dma_semaphore, #tpu.memory_space<semaphore_mem>>) src(%dma_wait3A_104 : memref<11392x128xf32, #tpu.memory_space<vmem_shared>>) dst(%arg14 : memref<128x128xf32, #tpu.memory_space<vmem>>)
          %dma_start3A_105 = arith.constant 0 : i32
          %dma_start3A_106 = arith.constant 0 : i32
          %dma_start3A_107 = tpu.memref_slice %arg4[%dma_start3A_105, %dma_start3A_106] : memref<3276800x128xf32, #tpu.memory_space<hbm>> -> memref<3276800x128xf32, #tpu.memory_space<hbm>>
          tpu.enqueue_indirect_dma source(%arg14 : memref<128x128xf32, #tpu.memory_space<vmem>>) target(%dma_start3A_107 : memref<3276800x128xf32, #tpu.memory_space<hbm>>) offsets(%arg12 : memref<128xi32, #tpu.memory_space<vmem>>) semaphore(%arg20 : memref<!tpu.dma_semaphore, #tpu.memory_space<semaphore_mem>>)
        } else {
        }
        %sub3A_93 = arith.constant 1 : i32
        %sub3A_94 = arith.subi %cond3A_71#2, %sub3A_93 : i32
        %and3A_95 = arith.constant 1 : i32
        %and3A_96 = arith.andi %sub3A_94, %and3A_95 : i32
        %eq3A_97 = arith.constant 1 : i32
        %eq3A_98 = arith.cmpi eq, %and3A_96, %eq3A_97 : i32
        %convert_element_type3A_99 = arith.extui %eq3A_98 : i1 to i32
        %cond3A_100 = arith.constant 0 : i32
        %cond3A_101 = arith.cmpi ne, %convert_element_type3A_99, %cond3A_100 : i32
        scf.if %cond3A_101 {
          %dma_wait3A_102 = arith.constant 0 : i32
          %dma_wait3A_103 = arith.constant 0 : i32
          %dma_wait3A_104 = tpu.memref_slice %arg5[%dma_wait3A_102, %dma_wait3A_103] : memref<11392x128xf32, #tpu.memory_space<vmem_shared>> -> memref<11392x128xf32, #tpu.memory_space<vmem_shared>>
          tpu.wait_indirect_dma semaphore(%arg19 : memref<!tpu.dma_semaphore, #tpu.memory_space<semaphore_mem>>) src(%dma_wait3A_104 : memref<11392x128xf32, #tpu.memory_space<vmem_shared>>) dst(%arg15 : memref<128x128xf32, #tpu.memory_space<vmem>>)
          %dma_start3A_105 = arith.constant 0 : i32
          %dma_start3A_106 = arith.constant 0 : i32
          %dma_start3A_107 = tpu.memref_slice %arg4[%dma_start3A_105, %dma_start3A_106] : memref<3276800x128xf32, #tpu.memory_space<hbm>> -> memref<3276800x128xf32, #tpu.memory_space<hbm>>
          tpu.enqueue_indirect_dma source(%arg15 : memref<128x128xf32, #tpu.memory_space<vmem>>) target(%dma_start3A_107 : memref<3276800x128xf32, #tpu.memory_space<hbm>>) offsets(%arg13 : memref<128xi32, #tpu.memory_space<vmem>>) semaphore(%arg21 : memref<!tpu.dma_semaphore, #tpu.memory_space<semaphore_mem>>)
        } else {
        }
      } else {
      }
      %ge3A_76 = arith.constant 2 : i32
      %ge3A_77 = arith.cmpi sge, %cond3A_71#2, %ge3A_76 : i32
      %convert_element_type3A_78 = arith.extui %ge3A_77 : i1 to i32
      %cond3A_79 = arith.constant 0 : i32
      %cond3A_80 = arith.cmpi ne, %convert_element_type3A_78, %cond3A_79 : i32
      scf.if %cond3A_80 {
        %and3A = arith.constant 1 : i32
        %and3A_86 = arith.andi %cond3A_71#2, %and3A : i32
        %eq3A = arith.constant 0 : i32
        %eq3A_87 = arith.cmpi eq, %and3A_86, %eq3A : i32
        %convert_element_type3A_88 = arith.extui %eq3A_87 : i1 to i32
        %cond3A_89 = arith.constant 0 : i32
        %cond3A_90 = arith.cmpi ne, %convert_element_type3A_88, %cond3A_89 : i32
        scf.if %cond3A_90 {
          %dma_wait3A_98 = arith.constant 0 : i32
          %dma_wait3A_99 = arith.constant 0 : i32
          %dma_wait3A_100 = tpu.memref_slice %arg4[%dma_wait3A_98, %dma_wait3A_99] : memref<3276800x128xf32, #tpu.memory_space<hbm>> -> memref<3276800x128xf32, #tpu.memory_space<hbm>>
          tpu.wait_indirect_dma semaphore(%arg20 : memref<!tpu.dma_semaphore, #tpu.memory_space<semaphore_mem>>) src(%arg14 : memref<128x128xf32, #tpu.memory_space<vmem>>) dst(%dma_wait3A_100 : memref<3276800x128xf32, #tpu.memory_space<hbm>>)
        } else {
        }
        %and3A_91 = arith.constant 1 : i32
        %and3A_92 = arith.andi %cond3A_71#2, %and3A_91 : i32
        %eq3A_93 = arith.constant 1 : i32
        %eq3A_94 = arith.cmpi eq, %and3A_92, %eq3A_93 : i32
        %convert_element_type3A_95 = arith.extui %eq3A_94 : i1 to i32
        %cond3A_96 = arith.constant 0 : i32
        %cond3A_97 = arith.cmpi ne, %convert_element_type3A_95, %cond3A_96 : i32
        scf.if %cond3A_97 {
          %dma_wait3A_98 = arith.constant 0 : i32
          %dma_wait3A_99 = arith.constant 0 : i32
          %dma_wait3A_100 = tpu.memref_slice %arg4[%dma_wait3A_98, %dma_wait3A_99] : memref<3276800x128xf32, #tpu.memory_space<hbm>> -> memref<3276800x128xf32, #tpu.memory_space<hbm>>
          tpu.wait_indirect_dma semaphore(%arg21 : memref<!tpu.dma_semaphore, #tpu.memory_space<semaphore_mem>>) src(%arg15 : memref<128x128xf32, #tpu.memory_space<vmem>>) dst(%dma_wait3A_100 : memref<3276800x128xf32, #tpu.memory_space<hbm>>)
        } else {
        }
      } else {
      }
      %ge3A_81 = arith.constant 1 : i32
      %ge3A_82 = arith.cmpi sge, %cond3A_71#2, %ge3A_81 : i32
      %convert_element_type3A_83 = arith.extui %ge3A_82 : i1 to i32
      %cond3A_84 = arith.constant 0 : i32
      %cond3A_85 = arith.cmpi ne, %convert_element_type3A_83, %cond3A_84 : i32
      scf.if %cond3A_85 {
        %sub3A_86 = arith.constant 1 : i32
        %sub3A_87 = arith.subi %cond3A_71#2, %sub3A_86 : i32
        %and3A = arith.constant 1 : i32
        %and3A_88 = arith.andi %sub3A_87, %and3A : i32
        %eq3A = arith.constant 0 : i32
        %eq3A_89 = arith.cmpi eq, %and3A_88, %eq3A : i32
        %convert_element_type3A_90 = arith.extui %eq3A_89 : i1 to i32
        %cond3A_91 = arith.constant 0 : i32
        %cond3A_92 = arith.cmpi ne, %convert_element_type3A_90, %cond3A_91 : i32
        scf.if %cond3A_92 {
          %dma_wait3A_102 = arith.constant 0 : i32
          %dma_wait3A_103 = arith.constant 0 : i32
          %dma_wait3A_104 = tpu.memref_slice %arg4[%dma_wait3A_102, %dma_wait3A_103] : memref<3276800x128xf32, #tpu.memory_space<hbm>> -> memref<3276800x128xf32, #tpu.memory_space<hbm>>
          tpu.wait_indirect_dma semaphore(%arg20 : memref<!tpu.dma_semaphore, #tpu.memory_space<semaphore_mem>>) src(%arg14 : memref<128x128xf32, #tpu.memory_space<vmem>>) dst(%dma_wait3A_104 : memref<3276800x128xf32, #tpu.memory_space<hbm>>)
        } else {
        }
        %sub3A_93 = arith.constant 1 : i32
        %sub3A_94 = arith.subi %cond3A_71#2, %sub3A_93 : i32
        %and3A_95 = arith.constant 1 : i32
        %and3A_96 = arith.andi %sub3A_94, %and3A_95 : i32
        %eq3A_97 = arith.constant 1 : i32
        %eq3A_98 = arith.cmpi eq, %and3A_96, %eq3A_97 : i32
        %convert_element_type3A_99 = arith.extui %eq3A_98 : i1 to i32
        %cond3A_100 = arith.constant 0 : i32
        %cond3A_101 = arith.cmpi ne, %convert_element_type3A_99, %cond3A_100 : i32
        scf.if %cond3A_101 {
          %dma_wait3A_102 = arith.constant 0 : i32
          %dma_wait3A_103 = arith.constant 0 : i32
          %dma_wait3A_104 = tpu.memref_slice %arg4[%dma_wait3A_102, %dma_wait3A_103] : memref<3276800x128xf32, #tpu.memory_space<hbm>> -> memref<3276800x128xf32, #tpu.memory_space<hbm>>
          tpu.wait_indirect_dma semaphore(%arg21 : memref<!tpu.dma_semaphore, #tpu.memory_space<semaphore_mem>>) src(%arg15 : memref<128x128xf32, #tpu.memory_space<vmem>>) dst(%dma_wait3A_104 : memref<3276800x128xf32, #tpu.memory_space<hbm>>)
        } else {
        }
      } else {
      }
    }
    %scan3A_7 = arith.constant 9 : i32
    return
  }
}

</mosaic_0001>

<sc_bundles>
// kernel: _embed.3.cloned.1.call-start
scs
__scs_entry_jumppad:
0x0: {  	(pc) =	sbr.rel $0x88, $3  }
0x1: {  	(tag) =	ssettag $0x0;
	lr =	simm.s32 $0x1  }
0x2: {  	[smem:$0x3F9F] =	sst lr;
	_ =	strace $0xD0000000  }
0x3: {  	_ = 	snop  }
0x4: {  	_ = 	snop  }
0x5: {  	_ = 	snop  }
0x6: {  	_ = 	snop  }
0x7: {  	_ = 	snop  }
__scs_overlays_trampoline_lowered:
0x8: {  	[smem:$0x3FAE] =	sst s0  }
0x9: {  	[smem:$0x3FAF] =	sst s1  }
0xa: {  	[smem:$0x3FB0] =	sst s2  }
0xb: {  	[smem:$0x3FB1] =	sst s3  }
0xc: {  	[smem:$0x3FB2] =	sst s4  }
0xd: {  	[smem:$0x3FB3] =	sst s5  }
0xe: {  	[smem:$0x3FB4] =	sst s6  }
0xf: {  	[smem:$0x3FB5] =	sst s7  }
0x10: {  	[smem:$0x3FB6] =	sst s8  }
0x11: {  	[smem:$0x3FB7] =	sst s9;
	s0 =	simm.s32 @!p0 $0x0  }
0x12: {  	s1 =	sld [smem:$0x3F9D];
	s0 =	simm.s32 @p0 $0x1  }
0x13: {  	[smem:$0x3FB8] =	sst s0;
	s0 =	simm.s32 @!p1 $0x0  }
0x14: {  	s2 =	sld [smem:$0x3F9C];
	s0 =	simm.s32 @p1 $0x1  }
0x15: {  	[smem:$0x3FB9] =	sst s0;
	s0 =	simm.s32 @!p2 $0x0  }
0x16: {  	s3 =	sld [smem:$0x3FDB];
	s0 =	simm.s32 @p2 $0x1  }
0x17: {  	s4 =	simm.s32 $0x1BF5;
	[smem:$0x3FBB] =	sst s0  }
0x18: {  	s0 =	sld [smem:$0x3F9E];
	_ =	swait.ge [sflag:s4], $0x0  }
0x19: {  	s7 =	sld [smem:$0x3F9F]  }
0x1a: {  	s8 =	sadd.s32 $0xFFFFE003, lr  }
0x1b: {  	s9 =	sadd.s32 $0xFFFFFEF7, lr;
	s5 =	simm.s32 $0xFFFFFFFF;
	p2 =	slt.u32 s8, $0xFFFFF086  }
0x1c: {  	p1 =	slt.u32 s9, $0xF7A;
	s5 =	simm.s32 @!p2 $0x0  }
0x1d: {  	s5 =	simm.s32 @p1 $0x1;
	p0 =	seq.s32 s7, s2  }
0x1e: {  	s7 =	smul.u32 @!p0 $0xF7A, s2;
	p2 =	seq.s32 @!p0 s5, $0x0  }
0x1f: {  	s9 =	smul.u32 $0xF7A, s1;
	s8 =	simm.s32 @!p0 $0x1BF5;
	p2 =	por !p2, p0  }
0x20: {  	[sflag:s8] =	ssyncset.s32 @!p0 $0xFFFFF086;
	s6 =	sadd.s32 @!p0 s3, s7;
	s7 =	simm.s32 @!p0 $0x108  }
0x21: {  	s3 =	sadd.s32 s3, s9;
	s6 =	sadd.s32 @!p0 $0x88, s6;
	s7 =	simm.s32 @p2 $0x1082  }
0x22: {  	[simem:s7], [sflag:s8] =	dma.local @!p0 [hbm:s6], $0xF7A  }
0x23: {  	s9 =	sor.u32 $0xD0000000, s2;
	s6 =	simm.s32 $0x108;
	_ =	swait.ge @!p0 [sflag:s8], $0x0  }
0x24: {  	s3 =	sadd.s32 $0x88, s3;
	s6 =	simm.s32 @!p1 $0x1082;
	[sflag:s4] =	ssyncset.s32 $0xFFFFF086  }
0x25: {  	[simem:s6], [sflag:s4] =	dma.local [hbm:s3], $0xF7A  }
0x26: {  	[smem:$0x3F9F] =	sst s1;
	(tag) =	ssettag s2;
	_ =	strace s9  }
0x27: {  	s1 =	sld [smem:$0x3FAF]  }
0x28: {  	s2 =	sld [smem:$0x3FB0]  }
0x29: {  	s4 =	sld [smem:$0x3FB2]  }
0x2a: {  	p0 =	seq.s32 s5, $0x0;
	s5 =	sld [smem:$0x3FB3]  }
0x2b: {  	s6 =	sld [smem:$0x3FB4]  }
0x2c: {  	s7 =	sld [smem:$0x3FB5]  }
0x2d: {  	s3 =	simm.s32 $0x108;
	s8 =	sld [smem:$0x3FB6]  }
0x2e: {  	s3 =	simm.s32 @!p0 $0x1082;
	s9 =	sld [smem:$0x3FB7]  }
0x2f: {  	lr =	sadd.s32 s0, s3;
	s0 =	sld [smem:$0x3FAE]  }
0x30: {  	s3 =	sld [smem:$0x3FB1]  }
0x31: {  	[smem:$0x3FBA] =	sst s10  }
0x32: {  	s10 =	sld [smem:$0x3FB8];
	_ =	sdelay $0x3  }
0x33: {  	p0 =	seq.s32 s10, $0x1;
	s10 =	sld [smem:$0x3FBA];
	_ =	sdelay $0x3  }
0x34: {  	[smem:$0x3FBA] =	sst s10  }
0x35: {  	s10 =	sld [smem:$0x3FB9];
	_ =	sdelay $0x3  }
0x36: {  	p1 =	seq.s32 s10, $0x1;
	s10 =	sld [smem:$0x3FBA];
	_ =	sdelay $0x3  }
0x37: {  	[smem:$0x3FBA] =	sst s10  }
0x38: {  	s10 =	sld [smem:$0x3FBB]  }
0x39: {  	_ = 	snop;
	(pc) =	sbr.ind lr, $3  }
0x3a: {  	_ = 	snop  }
0x3b: {  	_ = 	snop  }
0x3c: {  	p2 =	seq.s32 s10, $0x1;
	s10 =	sld [smem:$0x3FBA]  }
0x3d: {  	_ =	shalt  }
0x3e: {  	_ =	shalt  }
0x3f: {  	_ =	shalt  }
0x40: {  	_ =	shalt  }
0x41: {  	_ =	shalt  }
0x42: {  	_ =	shalt  }
0x43: {  	_ =	shalt  }
0x44: {  	_ =	shalt  }
0x45: {  	_ =	shalt  }
0x46: {  	_ =	shalt  }
0x47: {  	_ =	shalt  }
0x48: {  	_ =	shalt  }
0x49: {  	_ =	shalt  }
0x4a: {  	_ =	shalt  }
0x4b: {  	_ =	shalt  }
0x4c: {  	_ =	shalt  }
0x4d: {  	_ =	shalt  }
0x4e: {  	_ =	shalt  }
0x4f: {  	_ =	shalt  }
0x50: {  	_ =	shalt  }
0x51: {  	_ =	shalt  }
0x52: {  	_ =	shalt  }
0x53: {  	_ =	shalt  }
0x54: {  	_ =	shalt  }
0x55: {  	_ =	shalt  }
0x56: {  	_ =	shalt  }
0x57: {  	_ =	shalt  }
0x58: {  	_ =	shalt  }
0x59: {  	_ =	shalt  }
0x5a: {  	_ =	shalt  }
0x5b: {  	_ =	shalt  }
0x5c: {  	_ =	shalt  }
0x5d: {  	_ =	shalt  }
0x5e: {  	_ =	shalt  }
0x5f: {  	_ =	shalt  }
0x60: {  	_ =	shalt  }
0x61: {  	_ =	shalt  }
0x62: {  	_ =	shalt  }
0x63: {  	_ =	shalt  }
0x64: {  	_ =	shalt  }
0x65: {  	_ =	shalt  }
0x66: {  	_ =	shalt  }
0x67: {  	_ =	shalt  }
0x68: {  	_ =	shalt  }
0x69: {  	_ =	shalt  }
0x6a: {  	_ =	shalt  }
0x6b: {  	_ =	shalt  }
0x6c: {  	_ =	shalt  }
0x6d: {  	_ =	shalt  }
0x6e: {  	_ =	shalt  }
0x6f: {  	_ =	shalt  }
0x70: {  	_ =	shalt  }
0x71: {  	_ =	shalt  }
0x72: {  	_ =	shalt  }
0x73: {  	_ =	shalt  }
0x74: {  	_ =	shalt  }
0x75: {  	_ =	shalt  }
0x76: {  	_ =	shalt  }
0x77: {  	_ =	shalt  }
0x78: {  	_ =	shalt  }
0x79: {  	_ =	shalt  }
0x7a: {  	_ =	shalt  }
0x7b: {  	_ =	shalt  }
0x7c: {  	_ =	shalt  }
0x7d: {  	_ =	shalt  }
0x7e: {  	_ =	shalt  }
0x7f: {  	_ =	shalt  }
0x80: {  	_ =	shalt  }
0x81: {  	_ =	shalt  }
0x82: {  	_ =	shalt  }
0x83: {  	_ =	shalt  }
0x84: {  	_ =	shalt  }
0x85: {  	_ =	shalt  }
0x86: {  	_ =	shalt  }
0x87: {  	_ =	shalt  }
.Lfunc_end0:
.L_simem_size_0:
called_computation_lowered:
.L_overlay_start_0:
0x88: {  	s2 =	sld [smem:$0x3FD9]  }
0x89: {  	s3 =	sld [smem:$0x3FFE];
	_ =	sdelay $0x1  }
0x8a: {  	s1 =	srdreg.scid  }
0x8b: {  	s0 =	sand.u32 $0x1, s1  }
0x8c: {  	s18 =	sshll.u32 s0, $0xA;
	s2 =	sadd.s32 s3, s2  }
0x8d: {  	s2 =	sadd.s32 s2, s18  }
0x8e: {  	[smem:$0x3FC6] =	sst s2  }
0x8f: {  	_ = 	snop  }
0x90: {  	s2 =	sld [smem:$0x3FC9]  }
0x91: {  	s19 =	sld [smem:$0x3FC8]  }
0x92: {  	s4 =	sld [smem:$0x3FD0];
	(tm) =	ssettm $0x1  }
0x93: {  	s5 =	sld [smem:$0x3FFB];
	_ =	sdelay $0x3  }
0x94: {  	_ =	strace s5  }
0x95: {  	s5 =	sld [smem:$0x3FFC];
	_ =	sdelay $0x3  }
0x96: {  	_ =	strace s5  }
0x97: {  	s5 =	sld [smem:$0x3FFD];
	_ =	sdelay $0x3  }
0x98: {  	_ =	strace s5  }
0x99: {  	_ =	strace $0x8FFFFFFF  }
0x9a: {  	s20 =	sld [smem:$0x3FDB];
	_ =	sdelay $0x1  }
0x9b: {  	s6 =	simm.s32 $_scs_section_size  }
0x9c: {  	s7 =	simm.s32 $_size__tile_overlayer_lowered;
	s8 =	simm.s32 $_tile_overlayer_lowered  }
0x9d: {  	s23 =	simm.s32 $0x1BFF;
	s22 =	sshll.u32 s8, $0x1;
	s5 =	sadd.s32 s6, s20  }
0x9e: {  	s9 =	simm.s32 $0x0;
	s21 =	sshll.u32 s7, $0x1;
	s7 =	sadd.s32 s22, s5  }
0x9f: {  	[timem:s9], [sflag:s23] =	dma.local [hbm:s7], s21  }
0xa0: {  	_ =	swait.ge [sflag:s23], s21  }
0xa1: {  	s6 =	ssub.s32 $0x0, s21;
	[sflag:s23] =	ssyncset.done $0x0  }
0xa2: {  	[sflag:s23] =	ssyncadd.s32 s6;
	_ =	sdelay $0x1  }
0xa3: {  	s24 =	simm.s32 $0x1B8B  }
0xa4: {  	_ =	swait.ge [sflag:s24], $0x1  }
0xa5: {  	[sflag:s24] =	ssyncset.done $0x0  }
0xa6: {  	s25 =	simm.s32 $0x1B8E;
	[sflag:s24] =	ssyncadd.s32 $0xFFFFFFFF  }
0xa7: {  	s26 =	simm.s32 $execute0_lowered;
	[smem:$0x3FD2] =	sst s25  }
0xa8: {  	s6 =	sshll.u32 s26, $0x1;
	_ =	strace $0x80000046;
	[dreg:$0x1] =	wrdreg $0xFFFFFFFF  }
0xa9: {  	s28 =	simm.s32 $_size_execute0_lowered;
	s5 =	sadd.s32 s5, s6;
	[dreg:$0x0] =	wrdreg $0x0  }
0xaa: {  	s6 =	sshll.u32 s28, $0x1;
	[dreg:$0x2] =	wrdreg s5  }
0xab: {  	[dreg:$0x3] =	wrdreg s6  }
0xac: {  	[dreg:$0x4] =	wrdreg $0xC0  }
0xad: {  	_ =	task [dreg:s9], $0x5FFFF  }
0xae: {  	[dreg:$0x1] =	wrdreg $0xFFFFFFFF  }
0xaf: {  	[dreg:$0x0] =	wrdreg $0x60  }
0xb0: {  	[dreg:$0x2] =	wrdreg s19  }
0xb1: {  	[dreg:$0x3] =	wrdreg s2  }
0xb2: {  	[dreg:$0x4] =	wrdreg s4  }
0xb3: {  	[dreg:$0x5] =	wrdreg $0x0  }
0xb4: {  	[dreg:$0x6] =	wrdreg $0x9  }
0xb5: {  	_ =	task.clear_ibuf [dreg:s9], $0x7FFFF;
	_ =	strace $0x90000046  }
0xb6: {  	s29 =	simm.s32 $0x9;
	_ =	strace $0x80000048  }
0xb7: {  	_ =	swait.ge [sflag:s29], $0x1  }
0xb8: {  	[sflag:s29] =	ssyncadd.s32 $0xFFFFFFFF  }
0xb9: {  	_ =	strace $0x90000048  }
0xba: {  	_ =	sfence  }
0xbb: {  	s30 =	sld [smem:$0x0];
	_ =	sdelay $0x2  }
0xbc: {  	s31 =	sshll.u32 s1, $0xD;
	s1 =	sshrl.u32 s1, $0x2  }
0xbd: {  	s3 =	sand.u32 $0x4000, s31;
	s1 =	sadd.s32 s1, s30  }
0xbe: {  	s0 =	sor.u32 s3, s0;
	s1 =	sshll.u32 s1, $0x11  }
0xbf: {  	s0 =	sor.u32 s1, s0  }
0xc0: {  	s0 =	sadd.s32 $0x8F2B, s0  }
0xc1: {  	[sflag:s0] =	ssyncadd.remote.s32 $0x1  }
0xc2: {  	_ =	sfence.sel $0xFFFF  }
0xc3: {  	[dreg:$0x0] =	wrdreg $0xFFFFFFFF;
	(pc) =	sbr.abs _section_cstart, $3  }
0xc4: {  	[dreg:$0x1] =	wrdreg $0xFFFFFFFF  }
0xc5: {  	_ =	task.clear_ibuf [dreg:s9], $0x2FFFF;
	_ =	strace $0x9FFFFFFF  }
0xc6: {  	(tm) =	ssettm $0x7FFFFFFF  }
0xc7: {  	_ =	shalt  }
tec
execute0_lowered:
.L_overlay_start_1:
0x0: {  	(tag) =	ssettag $0x1  }
0x1: {  	s2 =	rddreg [dreg:$0x1]  }
0x2: {  	s3 =	rddreg [dreg:$0x2]  }
0x3: {  	s5 =	rddreg [dreg:$0x3];
	s4 =	simm.s32 $0x0  }
0x4: {  	s0 =	srdreg.scid;
	s9 =	stileid.u32;
	s1 =	simm.s32 $0x0  }
0x5: {  	s17 =	simm.s32 $0x16400;
	s18 =	simm.s32 $0x1;
	[dreg:$0x5] =	wrdreg s1  }
0x6: {  	s28 =	simm.s32 $0x0;
	[smem:$0x7FF] =	sst s4;
	s6 =	smul.u32 $0x59000, s9  }
0x7: {  	s0 =	sand.u32 $0x1, s0;
	s19 =	sshll.u32 s9, $0x1;
	s23 =	smul.u32 $0x2C8, s9  }
0x8: {  	s25 =	smul.u32 $0x32000, s9;
	s26 =	sshll.u32 s9, $0x6;
	s20 =	ssub.s32 $0x2, s0  }
0x9: {  	s1 =	sor.u32 s0, s19;
	_ =	strace $0x80000047;
	s0 =	smul.u32 $0x19000, s0  }
0xa: {  	s30 =	sor.u32 $0x1C07, s26;
	s19 =	simm.s32 $0x16800;
	s8 =	sshrl.u32 s20, $0x1  }
0xb: {  	s7 =	smul.u32 $0x19000, s1;
	s22 =	sshrl.u32 s6, $0x2;
	[dreg:$0x6] =	wrdreg s23  }
0xc: {  	[dreg:$0xa] =	wrdreg s30;
	s23 =	simm.s32 $0x17C80;
	s21 =	ssub.s32 s20, s8  }
0xd: {  	s4 =	sadd.s32 s22, s5;
	s29 =	sadd.s32 s0, s25;
	s20 =	simm.s32 $0x16C00  }
.Ltmp0:
0xe: {  	s22 =	simm.s32 $0x80;
	s1 =	smax.u32 s21, $0x1;
	(pc) =	sbr.rel .LBB2_1-.Ltmp0, $4  }
0xf: {  	s24 =	sshrl.u32 s7, $0x3;
	s31 =	sshrl.u32 s4, $0x3;
	[dreg:$0x9] =	wrdreg s1  }
0x10: {  	s25 =	simm.s32 $0x2;
	s6 =	sadd.s32 s2, s24;
	[dreg:$0xb] =	wrdreg s31  }
0x11: {  	s10 =	sor.u32 $0x800, s7;
	[dreg:$0x7] =	wrdreg s6;
	s6 =	sadd.s32 $0x3180, s6  }
0x12: {  	v0 =	vimm.s32 $0x0;
	v1 =	vlaneseq.u32;
	s21 =	simm.s32 $0x17400;
	s24 =	simm.s32 $0x1BE00;
	[dreg:$0x8] =	wrdreg s6  }
.LBB2_45:
0x13: {  	s0 =	rddreg [dreg:$0x5]  }
0x14: {  	s1 =	rddreg [dreg:$0x9];
	s0 =	sadd.s32 $0x1, s0  }
0x15: {  	p0 =	sne.s32 s0, s1  }
.Ltmp1:
0x16: {  	_ = 	snop;
	(pc) =	sbr.rel @!p0 .LBB2_46-.Ltmp1, $2  }
0x17: {  	_ =	sdelay $0x2  }
0x18: {  	[dreg:$0x5] =	wrdreg s0  }
.LBB2_1:
.Ltmp2:
0x19: {  	(pc) =	sbr.rel .LBB2_2-.Ltmp2, $2  }
0x1a: {  	_ =	sdelay $0x2  }
0x1b: {  	s0 =	simm.s32 $0x0  }
.LBB2_43:
0x1c: {  	_ =	swait.ge [sflag:s6], $0x4000  }
0x1d: {  	[sflag:s6] =	ssyncset.done $0x0  }
0x1e: {  	[sflag:s6] =	ssyncadd.s32 $0xFFFFC000  }
.LBB2_44:
0x1f: {  	s0 =	sadd.s32 $0x1, s0  }
0x20: {  	p0 =	sne.s32 s0, $0x9  }
.Ltmp3:
0x21: {  	_ = 	snop;
	(pc) =	sbr.rel @!p0 .LBB2_45-.Ltmp3, $1  }
0x22: {  	_ =	sdelay $0x3  }
.LBB2_2:
0x23: {  	s1 =	smul.u32 $0x2C80, s0  }
0x24: {  	s4 =	rddreg [dreg:$0x6];
	[bflag:$0x0] =	sbarrier.arrive $0xFFFF  }
0x25: {  	s6 =	rddreg [dreg:$0x0];
	s4 =	sadd.s32 s4, s1  }
0x26: {  	s15 =	rddreg [dreg:$0xa];
	s4 =	sshll.u32 s4, $0x4  }
0x27: {  	s16 =	simm.s32 $0x7;
	s8 =	rddreg [dreg:$0xb];
	s4 =	sadd.s32 s6, s4  }
0x28: {  	[spmem:s8], [sflag:s15] =	dma.local [hbm:s4], $0x2C80  }
0x29: {  	_ =	swait.ge [sflag:s16], $0x2C80  }
.Ltmp4:
0x2a: {  	[sflag:s16] =	ssyncset.done $0x0;
	(pc) =	sbr.rel .LBB2_3-.Ltmp4, $4  }
0x2b: {  	s13 =	smov.u32 s29;
	[sflag:s16] =	ssyncadd.s32 $0xFFFFD380  }
0x2c: {  	s12 =	simm.s32 $0x0;
	s30 =	simm.s32 $0x0;
	[bflag:$0x0] =	sbarrier.arrive $0xFFFF  }
0x2d: {  	s31 =	simm.s32 $0x0;
	s4 =	simm.s32 $0x0;
	s26 =	rddreg [dreg:$0x7]  }
0x2e: {  	v3 =	vmov s0;
	v2 =	vmov s1;
	[tilespmem:s17], [sflag:$0x1] =	stream.linear.gather [hbm4b:s26+s28], $0x400, $0x38;
	[tilespmem:$0x1FE00] =	vst v63  }
.LBB2_18:
0x2f: {  	s4 =	smov.u32 s1  }
.LBB2_19:
0x30: {  	s31 =	sadd.s32 $0x1, s31  }
0x31: {  	p0 =	sne.s32 s31, $0x31  }
.Ltmp5:
0x32: {  	_ = 	snop;
	(pc) =	sbr.rel @!p0 .LBB2_20-.Ltmp5, $2  }
0x33: {  	_ =	sdelay $0x2  }
0x34: {  	s13 =	sadd.s32 $0x800, s13  }
.LBB2_3:
0x35: {  	s6 =	sshll.u32 s31, $0xB  }
0x36: {  	s1 =	sadd.s32 s6, s7  }
0x37: {  	_ =	swait.ge [sflag:s18], $0x400;
	s1 =	sadd.s32 $0x400, s1  }
0x38: {  	[sflag:s18] =	ssyncset.done $0x0;
	s1 =	sshrl.u32 s1, $0x3  }
0x39: {  	s26 =	simm.s32 $0x16440;
	[sflag:s18] =	ssyncadd.s32 $0xFFFFFC00;
	s1 =	sadd.s32 s2, s1  }
0x3a: {  	[tilespmem:s19], [sflag:$0x2] =	stream.linear.gather [hbm4b:s1+s28], $0x400, $0x38;
	[tilespmem:$0x1FE00] =	vst v63  }
0x3b: {  	v4 =	vld [tilespmem:s26+$0xFFFFFFF0]  }
0x3c: {  	v5 =	vld [tilespmem:s26+$0xFFFFFFE0]  }
0x3d: {  	v6 =	vld [tilespmem:s26+$0xFFFFFFC0]  }
0x3e: {  	v8 =	vld [tilespmem:s26+$0xFFFFFFD0]  }
0x3f: {  	v7 =	vld [tilespmem:s26+$0x0];
	_ =	sdelay $0x2  }
0x40: {  	v9 =	vcvt.s32.f32 v4  }
0x41: {  	v13 =	vmov s30;
	s1 =	sadd.s32 $0x0, s13;
	v10 =	vcvt.s32.f32 v5;
	v11 =	vcvt.s32.f32 v6  }
0x42: {  	v56 =	vor.u32 s1, v1;
	s8 =	sadd.s32 $0x10, s1;
	v12 =	vcvt.s32.f32 v8;
	v15 =	vcvt.s32.f32 v7  }
0x43: {  	v14 =	vld [tilespmem:s26+$0x10];
	v60 =	vor.u32 s8, v1;
	v10 =	vmul.f32 $8.778089970e-05, v10;
	v11 =	vmul.f32 $8.778089970e-05, v11  }
0x44: {  	v8 =	vsub.s32 v8, v2;
	v9 =	vmul.f32 $8.778089970e-05, v9;
	v12 =	vmul.f32 $8.778089970e-05, v12  }
0x45: {  	v16 =	vsub.s32 v6, v2;
	v10 =	vtrunc.f32 v10;
	v6 =	vtrunc.f32 v11  }
0x46: {  	v18 =	vsub.s32 v5, v2;
	v11 =	vmul.f32 $8.778089970e-05, v15;
	v12 =	vtrunc.f32 v12  }
0x47: {  	v15 =	vsub.s32 v4, v2;
	v5 =	vtrunc.f32 v9;
	v17 =	vcvt.f32.s32 v6  }
0x48: {  	v10 =	vcvt.f32.s32 v10;
	v6 =	vsub.s32 v14, v2;
	v9 =	vcvt.f32.s32 v5  }
0x49: {  	v14 =	vcvt.s32.f32 v14;
	v12 =	vcvt.f32.s32 v12;
	vm6 =	veq.s32 v3, v17  }
0x4a: {  	v11 =	vtrunc.f32 v11;
	vm4 =	veq.s32 v3, v9;
	v17 =	vsel vm6, $0x1, v0  }
0x4b: {  	v4 =	vld [tilespmem:s26+$0x20];
	v9 =	vmul.f32 $8.778089970e-05, v14;
	vm5 =	veq.s32 v3, v10;
	v10 =	vcvt.f32.s32 v11;
	(xrf0) =	vadd.scan.msk.s32 $0xffff, v17  }
0x4c: {  	v5 =	vld [tilespmem:s26+$0x30];
	vm7 =	veq.s32 v3, v12;
	v19 =	vmpcnt.ones.xlane vm6;
	v20 =	vsel vm6, $0xFFFFFFFF, v0  }
0x4d: {  	v14 =	vsel vm4, $0xFFFFFFFF, v0;
	v44 =	vsel vm4, $0x1, v0;
	v11 =	vsel vm5, $0x1, v0  }
0x4e: {  	v21 =	vsel vm7, $0x1, v0;
	v22 =	vmpcnt.ones.xlane vm5;
	vm0 =	veq.s32 v3, v10;
	(xrf0) =	vadd.scan.msk.s32 $0xffff, v44  }
0x4f: {  	v48 =	vmpcnt.ones.xlane vm4;
	v49 =	vsel vm7, $0xFFFFFFFF, v0;
	v46 =	vsel vm0, $0x1, v0;
	(xrf0) =	vadd.scan.msk.s32 $0xffff, v11  }
0x50: {  	v12 =	vcvt.s32.f32 v4;
	v45 =	vadd.s32 v20, v13;
	v9 =	vtrunc.f32 v9;
	(xrf0) =	vadd.scan.msk.s32 $0xffff, v46  }
0x51: {  	v10 =	vcvt.s32.f32 v5;
	v9 =	vcvt.f32.s32 v9;
	v13 =	vadd.s32 v13, v19;
	v47, _, _ =	vpop (xrf0);
	(xrf0) =	vadd.scan.msk.s32 $0xffff, v21  }
0x52: {  	v50 =	vsel vm0, $0xFFFFFFFF, v0;
	v27 =	vmpcnt.ones.xlane vm0;
	v12 =	vmul.f32 $8.778089970e-05, v12  }
0x53: {  	v11 =	vmpcnt.ones.xlane vm7;
	v10 =	vmul.f32 $8.778089970e-05, v10;
	vm1 =	veq.s32 v3, v9  }
0x54: {  	v19 =	vadd.s32 v49, v13;
	v23 =	vsel vm1, $0x1, v0;
	v12 =	vtrunc.f32 v12;
	v51, _, _ =	vpop (xrf0)  }
0x55: {  	v11 =	vadd.s32 v13, v11;
	v13 =	vsel vm5, $0xFFFFFFFF, v0;
	v10 =	vtrunc.f32 v10;
	v25, _, _ =	vpop (xrf0)  }
0x56: {  	v12 =	vcvt.f32.s32 v12;
	v10 =	vcvt.f32.s32 v10;
	v17 =	vadd.s32 v47, v45;
	v26, _, _ =	vpop (xrf0)  }
0x57: {  	v13 =	vadd.s32 v13, v11;
	v11 =	vadd.s32 v11, v22;
	v9 =	vand.u32 $0x7FF, v17;
	v52, _, _ =	vpop (xrf0)  }
0x58: {  	vm3 =	veq.s32 v3, v12;
	vm2 =	veq.s32 v3, v10;
	(xrf0) =	vadd.scan.msk.s32 $0xffff, v23;
	v12 =	vadd.s32 v52, v19  }
0x59: {  	v54 =	vsel vm3, $0x1, v0;
	v55 =	vsel vm2, $0x1, v0;
	v10 =	vand.u32 $0x7FF, v12  }
0x5a: {  	(xrf0) =	vadd.scan.msk.s32 $0xffff, v54;
	v12 =	vadd.s32 v25, v13;
	v13 =	vadd.s32 v11, v48;
	v11 =	vadd.s32 v14, v11  }
0x5b: {  	(xrf0) =	vadd.scan.msk.s32 $0xffff, v55;
	v12 =	vand.u32 $0x7FF, v12;
	v14 =	vadd.s32 v50, v13;
	v11 =	vadd.s32 v51, v11  }
0x5c: {  	[tilespmem:v9+s20+$0x0] =	vst.idx.msk vm6, v16;
	v59 =	vand.u32 $0x7FF, v11;
	v11 =	vadd.s32 v26, v14;
	v14 =	vmpcnt.ones.xlane vm3  }
0x5d: {  	s15 =	sadd.s32 $0x20, s1;
	v24 =	vmpcnt.ones.xlane vm1;
	v53 =	vsel vm1, $0xFFFFFFFF, v0;
	[tilespmem:v9+s21+$0x0] =	vst.idx.msk vm6, v56;
	v13 =	vadd.s32 v13, v27  }
0x5e: {  	v61 =	vor.u32 s15, v1;
	v57 =	vsel vm3, $0xFFFFFFFF, v0;
	v58 =	vadd.s32 v53, v13;
	v9, _, _ =	vpop (xrf0);
	[tilespmem:v10+s20+$0x0] =	vst.idx.msk vm7, v8  }
0x5f: {  	v8 =	vadd.s32 v9, v58;
	v9 =	vand.u32 $0x7FF, v11;
	v11 =	vadd.s32 v13, v24;
	[tilespmem:v10+s21+$0x0] =	vst.idx.msk vm7, v60  }
0x60: {  	v10 =	vsel vm2, $0xFFFFFFFF, v0;
	v13 =	vadd.s32 v11, v14;
	v14, _, _ =	vpop (xrf0);
	v11 =	vadd.s32 v57, v11;
	[tilespmem:v12+s20+$0x0] =	vst.idx.msk vm5, v18  }
0x61: {  	s16 =	sadd.s32 $0x30, s1;
	v62 =	vmpcnt.ones.xlane vm2;
	v10 =	vadd.s32 v10, v13;
	v63, _, _ =	vpop (xrf0);
	[tilespmem:v12+s21+$0x0] =	vst.idx.msk vm5, v61;
	v12 =	vadd.s32 v14, v11  }
0x62: {  	v14 =	vadd.s32 v63, v10;
	v10 =	vand.u32 $0x7FF, v8;
	[tilespmem:v59+s20+$0x0] =	vst.idx.msk vm4, v15;
	v15 =	vor.u32 s16, v1  }
0x63: {  	s30 =	simm.s32 $0x80;
	s14 =	sadd.s32 $0x40, s1;
	v11 =	vadd.s32 v13, v62;
	v13 =	vsub.s32 v7, v2;
	[tilespmem:v59+s21+$0x0] =	vst.idx.msk vm4, v15  }
0x64: {  	s11 =	sadd.s32 $0x50, s1;
	s9 =	sadd.s32 $0x60, s1;
	s8 =	sadd.s32 $0x70, s1;
	v8 =	vand.u32 $0x7FF, v14;
	v7 =	vand.u32 $0x7FF, v12;
	v12 =	vor.u32 s14, v1;
	[tilespmem:v9+s20+$0x0] =	vst.idx.msk vm0, v13  }
.LBB2_4:
0x65: {  	p0 =	sne.s32 s30, $0x380  }
0x66: {  	[tilespmem:v9+s21+$0x0] =	vst.idx.msk vm0, v12;
	s26 =	sadd.s32 $0x80, s26;
	s1 =	smov.u32 s30;
	s30 =	sadd.s32 $0x80, s30  }
0x67: {  	[tilespmem:v10+s20+$0x0] =	vst.idx.msk vm1, v6;
	v6 =	vor.u32 s11, v1  }
0x68: {  	v4 =	vsub.s32 v4, v2;
	[tilespmem:v10+s21+$0x0] =	vst.idx.msk vm1, v6  }
0x69: {  	[tilespmem:v7+s20+$0x0] =	vst.idx.msk vm3, v4;
	v4 =	vor.u32 s9, v1  }
0x6a: {  	[tilespmem:v7+s21+$0x0] =	vst.idx.msk vm3, v4;
	v4 =	vsub.s32 v5, v2  }
0x6b: {  	[tilespmem:v8+s20+$0x0] =	vst.idx.msk vm2, v4;
	v4 =	vor.u32 s8, v1  }
0x6c: {  	[tilespmem:v8+s21+$0x0] =	vst.idx.msk vm2, v4  }
0x6d: {  	v4 =	vld [tilespmem:s26+$0xFFFFFFF0]  }
0x6e: {  	v5 =	vld [tilespmem:s26+$0xFFFFFFE0]  }
0x6f: {  	v6 =	vld [tilespmem:s26+$0xFFFFFFC0]  }
0x70: {  	v8 =	vld [tilespmem:s26+$0xFFFFFFD0]  }
0x71: {  	v7 =	vld [tilespmem:s26+$0x0]  }
0x72: {  	v9 =	vcvt.s32.f32 v4  }
0x73: {  	v10 =	vcvt.s32.f32 v5  }
0x74: {  	v12 =	vcvt.s32.f32 v6;
	v13 =	vmul.f32 $8.778089970e-05, v9  }
0x75: {  	v14 =	vcvt.s32.f32 v8;
	v10 =	vmul.f32 $8.778089970e-05, v10;
	v15 =	vld [tilespmem:s26+$0x10]  }
0x76: {  	v9 =	vsub.s32 v8, v2;
	v12 =	vmul.f32 $8.778089970e-05, v12;
	v16 =	vcvt.s32.f32 v7  }
0x77: {  	v17 =	vsub.s32 v6, v2;
	v14 =	vmul.f32 $8.778089970e-05, v14;
	v10 =	vtrunc.f32 v10  }
0x78: {  	v8 =	vsub.s32 v4, v2;
	v6 =	vtrunc.f32 v12;
	v12 =	vmul.f32 $8.778089970e-05, v16  }
0x79: {  	v18 =	vcvt.f32.s32 v10;
	v10 =	vsub.s32 v5, v2;
	v16 =	vcvt.f32.s32 v6;
	v4 =	vld [tilespmem:s26+$0x20]  }
0x7a: {  	v13 =	vtrunc.f32 v13;
	v5 =	vtrunc.f32 v14;
	v6 =	vsub.s32 v15, v2  }
0x7b: {  	v13 =	vcvt.f32.s32 v13;
	v14 =	vcvt.s32.f32 v15;
	vm6 =	veq.s32 v3, v16  }
0x7c: {  	v19 =	vcvt.f32.s32 v5;
	v15 =	vsel vm6, $0x1, v0;
	v16 =	vmpcnt.ones.xlane vm6;
	v5 =	vld [tilespmem:s26+$0x30]  }
0x7d: {  	vm4 =	veq.s32 v3, v13;
	v20 =	vsel vm6, $0xFFFFFFFF, v0;
	v13 =	vmul.f32 $8.778089970e-05, v14;
	(xrf0) =	vadd.scan.msk.s32 $0xffff, v15  }
0x7e: {  	v12 =	vtrunc.f32 v12;
	v14 =	vsel vm4, $0xFFFFFFFF, v0;
	v15 =	vsel vm4, $0x1, v0  }
0x7f: {  	vm5 =	veq.s32 v3, v18;
	v12 =	vcvt.f32.s32 v12;
	vm7 =	veq.s32 v3, v19;
	(xrf0) =	vadd.scan.msk.s32 $0xffff, v15  }
0x80: {  	v19 =	vadd.s32 v20, v11;
	v18 =	vcvt.s32.f32 v4;
	v15 =	vsel vm5, $0x1, v0  }
0x81: {  	vm0 =	veq.s32 v3, v12;
	v11 =	vadd.s32 v11, v16;
	v12 =	vcvt.s32.f32 v5;
	(xrf0) =	vadd.scan.msk.s32 $0xffff, v15  }
0x82: {  	v16 =	vsel vm0, $0x1, v0;
	v13 =	vtrunc.f32 v13;
	v15 =	vmpcnt.ones.xlane vm7  }
0x83: {  	v21 =	vmpcnt.ones.xlane vm5;
	v20 =	vsel vm7, $0x1, v0;
	v13 =	vcvt.f32.s32 v13;
	v22, _, _ =	vpop (xrf0);
	(xrf0) =	vadd.scan.msk.s32 $0xffff, v16  }
0x84: {  	v16 =	vmpcnt.ones.xlane vm4;
	v12 =	vmul.f32 $8.778089970e-05, v12;
	v22 =	vadd.s32 v22, v19;
	(xrf0) =	vadd.scan.msk.s32 $0xffff, v20  }
0x85: {  	vm1 =	veq.s32 v3, v13;
	v20 =	vsel vm7, $0xFFFFFFFF, v0;
	v13 =	vand.u32 $0x7FF, v22;
	v19, _, _ =	vpop (xrf0)  }
0x86: {  	v18 =	vmul.f32 $8.778089970e-05, v18;
	v23 =	vsel vm1, $0x1, v0;
	v22 =	vsel vm0, $0xFFFFFFFF, v0  }
0x87: {  	v24 =	vmpcnt.ones.xlane vm1;
	v12 =	vtrunc.f32 v12;
	v20 =	vadd.s32 v20, v11;
	v25, _, _ =	vpop (xrf0);
	(xrf0) =	vadd.scan.msk.s32 $0xffff, v23  }
0x88: {  	v18 =	vtrunc.f32 v18;
	v11 =	vadd.s32 v11, v15;
	v12 =	vcvt.f32.s32 v12  }
0x89: {  	v18 =	vcvt.f32.s32 v18;
	v15 =	vsel vm5, $0xFFFFFFFF, v0;
	v23 =	vmpcnt.ones.xlane vm0;
	v26, _, _ =	vpop (xrf0)  }
0x8a: {  	v27 =	vsel vm1, $0xFFFFFFFF, v0;
	v15 =	vadd.s32 v15, v11;
	v11 =	vadd.s32 v11, v21;
	v21, _, _ =	vpop (xrf0)  }
0x8b: {  	vm3 =	veq.s32 v3, v18;
	v15 =	vadd.s32 v25, v15;
	v18 =	vadd.s32 v21, v20  }
0x8c: {  	vm2 =	veq.s32 v3, v12;
	v12 =	vadd.s32 v11, v16;
	v20 =	vsel vm3, $0x1, v0  }
0x8d: {  	v16 =	vsel vm2, $0x1, v0;
	v15 =	vand.u32 $0x7FF, v15;
	v18 =	vand.u32 $0x7FF, v18;
	v21, _, _ =	vpop (xrf0);
	(xrf0) =	vadd.scan.msk.s32 $0xffff, v20  }
0x8e: {  	v11 =	vadd.s32 v14, v11;
	v14 =	vadd.s32 v22, v12;
	v12 =	vadd.s32 v12, v23;
	(xrf0) =	vadd.scan.msk.s32 $0xffff, v16  }
0x8f: {  	s1 =	sadd.s32 s1, s13;
	v11 =	vadd.s32 v19, v11;
	v19 =	vadd.s32 v27, v12;
	v16 =	vsel vm3, $0xFFFFFFFF, v0  }
0x90: {  	s14 =	sadd.s32 $0x20, s1;
	s15 =	sadd.s32 $0x30, s1;
	s8 =	sadd.s32 $0x10, s1;
	v14 =	vadd.s32 v26, v14;
	v19 =	vadd.s32 v21, v19;
	[tilespmem:v13+s20+$0x0] =	vst.idx.msk vm6, v17;
	v17 =	vor.u32 s1, v1  }
0x91: {  	s16 =	sadd.s32 $0x40, s1;
	s11 =	sadd.s32 $0x50, s1;
	s9 =	sadd.s32 $0x60, s1;
	v20 =	vmpcnt.ones.xlane vm3;
	[tilespmem:v13+s21+$0x0] =	vst.idx.msk vm6, v17;
	v13 =	vor.u32 s8, v1;
	v17 =	vand.u32 $0x7FF, v11  }
0x92: {  	v12 =	vadd.s32 v12, v24;
	v11 =	vmpcnt.ones.xlane vm2;
	s8 =	sadd.s32 $0x70, s1;
	[tilespmem:v18+s20+$0x0] =	vst.idx.msk vm7, v9;
	v9 =	vand.u32 $0x7FF, v14  }
0x93: {  	v14 =	vsel vm2, $0xFFFFFFFF, v0;
	[tilespmem:v18+s21+$0x0] =	vst.idx.msk vm7, v13;
	v13 =	vadd.s32 v16, v12;
	v12 =	vadd.s32 v12, v20;
	v16, _, _ =	vpop (xrf0)  }
.Ltmp6:
0x94: {  	[tilespmem:v15+s20+$0x0] =	vst.idx.msk vm5, v10;
	v10 =	vor.u32 s14, v1;
	v13 =	vadd.s32 v16, v13;
	v14 =	vadd.s32 v14, v12;
	v16, _, _ =	vpop (xrf0);
	(pc) =	sbr.rel @p0 .LBB2_4-.Ltmp6, $4  }
0x95: {  	v11 =	vadd.s32 v12, v11;
	[tilespmem:v15+s21+$0x0] =	vst.idx.msk vm5, v10;
	v10 =	vand.u32 $0x7FF, v19;
	v14 =	vadd.s32 v16, v14  }
0x96: {  	v12 =	vor.u32 s15, v1;
	[tilespmem:v17+s20+$0x0] =	vst.idx.msk vm4, v8;
	v8 =	vand.u32 $0x7FF, v14  }
0x97: {  	[tilespmem:v17+s21+$0x0] =	vst.idx.msk vm4, v12;
	v12 =	vsub.s32 v7, v2;
	v7 =	vand.u32 $0x7FF, v13  }
0x98: {  	[tilespmem:v9+s20+$0x0] =	vst.idx.msk vm0, v12;
	v12 =	vor.u32 s16, v1  }
0x99: {  	v11 =	vxor.u32 $0x80000000, v11  }
0x9a: {  	(xrf0) =	vmax.scan.msk.u32 $0xffff, v11;
	_ =	sdelay $0x5  }
0x9b: {  	v11, _, _ =	vpop (xrf0)  }
0x9c: {  	(v2sf) =	vpush v11, $0xF;
	_ =	sdelay $0xe  }
0x9d: {  	s1 =	spop (v2sf)  }
0x9e: {  	s26 =	sxor.u32 $0x80000000, s1  }
0x9f: {  	[tilespmem:v9+s21+$0x0] =	vst.idx.msk vm0, v12;
	s30 =	ssub.s32 s26, s12  }
0xa0: {  	v63 =	vor.u32 s11, v1;
	[tilespmem:v10+s20+$0x0] =	vst.idx.msk vm1, v6;
	p0 =	slt.s32 s30, $0x80  }
.Ltmp7:
0xa1: {  	v4 =	vsub.s32 v4, v2;
	[tilespmem:v10+s21+$0x0] =	vst.idx.msk vm1, v63;
	(pc) =	sbr.rel @p0 .LBB2_11-.Ltmp7, $4  }
0xa2: {  	[tilespmem:v7+s20+$0x0] =	vst.idx.msk vm3, v4;
	v4 =	vor.u32 s9, v1  }
0xa3: {  	[tilespmem:v7+s21+$0x0] =	vst.idx.msk vm3, v4;
	v4 =	vsub.s32 v5, v2  }
0xa4: {  	v5 =	vor.u32 s8, v1;
	[tilespmem:v8+s20+$0x0] =	vst.idx.msk vm2, v4  }
0xa5: {  	[tilespmem:v8+s21+$0x0] =	vst.idx.msk vm2, v5  }
.Ltmp8:
0xa6: {  	s1 =	ssub.s32 s1, s12;
	(pc) =	sbr.rel .LBB2_7-.Ltmp8, $4  }
0xa7: {  	s1 =	sadd.s32 $0x7FFFFF80, s1  }
0xa8: {  	s1 =	sshrl.u32 s1, $0x7  }
0xa9: {  	s30 =	sadd.s32 $0x1, s1  }
0xaa: {  	s8 =	sand.u32 $0x7, s12;
	s1 =	sadd.s32 s4, s30  }
.LBB2_9:
0xab: {  	s30 =	sadd.s32 $0xFFFFFFFF, s30  }
0xac: {  	p0 =	sne.s32 s30, $0x0  }
.Ltmp9:
0xad: {  	_ = 	snop;
	(pc) =	sbr.rel @!p0 .LBB2_10-.Ltmp9, $2  }
0xae: {  	_ =	sdelay $0x2  }
0xaf: {  	s12 =	sadd.s32 $0x80, s12;
	s4 =	sadd.s32 $0x1, s4  }
.LBB2_7:
0xb0: {  	s11 =	sand.u32 $0x1, s4  }
0xb1: {  	p0 =	seq.s32 s11, $0x1  }
0xb2: {  	p1 =	slt.s32 @!p0 s4, $0x1  }
0xb3: {  	p1 =	por p1, p0  }
0xb4: {  	s9 =	simm.s32 @!p1 $0x4  }
0xb5: {  	_ =	swait.ge @!p1 [sflag:s9], $0x4000  }
0xb6: {  	s14 =	simm.s32 @!p1 $0x17D80;
	[sflag:s9] =	ssyncset.done @!p1 $0x0  }
0xb7: {  	s15 =	simm.s32 @!p1 $0x1BE00;
	[sflag:s9] =	ssyncadd.s32 @!p1 $0xFFFFC000;
	s9 =	simm.s32 @!p1 $0x80  }
0xb8: {  	[hbm4b:s3+s9] =	stream.indirect.scatter @!p1 [tilespmem:s15], [sflag:$0x6], $0x80, s14, s9, $0xb8;
	[tilespmem:$0x1FE00] =	vst v63  }
0xb9: {  	s9 =	simm.s32 @!p1 $0x5  }
0xba: {  	_ =	swait.ge @!p1 [sflag:s9], $0x4000  }
0xbb: {  	s14 =	sand.u32 @!p0 $0x7F8, s12;
	[sflag:s9] =	ssyncset.done @!p1 $0x0  }
0xbc: {  	[sflag:s9] =	ssyncadd.s32 @!p1 $0xFFFFC000;
	s9 =	sor.u32 @!p0 s8, s14  }
0xbd: {  	v4 =	vld @!p0 [tilespmem:s9+$0x16C00];
	_ =	sdelay $0x4  }
0xbe: {  	[tilespmem:$0x17C00] =	vst @!p0 v4  }
0xbf: {  	v4 =	vld @!p0 [tilespmem:s9+$0x17400];
	_ =	sdelay $0x1  }
0xc0: {  	s9 =	sand.u32 $0x7FF, s12  }
0xc1: {  	s14 =	sadd.s32 @!p0 $0x10, s9  }
0xc2: {  	s14 =	sand.u32 @!p0 $0xFF8, s14  }
0xc3: {  	s14 =	sor.u32 @!p0 s8, s14;
	[tilespmem:$0x17D00] =	vst @!p0 v4  }
0xc4: {  	v4 =	vld @!p0 [tilespmem:s14+$0x16C00];
	_ =	sdelay $0x4  }
0xc5: {  	[tilespmem:$0x17C10] =	vst @!p0 v4  }
0xc6: {  	v4 =	vld @!p0 [tilespmem:s14+$0x17400];
	_ =	sdelay $0x2  }
0xc7: {  	s14 =	sadd.s32 @!p0 $0x20, s9  }
0xc8: {  	s14 =	sand.u32 @!p0 $0xFF8, s14  }
0xc9: {  	s14 =	sor.u32 @!p0 s8, s14;
	[tilespmem:$0x17D10] =	vst @!p0 v4  }
0xca: {  	v4 =	vld @!p0 [tilespmem:s14+$0x16C00];
	_ =	sdelay $0x4  }
0xcb: {  	[tilespmem:$0x17C20] =	vst @!p0 v4  }
0xcc: {  	v4 =	vld @!p0 [tilespmem:s14+$0x17400];
	_ =	sdelay $0x2  }
0xcd: {  	s14 =	sadd.s32 @!p0 $0x30, s9  }
0xce: {  	s14 =	sand.u32 @!p0 $0xFF8, s14  }
0xcf: {  	s14 =	sor.u32 @!p0 s8, s14;
	[tilespmem:$0x17D20] =	vst @!p0 v4  }
0xd0: {  	v4 =	vld @!p0 [tilespmem:s14+$0x16C00];
	_ =	sdelay $0x4  }
0xd1: {  	[tilespmem:$0x17C30] =	vst @!p0 v4  }
0xd2: {  	v4 =	vld @!p0 [tilespmem:s14+$0x17400];
	_ =	sdelay $0x2  }
0xd3: {  	s14 =	sadd.s32 @!p0 $0x40, s9  }
0xd4: {  	s14 =	sand.u32 @!p0 $0xFF8, s14  }
0xd5: {  	s14 =	sor.u32 @!p0 s8, s14;
	[tilespmem:$0x17D30] =	vst @!p0 v4  }
0xd6: {  	v4 =	vld @!p0 [tilespmem:s14+$0x16C00];
	_ =	sdelay $0x4  }
0xd7: {  	[tilespmem:$0x17C40] =	vst @!p0 v4  }
0xd8: {  	v4 =	vld @!p0 [tilespmem:s14+$0x17400];
	_ =	sdelay $0x2  }
0xd9: {  	s14 =	sadd.s32 @!p0 $0x50, s9  }
0xda: {  	s14 =	sand.u32 @!p0 $0xFF8, s14  }
0xdb: {  	s14 =	sor.u32 @!p0 s8, s14;
	[tilespmem:$0x17D40] =	vst @!p0 v4  }
0xdc: {  	v4 =	vld @!p0 [tilespmem:s14+$0x16C00];
	_ =	sdelay $0x4  }
0xdd: {  	[tilespmem:$0x17C50] =	vst @!p0 v4  }
0xde: {  	v4 =	vld @!p0 [tilespmem:s14+$0x17400];
	_ =	sdelay $0x2  }
0xdf: {  	s14 =	sadd.s32 @!p0 $0x60, s9  }
0xe0: {  	s14 =	sand.u32 @!p0 $0xFF8, s14  }
0xe1: {  	s14 =	sor.u32 @!p0 s8, s14;
	[tilespmem:$0x17D50] =	vst @!p0 v4  }
0xe2: {  	v4 =	vld @!p0 [tilespmem:s14+$0x16C00];
	_ =	sdelay $0x4  }
0xe3: {  	[tilespmem:$0x17C60] =	vst @!p0 v4  }
0xe4: {  	v4 =	vld @!p0 [tilespmem:s14+$0x17400];
	_ =	sdelay $0x2  }
0xe5: {  	s14 =	sadd.s32 @!p0 $0x70, s9  }
0xe6: {  	s14 =	sand.u32 @!p0 $0xFF8, s14  }
0xe7: {  	s14 =	sor.u32 @!p0 s8, s14;
	[tilespmem:$0x17D60] =	vst @!p0 v4  }
0xe8: {  	v4 =	vld @!p0 [tilespmem:s14+$0x16C00];
	_ =	sdelay $0x4  }
0xe9: {  	[tilespmem:$0x17C70] =	vst @!p0 v4  }
0xea: {  	v4 =	vld @!p0 [tilespmem:s14+$0x17400];
	_ =	sdelay $0x3  }
0xeb: {  	s16 =	simm.s32 @!p0 $0x17E00  }
0xec: {  	s15 =	simm.s32 @!p0 $0x17C00;
	p1 =	seq.s32 @!p0 s11, $0x0;
	s14 =	simm.s32 @!p0 $0x80;
	[tilespmem:$0x17D70] =	vst @!p0 v4  }
0xed: {  	[tilespmem:s16], [sflag:$0x3] =	stream.indirect.gather @!p0 [spmem:s5], $0x80, s15, s14, $0xb8;
	[tilespmem:$0x1FE00] =	vst v63  }
0xee: {  	p0 =	por p0, !p1  }
.Ltmp10:
0xef: {  	_ = 	snop;
	(pc) =	sbr.rel @!p0 .LBB2_9-.Ltmp10, $1  }
0xf0: {  	_ =	sdelay $0x3  }
0xf1: {  	p0 =	slt.s32 s4, $0x1  }
0xf2: {  	s11 =	simm.s32 @!p0 $0x3  }
0xf3: {  	_ =	swait.ge @!p0 [sflag:s11], $0x4000  }
0xf4: {  	s14 =	simm.s32 @!p0 $0x17D00;
	s15 =	simm.s32 @!p0 $0x17E00;
	[sflag:s11] =	ssyncset.done @!p0 $0x0  }
0xf5: {  	p1 =	seq.s32 @!p0 s4, $0x1;
	[sflag:s11] =	ssyncadd.s32 @!p0 $0xFFFFC000;
	s11 =	simm.s32 @!p0 $0x80  }
0xf6: {  	[hbm4b:s3+s11] =	stream.indirect.scatter @!p0 [tilespmem:s15], [sflag:$0x5], $0x80, s14, s11, $0xb8;
	[tilespmem:$0x1FE00] =	vst v63  }
0xf7: {  	p0 =	por p1, p0  }
0xf8: {  	s11 =	simm.s32 @!p0 $0x6  }
0xf9: {  	_ =	swait.ge @!p0 [sflag:s11], $0x4000  }
0xfa: {  	s16 =	sand.u32 $0x7F8, s12;
	[sflag:s11] =	ssyncset.done @!p0 $0x0  }
0xfb: {  	s15 =	sor.u32 s8, s16;
	[sflag:s11] =	ssyncadd.s32 @!p0 $0xFFFFC000  }
0xfc: {  	v4 =	vld [tilespmem:s15+$0x16C00];
	_ =	sdelay $0x4  }
0xfd: {  	[tilespmem:$0x17C80] =	vst v4  }
0xfe: {  	v4 =	vld [tilespmem:s15+$0x17400];
	_ =	sdelay $0x2  }
0xff: {  	s16 =	sadd.s32 $0x10, s9  }
0x100: {  	s11 =	sand.u32 $0xFF8, s16  }
0x101: {  	s11 =	sor.u32 s8, s11;
	[tilespmem:$0x17D80] =	vst v4  }
0x102: {  	v4 =	vld [tilespmem:s11+$0x16C00];
	_ =	sdelay $0x4  }
0x103: {  	[tilespmem:$0x17C90] =	vst v4  }
0x104: {  	v4 =	vld [tilespmem:s11+$0x17400];
	_ =	sdelay $0x2  }
0x105: {  	s14 =	sadd.s32 $0x20, s9  }
0x106: {  	s11 =	sand.u32 $0xFF8, s14  }
0x107: {  	s11 =	sor.u32 s8, s11;
	[tilespmem:$0x17D90] =	vst v4  }
0x108: {  	v4 =	vld [tilespmem:s11+$0x16C00];
	_ =	sdelay $0x4  }
0x109: {  	[tilespmem:$0x17CA0] =	vst v4  }
0x10a: {  	v4 =	vld [tilespmem:s11+$0x17400];
	_ =	sdelay $0x2  }
0x10b: {  	s15 =	sadd.s32 $0x30, s9  }
0x10c: {  	s11 =	sand.u32 $0xFF8, s15  }
0x10d: {  	s11 =	sor.u32 s8, s11;
	[tilespmem:$0x17DA0] =	vst v4  }
0x10e: {  	v4 =	vld [tilespmem:s11+$0x16C00];
	_ =	sdelay $0x4  }
0x10f: {  	[tilespmem:$0x17CB0] =	vst v4  }
0x110: {  	v4 =	vld [tilespmem:s11+$0x17400];
	_ =	sdelay $0x2  }
0x111: {  	s16 =	sadd.s32 $0x40, s9  }
0x112: {  	s11 =	sand.u32 $0xFF8, s16  }
0x113: {  	s11 =	sor.u32 s8, s11;
	[tilespmem:$0x17DB0] =	vst v4  }
0x114: {  	v4 =	vld [tilespmem:s11+$0x16C00];
	_ =	sdelay $0x4  }
0x115: {  	[tilespmem:$0x17CC0] =	vst v4  }
0x116: {  	v4 =	vld [tilespmem:s11+$0x17400];
	_ =	sdelay $0x2  }
0x117: {  	s14 =	sadd.s32 $0x50, s9  }
0x118: {  	s11 =	sand.u32 $0xFF8, s14  }
0x119: {  	s11 =	sor.u32 s8, s11;
	[tilespmem:$0x17DC0] =	vst v4  }
0x11a: {  	v4 =	vld [tilespmem:s11+$0x16C00];
	_ =	sdelay $0x4  }
0x11b: {  	[tilespmem:$0x17CD0] =	vst v4  }
0x11c: {  	v4 =	vld [tilespmem:s11+$0x17400];
	_ =	sdelay $0x2  }
0x11d: {  	s15 =	sadd.s32 $0x60, s9  }
0x11e: {  	s11 =	sand.u32 $0xFF8, s15  }
0x11f: {  	s11 =	sor.u32 s8, s11;
	[tilespmem:$0x17DD0] =	vst v4  }
0x120: {  	v4 =	vld [tilespmem:s11+$0x16C00];
	_ =	sdelay $0x4  }
0x121: {  	[tilespmem:$0x17CE0] =	vst v4  }
0x122: {  	v4 =	vld [tilespmem:s11+$0x17400];
	_ =	sdelay $0x2  }
0x123: {  	s16 =	sadd.s32 $0x70, s9  }
0x124: {  	s9 =	sand.u32 $0xFF8, s16  }
0x125: {  	s9 =	sor.u32 s8, s9;
	[tilespmem:$0x17DE0] =	vst v4  }
0x126: {  	v4 =	vld [tilespmem:s9+$0x16C00];
	_ =	sdelay $0x4  }
0x127: {  	[tilespmem:$0x17CF0] =	vst v4  }
0x128: {  	v4 =	vld [tilespmem:s9+$0x17400];
	_ =	sdelay $0x1  }
.Ltmp11:
0x129: {  	_ = 	snop;
	(pc) =	sbr.rel .LBB2_9-.Ltmp11, $3  }
0x12a: {  	_ =	sdelay $0x1  }
0x12b: {  	[tilespmem:$0x17DF0] =	vst v4  }
0x12c: {  	[tilespmem:s24], [sflag:$0x4] =	stream.indirect.gather [spmem:s5], $0x80, s23, s22, $0xb8;
	[tilespmem:$0x1FE00] =	vst v63  }
.LBB2_10:
0x12d: {  	s4 =	smov.u32 s1  }
.LBB2_11:
0x12e: {  	_ =	swait.ge [sflag:s25], $0x400;
	s1 =	sadd.s32 s6, s10  }
0x12f: {  	s15 =	simm.s32 $0x0;
	[sflag:s25] =	ssyncset.done $0x0;
	s1 =	sshrl.u32 s1, $0x3  }
0x130: {  	s6 =	simm.s32 $0x16840;
	[sflag:s25] =	ssyncadd.s32 $0xFFFFFC00;
	s1 =	sadd.s32 s2, s1  }
0x131: {  	[tilespmem:s17], [sflag:$0x1] =	stream.linear.gather [hbm4b:s1+s15], $0x400, $0x38;
	[tilespmem:$0x1FE00] =	vst v63  }
0x132: {  	v8 =	vld [tilespmem:s6+$0xFFFFFFF0]  }
0x133: {  	v7 =	vld [tilespmem:s6+$0x0]  }
0x134: {  	v9 =	vld [tilespmem:s6+$0xFFFFFFC0]  }
0x135: {  	v10 =	vld [tilespmem:s6+$0xFFFFFFE0]  }
0x136: {  	v11 =	vld [tilespmem:s6+$0x10]  }
0x137: {  	v6 =	vld [tilespmem:s6+$0xFFFFFFD0];
	_ =	sdelay $0x1  }
0x138: {  	v4 =	vcvt.s32.f32 v8  }
0x139: {  	v5 =	vcvt.s32.f32 v7;
	v12 =	vcvt.s32.f32 v9  }
0x13a: {  	v14 =	vcvt.s32.f32 v10;
	v18 =	vcvt.s32.f32 v11  }
0x13b: {  	v13 =	vmul.f32 $8.778089970e-05, v4;
	v4 =	vcvt.s32.f32 v6  }
0x13c: {  	s16 =	sadd.s32 $0x0, s13;
	v5 =	vmul.f32 $8.778089970e-05, v5;
	v12 =	vmul.f32 $8.778089970e-05, v12  }
0x13d: {  	v16 =	vmov s26;
	s8 =	sadd.s32 $0x400, s16;
	v14 =	vmul.f32 $8.778089970e-05, v14;
	v18 =	vmul.f32 $8.778089970e-05, v18  }
0x13e: {  	s26 =	sadd.s32 $0x420, s16;
	v54 =	vor.u32 s8, v1;
	v15 =	vmul.f32 $8.778089970e-05, v4;
	v17 =	vtrunc.f32 v5  }
0x13f: {  	v59 =	vor.u32 s26, v1;
	v12 =	vtrunc.f32 v12;
	v13 =	vtrunc.f32 v13  }
0x140: {  	v10 =	vsub.s32 v10, v2;
	v14 =	vtrunc.f32 v14;
	v39 =	vtrunc.f32 v18  }
0x141: {  	v5 =	vsub.s32 v11, v2;
	v11 =	vcvt.f32.s32 v12;
	v14 =	vcvt.f32.s32 v14  }
0x142: {  	v9 =	vsub.s32 v9, v2;
	v4 =	vld [tilespmem:s6+$0x20];
	v12 =	vtrunc.f32 v15;
	v15 =	vcvt.f32.s32 v17  }
0x143: {  	v17 =	vcvt.f32.s32 v39;
	vm6 =	veq.s32 v3, v11;
	v11 =	vcvt.f32.s32 v12  }
0x144: {  	v12 =	vsub.s32 v6, v2;
	vm7 =	veq.s32 v3, v14;
	v6 =	vsel vm6, $0x1, v0  }
0x145: {  	v37 =	vmpcnt.ones.xlane vm6;
	vm0 =	veq.s32 v3, v15;
	vm5 =	veq.s32 v3, v11;
	(xrf0) =	vadd.scan.msk.s32 $0xffff, v6  }
0x146: {  	vm1 =	veq.s32 v3, v17;
	v46 =	vmpcnt.ones.xlane vm7;
	v38 =	vsel vm5, $0x1, v0  }
0x147: {  	v14 =	vsel vm7, $0x1, v0;
	v11 =	vcvt.f32.s32 v13;
	v13 =	vcvt.s32.f32 v4;
	(xrf0) =	vadd.scan.msk.s32 $0xffff, v38  }
0x148: {  	v6 =	vld [tilespmem:s6+$0x30];
	v21 =	vsel vm0, $0x1, v0;
	v17 =	vsel vm1, $0xFFFFFFFF, v0;
	v43 =	vsel vm1, $0x1, v0  }
0x149: {  	v47 =	vmpcnt.ones.xlane vm0;
	v48 =	vsel vm0, $0xFFFFFFFF, v0;
	v50 =	vmpcnt.ones.xlane vm1  }
0x14a: {  	v19 =	vsel vm5, $0xFFFFFFFF, v0;
	v15 =	vadd.s32 v16, v37;
	vm4 =	veq.s32 v3, v11  }
0x14b: {  	v20 =	vmpcnt.ones.xlane vm5;
	v13 =	vmul.f32 $8.778089970e-05, v13;
	v22 =	vsel vm4, $0x1, v0;
	v41, _, _ =	vpop (xrf0);
	(xrf0) =	vadd.scan.msk.s32 $0xffff, v21  }
0x14c: {  	v11 =	vsel vm6, $0xFFFFFFFF, v0;
	v42 =	vadd.s32 v19, v15;
	v23 =	vmpcnt.ones.xlane vm4;
	(xrf0) =	vadd.scan.msk.s32 $0xffff, v22  }
0x14d: {  	v40 =	vsel vm4, $0xFFFFFFFF, v0;
	v13 =	vtrunc.f32 v13;
	v24 =	vcvt.s32.f32 v6;
	v44, _, _ =	vpop (xrf0);
	(xrf0) =	vadd.scan.msk.s32 $0xffff, v14  }
0x14e: {  	v11 =	vadd.s32 v11, v16;
	v15 =	vadd.s32 v15, v20;
	v13 =	vcvt.f32.s32 v13  }
0x14f: {  	v21 =	vadd.s32 v15, v46;
	v11 =	vadd.s32 v41, v11;
	v45 =	vmul.f32 $8.778089970e-05, v24  }
0x150: {  	v18 =	vadd.s32 v40, v21;
	v49 =	vadd.s32 v21, v23;
	vm2 =	veq.s32 v3, v13  }
0x151: {  	v11 =	vand.u32 $0x7FF, v11;
	v14 =	vsel vm7, $0xFFFFFFFF, v0;
	v22 =	vtrunc.f32 v45;
	v25, _, _ =	vpop (xrf0)  }
0x152: {  	v23 =	vadd.s32 v48, v49;
	v16 =	vadd.s32 v44, v42;
	v22 =	vcvt.f32.s32 v22;
	v13, _, _ =	vpop (xrf0)  }
0x153: {  	v51 =	vsel vm2, $0x1, v0;
	v14 =	vadd.s32 v14, v15;
	v16 =	vand.u32 $0x7FF, v16;
	v15, _, _ =	vpop (xrf0)  }
0x154: {  	v52 =	vmpcnt.ones.xlane vm2;
	(xrf0) =	vadd.scan.msk.s32 $0xffff, v43;
	vm3 =	veq.s32 v3, v22;
	v14 =	vadd.s32 v15, v14  }
0x155: {  	s9 =	sadd.s32 $0x410, s16;
	v58 =	vsel vm2, $0xFFFFFFFF, v0;
	v53 =	vsel vm3, $0x1, v0;
	(xrf0) =	vadd.scan.msk.s32 $0xffff, v51;
	v14 =	vand.u32 $0x7FF, v14  }
0x156: {  	[tilespmem:v11+s20+$0x0] =	vst.idx.msk vm6, v9;
	v9 =	vor.u32 s9, v1;
	v13 =	vadd.s32 v13, v18;
	(xrf0) =	vadd.scan.msk.s32 $0xffff, v53  }
0x157: {  	v56 =	vadd.s32 v25, v23;
	[tilespmem:v11+s21+$0x0] =	vst.idx.msk vm6, v54;
	v15 =	vadd.s32 v49, v47;
	v13 =	vand.u32 $0x7FF, v13  }
0x158: {  	v57 =	vmpcnt.ones.xlane vm3;
	[tilespmem:v16+s20+$0x0] =	vst.idx.msk vm5, v12;
	v17 =	vadd.s32 v17, v15;
	v15 =	vadd.s32 v15, v50  }
0x159: {  	v61 =	vsel vm3, $0xFFFFFFFF, v0;
	[tilespmem:v16+s21+$0x0] =	vst.idx.msk vm5, v9;
	v12 =	vadd.s32 v15, v52;
	v15 =	vadd.s32 v58, v15  }
0x15a: {  	s14 =	sadd.s32 $0x440, s16;
	v11 =	vand.u32 $0x7FF, v56;
	v55, _, _ =	vpop (xrf0);
	v9 =	vadd.s32 v12, v57;
	v62 =	vadd.s32 v61, v12;
	[tilespmem:v14+s20+$0x0] =	vst.idx.msk vm7, v10  }
0x15b: {  	s30 =	sadd.s32 $0x430, s16;
	v12 =	vor.u32 s14, v1;
	v17 =	vadd.s32 v55, v17;
	v60, _, _ =	vpop (xrf0);
	v10 =	vsub.s32 v8, v2;
	[tilespmem:v14+s21+$0x0] =	vst.idx.msk vm7, v59  }
0x15c: {  	s11 =	sadd.s32 $0x450, s16;
	v8 =	vand.u32 $0x7FF, v17;
	v15 =	vadd.s32 v60, v15;
	v63, _, _ =	vpop (xrf0);
	v14 =	vor.u32 s30, v1;
	[tilespmem:v13+s20+$0x0] =	vst.idx.msk vm4, v10  }
0x15d: {  	s26 =	simm.s32 $0x80;
	s8 =	sadd.s32 $0x470, s16;
	s9 =	sadd.s32 $0x460, s16;
	v10 =	vsub.s32 v7, v2;
	v7 =	vand.u32 $0x7FF, v15;
	[tilespmem:v13+s21+$0x0] =	vst.idx.msk vm4, v14;
	v13 =	vadd.s32 v63, v62  }
.LBB2_12:
0x15e: {  	p0 =	sne.s32 s26, $0x380  }
0x15f: {  	[tilespmem:v11+s20+$0x0] =	vst.idx.msk vm0, v10;
	v10 =	vand.u32 $0x7FF, v13;
	s6 =	sadd.s32 $0x80, s6;
	s1 =	smov.u32 s26;
	s26 =	sadd.s32 $0x80, s26  }
0x160: {  	[tilespmem:v11+s21+$0x0] =	vst.idx.msk vm0, v12;
	v11 =	vor.u32 s11, v1  }
0x161: {  	v4 =	vsub.s32 v4, v2;
	[tilespmem:v8+s20+$0x0] =	vst.idx.msk vm1, v5  }
0x162: {  	v5 =	vor.u32 s9, v1;
	[tilespmem:v8+s21+$0x0] =	vst.idx.msk vm1, v11  }
0x163: {  	[tilespmem:v7+s20+$0x0] =	vst.idx.msk vm2, v4;
	v4 =	vsub.s32 v6, v2  }
0x164: {  	[tilespmem:v7+s21+$0x0] =	vst.idx.msk vm2, v5;
	v5 =	vor.u32 s8, v1  }
0x165: {  	[tilespmem:v10+s20+$0x0] =	vst.idx.msk vm3, v4  }
0x166: {  	[tilespmem:v10+s21+$0x0] =	vst.idx.msk vm3, v5  }
0x167: {  	v8 =	vld [tilespmem:s6+$0xFFFFFFF0]  }
0x168: {  	v7 =	vld [tilespmem:s6+$0x0]  }
0x169: {  	v11 =	vld [tilespmem:s6+$0xFFFFFFC0]  }
0x16a: {  	v6 =	vld [tilespmem:s6+$0xFFFFFFD0]  }
0x16b: {  	v10 =	vld [tilespmem:s6+$0xFFFFFFE0]  }
0x16c: {  	v4 =	vcvt.s32.f32 v8  }
0x16d: {  	v5 =	vcvt.s32.f32 v7;
	v12 =	vld [tilespmem:s6+$0x10]  }
0x16e: {  	v13 =	vcvt.s32.f32 v11;
	v14 =	vmul.f32 $8.778089970e-05, v4  }
0x16f: {  	v4 =	vcvt.s32.f32 v6;
	v5 =	vmul.f32 $8.778089970e-05, v5  }
0x170: {  	v13 =	vmul.f32 $8.778089970e-05, v13;
	v15 =	vcvt.s32.f32 v10  }
0x171: {  	v16 =	vmul.f32 $8.778089970e-05, v4;
	v17 =	vtrunc.f32 v5;
	v4 =	vld [tilespmem:s6+$0x20]  }
0x172: {  	v13 =	vtrunc.f32 v13;
	v18 =	vcvt.s32.f32 v12;
	v5 =	vsub.s32 v12, v2  }
0x173: {  	v10 =	vsub.s32 v10, v2;
	v12 =	vcvt.f32.s32 v13;
	v13 =	vtrunc.f32 v16  }
0x174: {  	v14 =	vtrunc.f32 v14;
	v15 =	vmul.f32 $8.778089970e-05, v15;
	v16 =	vsub.s32 v6, v2  }
0x175: {  	v6 =	vcvt.f32.s32 v13;
	vm5 =	veq.s32 v3, v12;
	v12 =	vcvt.f32.s32 v17  }
0x176: {  	v18 =	vmul.f32 $8.778089970e-05, v18;
	v13 =	vsel vm5, $0x1, v0;
	v17 =	vmpcnt.ones.xlane vm5  }
0x177: {  	v14 =	vcvt.f32.s32 v14;
	vm6 =	veq.s32 v3, v6;
	v19 =	vcvt.s32.f32 v4;
	v6 =	vld [tilespmem:s6+$0x30];
	(xrf0) =	vadd.scan.msk.s32 $0xffff, v13  }
0x178: {  	v13 =	vsel vm6, $0xFFFFFFFF, v0;
	vm0 =	veq.s32 v3, v12;
	v12 =	vadd.s32 v9, v17  }
0x179: {  	v15 =	vtrunc.f32 v15;
	v20 =	vmpcnt.ones.xlane vm6;
	v17 =	vsel vm6, $0x1, v0  }
0x17a: {  	v15 =	vcvt.f32.s32 v15;
	v21 =	vsel vm0, $0x1, v0;
	v19 =	vmul.f32 $8.778089970e-05, v19;
	(xrf0) =	vadd.scan.msk.s32 $0xffff, v17  }
0x17b: {  	vm4 =	veq.s32 v3, v14;
	v24 =	vsel vm5, $0xFFFFFFFF, v0;
	v14 =	vtrunc.f32 v18;
	(xrf0) =	vadd.scan.msk.s32 $0xffff, v21  }
0x17c: {  	v22 =	vmpcnt.ones.xlane vm4;
	v18 =	vsel vm4, $0xFFFFFFFF, v0;
	v21 =	vsel vm4, $0x1, v0  }
0x17d: {  	v14 =	vcvt.f32.s32 v14;
	v9 =	vadd.s32 v24, v9;
	v23 =	vcvt.s32.f32 v6;
	v17, _, _ =	vpop (xrf0);
	(xrf0) =	vadd.scan.msk.s32 $0xffff, v21  }
0x17e: {  	v13 =	vadd.s32 v13, v12;
	v19 =	vtrunc.f32 v19;
	v9 =	vadd.s32 v17, v9  }
0x17f: {  	vm7 =	veq.s32 v3, v15;
	vm1 =	veq.s32 v3, v14;
	v9 =	vand.u32 $0x7FF, v9  }
0x180: {  	v24 =	vsel vm7, $0x1, v0;
	v15 =	vsel vm1, $0xFFFFFFFF, v0;
	v17 =	vsel vm1, $0x1, v0;
	v21, _, _ =	vpop (xrf0)  }
0x181: {  	v19 =	vcvt.f32.s32 v19;
	v23 =	vmul.f32 $8.778089970e-05, v23;
	v13 =	vadd.s32 v21, v13;
	(xrf0) =	vadd.scan.msk.s32 $0xffff, v24;
	v14, _, _ =	vpop (xrf0)  }
0x182: {  	v21 =	vsel vm7, $0xFFFFFFFF, v0;
	v24 =	vmpcnt.ones.xlane vm7;
	v13 =	vand.u32 $0x7FF, v13;
	(xrf0) =	vadd.scan.msk.s32 $0xffff, v17  }
0x183: {  	v11 =	vsub.s32 v11, v2;
	v12 =	vadd.s32 v12, v20;
	v17 =	vtrunc.f32 v23;
	v20, _, _ =	vpop (xrf0)  }
0x184: {  	v23 =	vmpcnt.ones.xlane vm0;
	v17 =	vcvt.f32.s32 v17;
	v24 =	vadd.s32 v12, v24  }
0x185: {  	v25 =	vsel vm0, $0xFFFFFFFF, v0;
	v18 =	vadd.s32 v18, v24;
	v22 =	vadd.s32 v24, v22  }
0x186: {  	vm2 =	veq.s32 v3, v19;
	v24 =	vmpcnt.ones.xlane vm1;
	v19 =	vadd.s32 v25, v22  }
0x187: {  	v12 =	vadd.s32 v21, v12;
	v25 =	vsel vm2, $0x1, v0;
	v18 =	vadd.s32 v20, v18;
	v20, _, _ =	vpop (xrf0)  }
0x188: {  	s1 =	sadd.s32 s1, s13;
	v21 =	vmpcnt.ones.xlane vm2;
	v12 =	vadd.s32 v20, v12;
	v20 =	vadd.s32 v22, v23;
	v22, _, _ =	vpop (xrf0);
	(xrf0) =	vadd.scan.msk.s32 $0xffff, v25  }
0x189: {  	s9 =	sadd.s32 $0x410, s1;
	s14 =	sadd.s32 $0x420, s1;
	s8 =	sadd.s32 $0x400, s1;
	vm3 =	veq.s32 v3, v17;
	v12 =	vand.u32 $0x7FF, v12;
	v15 =	vadd.s32 v15, v20  }
0x18a: {  	s15 =	sadd.s32 $0x430, s1;
	s16 =	sadd.s32 $0x440, s1;
	s11 =	sadd.s32 $0x450, s1;
	v17 =	vsel vm3, $0x1, v0;
	v23 =	vor.u32 s9, v1;
	[tilespmem:v9+s20+$0x0] =	vst.idx.msk vm5, v11;
	v11 =	vadd.s32 v14, v19  }
0x18b: {  	v18 =	vand.u32 $0x7FF, v18;
	s9 =	sadd.s32 $0x460, s1;
	v14 =	vor.u32 s8, v1;
	v19 =	vadd.s32 v20, v24;
	s8 =	sadd.s32 $0x470, s1;
	(xrf0) =	vadd.scan.msk.s32 $0xffff, v17  }
0x18c: {  	v20 =	vmpcnt.ones.xlane vm3;
	[tilespmem:v9+s21+$0x0] =	vst.idx.msk vm5, v14;
	v14 =	vadd.s32 v22, v15;
	v15 =	vadd.s32 v19, v21  }
0x18d: {  	v11 =	vand.u32 $0x7FF, v11;
	v9 =	vsel vm2, $0xFFFFFFFF, v0;
	[tilespmem:v13+s20+$0x0] =	vst.idx.msk vm6, v16  }
.Ltmp12:
0x18e: {  	v16 =	vadd.s32 v9, v19;
	v9 =	vadd.s32 v15, v20;
	[tilespmem:v13+s21+$0x0] =	vst.idx.msk vm6, v23;
	v13 =	vor.u32 s14, v1;
	v17, _, _ =	vpop (xrf0);
	(pc) =	sbr.rel @p0 .LBB2_12-.Ltmp12, $4  }
0x18f: {  	[tilespmem:v12+s20+$0x0] =	vst.idx.msk vm7, v10;
	v10 =	vsub.s32 v8, v2;
	v8 =	vand.u32 $0x7FF, v14;
	v17 =	vadd.s32 v17, v16  }
0x190: {  	v16 =	vsel vm3, $0xFFFFFFFF, v0;
	[tilespmem:v12+s21+$0x0] =	vst.idx.msk vm7, v13;
	v12 =	vor.u32 s15, v1  }
0x191: {  	v13 =	vadd.s32 v16, v15;
	[tilespmem:v18+s20+$0x0] =	vst.idx.msk vm4, v10;
	v10 =	vsub.s32 v7, v2;
	v7 =	vand.u32 $0x7FF, v17;
	v14, _, _ =	vpop (xrf0)  }
0x192: {  	[tilespmem:v18+s21+$0x0] =	vst.idx.msk vm4, v12;
	v12 =	vor.u32 s16, v1;
	v13 =	vadd.s32 v14, v13  }
0x193: {  	v9 =	vxor.u32 $0x80000000, v9  }
0x194: {  	(xrf0) =	vmax.scan.msk.u32 $0xffff, v9;
	_ =	sdelay $0x5  }
0x195: {  	v9, _, _ =	vpop (xrf0)  }
0x196: {  	(v2sf) =	vpush v9, $0xF;
	_ =	sdelay $0xe  }
0x197: {  	s1 =	spop (v2sf)  }
0x198: {  	[tilespmem:v11+s20+$0x0] =	vst.idx.msk vm0, v10;
	s30 =	sxor.u32 $0x80000000, s1  }
0x199: {  	v62 =	vand.u32 $0x7FF, v13;
	[tilespmem:v11+s21+$0x0] =	vst.idx.msk vm0, v12;
	s6 =	ssub.s32 s30, s12  }
0x19a: {  	v63 =	vor.u32 s11, v1;
	[tilespmem:v8+s20+$0x0] =	vst.idx.msk vm1, v5;
	p0 =	slt.s32 s6, $0x80  }
.Ltmp13:
0x19b: {  	v4 =	vsub.s32 v4, v2;
	[tilespmem:v8+s21+$0x0] =	vst.idx.msk vm1, v63;
	(pc) =	sbr.rel @p0 .LBB2_19-.Ltmp13, $4  }
0x19c: {  	v5 =	vor.u32 s9, v1;
	[tilespmem:v7+s20+$0x0] =	vst.idx.msk vm2, v4  }
0x19d: {  	v4 =	vsub.s32 v6, v2;
	[tilespmem:v7+s21+$0x0] =	vst.idx.msk vm2, v5  }
0x19e: {  	v5 =	vor.u32 s8, v1;
	[tilespmem:v62+s20+$0x0] =	vst.idx.msk vm3, v4  }
0x19f: {  	[tilespmem:v62+s21+$0x0] =	vst.idx.msk vm3, v5  }
.Ltmp14:
0x1a0: {  	s1 =	ssub.s32 s1, s12;
	(pc) =	sbr.rel .LBB2_15-.Ltmp14, $4  }
0x1a1: {  	s1 =	sadd.s32 $0x7FFFFF80, s1  }
0x1a2: {  	s1 =	sshrl.u32 s1, $0x7  }
0x1a3: {  	s6 =	sadd.s32 $0x1, s1  }
0x1a4: {  	s8 =	sand.u32 $0x7, s12;
	s1 =	sadd.s32 s4, s6  }
.LBB2_17:
0x1a5: {  	s6 =	sadd.s32 $0xFFFFFFFF, s6  }
0x1a6: {  	p0 =	sne.s32 s6, $0x0  }
.Ltmp15:
0x1a7: {  	_ = 	snop;
	(pc) =	sbr.rel @!p0 .LBB2_18-.Ltmp15, $2  }
0x1a8: {  	_ =	sdelay $0x2  }
0x1a9: {  	s12 =	sadd.s32 $0x80, s12;
	s4 =	sadd.s32 $0x1, s4  }
.LBB2_15:
0x1aa: {  	s11 =	sand.u32 $0x1, s4  }
0x1ab: {  	p0 =	seq.s32 s11, $0x1  }
0x1ac: {  	p1 =	slt.s32 @!p0 s4, $0x1  }
0x1ad: {  	p1 =	por p1, p0  }
0x1ae: {  	s9 =	simm.s32 @!p1 $0x4  }
0x1af: {  	_ =	swait.ge @!p1 [sflag:s9], $0x4000  }
0x1b0: {  	s14 =	simm.s32 @!p1 $0x17D80;
	[sflag:s9] =	ssyncset.done @!p1 $0x0  }
0x1b1: {  	s15 =	simm.s32 @!p1 $0x1BE00;
	[sflag:s9] =	ssyncadd.s32 @!p1 $0xFFFFC000;
	s9 =	simm.s32 @!p1 $0x80  }
0x1b2: {  	[hbm4b:s3+s9] =	stream.indirect.scatter @!p1 [tilespmem:s15], [sflag:$0x6], $0x80, s14, s9, $0xb8;
	[tilespmem:$0x1FE00] =	vst v63  }
0x1b3: {  	s9 =	simm.s32 @!p1 $0x5  }
0x1b4: {  	_ =	swait.ge @!p1 [sflag:s9], $0x4000  }
0x1b5: {  	s14 =	sand.u32 @!p0 $0x7F8, s12;
	[sflag:s9] =	ssyncset.done @!p1 $0x0  }
0x1b6: {  	[sflag:s9] =	ssyncadd.s32 @!p1 $0xFFFFC000;
	s9 =	sor.u32 @!p0 s8, s14  }
0x1b7: {  	v4 =	vld @!p0 [tilespmem:s9+$0x16C00];
	_ =	sdelay $0x4  }
0x1b8: {  	[tilespmem:$0x17C00] =	vst @!p0 v4  }
0x1b9: {  	v4 =	vld @!p0 [tilespmem:s9+$0x17400];
	_ =	sdelay $0x1  }
0x1ba: {  	s9 =	sand.u32 $0x7FF, s12  }
0x1bb: {  	s14 =	sadd.s32 @!p0 $0x10, s9  }
0x1bc: {  	s14 =	sand.u32 @!p0 $0xFF8, s14  }
0x1bd: {  	s14 =	sor.u32 @!p0 s8, s14;
	[tilespmem:$0x17D00] =	vst @!p0 v4  }
0x1be: {  	v4 =	vld @!p0 [tilespmem:s14+$0x16C00];
	_ =	sdelay $0x4  }
0x1bf: {  	[tilespmem:$0x17C10] =	vst @!p0 v4  }
0x1c0: {  	v4 =	vld @!p0 [tilespmem:s14+$0x17400];
	_ =	sdelay $0x2  }
0x1c1: {  	s14 =	sadd.s32 @!p0 $0x20, s9  }
0x1c2: {  	s14 =	sand.u32 @!p0 $0xFF8, s14  }
0x1c3: {  	s14 =	sor.u32 @!p0 s8, s14;
	[tilespmem:$0x17D10] =	vst @!p0 v4  }
0x1c4: {  	v4 =	vld @!p0 [tilespmem:s14+$0x16C00];
	_ =	sdelay $0x4  }
0x1c5: {  	[tilespmem:$0x17C20] =	vst @!p0 v4  }
0x1c6: {  	v4 =	vld @!p0 [tilespmem:s14+$0x17400];
	_ =	sdelay $0x2  }
0x1c7: {  	s14 =	sadd.s32 @!p0 $0x30, s9  }
0x1c8: {  	s14 =	sand.u32 @!p0 $0xFF8, s14  }
0x1c9: {  	s14 =	sor.u32 @!p0 s8, s14;
	[tilespmem:$0x17D20] =	vst @!p0 v4  }
0x1ca: {  	v4 =	vld @!p0 [tilespmem:s14+$0x16C00];
	_ =	sdelay $0x4  }
0x1cb: {  	[tilespmem:$0x17C30] =	vst @!p0 v4  }
0x1cc: {  	v4 =	vld @!p0 [tilespmem:s14+$0x17400];
	_ =	sdelay $0x2  }
0x1cd: {  	s14 =	sadd.s32 @!p0 $0x40, s9  }
0x1ce: {  	s14 =	sand.u32 @!p0 $0xFF8, s14  }
0x1cf: {  	s14 =	sor.u32 @!p0 s8, s14;
	[tilespmem:$0x17D30] =	vst @!p0 v4  }
0x1d0: {  	v4 =	vld @!p0 [tilespmem:s14+$0x16C00];
	_ =	sdelay $0x4  }
0x1d1: {  	[tilespmem:$0x17C40] =	vst @!p0 v4  }
0x1d2: {  	v4 =	vld @!p0 [tilespmem:s14+$0x17400];
	_ =	sdelay $0x2  }
0x1d3: {  	s14 =	sadd.s32 @!p0 $0x50, s9  }
0x1d4: {  	s14 =	sand.u32 @!p0 $0xFF8, s14  }
0x1d5: {  	s14 =	sor.u32 @!p0 s8, s14;
	[tilespmem:$0x17D40] =	vst @!p0 v4  }
0x1d6: {  	v4 =	vld @!p0 [tilespmem:s14+$0x16C00];
	_ =	sdelay $0x4  }
0x1d7: {  	[tilespmem:$0x17C50] =	vst @!p0 v4  }
0x1d8: {  	v4 =	vld @!p0 [tilespmem:s14+$0x17400];
	_ =	sdelay $0x2  }
0x1d9: {  	s14 =	sadd.s32 @!p0 $0x60, s9  }
0x1da: {  	s14 =	sand.u32 @!p0 $0xFF8, s14  }
0x1db: {  	s14 =	sor.u32 @!p0 s8, s14;
	[tilespmem:$0x17D50] =	vst @!p0 v4  }
0x1dc: {  	v4 =	vld @!p0 [tilespmem:s14+$0x16C00];
	_ =	sdelay $0x4  }
0x1dd: {  	[tilespmem:$0x17C60] =	vst @!p0 v4  }
0x1de: {  	v4 =	vld @!p0 [tilespmem:s14+$0x17400];
	_ =	sdelay $0x2  }
0x1df: {  	s14 =	sadd.s32 @!p0 $0x70, s9  }
0x1e0: {  	s14 =	sand.u32 @!p0 $0xFF8, s14  }
0x1e1: {  	s14 =	sor.u32 @!p0 s8, s14;
	[tilespmem:$0x17D60] =	vst @!p0 v4  }
0x1e2: {  	v4 =	vld @!p0 [tilespmem:s14+$0x16C00];
	_ =	sdelay $0x4  }
0x1e3: {  	[tilespmem:$0x17C70] =	vst @!p0 v4  }
0x1e4: {  	v4 =	vld @!p0 [tilespmem:s14+$0x17400];
	_ =	sdelay $0x3  }
0x1e5: {  	s16 =	simm.s32 @!p0 $0x17E00  }
0x1e6: {  	s15 =	simm.s32 @!p0 $0x17C00;
	p1 =	seq.s32 @!p0 s11, $0x0;
	s14 =	simm.s32 @!p0 $0x80;
	[tilespmem:$0x17D70] =	vst @!p0 v4  }
0x1e7: {  	[tilespmem:s16], [sflag:$0x3] =	stream.indirect.gather @!p0 [spmem:s5], $0x80, s15, s14, $0xb8;
	[tilespmem:$0x1FE00] =	vst v63  }
0x1e8: {  	p0 =	por p0, !p1  }
.Ltmp16:
0x1e9: {  	_ = 	snop;
	(pc) =	sbr.rel @!p0 .LBB2_17-.Ltmp16, $1  }
0x1ea: {  	_ =	sdelay $0x3  }
0x1eb: {  	p0 =	slt.s32 s4, $0x1  }
0x1ec: {  	s11 =	simm.s32 @!p0 $0x3  }
0x1ed: {  	_ =	swait.ge @!p0 [sflag:s11], $0x4000  }
0x1ee: {  	s14 =	simm.s32 @!p0 $0x17D00;
	s15 =	simm.s32 @!p0 $0x17E00;
	[sflag:s11] =	ssyncset.done @!p0 $0x0  }
0x1ef: {  	p1 =	seq.s32 @!p0 s4, $0x1;
	[sflag:s11] =	ssyncadd.s32 @!p0 $0xFFFFC000;
	s11 =	simm.s32 @!p0 $0x80  }
0x1f0: {  	[hbm4b:s3+s11] =	stream.indirect.scatter @!p0 [tilespmem:s15], [sflag:$0x5], $0x80, s14, s11, $0xb8;
	[tilespmem:$0x1FE00] =	vst v63  }
0x1f1: {  	p0 =	por p1, p0  }
0x1f2: {  	s11 =	simm.s32 @!p0 $0x6  }
0x1f3: {  	_ =	swait.ge @!p0 [sflag:s11], $0x4000  }
0x1f4: {  	s26 =	sand.u32 $0x7F8, s12;
	[sflag:s11] =	ssyncset.done @!p0 $0x0  }
0x1f5: {  	s14 =	sor.u32 s8, s26;
	[sflag:s11] =	ssyncadd.s32 @!p0 $0xFFFFC000  }
0x1f6: {  	v4 =	vld [tilespmem:s14+$0x16C00];
	_ =	sdelay $0x4  }
0x1f7: {  	[tilespmem:$0x17C80] =	vst v4  }
0x1f8: {  	v4 =	vld [tilespmem:s14+$0x17400];
	_ =	sdelay $0x2  }
0x1f9: {  	s15 =	sadd.s32 $0x10, s9  }
0x1fa: {  	s11 =	sand.u32 $0xFF8, s15  }
0x1fb: {  	s11 =	sor.u32 s8, s11;
	[tilespmem:$0x17D80] =	vst v4  }
0x1fc: {  	v4 =	vld [tilespmem:s11+$0x16C00];
	_ =	sdelay $0x4  }
0x1fd: {  	[tilespmem:$0x17C90] =	vst v4  }
0x1fe: {  	v4 =	vld [tilespmem:s11+$0x17400];
	_ =	sdelay $0x2  }
0x1ff: {  	s16 =	sadd.s32 $0x20, s9  }
0x200: {  	s11 =	sand.u32 $0xFF8, s16  }
0x201: {  	s11 =	sor.u32 s8, s11;
	[tilespmem:$0x17D90] =	vst v4  }
0x202: {  	v4 =	vld [tilespmem:s11+$0x16C00];
	_ =	sdelay $0x4  }
0x203: {  	[tilespmem:$0x17CA0] =	vst v4  }
0x204: {  	v4 =	vld [tilespmem:s11+$0x17400];
	_ =	sdelay $0x2  }
0x205: {  	s26 =	sadd.s32 $0x30, s9  }
0x206: {  	s11 =	sand.u32 $0xFF8, s26  }
0x207: {  	s11 =	sor.u32 s8, s11;
	[tilespmem:$0x17DA0] =	vst v4  }
0x208: {  	v4 =	vld [tilespmem:s11+$0x16C00];
	_ =	sdelay $0x4  }
0x209: {  	[tilespmem:$0x17CB0] =	vst v4  }
0x20a: {  	v4 =	vld [tilespmem:s11+$0x17400];
	_ =	sdelay $0x2  }
0x20b: {  	s14 =	sadd.s32 $0x40, s9  }
0x20c: {  	s11 =	sand.u32 $0xFF8, s14  }
0x20d: {  	s11 =	sor.u32 s8, s11;
	[tilespmem:$0x17DB0] =	vst v4  }
0x20e: {  	v4 =	vld [tilespmem:s11+$0x16C00];
	_ =	sdelay $0x4  }
0x20f: {  	[tilespmem:$0x17CC0] =	vst v4  }
0x210: {  	v4 =	vld [tilespmem:s11+$0x17400];
	_ =	sdelay $0x2  }
0x211: {  	s15 =	sadd.s32 $0x50, s9  }
0x212: {  	s11 =	sand.u32 $0xFF8, s15  }
0x213: {  	s11 =	sor.u32 s8, s11;
	[tilespmem:$0x17DC0] =	vst v4  }
0x214: {  	v4 =	vld [tilespmem:s11+$0x16C00];
	_ =	sdelay $0x4  }
0x215: {  	[tilespmem:$0x17CD0] =	vst v4  }
0x216: {  	v4 =	vld [tilespmem:s11+$0x17400];
	_ =	sdelay $0x2  }
0x217: {  	s16 =	sadd.s32 $0x60, s9  }
0x218: {  	s11 =	sand.u32 $0xFF8, s16  }
0x219: {  	s11 =	sor.u32 s8, s11;
	[tilespmem:$0x17DD0] =	vst v4  }
0x21a: {  	v4 =	vld [tilespmem:s11+$0x16C00];
	_ =	sdelay $0x4  }
0x21b: {  	[tilespmem:$0x17CE0] =	vst v4  }
0x21c: {  	v4 =	vld [tilespmem:s11+$0x17400];
	_ =	sdelay $0x2  }
0x21d: {  	s26 =	sadd.s32 $0x70, s9  }
0x21e: {  	s9 =	sand.u32 $0xFF8, s26  }
0x21f: {  	s9 =	sor.u32 s8, s9;
	[tilespmem:$0x17DE0] =	vst v4  }
0x220: {  	v4 =	vld [tilespmem:s9+$0x16C00];
	_ =	sdelay $0x4  }
0x221: {  	[tilespmem:$0x17CF0] =	vst v4  }
0x222: {  	v4 =	vld [tilespmem:s9+$0x17400];
	_ =	sdelay $0x1  }
.Ltmp17:
0x223: {  	_ = 	snop;
	(pc) =	sbr.rel .LBB2_17-.Ltmp17, $3  }
0x224: {  	_ =	sdelay $0x1  }
0x225: {  	[tilespmem:$0x17DF0] =	vst v4  }
0x226: {  	[tilespmem:s24], [sflag:$0x4] =	stream.indirect.gather [spmem:s5], $0x80, s23, s22, $0xb8;
	[tilespmem:$0x1FE00] =	vst v63  }
.LBB2_20:
0x227: {  	_ =	swait.ge [sflag:s18], $0x400  }
0x228: {  	[sflag:s18] =	ssyncset.done $0x0  }
0x229: {  	s1 =	simm.s32 $0x0;
	s6 =	rddreg [dreg:$0x8];
	[sflag:s18] =	ssyncadd.s32 $0xFFFFFC00  }
0x22a: {  	[tilespmem:s19], [sflag:$0x2] =	stream.linear.gather [hbm4b:s6+s1], $0x400, $0x38;
	[tilespmem:$0x1FE00] =	vst v63  }
0x22b: {  	s6 =	simm.s32 $0x16440  }
0x22c: {  	v8 =	vld [tilespmem:s6+$0xFFFFFFF0]  }
0x22d: {  	v7 =	vld [tilespmem:s6+$0x0]  }
0x22e: {  	v9 =	vld [tilespmem:s6+$0xFFFFFFC0]  }
0x22f: {  	v10 =	vld [tilespmem:s6+$0xFFFFFFE0]  }
0x230: {  	v11 =	vld [tilespmem:s6+$0x10]  }
0x231: {  	v6 =	vld [tilespmem:s6+$0xFFFFFFD0];
	_ =	sdelay $0x1  }
0x232: {  	v4 =	vcvt.s32.f32 v8  }
0x233: {  	v5 =	vcvt.s32.f32 v7;
	v12 =	vcvt.s32.f32 v9  }
0x234: {  	v14 =	vcvt.s32.f32 v10;
	v18 =	vcvt.s32.f32 v11  }
0x235: {  	v13 =	vmul.f32 $8.778089970e-05, v4;
	v4 =	vcvt.s32.f32 v6  }
0x236: {  	s26 =	sadd.s32 $0x0, s29;
	v5 =	vmul.f32 $8.778089970e-05, v5;
	v12 =	vmul.f32 $8.778089970e-05, v12  }
0x237: {  	v16 =	vmov s30;
	s8 =	sadd.s32 $0x18800, s26;
	v14 =	vmul.f32 $8.778089970e-05, v14;
	v18 =	vmul.f32 $8.778089970e-05, v18  }
0x238: {  	s30 =	sadd.s32 $0x18820, s26;
	v54 =	vor.u32 s8, v1;
	v15 =	vmul.f32 $8.778089970e-05, v4;
	v17 =	vtrunc.f32 v5  }
0x239: {  	v59 =	vor.u32 s30, v1;
	v12 =	vtrunc.f32 v12;
	v13 =	vtrunc.f32 v13  }
0x23a: {  	v10 =	vsub.s32 v10, v2;
	v14 =	vtrunc.f32 v14;
	v39 =	vtrunc.f32 v18  }
0x23b: {  	v5 =	vsub.s32 v11, v2;
	v11 =	vcvt.f32.s32 v12;
	v14 =	vcvt.f32.s32 v14  }
0x23c: {  	v9 =	vsub.s32 v9, v2;
	v4 =	vld [tilespmem:s6+$0x20];
	v12 =	vtrunc.f32 v15;
	v15 =	vcvt.f32.s32 v17  }
0x23d: {  	v17 =	vcvt.f32.s32 v39;
	vm6 =	veq.s32 v3, v11;
	v11 =	vcvt.f32.s32 v12  }
0x23e: {  	v12 =	vsub.s32 v6, v2;
	vm7 =	veq.s32 v3, v14;
	v6 =	vsel vm6, $0x1, v0  }
0x23f: {  	v37 =	vmpcnt.ones.xlane vm6;
	vm0 =	veq.s32 v3, v15;
	vm5 =	veq.s32 v3, v11;
	(xrf0) =	vadd.scan.msk.s32 $0xffff, v6  }
0x240: {  	vm1 =	veq.s32 v3, v17;
	v46 =	vmpcnt.ones.xlane vm7;
	v38 =	vsel vm5, $0x1, v0  }
0x241: {  	v14 =	vsel vm7, $0x1, v0;
	v11 =	vcvt.f32.s32 v13;
	v13 =	vcvt.s32.f32 v4;
	(xrf0) =	vadd.scan.msk.s32 $0xffff, v38  }
0x242: {  	v6 =	vld [tilespmem:s6+$0x30];
	v21 =	vsel vm0, $0x1, v0;
	v17 =	vsel vm1, $0xFFFFFFFF, v0;
	v43 =	vsel vm1, $0x1, v0  }
0x243: {  	v47 =	vmpcnt.ones.xlane vm0;
	v48 =	vsel vm0, $0xFFFFFFFF, v0;
	v50 =	vmpcnt.ones.xlane vm1  }
0x244: {  	v19 =	vsel vm5, $0xFFFFFFFF, v0;
	v15 =	vadd.s32 v16, v37;
	vm4 =	veq.s32 v3, v11  }
0x245: {  	v20 =	vmpcnt.ones.xlane vm5;
	v13 =	vmul.f32 $8.778089970e-05, v13;
	v22 =	vsel vm4, $0x1, v0;
	v41, _, _ =	vpop (xrf0);
	(xrf0) =	vadd.scan.msk.s32 $0xffff, v21  }
0x246: {  	v11 =	vsel vm6, $0xFFFFFFFF, v0;
	v42 =	vadd.s32 v19, v15;
	v23 =	vmpcnt.ones.xlane vm4;
	(xrf0) =	vadd.scan.msk.s32 $0xffff, v22  }
0x247: {  	v40 =	vsel vm4, $0xFFFFFFFF, v0;
	v13 =	vtrunc.f32 v13;
	v24 =	vcvt.s32.f32 v6;
	v44, _, _ =	vpop (xrf0);
	(xrf0) =	vadd.scan.msk.s32 $0xffff, v14  }
0x248: {  	v11 =	vadd.s32 v11, v16;
	v15 =	vadd.s32 v15, v20;
	v13 =	vcvt.f32.s32 v13  }
0x249: {  	v21 =	vadd.s32 v15, v46;
	v11 =	vadd.s32 v41, v11;
	v45 =	vmul.f32 $8.778089970e-05, v24  }
0x24a: {  	v18 =	vadd.s32 v40, v21;
	v49 =	vadd.s32 v21, v23;
	vm2 =	veq.s32 v3, v13  }
0x24b: {  	v11 =	vand.u32 $0x7FF, v11;
	v14 =	vsel vm7, $0xFFFFFFFF, v0;
	v22 =	vtrunc.f32 v45;
	v25, _, _ =	vpop (xrf0)  }
0x24c: {  	v23 =	vadd.s32 v48, v49;
	v16 =	vadd.s32 v44, v42;
	v22 =	vcvt.f32.s32 v22;
	v13, _, _ =	vpop (xrf0)  }
0x24d: {  	v51 =	vsel vm2, $0x1, v0;
	v14 =	vadd.s32 v14, v15;
	v16 =	vand.u32 $0x7FF, v16;
	v15, _, _ =	vpop (xrf0)  }
0x24e: {  	v52 =	vmpcnt.ones.xlane vm2;
	(xrf0) =	vadd.scan.msk.s32 $0xffff, v43;
	vm3 =	veq.s32 v3, v22;
	v14 =	vadd.s32 v15, v14  }
0x24f: {  	s9 =	sadd.s32 $0x18810, s26;
	v58 =	vsel vm2, $0xFFFFFFFF, v0;
	v53 =	vsel vm3, $0x1, v0;
	(xrf0) =	vadd.scan.msk.s32 $0xffff, v51;
	v14 =	vand.u32 $0x7FF, v14  }
0x250: {  	[tilespmem:v11+s20+$0x0] =	vst.idx.msk vm6, v9;
	v9 =	vor.u32 s9, v1;
	v13 =	vadd.s32 v13, v18;
	(xrf0) =	vadd.scan.msk.s32 $0xffff, v53  }
0x251: {  	v56 =	vadd.s32 v25, v23;
	[tilespmem:v11+s21+$0x0] =	vst.idx.msk vm6, v54;
	v15 =	vadd.s32 v49, v47;
	v13 =	vand.u32 $0x7FF, v13  }
0x252: {  	v57 =	vmpcnt.ones.xlane vm3;
	[tilespmem:v16+s20+$0x0] =	vst.idx.msk vm5, v12;
	v17 =	vadd.s32 v17, v15;
	v15 =	vadd.s32 v15, v50  }
0x253: {  	v61 =	vsel vm3, $0xFFFFFFFF, v0;
	[tilespmem:v16+s21+$0x0] =	vst.idx.msk vm5, v9;
	v12 =	vadd.s32 v15, v52;
	v15 =	vadd.s32 v58, v15  }
0x254: {  	s14 =	sadd.s32 $0x18840, s26;
	v11 =	vand.u32 $0x7FF, v56;
	v55, _, _ =	vpop (xrf0);
	v9 =	vadd.s32 v12, v57;
	v62 =	vadd.s32 v61, v12;
	[tilespmem:v14+s20+$0x0] =	vst.idx.msk vm7, v10  }
0x255: {  	s31 =	sadd.s32 $0x18830, s26;
	v12 =	vor.u32 s14, v1;
	v17 =	vadd.s32 v55, v17;
	v60, _, _ =	vpop (xrf0);
	v10 =	vsub.s32 v8, v2;
	[tilespmem:v14+s21+$0x0] =	vst.idx.msk vm7, v59  }
0x256: {  	s13 =	simm.s32 $0x80;
	v8 =	vand.u32 $0x7FF, v17;
	v15 =	vadd.s32 v60, v15;
	v63, _, _ =	vpop (xrf0);
	v14 =	vor.u32 s31, v1;
	[tilespmem:v13+s20+$0x0] =	vst.idx.msk vm4, v10  }
0x257: {  	s11 =	sadd.s32 $0x18850, s26;
	s8 =	sadd.s32 $0x18870, s26;
	s9 =	sadd.s32 $0x18860, s26;
	v10 =	vsub.s32 v7, v2;
	v7 =	vand.u32 $0x7FF, v15;
	[tilespmem:v13+s21+$0x0] =	vst.idx.msk vm4, v14;
	v13 =	vadd.s32 v63, v62  }
.LBB2_21:
0x258: {  	p0 =	sne.s32 s13, $0x380  }
0x259: {  	[tilespmem:v11+s20+$0x0] =	vst.idx.msk vm0, v10;
	v10 =	vand.u32 $0x7FF, v13;
	s6 =	sadd.s32 $0x80, s6;
	s1 =	smov.u32 s13;
	s13 =	sadd.s32 $0x80, s13  }
0x25a: {  	[tilespmem:v11+s21+$0x0] =	vst.idx.msk vm0, v12;
	v11 =	vor.u32 s11, v1  }
0x25b: {  	v4 =	vsub.s32 v4, v2;
	[tilespmem:v8+s20+$0x0] =	vst.idx.msk vm1, v5  }
0x25c: {  	v5 =	vor.u32 s9, v1;
	[tilespmem:v8+s21+$0x0] =	vst.idx.msk vm1, v11  }
0x25d: {  	[tilespmem:v7+s20+$0x0] =	vst.idx.msk vm2, v4;
	v4 =	vsub.s32 v6, v2  }
0x25e: {  	[tilespmem:v7+s21+$0x0] =	vst.idx.msk vm2, v5;
	v5 =	vor.u32 s8, v1  }
0x25f: {  	[tilespmem:v10+s20+$0x0] =	vst.idx.msk vm3, v4  }
0x260: {  	[tilespmem:v10+s21+$0x0] =	vst.idx.msk vm3, v5  }
0x261: {  	v8 =	vld [tilespmem:s6+$0xFFFFFFF0]  }
0x262: {  	v7 =	vld [tilespmem:s6+$0x0]  }
0x263: {  	v11 =	vld [tilespmem:s6+$0xFFFFFFC0]  }
0x264: {  	v6 =	vld [tilespmem:s6+$0xFFFFFFD0]  }
0x265: {  	v10 =	vld [tilespmem:s6+$0xFFFFFFE0]  }
0x266: {  	v4 =	vcvt.s32.f32 v8  }
0x267: {  	v5 =	vcvt.s32.f32 v7;
	v12 =	vld [tilespmem:s6+$0x10]  }
0x268: {  	v13 =	vcvt.s32.f32 v11;
	v14 =	vmul.f32 $8.778089970e-05, v4  }
0x269: {  	v4 =	vcvt.s32.f32 v6;
	v5 =	vmul.f32 $8.778089970e-05, v5  }
0x26a: {  	v13 =	vmul.f32 $8.778089970e-05, v13;
	v15 =	vcvt.s32.f32 v10  }
0x26b: {  	v16 =	vmul.f32 $8.778089970e-05, v4;
	v17 =	vtrunc.f32 v5;
	v4 =	vld [tilespmem:s6+$0x20]  }
0x26c: {  	v13 =	vtrunc.f32 v13;
	v18 =	vcvt.s32.f32 v12;
	v5 =	vsub.s32 v12, v2  }
0x26d: {  	v10 =	vsub.s32 v10, v2;
	v12 =	vcvt.f32.s32 v13;
	v13 =	vtrunc.f32 v16  }
0x26e: {  	v14 =	vtrunc.f32 v14;
	v15 =	vmul.f32 $8.778089970e-05, v15;
	v16 =	vsub.s32 v6, v2  }
0x26f: {  	v6 =	vcvt.f32.s32 v13;
	vm5 =	veq.s32 v3, v12;
	v12 =	vcvt.f32.s32 v17  }
0x270: {  	v18 =	vmul.f32 $8.778089970e-05, v18;
	v13 =	vsel vm5, $0x1, v0;
	v17 =	vmpcnt.ones.xlane vm5  }
0x271: {  	v14 =	vcvt.f32.s32 v14;
	vm6 =	veq.s32 v3, v6;
	v19 =	vcvt.s32.f32 v4;
	v6 =	vld [tilespmem:s6+$0x30];
	(xrf0) =	vadd.scan.msk.s32 $0xffff, v13  }
0x272: {  	v13 =	vsel vm6, $0xFFFFFFFF, v0;
	vm0 =	veq.s32 v3, v12;
	v12 =	vadd.s32 v9, v17  }
0x273: {  	v15 =	vtrunc.f32 v15;
	v20 =	vmpcnt.ones.xlane vm6;
	v17 =	vsel vm6, $0x1, v0  }
0x274: {  	v15 =	vcvt.f32.s32 v15;
	v21 =	vsel vm0, $0x1, v0;
	v19 =	vmul.f32 $8.778089970e-05, v19;
	(xrf0) =	vadd.scan.msk.s32 $0xffff, v17  }
0x275: {  	vm4 =	veq.s32 v3, v14;
	v24 =	vsel vm5, $0xFFFFFFFF, v0;
	v14 =	vtrunc.f32 v18;
	(xrf0) =	vadd.scan.msk.s32 $0xffff, v21  }
0x276: {  	v22 =	vmpcnt.ones.xlane vm4;
	v18 =	vsel vm4, $0xFFFFFFFF, v0;
	v21 =	vsel vm4, $0x1, v0  }
0x277: {  	v14 =	vcvt.f32.s32 v14;
	v9 =	vadd.s32 v24, v9;
	v23 =	vcvt.s32.f32 v6;
	v17, _, _ =	vpop (xrf0);
	(xrf0) =	vadd.scan.msk.s32 $0xffff, v21  }
0x278: {  	v13 =	vadd.s32 v13, v12;
	v19 =	vtrunc.f32 v19;
	v9 =	vadd.s32 v17, v9  }
0x279: {  	vm7 =	veq.s32 v3, v15;
	vm1 =	veq.s32 v3, v14;
	v9 =	vand.u32 $0x7FF, v9  }
0x27a: {  	v24 =	vsel vm7, $0x1, v0;
	v15 =	vsel vm1, $0xFFFFFFFF, v0;
	v17 =	vsel vm1, $0x1, v0;
	v21, _, _ =	vpop (xrf0)  }
0x27b: {  	v19 =	vcvt.f32.s32 v19;
	v23 =	vmul.f32 $8.778089970e-05, v23;
	v13 =	vadd.s32 v21, v13;
	(xrf0) =	vadd.scan.msk.s32 $0xffff, v24;
	v14, _, _ =	vpop (xrf0)  }
0x27c: {  	v21 =	vsel vm7, $0xFFFFFFFF, v0;
	v24 =	vmpcnt.ones.xlane vm7;
	v13 =	vand.u32 $0x7FF, v13;
	(xrf0) =	vadd.scan.msk.s32 $0xffff, v17  }
0x27d: {  	v11 =	vsub.s32 v11, v2;
	v12 =	vadd.s32 v12, v20;
	v17 =	vtrunc.f32 v23;
	v20, _, _ =	vpop (xrf0)  }
0x27e: {  	v23 =	vmpcnt.ones.xlane vm0;
	v17 =	vcvt.f32.s32 v17;
	v24 =	vadd.s32 v12, v24  }
0x27f: {  	v25 =	vsel vm0, $0xFFFFFFFF, v0;
	v18 =	vadd.s32 v18, v24;
	v22 =	vadd.s32 v24, v22  }
0x280: {  	vm2 =	veq.s32 v3, v19;
	v24 =	vmpcnt.ones.xlane vm1;
	v19 =	vadd.s32 v25, v22  }
0x281: {  	v12 =	vadd.s32 v21, v12;
	v25 =	vsel vm2, $0x1, v0;
	v18 =	vadd.s32 v20, v18;
	v20, _, _ =	vpop (xrf0)  }
0x282: {  	s1 =	sadd.s32 s1, s29;
	v21 =	vmpcnt.ones.xlane vm2;
	v12 =	vadd.s32 v20, v12;
	v20 =	vadd.s32 v22, v23;
	v22, _, _ =	vpop (xrf0);
	(xrf0) =	vadd.scan.msk.s32 $0xffff, v25  }
0x283: {  	s9 =	sadd.s32 $0x18810, s1;
	s14 =	sadd.s32 $0x18820, s1;
	s8 =	sadd.s32 $0x18800, s1;
	vm3 =	veq.s32 v3, v17;
	v12 =	vand.u32 $0x7FF, v12;
	v15 =	vadd.s32 v15, v20  }
0x284: {  	s15 =	sadd.s32 $0x18830, s1;
	s16 =	sadd.s32 $0x18840, s1;
	s11 =	sadd.s32 $0x18850, s1;
	v17 =	vsel vm3, $0x1, v0;
	v23 =	vor.u32 s9, v1;
	[tilespmem:v9+s20+$0x0] =	vst.idx.msk vm5, v11;
	v11 =	vadd.s32 v14, v19  }
0x285: {  	v18 =	vand.u32 $0x7FF, v18;
	s9 =	sadd.s32 $0x18860, s1;
	v14 =	vor.u32 s8, v1;
	v19 =	vadd.s32 v20, v24;
	s8 =	sadd.s32 $0x18870, s1;
	(xrf0) =	vadd.scan.msk.s32 $0xffff, v17  }
0x286: {  	v20 =	vmpcnt.ones.xlane vm3;
	[tilespmem:v9+s21+$0x0] =	vst.idx.msk vm5, v14;
	v14 =	vadd.s32 v22, v15;
	v15 =	vadd.s32 v19, v21  }
0x287: {  	v11 =	vand.u32 $0x7FF, v11;
	v9 =	vsel vm2, $0xFFFFFFFF, v0;
	[tilespmem:v13+s20+$0x0] =	vst.idx.msk vm6, v16  }
.Ltmp18:
0x288: {  	v16 =	vadd.s32 v9, v19;
	v9 =	vadd.s32 v15, v20;
	[tilespmem:v13+s21+$0x0] =	vst.idx.msk vm6, v23;
	v13 =	vor.u32 s14, v1;
	v17, _, _ =	vpop (xrf0);
	(pc) =	sbr.rel @p0 .LBB2_21-.Ltmp18, $4  }
0x289: {  	[tilespmem:v12+s20+$0x0] =	vst.idx.msk vm7, v10;
	v10 =	vsub.s32 v8, v2;
	v8 =	vand.u32 $0x7FF, v14;
	v17 =	vadd.s32 v17, v16  }
0x28a: {  	v16 =	vsel vm3, $0xFFFFFFFF, v0;
	[tilespmem:v12+s21+$0x0] =	vst.idx.msk vm7, v13;
	v12 =	vor.u32 s15, v1  }
0x28b: {  	v13 =	vadd.s32 v16, v15;
	[tilespmem:v18+s20+$0x0] =	vst.idx.msk vm4, v10;
	v10 =	vsub.s32 v7, v2;
	v7 =	vand.u32 $0x7FF, v17;
	v14, _, _ =	vpop (xrf0)  }
0x28c: {  	[tilespmem:v18+s21+$0x0] =	vst.idx.msk vm4, v12;
	v12 =	vor.u32 s16, v1;
	v13 =	vadd.s32 v14, v13  }
0x28d: {  	v9 =	vxor.u32 $0x80000000, v9  }
0x28e: {  	(xrf0) =	vmax.scan.msk.u32 $0xffff, v9;
	_ =	sdelay $0x5  }
0x28f: {  	v9, _, _ =	vpop (xrf0)  }
0x290: {  	(v2sf) =	vpush v9, $0xF;
	_ =	sdelay $0xe  }
0x291: {  	s1 =	spop (v2sf)  }
0x292: {  	[tilespmem:v11+s20+$0x0] =	vst.idx.msk vm0, v10;
	s13 =	sxor.u32 $0x80000000, s1  }
0x293: {  	v62 =	vand.u32 $0x7FF, v13;
	[tilespmem:v11+s21+$0x0] =	vst.idx.msk vm0, v12;
	s6 =	ssub.s32 s13, s12  }
0x294: {  	v63 =	vor.u32 s11, v1;
	[tilespmem:v8+s20+$0x0] =	vst.idx.msk vm1, v5;
	p0 =	slt.s32 s6, $0x80  }
.Ltmp19:
0x295: {  	v4 =	vsub.s32 v4, v2;
	[tilespmem:v8+s21+$0x0] =	vst.idx.msk vm1, v63;
	(pc) =	sbr.rel @p0 .LBB2_27-.Ltmp19, $4  }
0x296: {  	v5 =	vor.u32 s9, v1;
	[tilespmem:v7+s20+$0x0] =	vst.idx.msk vm2, v4  }
0x297: {  	v4 =	vsub.s32 v6, v2;
	[tilespmem:v7+s21+$0x0] =	vst.idx.msk vm2, v5  }
0x298: {  	v5 =	vor.u32 s8, v1;
	[tilespmem:v62+s20+$0x0] =	vst.idx.msk vm3, v4  }
0x299: {  	[tilespmem:v62+s21+$0x0] =	vst.idx.msk vm3, v5  }
.Ltmp20:
0x29a: {  	(pc) =	sbr.rel .LBB2_24-.Ltmp20, $2  }
0x29b: {  	_ =	sdelay $0x2  }
0x29c: {  	s1 =	sand.u32 $0x7, s12  }
.LBB2_26:
0x29d: {  	s6 =	sadd.s32 $0xFFFFFF80, s6  }
0x29e: {  	p0 =	sgt.s32 s6, $0x7F  }
.Ltmp21:
0x29f: {  	_ = 	snop;
	(pc) =	sbr.rel @!p0 .LBB2_27-.Ltmp21, $2  }
0x2a0: {  	_ =	sdelay $0x2  }
0x2a1: {  	s12 =	sadd.s32 $0x80, s12;
	s4 =	sadd.s32 $0x1, s4  }
.LBB2_24:
0x2a2: {  	s9 =	sand.u32 $0x1, s4  }
0x2a3: {  	p0 =	seq.s32 s9, $0x1  }
0x2a4: {  	p1 =	slt.s32 @!p0 s4, $0x1  }
0x2a5: {  	p1 =	por p1, p0  }
0x2a6: {  	s8 =	simm.s32 @!p1 $0x4  }
0x2a7: {  	_ =	swait.ge @!p1 [sflag:s8], $0x4000  }
0x2a8: {  	s11 =	simm.s32 @!p1 $0x17D80;
	[sflag:s8] =	ssyncset.done @!p1 $0x0  }
0x2a9: {  	s14 =	simm.s32 @!p1 $0x1BE00;
	[sflag:s8] =	ssyncadd.s32 @!p1 $0xFFFFC000;
	s8 =	simm.s32 @!p1 $0x80  }
0x2aa: {  	[hbm4b:s3+s8] =	stream.indirect.scatter @!p1 [tilespmem:s14], [sflag:$0x6], $0x80, s11, s8, $0xb8;
	[tilespmem:$0x1FE00] =	vst v63  }
0x2ab: {  	s8 =	simm.s32 @!p1 $0x5  }
0x2ac: {  	_ =	swait.ge @!p1 [sflag:s8], $0x4000  }
0x2ad: {  	s11 =	sand.u32 @!p0 $0x7F8, s12;
	[sflag:s8] =	ssyncset.done @!p1 $0x0  }
0x2ae: {  	[sflag:s8] =	ssyncadd.s32 @!p1 $0xFFFFC000;
	s8 =	sor.u32 @!p0 s1, s11  }
0x2af: {  	v4 =	vld @!p0 [tilespmem:s8+$0x16C00];
	_ =	sdelay $0x4  }
0x2b0: {  	[tilespmem:$0x17C00] =	vst @!p0 v4  }
0x2b1: {  	v4 =	vld @!p0 [tilespmem:s8+$0x17400];
	_ =	sdelay $0x1  }
0x2b2: {  	s8 =	sand.u32 $0x7FF, s12  }
0x2b3: {  	s11 =	sadd.s32 @!p0 $0x10, s8  }
0x2b4: {  	s11 =	sand.u32 @!p0 $0xFF8, s11  }
0x2b5: {  	s11 =	sor.u32 @!p0 s1, s11;
	[tilespmem:$0x17D00] =	vst @!p0 v4  }
0x2b6: {  	v4 =	vld @!p0 [tilespmem:s11+$0x16C00];
	_ =	sdelay $0x4  }
0x2b7: {  	[tilespmem:$0x17C10] =	vst @!p0 v4  }
0x2b8: {  	v4 =	vld @!p0 [tilespmem:s11+$0x17400];
	_ =	sdelay $0x2  }
0x2b9: {  	s11 =	sadd.s32 @!p0 $0x20, s8  }
0x2ba: {  	s11 =	sand.u32 @!p0 $0xFF8, s11  }
0x2bb: {  	s11 =	sor.u32 @!p0 s1, s11;
	[tilespmem:$0x17D10] =	vst @!p0 v4  }
0x2bc: {  	v4 =	vld @!p0 [tilespmem:s11+$0x16C00];
	_ =	sdelay $0x4  }
0x2bd: {  	[tilespmem:$0x17C20] =	vst @!p0 v4  }
0x2be: {  	v4 =	vld @!p0 [tilespmem:s11+$0x17400];
	_ =	sdelay $0x2  }
0x2bf: {  	s11 =	sadd.s32 @!p0 $0x30, s8  }
0x2c0: {  	s11 =	sand.u32 @!p0 $0xFF8, s11  }
0x2c1: {  	s11 =	sor.u32 @!p0 s1, s11;
	[tilespmem:$0x17D20] =	vst @!p0 v4  }
0x2c2: {  	v4 =	vld @!p0 [tilespmem:s11+$0x16C00];
	_ =	sdelay $0x4  }
0x2c3: {  	[tilespmem:$0x17C30] =	vst @!p0 v4  }
0x2c4: {  	v4 =	vld @!p0 [tilespmem:s11+$0x17400];
	_ =	sdelay $0x2  }
0x2c5: {  	s11 =	sadd.s32 @!p0 $0x40, s8  }
0x2c6: {  	s11 =	sand.u32 @!p0 $0xFF8, s11  }
0x2c7: {  	s11 =	sor.u32 @!p0 s1, s11;
	[tilespmem:$0x17D30] =	vst @!p0 v4  }
0x2c8: {  	v4 =	vld @!p0 [tilespmem:s11+$0x16C00];
	_ =	sdelay $0x4  }
0x2c9: {  	[tilespmem:$0x17C40] =	vst @!p0 v4  }
0x2ca: {  	v4 =	vld @!p0 [tilespmem:s11+$0x17400];
	_ =	sdelay $0x2  }
0x2cb: {  	s11 =	sadd.s32 @!p0 $0x50, s8  }
0x2cc: {  	s11 =	sand.u32 @!p0 $0xFF8, s11  }
0x2cd: {  	s11 =	sor.u32 @!p0 s1, s11;
	[tilespmem:$0x17D40] =	vst @!p0 v4  }
0x2ce: {  	v4 =	vld @!p0 [tilespmem:s11+$0x16C00];
	_ =	sdelay $0x4  }
0x2cf: {  	[tilespmem:$0x17C50] =	vst @!p0 v4  }
0x2d0: {  	v4 =	vld @!p0 [tilespmem:s11+$0x17400];
	_ =	sdelay $0x2  }
0x2d1: {  	s11 =	sadd.s32 @!p0 $0x60, s8  }
0x2d2: {  	s11 =	sand.u32 @!p0 $0xFF8, s11  }
0x2d3: {  	s11 =	sor.u32 @!p0 s1, s11;
	[tilespmem:$0x17D50] =	vst @!p0 v4  }
0x2d4: {  	v4 =	vld @!p0 [tilespmem:s11+$0x16C00];
	_ =	sdelay $0x4  }
0x2d5: {  	[tilespmem:$0x17C60] =	vst @!p0 v4  }
0x2d6: {  	v4 =	vld @!p0 [tilespmem:s11+$0x17400];
	_ =	sdelay $0x2  }
0x2d7: {  	s11 =	sadd.s32 @!p0 $0x70, s8  }
0x2d8: {  	s11 =	sand.u32 @!p0 $0xFF8, s11  }
0x2d9: {  	s11 =	sor.u32 @!p0 s1, s11;
	[tilespmem:$0x17D60] =	vst @!p0 v4  }
0x2da: {  	v4 =	vld @!p0 [tilespmem:s11+$0x16C00];
	_ =	sdelay $0x4  }
0x2db: {  	[tilespmem:$0x17C70] =	vst @!p0 v4  }
0x2dc: {  	v4 =	vld @!p0 [tilespmem:s11+$0x17400];
	_ =	sdelay $0x3  }
0x2dd: {  	s15 =	simm.s32 @!p0 $0x17E00  }
0x2de: {  	s14 =	simm.s32 @!p0 $0x17C00;
	p1 =	seq.s32 @!p0 s9, $0x0;
	s11 =	simm.s32 @!p0 $0x80;
	[tilespmem:$0x17D70] =	vst @!p0 v4  }
0x2df: {  	[tilespmem:s15], [sflag:$0x3] =	stream.indirect.gather @!p0 [spmem:s5], $0x80, s14, s11, $0xb8;
	[tilespmem:$0x1FE00] =	vst v63  }
0x2e0: {  	p0 =	por p0, !p1  }
.Ltmp22:
0x2e1: {  	_ = 	snop;
	(pc) =	sbr.rel @!p0 .LBB2_26-.Ltmp22, $1  }
0x2e2: {  	_ =	sdelay $0x3  }
0x2e3: {  	p0 =	slt.s32 s4, $0x1  }
0x2e4: {  	s9 =	simm.s32 @!p0 $0x3  }
0x2e5: {  	_ =	swait.ge @!p0 [sflag:s9], $0x4000  }
0x2e6: {  	s11 =	simm.s32 @!p0 $0x17D00;
	s14 =	simm.s32 @!p0 $0x17E00;
	[sflag:s9] =	ssyncset.done @!p0 $0x0  }
0x2e7: {  	p1 =	seq.s32 @!p0 s4, $0x1;
	[sflag:s9] =	ssyncadd.s32 @!p0 $0xFFFFC000;
	s9 =	simm.s32 @!p0 $0x80  }
0x2e8: {  	[hbm4b:s3+s9] =	stream.indirect.scatter @!p0 [tilespmem:s14], [sflag:$0x5], $0x80, s11, s9, $0xb8;
	[tilespmem:$0x1FE00] =	vst v63  }
0x2e9: {  	p0 =	por p1, p0  }
0x2ea: {  	s9 =	simm.s32 @!p0 $0x6  }
0x2eb: {  	_ =	swait.ge @!p0 [sflag:s9], $0x4000  }
0x2ec: {  	s30 =	sand.u32 $0x7F8, s12;
	[sflag:s9] =	ssyncset.done @!p0 $0x0  }
0x2ed: {  	s31 =	sor.u32 s1, s30;
	[sflag:s9] =	ssyncadd.s32 @!p0 $0xFFFFC000  }
0x2ee: {  	v4 =	vld [tilespmem:s31+$0x16C00];
	_ =	sdelay $0x4  }
0x2ef: {  	[tilespmem:$0x17C80] =	vst v4  }
0x2f0: {  	v4 =	vld [tilespmem:s31+$0x17400];
	_ =	sdelay $0x2  }
0x2f1: {  	s11 =	sadd.s32 $0x10, s8  }
0x2f2: {  	s9 =	sand.u32 $0xFF8, s11  }
0x2f3: {  	s9 =	sor.u32 s1, s9;
	[tilespmem:$0x17D80] =	vst v4  }
0x2f4: {  	v4 =	vld [tilespmem:s9+$0x16C00];
	_ =	sdelay $0x4  }
0x2f5: {  	[tilespmem:$0x17C90] =	vst v4  }
0x2f6: {  	v4 =	vld [tilespmem:s9+$0x17400];
	_ =	sdelay $0x2  }
0x2f7: {  	s14 =	sadd.s32 $0x20, s8  }
0x2f8: {  	s9 =	sand.u32 $0xFF8, s14  }
0x2f9: {  	s9 =	sor.u32 s1, s9;
	[tilespmem:$0x17D90] =	vst v4  }
0x2fa: {  	v4 =	vld [tilespmem:s9+$0x16C00];
	_ =	sdelay $0x4  }
0x2fb: {  	[tilespmem:$0x17CA0] =	vst v4  }
0x2fc: {  	v4 =	vld [tilespmem:s9+$0x17400];
	_ =	sdelay $0x2  }
0x2fd: {  	s15 =	sadd.s32 $0x30, s8  }
0x2fe: {  	s9 =	sand.u32 $0xFF8, s15  }
0x2ff: {  	s9 =	sor.u32 s1, s9;
	[tilespmem:$0x17DA0] =	vst v4  }
0x300: {  	v4 =	vld [tilespmem:s9+$0x16C00];
	_ =	sdelay $0x4  }
0x301: {  	[tilespmem:$0x17CB0] =	vst v4  }
0x302: {  	v4 =	vld [tilespmem:s9+$0x17400];
	_ =	sdelay $0x2  }
0x303: {  	s16 =	sadd.s32 $0x40, s8  }
0x304: {  	s9 =	sand.u32 $0xFF8, s16  }
0x305: {  	s9 =	sor.u32 s1, s9;
	[tilespmem:$0x17DB0] =	vst v4  }
0x306: {  	v4 =	vld [tilespmem:s9+$0x16C00];
	_ =	sdelay $0x4  }
0x307: {  	[tilespmem:$0x17CC0] =	vst v4  }
0x308: {  	v4 =	vld [tilespmem:s9+$0x17400];
	_ =	sdelay $0x2  }
0x309: {  	s26 =	sadd.s32 $0x50, s8  }
0x30a: {  	s9 =	sand.u32 $0xFF8, s26  }
0x30b: {  	s9 =	sor.u32 s1, s9;
	[tilespmem:$0x17DC0] =	vst v4  }
0x30c: {  	v4 =	vld [tilespmem:s9+$0x16C00];
	_ =	sdelay $0x4  }
0x30d: {  	[tilespmem:$0x17CD0] =	vst v4  }
0x30e: {  	v4 =	vld [tilespmem:s9+$0x17400];
	_ =	sdelay $0x2  }
0x30f: {  	s30 =	sadd.s32 $0x60, s8  }
0x310: {  	s9 =	sand.u32 $0xFF8, s30  }
0x311: {  	s9 =	sor.u32 s1, s9;
	[tilespmem:$0x17DD0] =	vst v4  }
0x312: {  	v4 =	vld [tilespmem:s9+$0x16C00];
	_ =	sdelay $0x4  }
0x313: {  	[tilespmem:$0x17CE0] =	vst v4  }
0x314: {  	v4 =	vld [tilespmem:s9+$0x17400];
	_ =	sdelay $0x2  }
0x315: {  	s31 =	sadd.s32 $0x70, s8  }
0x316: {  	s8 =	sand.u32 $0xFF8, s31  }
0x317: {  	s8 =	sor.u32 s1, s8;
	[tilespmem:$0x17DE0] =	vst v4  }
0x318: {  	v4 =	vld [tilespmem:s8+$0x16C00];
	_ =	sdelay $0x4  }
0x319: {  	[tilespmem:$0x17CF0] =	vst v4  }
0x31a: {  	v4 =	vld [tilespmem:s8+$0x17400];
	_ =	sdelay $0x1  }
.Ltmp23:
0x31b: {  	_ = 	snop;
	(pc) =	sbr.rel .LBB2_26-.Ltmp23, $3  }
0x31c: {  	_ =	sdelay $0x1  }
0x31d: {  	[tilespmem:$0x17DF0] =	vst v4  }
0x31e: {  	[tilespmem:s24], [sflag:$0x4] =	stream.indirect.gather [spmem:s5], $0x80, s23, s22, $0xb8;
	[tilespmem:$0x1FE00] =	vst v63  }
.LBB2_27:
0x31f: {  	_ =	swait.ge [sflag:s25], $0x400  }
0x320: {  	[sflag:s25] =	ssyncset.done $0x0  }
0x321: {  	s6 =	simm.s32 $0x16840;
	[sflag:s25] =	ssyncadd.s32 $0xFFFFFC00  }
0x322: {  	v8 =	vld [tilespmem:s6+$0xFFFFFFF0]  }
0x323: {  	v7 =	vld [tilespmem:s6+$0x0]  }
0x324: {  	v9 =	vld [tilespmem:s6+$0xFFFFFFC0]  }
0x325: {  	v10 =	vld [tilespmem:s6+$0xFFFFFFE0]  }
0x326: {  	v11 =	vld [tilespmem:s6+$0x10]  }
0x327: {  	v6 =	vld [tilespmem:s6+$0xFFFFFFD0];
	_ =	sdelay $0x1  }
0x328: {  	v4 =	vcvt.s32.f32 v8  }
0x329: {  	v5 =	vcvt.s32.f32 v7;
	v12 =	vcvt.s32.f32 v9  }
0x32a: {  	v14 =	vcvt.s32.f32 v10;
	v18 =	vcvt.s32.f32 v11  }
0x32b: {  	v13 =	vmul.f32 $8.778089970e-05, v4;
	v4 =	vcvt.s32.f32 v6  }
0x32c: {  	s1 =	sadd.s32 $0x0, s29;
	v5 =	vmul.f32 $8.778089970e-05, v5;
	v12 =	vmul.f32 $8.778089970e-05, v12  }
0x32d: {  	v16 =	vmov s13;
	s8 =	sadd.s32 $0x18C00, s1;
	v14 =	vmul.f32 $8.778089970e-05, v14;
	v18 =	vmul.f32 $8.778089970e-05, v18  }
0x32e: {  	s30 =	sadd.s32 $0x18C20, s1;
	v54 =	vor.u32 s8, v1;
	v15 =	vmul.f32 $8.778089970e-05, v4;
	v17 =	vtrunc.f32 v5  }
0x32f: {  	v59 =	vor.u32 s30, v1;
	v12 =	vtrunc.f32 v12;
	v13 =	vtrunc.f32 v13  }
0x330: {  	v10 =	vsub.s32 v10, v2;
	v14 =	vtrunc.f32 v14;
	v39 =	vtrunc.f32 v18  }
0x331: {  	v5 =	vsub.s32 v11, v2;
	v11 =	vcvt.f32.s32 v12;
	v14 =	vcvt.f32.s32 v14  }
0x332: {  	v9 =	vsub.s32 v9, v2;
	v4 =	vld [tilespmem:s6+$0x20];
	v12 =	vtrunc.f32 v15;
	v15 =	vcvt.f32.s32 v17  }
0x333: {  	v17 =	vcvt.f32.s32 v39;
	vm6 =	veq.s32 v3, v11;
	v11 =	vcvt.f32.s32 v12  }
0x334: {  	v12 =	vsub.s32 v6, v2;
	vm7 =	veq.s32 v3, v14;
	v6 =	vsel vm6, $0x1, v0  }
0x335: {  	v37 =	vmpcnt.ones.xlane vm6;
	vm0 =	veq.s32 v3, v15;
	vm5 =	veq.s32 v3, v11;
	(xrf0) =	vadd.scan.msk.s32 $0xffff, v6  }
0x336: {  	vm1 =	veq.s32 v3, v17;
	v46 =	vmpcnt.ones.xlane vm7;
	v38 =	vsel vm5, $0x1, v0  }
0x337: {  	v14 =	vsel vm7, $0x1, v0;
	v11 =	vcvt.f32.s32 v13;
	v13 =	vcvt.s32.f32 v4;
	(xrf0) =	vadd.scan.msk.s32 $0xffff, v38  }
0x338: {  	v6 =	vld [tilespmem:s6+$0x30];
	v21 =	vsel vm0, $0x1, v0;
	v17 =	vsel vm1, $0xFFFFFFFF, v0;
	v43 =	vsel vm1, $0x1, v0  }
0x339: {  	v47 =	vmpcnt.ones.xlane vm0;
	v48 =	vsel vm0, $0xFFFFFFFF, v0;
	v50 =	vmpcnt.ones.xlane vm1  }
0x33a: {  	v19 =	vsel vm5, $0xFFFFFFFF, v0;
	v15 =	vadd.s32 v16, v37;
	vm4 =	veq.s32 v3, v11  }
0x33b: {  	v20 =	vmpcnt.ones.xlane vm5;
	v13 =	vmul.f32 $8.778089970e-05, v13;
	v22 =	vsel vm4, $0x1, v0;
	v41, _, _ =	vpop (xrf0);
	(xrf0) =	vadd.scan.msk.s32 $0xffff, v21  }
0x33c: {  	v11 =	vsel vm6, $0xFFFFFFFF, v0;
	v42 =	vadd.s32 v19, v15;
	v23 =	vmpcnt.ones.xlane vm4;
	(xrf0) =	vadd.scan.msk.s32 $0xffff, v22  }
0x33d: {  	v40 =	vsel vm4, $0xFFFFFFFF, v0;
	v13 =	vtrunc.f32 v13;
	v24 =	vcvt.s32.f32 v6;
	v44, _, _ =	vpop (xrf0);
	(xrf0) =	vadd.scan.msk.s32 $0xffff, v14  }
0x33e: {  	v11 =	vadd.s32 v11, v16;
	v15 =	vadd.s32 v15, v20;
	v13 =	vcvt.f32.s32 v13  }
0x33f: {  	v21 =	vadd.s32 v15, v46;
	v11 =	vadd.s32 v41, v11;
	v45 =	vmul.f32 $8.778089970e-05, v24  }
0x340: {  	v18 =	vadd.s32 v40, v21;
	v49 =	vadd.s32 v21, v23;
	vm2 =	veq.s32 v3, v13  }
0x341: {  	v11 =	vand.u32 $0x7FF, v11;
	v14 =	vsel vm7, $0xFFFFFFFF, v0;
	v22 =	vtrunc.f32 v45;
	v25, _, _ =	vpop (xrf0)  }
0x342: {  	v23 =	vadd.s32 v48, v49;
	v16 =	vadd.s32 v44, v42;
	v22 =	vcvt.f32.s32 v22;
	v13, _, _ =	vpop (xrf0)  }
0x343: {  	v51 =	vsel vm2, $0x1, v0;
	v14 =	vadd.s32 v14, v15;
	v16 =	vand.u32 $0x7FF, v16;
	v15, _, _ =	vpop (xrf0)  }
0x344: {  	v52 =	vmpcnt.ones.xlane vm2;
	(xrf0) =	vadd.scan.msk.s32 $0xffff, v43;
	vm3 =	veq.s32 v3, v22;
	v14 =	vadd.s32 v15, v14  }
0x345: {  	s9 =	sadd.s32 $0x18C10, s1;
	v58 =	vsel vm2, $0xFFFFFFFF, v0;
	v53 =	vsel vm3, $0x1, v0;
	(xrf0) =	vadd.scan.msk.s32 $0xffff, v51;
	v14 =	vand.u32 $0x7FF, v14  }
0x346: {  	[tilespmem:v11+s20+$0x0] =	vst.idx.msk vm6, v9;
	v9 =	vor.u32 s9, v1;
	v13 =	vadd.s32 v13, v18;
	(xrf0) =	vadd.scan.msk.s32 $0xffff, v53  }
0x347: {  	v56 =	vadd.s32 v25, v23;
	[tilespmem:v11+s21+$0x0] =	vst.idx.msk vm6, v54;
	v15 =	vadd.s32 v49, v47;
	v13 =	vand.u32 $0x7FF, v13  }
0x348: {  	v57 =	vmpcnt.ones.xlane vm3;
	[tilespmem:v16+s20+$0x0] =	vst.idx.msk vm5, v12;
	v17 =	vadd.s32 v17, v15;
	v15 =	vadd.s32 v15, v50  }
0x349: {  	v61 =	vsel vm3, $0xFFFFFFFF, v0;
	[tilespmem:v16+s21+$0x0] =	vst.idx.msk vm5, v9;
	v12 =	vadd.s32 v15, v52;
	v15 =	vadd.s32 v58, v15  }
0x34a: {  	s14 =	sadd.s32 $0x18C40, s1;
	v11 =	vand.u32 $0x7FF, v56;
	v55, _, _ =	vpop (xrf0);
	v9 =	vadd.s32 v12, v57;
	v62 =	vadd.s32 v61, v12;
	[tilespmem:v14+s20+$0x0] =	vst.idx.msk vm7, v10  }
0x34b: {  	s31 =	sadd.s32 $0x18C30, s1;
	v12 =	vor.u32 s14, v1;
	v17 =	vadd.s32 v55, v17;
	v60, _, _ =	vpop (xrf0);
	v10 =	vsub.s32 v8, v2;
	[tilespmem:v14+s21+$0x0] =	vst.idx.msk vm7, v59  }
0x34c: {  	s13 =	simm.s32 $0x80;
	v8 =	vand.u32 $0x7FF, v17;
	v15 =	vadd.s32 v60, v15;
	v63, _, _ =	vpop (xrf0);
	v14 =	vor.u32 s31, v1;
	[tilespmem:v13+s20+$0x0] =	vst.idx.msk vm4, v10  }
0x34d: {  	s11 =	sadd.s32 $0x18C50, s1;
	s8 =	sadd.s32 $0x18C70, s1;
	s9 =	sadd.s32 $0x18C60, s1;
	v10 =	vsub.s32 v7, v2;
	v7 =	vand.u32 $0x7FF, v15;
	[tilespmem:v13+s21+$0x0] =	vst.idx.msk vm4, v14;
	v13 =	vadd.s32 v63, v62  }
.LBB2_28:
0x34e: {  	p0 =	sne.s32 s13, $0x380  }
0x34f: {  	[tilespmem:v11+s20+$0x0] =	vst.idx.msk vm0, v10;
	v10 =	vand.u32 $0x7FF, v13;
	s6 =	sadd.s32 $0x80, s6;
	s1 =	smov.u32 s13;
	s13 =	sadd.s32 $0x80, s13  }
0x350: {  	[tilespmem:v11+s21+$0x0] =	vst.idx.msk vm0, v12;
	v11 =	vor.u32 s11, v1  }
0x351: {  	v4 =	vsub.s32 v4, v2;
	[tilespmem:v8+s20+$0x0] =	vst.idx.msk vm1, v5  }
0x352: {  	v5 =	vor.u32 s9, v1;
	[tilespmem:v8+s21+$0x0] =	vst.idx.msk vm1, v11  }
0x353: {  	[tilespmem:v7+s20+$0x0] =	vst.idx.msk vm2, v4;
	v4 =	vsub.s32 v6, v2  }
0x354: {  	[tilespmem:v7+s21+$0x0] =	vst.idx.msk vm2, v5;
	v5 =	vor.u32 s8, v1  }
0x355: {  	[tilespmem:v10+s20+$0x0] =	vst.idx.msk vm3, v4  }
0x356: {  	[tilespmem:v10+s21+$0x0] =	vst.idx.msk vm3, v5  }
0x357: {  	v8 =	vld [tilespmem:s6+$0xFFFFFFF0]  }
0x358: {  	v7 =	vld [tilespmem:s6+$0x0]  }
0x359: {  	v11 =	vld [tilespmem:s6+$0xFFFFFFC0]  }
0x35a: {  	v6 =	vld [tilespmem:s6+$0xFFFFFFD0]  }
0x35b: {  	v10 =	vld [tilespmem:s6+$0xFFFFFFE0]  }
0x35c: {  	v4 =	vcvt.s32.f32 v8  }
0x35d: {  	v5 =	vcvt.s32.f32 v7;
	v12 =	vld [tilespmem:s6+$0x10]  }
0x35e: {  	v13 =	vcvt.s32.f32 v11;
	v14 =	vmul.f32 $8.778089970e-05, v4  }
0x35f: {  	v4 =	vcvt.s32.f32 v6;
	v5 =	vmul.f32 $8.778089970e-05, v5  }
0x360: {  	v13 =	vmul.f32 $8.778089970e-05, v13;
	v15 =	vcvt.s32.f32 v10  }
0x361: {  	v16 =	vmul.f32 $8.778089970e-05, v4;
	v17 =	vtrunc.f32 v5;
	v4 =	vld [tilespmem:s6+$0x20]  }
0x362: {  	v13 =	vtrunc.f32 v13;
	v18 =	vcvt.s32.f32 v12;
	v5 =	vsub.s32 v12, v2  }
0x363: {  	v10 =	vsub.s32 v10, v2;
	v12 =	vcvt.f32.s32 v13;
	v13 =	vtrunc.f32 v16  }
0x364: {  	v14 =	vtrunc.f32 v14;
	v15 =	vmul.f32 $8.778089970e-05, v15;
	v16 =	vsub.s32 v6, v2  }
0x365: {  	v6 =	vcvt.f32.s32 v13;
	vm5 =	veq.s32 v3, v12;
	v12 =	vcvt.f32.s32 v17  }
0x366: {  	v18 =	vmul.f32 $8.778089970e-05, v18;
	v13 =	vsel vm5, $0x1, v0;
	v17 =	vmpcnt.ones.xlane vm5  }
0x367: {  	v14 =	vcvt.f32.s32 v14;
	vm6 =	veq.s32 v3, v6;
	v19 =	vcvt.s32.f32 v4;
	v6 =	vld [tilespmem:s6+$0x30];
	(xrf0) =	vadd.scan.msk.s32 $0xffff, v13  }
0x368: {  	v13 =	vsel vm6, $0xFFFFFFFF, v0;
	vm0 =	veq.s32 v3, v12;
	v12 =	vadd.s32 v9, v17  }
0x369: {  	v15 =	vtrunc.f32 v15;
	v20 =	vmpcnt.ones.xlane vm6;
	v17 =	vsel vm6, $0x1, v0  }
0x36a: {  	v15 =	vcvt.f32.s32 v15;
	v21 =	vsel vm0, $0x1, v0;
	v19 =	vmul.f32 $8.778089970e-05, v19;
	(xrf0) =	vadd.scan.msk.s32 $0xffff, v17  }
0x36b: {  	vm4 =	veq.s32 v3, v14;
	v24 =	vsel vm5, $0xFFFFFFFF, v0;
	v14 =	vtrunc.f32 v18;
	(xrf0) =	vadd.scan.msk.s32 $0xffff, v21  }
0x36c: {  	v22 =	vmpcnt.ones.xlane vm4;
	v18 =	vsel vm4, $0xFFFFFFFF, v0;
	v21 =	vsel vm4, $0x1, v0  }
0x36d: {  	v14 =	vcvt.f32.s32 v14;
	v9 =	vadd.s32 v24, v9;
	v23 =	vcvt.s32.f32 v6;
	v17, _, _ =	vpop (xrf0);
	(xrf0) =	vadd.scan.msk.s32 $0xffff, v21  }
0x36e: {  	v13 =	vadd.s32 v13, v12;
	v19 =	vtrunc.f32 v19;
	v9 =	vadd.s32 v17, v9  }
0x36f: {  	vm7 =	veq.s32 v3, v15;
	vm1 =	veq.s32 v3, v14;
	v9 =	vand.u32 $0x7FF, v9  }
0x370: {  	v24 =	vsel vm7, $0x1, v0;
	v15 =	vsel vm1, $0xFFFFFFFF, v0;
	v17 =	vsel vm1, $0x1, v0;
	v21, _, _ =	vpop (xrf0)  }
0x371: {  	v19 =	vcvt.f32.s32 v19;
	v23 =	vmul.f32 $8.778089970e-05, v23;
	v13 =	vadd.s32 v21, v13;
	(xrf0) =	vadd.scan.msk.s32 $0xffff, v24;
	v14, _, _ =	vpop (xrf0)  }
0x372: {  	v21 =	vsel vm7, $0xFFFFFFFF, v0;
	v24 =	vmpcnt.ones.xlane vm7;
	v13 =	vand.u32 $0x7FF, v13;
	(xrf0) =	vadd.scan.msk.s32 $0xffff, v17  }
0x373: {  	v11 =	vsub.s32 v11, v2;
	v12 =	vadd.s32 v12, v20;
	v17 =	vtrunc.f32 v23;
	v20, _, _ =	vpop (xrf0)  }
0x374: {  	v23 =	vmpcnt.ones.xlane vm0;
	v17 =	vcvt.f32.s32 v17;
	v24 =	vadd.s32 v12, v24  }
0x375: {  	v25 =	vsel vm0, $0xFFFFFFFF, v0;
	v18 =	vadd.s32 v18, v24;
	v22 =	vadd.s32 v24, v22  }
0x376: {  	vm2 =	veq.s32 v3, v19;
	v24 =	vmpcnt.ones.xlane vm1;
	v19 =	vadd.s32 v25, v22  }
0x377: {  	v12 =	vadd.s32 v21, v12;
	v25 =	vsel vm2, $0x1, v0;
	v18 =	vadd.s32 v20, v18;
	v20, _, _ =	vpop (xrf0)  }
0x378: {  	s1 =	sadd.s32 s1, s29;
	v21 =	vmpcnt.ones.xlane vm2;
	v12 =	vadd.s32 v20, v12;
	v20 =	vadd.s32 v22, v23;
	v22, _, _ =	vpop (xrf0);
	(xrf0) =	vadd.scan.msk.s32 $0xffff, v25  }
0x379: {  	s9 =	sadd.s32 $0x18C10, s1;
	s14 =	sadd.s32 $0x18C20, s1;
	s8 =	sadd.s32 $0x18C00, s1;
	vm3 =	veq.s32 v3, v17;
	v12 =	vand.u32 $0x7FF, v12;
	v15 =	vadd.s32 v15, v20  }
0x37a: {  	s15 =	sadd.s32 $0x18C30, s1;
	s16 =	sadd.s32 $0x18C40, s1;
	s11 =	sadd.s32 $0x18C50, s1;
	v17 =	vsel vm3, $0x1, v0;
	v23 =	vor.u32 s9, v1;
	[tilespmem:v9+s20+$0x0] =	vst.idx.msk vm5, v11;
	v11 =	vadd.s32 v14, v19  }
0x37b: {  	v18 =	vand.u32 $0x7FF, v18;
	s9 =	sadd.s32 $0x18C60, s1;
	v14 =	vor.u32 s8, v1;
	v19 =	vadd.s32 v20, v24;
	s8 =	sadd.s32 $0x18C70, s1;
	(xrf0) =	vadd.scan.msk.s32 $0xffff, v17  }
0x37c: {  	v20 =	vmpcnt.ones.xlane vm3;
	[tilespmem:v9+s21+$0x0] =	vst.idx.msk vm5, v14;
	v14 =	vadd.s32 v22, v15;
	v15 =	vadd.s32 v19, v21  }
0x37d: {  	v11 =	vand.u32 $0x7FF, v11;
	v9 =	vsel vm2, $0xFFFFFFFF, v0;
	[tilespmem:v13+s20+$0x0] =	vst.idx.msk vm6, v16  }
.Ltmp24:
0x37e: {  	v16 =	vadd.s32 v9, v19;
	v9 =	vadd.s32 v15, v20;
	[tilespmem:v13+s21+$0x0] =	vst.idx.msk vm6, v23;
	v13 =	vor.u32 s14, v1;
	v17, _, _ =	vpop (xrf0);
	(pc) =	sbr.rel @p0 .LBB2_28-.Ltmp24, $4  }
0x37f: {  	[tilespmem:v12+s20+$0x0] =	vst.idx.msk vm7, v10;
	v10 =	vsub.s32 v8, v2;
	v8 =	vand.u32 $0x7FF, v14;
	v17 =	vadd.s32 v17, v16  }
0x380: {  	v16 =	vsel vm3, $0xFFFFFFFF, v0;
	[tilespmem:v12+s21+$0x0] =	vst.idx.msk vm7, v13;
	v12 =	vor.u32 s15, v1  }
0x381: {  	v13 =	vadd.s32 v16, v15;
	[tilespmem:v18+s20+$0x0] =	vst.idx.msk vm4, v10;
	v10 =	vsub.s32 v7, v2;
	v7 =	vand.u32 $0x7FF, v17;
	v14, _, _ =	vpop (xrf0)  }
0x382: {  	[tilespmem:v18+s21+$0x0] =	vst.idx.msk vm4, v12;
	v12 =	vor.u32 s16, v1;
	v13 =	vadd.s32 v14, v13  }
0x383: {  	v3 =	vxor.u32 $0x80000000, v9  }
0x384: {  	(xrf0) =	vmax.scan.msk.u32 $0xffff, v3;
	_ =	sdelay $0x5  }
0x385: {  	v3, _, _ =	vpop (xrf0)  }
0x386: {  	(v2sf) =	vpush v3, $0xF;
	_ =	sdelay $0xe  }
0x387: {  	s1 =	spop (v2sf)  }
0x388: {  	[tilespmem:v11+s20+$0x0] =	vst.idx.msk vm0, v10;
	s6 =	sxor.u32 $0x80000000, s1  }
0x389: {  	[tilespmem:v11+s21+$0x0] =	vst.idx.msk vm0, v12;
	v3 =	vand.u32 $0x7FF, v13;
	s26 =	ssub.s32 s6, s12  }
0x38a: {  	v61 =	vor.u32 s11, v1;
	[tilespmem:v8+s20+$0x0] =	vst.idx.msk vm1, v5;
	p0 =	slt.s32 s26, $0x80  }
.Ltmp25:
0x38b: {  	v4 =	vsub.s32 v4, v2;
	[tilespmem:v8+s21+$0x0] =	vst.idx.msk vm1, v61;
	(pc) =	sbr.rel @p0 .LBB2_34-.Ltmp25, $4  }
0x38c: {  	v62 =	vor.u32 s9, v1;
	[tilespmem:v7+s20+$0x0] =	vst.idx.msk vm2, v4  }
0x38d: {  	v2 =	vsub.s32 v6, v2;
	[tilespmem:v7+s21+$0x0] =	vst.idx.msk vm2, v62  }
0x38e: {  	v63 =	vor.u32 s8, v1;
	[tilespmem:v3+s20+$0x0] =	vst.idx.msk vm3, v2  }
0x38f: {  	[tilespmem:v3+s21+$0x0] =	vst.idx.msk vm3, v63  }
.Ltmp26:
0x390: {  	(pc) =	sbr.rel .LBB2_31-.Ltmp26, $2  }
0x391: {  	_ =	sdelay $0x2  }
0x392: {  	s1 =	sand.u32 $0x7, s12  }
.LBB2_33:
0x393: {  	s26 =	sadd.s32 $0xFFFFFF80, s26  }
0x394: {  	p0 =	sgt.s32 s26, $0x7F  }
.Ltmp27:
0x395: {  	_ = 	snop;
	(pc) =	sbr.rel @!p0 .LBB2_34-.Ltmp27, $2  }
0x396: {  	_ =	sdelay $0x2  }
0x397: {  	s12 =	sadd.s32 $0x80, s12;
	s4 =	sadd.s32 $0x1, s4  }
.LBB2_31:
0x398: {  	s9 =	sand.u32 $0x1, s4  }
0x399: {  	p0 =	seq.s32 s9, $0x1  }
0x39a: {  	p1 =	slt.s32 @!p0 s4, $0x1  }
0x39b: {  	p1 =	por p1, p0  }
0x39c: {  	s8 =	simm.s32 @!p1 $0x4  }
0x39d: {  	_ =	swait.ge @!p1 [sflag:s8], $0x4000  }
0x39e: {  	s11 =	simm.s32 @!p1 $0x17D80;
	[sflag:s8] =	ssyncset.done @!p1 $0x0  }
0x39f: {  	s13 =	simm.s32 @!p1 $0x1BE00;
	[sflag:s8] =	ssyncadd.s32 @!p1 $0xFFFFC000;
	s8 =	simm.s32 @!p1 $0x80  }
0x3a0: {  	[hbm4b:s3+s8] =	stream.indirect.scatter @!p1 [tilespmem:s13], [sflag:$0x6], $0x80, s11, s8, $0xb8;
	[tilespmem:$0x1FE00] =	vst v63  }
0x3a1: {  	s8 =	simm.s32 @!p1 $0x5  }
0x3a2: {  	_ =	swait.ge @!p1 [sflag:s8], $0x4000  }
0x3a3: {  	s11 =	sand.u32 @!p0 $0x7F8, s12;
	[sflag:s8] =	ssyncset.done @!p1 $0x0  }
0x3a4: {  	[sflag:s8] =	ssyncadd.s32 @!p1 $0xFFFFC000;
	s8 =	sor.u32 @!p0 s1, s11  }
0x3a5: {  	v2 =	vld @!p0 [tilespmem:s8+$0x16C00];
	_ =	sdelay $0x4  }
0x3a6: {  	[tilespmem:$0x17C00] =	vst @!p0 v2  }
0x3a7: {  	v2 =	vld @!p0 [tilespmem:s8+$0x17400];
	_ =	sdelay $0x1  }
0x3a8: {  	s8 =	sand.u32 $0x7FF, s12  }
0x3a9: {  	s11 =	sadd.s32 @!p0 $0x10, s8  }
0x3aa: {  	s11 =	sand.u32 @!p0 $0xFF8, s11  }
0x3ab: {  	s11 =	sor.u32 @!p0 s1, s11;
	[tilespmem:$0x17D00] =	vst @!p0 v2  }
0x3ac: {  	v2 =	vld @!p0 [tilespmem:s11+$0x16C00];
	_ =	sdelay $0x4  }
0x3ad: {  	[tilespmem:$0x17C10] =	vst @!p0 v2  }
0x3ae: {  	v2 =	vld @!p0 [tilespmem:s11+$0x17400];
	_ =	sdelay $0x2  }
0x3af: {  	s11 =	sadd.s32 @!p0 $0x20, s8  }
0x3b0: {  	s11 =	sand.u32 @!p0 $0xFF8, s11  }
0x3b1: {  	s11 =	sor.u32 @!p0 s1, s11;
	[tilespmem:$0x17D10] =	vst @!p0 v2  }
0x3b2: {  	v2 =	vld @!p0 [tilespmem:s11+$0x16C00];
	_ =	sdelay $0x4  }
0x3b3: {  	[tilespmem:$0x17C20] =	vst @!p0 v2  }
0x3b4: {  	v2 =	vld @!p0 [tilespmem:s11+$0x17400];
	_ =	sdelay $0x2  }
0x3b5: {  	s11 =	sadd.s32 @!p0 $0x30, s8  }
0x3b6: {  	s11 =	sand.u32 @!p0 $0xFF8, s11  }
0x3b7: {  	s11 =	sor.u32 @!p0 s1, s11;
	[tilespmem:$0x17D20] =	vst @!p0 v2  }
0x3b8: {  	v2 =	vld @!p0 [tilespmem:s11+$0x16C00];
	_ =	sdelay $0x4  }
0x3b9: {  	[tilespmem:$0x17C30] =	vst @!p0 v2  }
0x3ba: {  	v2 =	vld @!p0 [tilespmem:s11+$0x17400];
	_ =	sdelay $0x2  }
0x3bb: {  	s11 =	sadd.s32 @!p0 $0x40, s8  }
0x3bc: {  	s11 =	sand.u32 @!p0 $0xFF8, s11  }
0x3bd: {  	s11 =	sor.u32 @!p0 s1, s11;
	[tilespmem:$0x17D30] =	vst @!p0 v2  }
0x3be: {  	v2 =	vld @!p0 [tilespmem:s11+$0x16C00];
	_ =	sdelay $0x4  }
0x3bf: {  	[tilespmem:$0x17C40] =	vst @!p0 v2  }
0x3c0: {  	v2 =	vld @!p0 [tilespmem:s11+$0x17400];
	_ =	sdelay $0x2  }
0x3c1: {  	s11 =	sadd.s32 @!p0 $0x50, s8  }
0x3c2: {  	s11 =	sand.u32 @!p0 $0xFF8, s11  }
0x3c3: {  	s11 =	sor.u32 @!p0 s1, s11;
	[tilespmem:$0x17D40] =	vst @!p0 v2  }
0x3c4: {  	v2 =	vld @!p0 [tilespmem:s11+$0x16C00];
	_ =	sdelay $0x4  }
0x3c5: {  	[tilespmem:$0x17C50] =	vst @!p0 v2  }
0x3c6: {  	v2 =	vld @!p0 [tilespmem:s11+$0x17400];
	_ =	sdelay $0x2  }
0x3c7: {  	s11 =	sadd.s32 @!p0 $0x60, s8  }
0x3c8: {  	s11 =	sand.u32 @!p0 $0xFF8, s11  }
0x3c9: {  	s11 =	sor.u32 @!p0 s1, s11;
	[tilespmem:$0x17D50] =	vst @!p0 v2  }
0x3ca: {  	v2 =	vld @!p0 [tilespmem:s11+$0x16C00];
	_ =	sdelay $0x4  }
0x3cb: {  	[tilespmem:$0x17C60] =	vst @!p0 v2  }
0x3cc: {  	v2 =	vld @!p0 [tilespmem:s11+$0x17400];
	_ =	sdelay $0x2  }
0x3cd: {  	s11 =	sadd.s32 @!p0 $0x70, s8  }
0x3ce: {  	s11 =	sand.u32 @!p0 $0xFF8, s11  }
0x3cf: {  	s11 =	sor.u32 @!p0 s1, s11;
	[tilespmem:$0x17D60] =	vst @!p0 v2  }
0x3d0: {  	v2 =	vld @!p0 [tilespmem:s11+$0x16C00];
	_ =	sdelay $0x4  }
0x3d1: {  	[tilespmem:$0x17C70] =	vst @!p0 v2  }
0x3d2: {  	v2 =	vld @!p0 [tilespmem:s11+$0x17400];
	_ =	sdelay $0x3  }
0x3d3: {  	s14 =	simm.s32 @!p0 $0x17E00  }
0x3d4: {  	s13 =	simm.s32 @!p0 $0x17C00;
	p1 =	seq.s32 @!p0 s9, $0x0;
	s11 =	simm.s32 @!p0 $0x80;
	[tilespmem:$0x17D70] =	vst @!p0 v2  }
0x3d5: {  	[tilespmem:s14], [sflag:$0x3] =	stream.indirect.gather @!p0 [spmem:s5], $0x80, s13, s11, $0xb8;
	[tilespmem:$0x1FE00] =	vst v63  }
0x3d6: {  	p0 =	por p0, !p1  }
.Ltmp28:
0x3d7: {  	_ = 	snop;
	(pc) =	sbr.rel @!p0 .LBB2_33-.Ltmp28, $1  }
0x3d8: {  	_ =	sdelay $0x3  }
0x3d9: {  	p0 =	slt.s32 s4, $0x1  }
0x3da: {  	s9 =	simm.s32 @!p0 $0x3  }
0x3db: {  	_ =	swait.ge @!p0 [sflag:s9], $0x4000  }
0x3dc: {  	s11 =	simm.s32 @!p0 $0x17D00;
	s13 =	simm.s32 @!p0 $0x17E00;
	[sflag:s9] =	ssyncset.done @!p0 $0x0  }
0x3dd: {  	p1 =	seq.s32 @!p0 s4, $0x1;
	[sflag:s9] =	ssyncadd.s32 @!p0 $0xFFFFC000;
	s9 =	simm.s32 @!p0 $0x80  }
0x3de: {  	[hbm4b:s3+s9] =	stream.indirect.scatter @!p0 [tilespmem:s13], [sflag:$0x5], $0x80, s11, s9, $0xb8;
	[tilespmem:$0x1FE00] =	vst v63  }
0x3df: {  	p0 =	por p1, p0  }
0x3e0: {  	s9 =	simm.s32 @!p0 $0x6  }
0x3e1: {  	_ =	swait.ge @!p0 [sflag:s9], $0x4000  }
0x3e2: {  	s30 =	sand.u32 $0x7F8, s12;
	[sflag:s9] =	ssyncset.done @!p0 $0x0  }
0x3e3: {  	s31 =	sor.u32 s1, s30;
	[sflag:s9] =	ssyncadd.s32 @!p0 $0xFFFFC000  }
0x3e4: {  	v2 =	vld [tilespmem:s31+$0x16C00];
	_ =	sdelay $0x4  }
0x3e5: {  	[tilespmem:$0x17C80] =	vst v2  }
0x3e6: {  	v2 =	vld [tilespmem:s31+$0x17400];
	_ =	sdelay $0x2  }
0x3e7: {  	s11 =	sadd.s32 $0x10, s8  }
0x3e8: {  	s9 =	sand.u32 $0xFF8, s11  }
0x3e9: {  	s9 =	sor.u32 s1, s9;
	[tilespmem:$0x17D80] =	vst v2  }
0x3ea: {  	v2 =	vld [tilespmem:s9+$0x16C00];
	_ =	sdelay $0x4  }
0x3eb: {  	[tilespmem:$0x17C90] =	vst v2  }
0x3ec: {  	v2 =	vld [tilespmem:s9+$0x17400];
	_ =	sdelay $0x2  }
0x3ed: {  	s13 =	sadd.s32 $0x20, s8  }
0x3ee: {  	s9 =	sand.u32 $0xFF8, s13  }
0x3ef: {  	s9 =	sor.u32 s1, s9;
	[tilespmem:$0x17D90] =	vst v2  }
0x3f0: {  	v2 =	vld [tilespmem:s9+$0x16C00];
	_ =	sdelay $0x4  }
0x3f1: {  	[tilespmem:$0x17CA0] =	vst v2  }
0x3f2: {  	v2 =	vld [tilespmem:s9+$0x17400];
	_ =	sdelay $0x2  }
0x3f3: {  	s14 =	sadd.s32 $0x30, s8  }
0x3f4: {  	s9 =	sand.u32 $0xFF8, s14  }
0x3f5: {  	s9 =	sor.u32 s1, s9;
	[tilespmem:$0x17DA0] =	vst v2  }
0x3f6: {  	v2 =	vld [tilespmem:s9+$0x16C00];
	_ =	sdelay $0x4  }
0x3f7: {  	[tilespmem:$0x17CB0] =	vst v2  }
0x3f8: {  	v2 =	vld [tilespmem:s9+$0x17400];
	_ =	sdelay $0x2  }
0x3f9: {  	s15 =	sadd.s32 $0x40, s8  }
0x3fa: {  	s9 =	sand.u32 $0xFF8, s15  }
0x3fb: {  	s9 =	sor.u32 s1, s9;
	[tilespmem:$0x17DB0] =	vst v2  }
0x3fc: {  	v2 =	vld [tilespmem:s9+$0x16C00];
	_ =	sdelay $0x4  }
0x3fd: {  	[tilespmem:$0x17CC0] =	vst v2  }
0x3fe: {  	v2 =	vld [tilespmem:s9+$0x17400];
	_ =	sdelay $0x2  }
0x3ff: {  	s16 =	sadd.s32 $0x50, s8  }
0x400: {  	s9 =	sand.u32 $0xFF8, s16  }
0x401: {  	s9 =	sor.u32 s1, s9;
	[tilespmem:$0x17DC0] =	vst v2  }
0x402: {  	v2 =	vld [tilespmem:s9+$0x16C00];
	_ =	sdelay $0x4  }
0x403: {  	[tilespmem:$0x17CD0] =	vst v2  }
0x404: {  	v2 =	vld [tilespmem:s9+$0x17400];
	_ =	sdelay $0x2  }
0x405: {  	s30 =	sadd.s32 $0x60, s8  }
0x406: {  	s9 =	sand.u32 $0xFF8, s30  }
0x407: {  	s9 =	sor.u32 s1, s9;
	[tilespmem:$0x17DD0] =	vst v2  }
0x408: {  	v2 =	vld [tilespmem:s9+$0x16C00];
	_ =	sdelay $0x4  }
0x409: {  	[tilespmem:$0x17CE0] =	vst v2  }
0x40a: {  	v2 =	vld [tilespmem:s9+$0x17400];
	_ =	sdelay $0x2  }
0x40b: {  	s31 =	sadd.s32 $0x70, s8  }
0x40c: {  	s8 =	sand.u32 $0xFF8, s31  }
0x40d: {  	s8 =	sor.u32 s1, s8;
	[tilespmem:$0x17DE0] =	vst v2  }
0x40e: {  	v2 =	vld [tilespmem:s8+$0x16C00];
	_ =	sdelay $0x4  }
0x40f: {  	[tilespmem:$0x17CF0] =	vst v2  }
0x410: {  	v2 =	vld [tilespmem:s8+$0x17400];
	_ =	sdelay $0x1  }
.Ltmp29:
0x411: {  	_ = 	snop;
	(pc) =	sbr.rel .LBB2_33-.Ltmp29, $3  }
0x412: {  	_ =	sdelay $0x1  }
0x413: {  	[tilespmem:$0x17DF0] =	vst v2  }
0x414: {  	[tilespmem:s24], [sflag:$0x4] =	stream.indirect.gather [spmem:s5], $0x80, s23, s22, $0xb8;
	[tilespmem:$0x1FE00] =	vst v63  }
.LBB2_34:
0x415: {  	p0 =	slt.s32 s26, $0x1  }
.Ltmp30:
0x416: {  	_ = 	snop;
	(pc) =	sbr.rel @p0 .LBB2_40-.Ltmp30, $1  }
0x417: {  	_ =	sdelay $0x3  }
0x418: {  	s13 =	sand.u32 $0x7FF, s12  }
0x419: {  	v2 =	vld [tilespmem:s13+$0x16C00]  }
0x41a: {  	v3 =	vld [tilespmem:s13+$0x17400];
	_ =	sdelay $0x2  }
0x41b: {  	vm0 =	vmmov $0x1  }
0x41c: {  	v2 =	vnsel vm0, $0x7FFFFFFF, v2  }
0x41d: {  	v3 =	vnsel vm0, $0x7FFFFFFF, v3;
	v2 =	vxor.u32 $0x80000000, v2  }
0x41e: {  	(xrf0) =	vmin.scan.msk.u32 $0xffff, v2;
	v2 =	vxor.u32 $0x80000000, v3  }
0x41f: {  	(xrf0) =	vmin.scan.msk.u32 $0xffff, v2;
	_ =	sdelay $0x4  }
0x420: {  	v2, _, _ =	vpop (xrf0)  }
0x421: {  	(v2sf) =	vpush v2, $0xF;
	v2, _, _ =	vpop (xrf0)  }
0x422: {  	(v2sf) =	vpush v2, $0xF;
	_ =	sdelay $0xc  }
0x423: {  	s8 =	ssub.s32 $0x80, s26  }
0x424: {  	s9 =	simm.s32 $0x0;
	s31 =	sadd.s32 $0x0, s6;
	s1 =	spop (v2sf)  }
0x425: {  	v4 =	vor.u32 s9, v1;
	v5 =	vadd.s32 s31, v1;
	v2 =	vmov s8;
	s30 =	spop (v2sf)  }
0x426: {  	v5 =	vand.u32 $0x7FF, v5;
	vm0 =	vlt.u32 v4, v2;
	s1 =	sxor.u32 $0x80000000, s1;
	s8 =	sxor.u32 $0x80000000, s30  }
0x427: {  	vm1 =	vmmov vm0;
	v3 =	vmov s1;
	s1 =	simm.s32 $0x10;
	v4 =	vmov s8  }
.LBB2_36:
0x428: {  	p0 =	sne.s32 s1, $0x70  }
.Ltmp31:
0x429: {  	_ = 	snop;
	(pc) =	sbr.rel @p0 .LBB2_36-.Ltmp31, $4  }
0x42a: {  	_ = 	snop  }
0x42b: {  	s8 =	sadd.s32 s1, s6;
	v6 =	vor.u32 s1, v1  }
0x42c: {  	s1 =	sadd.s32 $0x10, s1;
	v7 =	vadd.s32 s8, v1;
	[tilespmem:v5+s20+$0x0] =	vst.idx.msk vm0, v3;
	vm0 =	vlt.u32 v6, v2  }
0x42d: {  	[tilespmem:v5+s21+$0x0] =	vst.idx.msk vm1, v4;
	v5 =	vand.u32 $0x7FF, v7;
	vm1 =	vmmov vm0  }
0x42e: {  	_ =	sdelay $0x1  }
0x42f: {  	s1 =	sand.u32 $0x1, s4  }
0x430: {  	p0 =	seq.s32 s1, $0x1  }
0x431: {  	p1 =	slt.s32 @!p0 s4, $0x1  }
0x432: {  	[tilespmem:v5+s20+$0x0] =	vst.idx.msk vm0, v3;
	p1 =	por p1, p0  }
0x433: {  	[tilespmem:v5+s21+$0x0] =	vst.idx.msk vm1, v4;
	s6 =	simm.s32 @!p1 $0x4  }
0x434: {  	_ =	swait.ge @!p1 [sflag:s6], $0x4000  }
0x435: {  	s8 =	simm.s32 @!p1 $0x17D80;
	[sflag:s6] =	ssyncset.done @!p1 $0x0  }
0x436: {  	s9 =	simm.s32 @!p1 $0x1BE00;
	[sflag:s6] =	ssyncadd.s32 @!p1 $0xFFFFC000;
	s6 =	simm.s32 @!p1 $0x80  }
0x437: {  	[hbm4b:s3+s6] =	stream.indirect.scatter @!p1 [tilespmem:s9], [sflag:$0x6], $0x80, s8, s6, $0xb8;
	[tilespmem:$0x1FE00] =	vst v63  }
0x438: {  	s6 =	simm.s32 @!p1 $0x5  }
0x439: {  	_ =	swait.ge @!p1 [sflag:s6], $0x4000  }
0x43a: {  	[sflag:s6] =	ssyncset.done @!p1 $0x0  }
0x43b: {  	[sflag:s6] =	ssyncadd.s32 @!p1 $0xFFFFC000  }
0x43c: {  	v2 =	vld @!p0 [tilespmem:s13+$0x16C00];
	_ =	sdelay $0x4  }
0x43d: {  	[tilespmem:$0x17C00] =	vst @!p0 v2  }
0x43e: {  	v2 =	vld @!p0 [tilespmem:s13+$0x17400];
	_ =	sdelay $0x2  }
0x43f: {  	s6 =	sadd.s32 @!p0 $0x10, s13  }
0x440: {  	s8 =	sand.u32 @!p0 $0x7, s12;
	s6 =	sand.u32 @!p0 $0xFF8, s6  }
0x441: {  	s6 =	sor.u32 @!p0 s8, s6;
	[tilespmem:$0x17D00] =	vst @!p0 v2  }
0x442: {  	v2 =	vld @!p0 [tilespmem:s6+$0x16C00];
	_ =	sdelay $0x4  }
0x443: {  	[tilespmem:$0x17C10] =	vst @!p0 v2  }
0x444: {  	v2 =	vld @!p0 [tilespmem:s6+$0x17400];
	_ =	sdelay $0x2  }
0x445: {  	s6 =	sadd.s32 @!p0 $0x20, s13  }
0x446: {  	s6 =	sand.u32 @!p0 $0xFF8, s6  }
0x447: {  	s6 =	sor.u32 @!p0 s8, s6;
	[tilespmem:$0x17D10] =	vst @!p0 v2  }
0x448: {  	v2 =	vld @!p0 [tilespmem:s6+$0x16C00];
	_ =	sdelay $0x4  }
0x449: {  	[tilespmem:$0x17C20] =	vst @!p0 v2  }
0x44a: {  	v2 =	vld @!p0 [tilespmem:s6+$0x17400];
	_ =	sdelay $0x2  }
0x44b: {  	s6 =	sadd.s32 @!p0 $0x30, s13  }
0x44c: {  	s6 =	sand.u32 @!p0 $0xFF8, s6  }
0x44d: {  	s6 =	sor.u32 @!p0 s8, s6;
	[tilespmem:$0x17D20] =	vst @!p0 v2  }
0x44e: {  	v2 =	vld @!p0 [tilespmem:s6+$0x16C00];
	_ =	sdelay $0x4  }
0x44f: {  	[tilespmem:$0x17C30] =	vst @!p0 v2  }
0x450: {  	v2 =	vld @!p0 [tilespmem:s6+$0x17400];
	_ =	sdelay $0x2  }
0x451: {  	s6 =	sadd.s32 @!p0 $0x40, s13  }
0x452: {  	s6 =	sand.u32 @!p0 $0xFF8, s6  }
0x453: {  	s6 =	sor.u32 @!p0 s8, s6;
	[tilespmem:$0x17D30] =	vst @!p0 v2  }
0x454: {  	v2 =	vld @!p0 [tilespmem:s6+$0x16C00];
	_ =	sdelay $0x4  }
0x455: {  	[tilespmem:$0x17C40] =	vst @!p0 v2  }
0x456: {  	v2 =	vld @!p0 [tilespmem:s6+$0x17400];
	_ =	sdelay $0x2  }
0x457: {  	s6 =	sadd.s32 @!p0 $0x50, s13  }
0x458: {  	s6 =	sand.u32 @!p0 $0xFF8, s6  }
0x459: {  	s6 =	sor.u32 @!p0 s8, s6;
	[tilespmem:$0x17D40] =	vst @!p0 v2  }
0x45a: {  	v2 =	vld @!p0 [tilespmem:s6+$0x16C00];
	_ =	sdelay $0x4  }
0x45b: {  	[tilespmem:$0x17C50] =	vst @!p0 v2  }
0x45c: {  	v2 =	vld @!p0 [tilespmem:s6+$0x17400];
	_ =	sdelay $0x2  }
0x45d: {  	s6 =	sadd.s32 @!p0 $0x60, s13  }
0x45e: {  	s6 =	sand.u32 @!p0 $0xFF8, s6  }
0x45f: {  	s6 =	sor.u32 @!p0 s8, s6;
	[tilespmem:$0x17D50] =	vst @!p0 v2  }
0x460: {  	v2 =	vld @!p0 [tilespmem:s6+$0x16C00];
	_ =	sdelay $0x4  }
0x461: {  	[tilespmem:$0x17C60] =	vst @!p0 v2  }
0x462: {  	v2 =	vld @!p0 [tilespmem:s6+$0x17400];
	_ =	sdelay $0x2  }
0x463: {  	s6 =	sadd.s32 @!p0 $0x70, s13  }
0x464: {  	s6 =	sand.u32 @!p0 $0xFF8, s6  }
0x465: {  	s6 =	sor.u32 @!p0 s8, s6;
	[tilespmem:$0x17D60] =	vst @!p0 v2  }
0x466: {  	v2 =	vld @!p0 [tilespmem:s6+$0x16C00];
	_ =	sdelay $0x4  }
0x467: {  	[tilespmem:$0x17C70] =	vst @!p0 v2  }
0x468: {  	v2 =	vld @!p0 [tilespmem:s6+$0x17400];
	_ =	sdelay $0x3  }
0x469: {  	s9 =	simm.s32 @!p0 $0x17E00  }
0x46a: {  	p1 =	seq.s32 @!p0 s1, $0x0;
	s8 =	simm.s32 @!p0 $0x17C00;
	s6 =	simm.s32 @!p0 $0x80;
	[tilespmem:$0x17D70] =	vst @!p0 v2  }
0x46b: {  	[tilespmem:s9], [sflag:$0x3] =	stream.indirect.gather @!p0 [spmem:s5], $0x80, s8, s6, $0xb8;
	[tilespmem:$0x1FE00] =	vst v63  }
0x46c: {  	p0 =	por p0, !p1  }
.Ltmp32:
0x46d: {  	_ = 	snop;
	(pc) =	sbr.rel @!p0 .LBB2_39-.Ltmp32, $1  }
0x46e: {  	_ =	sdelay $0x3  }
0x46f: {  	p0 =	slt.s32 s4, $0x1  }
0x470: {  	s1 =	simm.s32 @!p0 $0x3  }
0x471: {  	_ =	swait.ge @!p0 [sflag:s1], $0x4000  }
0x472: {  	s6 =	simm.s32 @!p0 $0x17D00;
	s8 =	simm.s32 @!p0 $0x17E00;
	[sflag:s1] =	ssyncset.done @!p0 $0x0  }
0x473: {  	p1 =	seq.s32 @!p0 s4, $0x1;
	[sflag:s1] =	ssyncadd.s32 @!p0 $0xFFFFC000;
	s1 =	simm.s32 @!p0 $0x80  }
0x474: {  	[hbm4b:s3+s1] =	stream.indirect.scatter @!p0 [tilespmem:s8], [sflag:$0x5], $0x80, s6, s1, $0xb8;
	[tilespmem:$0x1FE00] =	vst v63  }
0x475: {  	p0 =	por p1, p0  }
0x476: {  	s1 =	simm.s32 @!p0 $0x6  }
0x477: {  	_ =	swait.ge @!p0 [sflag:s1], $0x4000  }
0x478: {  	[sflag:s1] =	ssyncset.done @!p0 $0x0  }
0x479: {  	[sflag:s1] =	ssyncadd.s32 @!p0 $0xFFFFC000  }
0x47a: {  	v2 =	vld [tilespmem:s13+$0x16C00];
	_ =	sdelay $0x4  }
0x47b: {  	[tilespmem:$0x17C80] =	vst v2  }
0x47c: {  	v2 =	vld [tilespmem:s13+$0x17400];
	_ =	sdelay $0x2  }
0x47d: {  	s11 =	sadd.s32 $0x10, s13  }
0x47e: {  	s12 =	sand.u32 $0x7, s12;
	s1 =	sand.u32 $0xFF8, s11  }
0x47f: {  	s1 =	sor.u32 s12, s1;
	[tilespmem:$0x17D80] =	vst v2  }
0x480: {  	v2 =	vld [tilespmem:s1+$0x16C00];
	_ =	sdelay $0x4  }
0x481: {  	[tilespmem:$0x17C90] =	vst v2  }
0x482: {  	v2 =	vld [tilespmem:s1+$0x17400];
	_ =	sdelay $0x2  }
0x483: {  	s14 =	sadd.s32 $0x20, s13  }
0x484: {  	s1 =	sand.u32 $0xFF8, s14  }
0x485: {  	s1 =	sor.u32 s12, s1;
	[tilespmem:$0x17D90] =	vst v2  }
0x486: {  	v2 =	vld [tilespmem:s1+$0x16C00];
	_ =	sdelay $0x4  }
0x487: {  	[tilespmem:$0x17CA0] =	vst v2  }
0x488: {  	v2 =	vld [tilespmem:s1+$0x17400];
	_ =	sdelay $0x2  }
0x489: {  	s15 =	sadd.s32 $0x30, s13  }
0x48a: {  	s1 =	sand.u32 $0xFF8, s15  }
0x48b: {  	s1 =	sor.u32 s12, s1;
	[tilespmem:$0x17DA0] =	vst v2  }
0x48c: {  	v2 =	vld [tilespmem:s1+$0x16C00];
	_ =	sdelay $0x4  }
0x48d: {  	[tilespmem:$0x17CB0] =	vst v2  }
0x48e: {  	v2 =	vld [tilespmem:s1+$0x17400];
	_ =	sdelay $0x2  }
0x48f: {  	s16 =	sadd.s32 $0x40, s13  }
0x490: {  	s1 =	sand.u32 $0xFF8, s16  }
0x491: {  	s1 =	sor.u32 s12, s1;
	[tilespmem:$0x17DB0] =	vst v2  }
0x492: {  	v2 =	vld [tilespmem:s1+$0x16C00];
	_ =	sdelay $0x4  }
0x493: {  	[tilespmem:$0x17CC0] =	vst v2  }
0x494: {  	v2 =	vld [tilespmem:s1+$0x17400];
	_ =	sdelay $0x2  }
0x495: {  	s26 =	sadd.s32 $0x50, s13  }
0x496: {  	s1 =	sand.u32 $0xFF8, s26  }
0x497: {  	s1 =	sor.u32 s12, s1;
	[tilespmem:$0x17DC0] =	vst v2  }
0x498: {  	v2 =	vld [tilespmem:s1+$0x16C00];
	_ =	sdelay $0x4  }
0x499: {  	[tilespmem:$0x17CD0] =	vst v2  }
0x49a: {  	v2 =	vld [tilespmem:s1+$0x17400];
	_ =	sdelay $0x2  }
0x49b: {  	s30 =	sadd.s32 $0x60, s13  }
0x49c: {  	s1 =	sand.u32 $0xFF8, s30  }
0x49d: {  	s1 =	sor.u32 s12, s1;
	[tilespmem:$0x17DD0] =	vst v2  }
0x49e: {  	v2 =	vld [tilespmem:s1+$0x16C00];
	_ =	sdelay $0x4  }
0x49f: {  	[tilespmem:$0x17CE0] =	vst v2  }
0x4a0: {  	v2 =	vld [tilespmem:s1+$0x17400];
	_ =	sdelay $0x2  }
0x4a1: {  	s31 =	sadd.s32 $0x70, s13  }
0x4a2: {  	s1 =	sand.u32 $0xFF8, s31  }
0x4a3: {  	s1 =	sor.u32 s12, s1;
	[tilespmem:$0x17DE0] =	vst v2  }
0x4a4: {  	v2 =	vld [tilespmem:s1+$0x16C00];
	_ =	sdelay $0x4  }
0x4a5: {  	[tilespmem:$0x17CF0] =	vst v2  }
0x4a6: {  	v2 =	vld [tilespmem:s1+$0x17400];
	_ =	sdelay $0x4  }
0x4a7: {  	[tilespmem:$0x17DF0] =	vst v2  }
0x4a8: {  	[tilespmem:s24], [sflag:$0x4] =	stream.indirect.gather [spmem:s5], $0x80, s23, s22, $0xb8;
	[tilespmem:$0x1FE00] =	vst v63  }
.LBB2_39:
0x4a9: {  	s4 =	sadd.s32 $0x1, s4  }
.LBB2_40:
0x4aa: {  	p0 =	slt.s32 s4, $0x1  }
.Ltmp33:
0x4ab: {  	_ = 	snop;
	(pc) =	sbr.rel @p0 .LBB2_44-.Ltmp33, $1  }
0x4ac: {  	_ =	sdelay $0x3  }
0x4ad: {  	s1 =	sand.u32 $0x1, s4  }
0x4ae: {  	p1 =	seq.s32 s1, $0x0  }
0x4af: {  	s1 =	simm.s32 @p1 $0x4  }
0x4b0: {  	_ =	swait.ge @p1 [sflag:s1], $0x4000  }
0x4b1: {  	[sflag:s1] =	ssyncset.done @p1 $0x0  }
0x4b2: {  	[sflag:s1] =	ssyncadd.s32 @p1 $0xFFFFC000;
	s1 =	simm.s32 @p1 $0x17D80  }
0x4b3: {  	[hbm4b:s3+s22] =	stream.indirect.scatter @p1 [tilespmem:s24], [sflag:$0x6], $0x80, s1, s22, $0xb8;
	[tilespmem:$0x1FE00] =	vst v63  }
0x4b4: {  	s1 =	simm.s32 @p1 $0x6  }
0x4b5: {  	p0 =	seq.s32 s4, $0x1;
	s1 =	simm.s32 @!p1 $0x3  }
.Ltmp34:
0x4b6: {  	_ =	swait.ge @!p1 [sflag:s1], $0x4000;
	(pc) =	sbr.rel @p0 .LBB2_43-.Ltmp34, $4  }
0x4b7: {  	s4 =	simm.s32 @p1 $0x5;
	[sflag:s1] =	ssyncset.done @!p1 $0x0  }
0x4b8: {  	s4 =	simm.s32 @!p1 $0x17E00;
	[sflag:s1] =	ssyncadd.s32 @!p1 $0xFFFFC000;
	s1 =	simm.s32 @!p1 $0x17D00  }
0x4b9: {  	[hbm4b:s3+s22] =	stream.indirect.scatter @!p1 [tilespmem:s4], [sflag:$0x5], $0x80, s1, s22, $0xb8;
	[tilespmem:$0x1FE00] =	vst v63  }
0x4ba: {  	s6 =	simm.s32 $0x5;
	s4 =	simm.s32 @!p1 $0x6;
	s1 =	simm.s32 @!p1 $0x5  }
.Ltmp35:
0x4bb: {  	(pc) =	sbr.rel .LBB2_43-.Ltmp35, $4  }
0x4bc: {  	_ = 	snop  }
0x4bd: {  	_ =	swait.ge [sflag:s4], $0x4000  }
0x4be: {  	[sflag:s4] =	ssyncset.done $0x0  }
0x4bf: {  	s6 =	smov.u32 s1;
	[sflag:s4] =	ssyncadd.s32 $0xFFFFC000  }
.LBB2_46:
0x4c0: {  	_ =	sfence.sel $0x180000  }
0x4c1: {  	[bflag:$0x0] =	sbarrier.arrive $0xFFFF  }
0x4c2: {  	_ =	strace $0x90000047  }
0x4c3: {  	s0 =	stileid.u32;
	[bflag:$0x2] =	sbarrier.arrive $0xFFFF  }
0x4c4: {  	p0 =	sne.s32 s0, $0x0;
	s0 =	rddreg [dreg:$0x4]  }
0x4c5: {  	s0 =	sadd.s32 @!p0 $0x100000, s0  }
0x4c6: {  	[sflag:s0] =	ssyncadd.tile.s32 @!p0 $0x1;
	_ =	shalt  }
.Lfunc_end2:
_tile_overlayer_lowered:
.L_overlay_start_2:
0x4c7: {  	(tag) =	ssettag $0x2  }
0x4c8: {  	s0 =	rddreg [dreg:$0x0];
	s2 =	stileid.u32  }
0x4c9: {  	s1 =	rddreg [dreg:$0x1];
	p0 =	sne.s32 s2, $0x0  }
0x4ca: {  	s3 =	rddreg [dreg:$0x2];
	[bflag:$0x3] =	sbarrier.arrive $0xFFFF;
	s2 =	simm.s32 @!p0 $0x1C07  }
0x4cb: {  	[timem:s3], [sflag:s2] =	dma.local @!p0 [hbm:s0], s1  }
0x4cc: {  	s0 =	simm.s32 @!p0 $0x7  }
0x4cd: {  	_ =	swait.ge @!p0 [sflag:s0], s1  }
0x4ce: {  	s1 =	ssub.s32 @!p0 $0x0, s1;
	[sflag:s0] =	ssyncset.done @!p0 $0x0  }
0x4cf: {  	[sflag:s0] =	ssyncadd.s32 @!p0 s1  }
0x4d0: {  	[bflag:$0x3] =	sbarrier.arrive $0xFFFF  }
0x4d1: {  	_ =	shalt  }

</sc_bundles>
